<compile_context>
chip_gen: v7x
topology: tpu7x:2x2x1
jax: 0.10.2.dev20260603
libtpu: 0.0.44.dev20260713+nightly
codegen_flags: <defaults>
</compile_context>

<pallas_src>
import functools

import jax
import jax.numpy as jnp
from jax import lax
from jax.experimental import pallas as pl
from jax.experimental.pallas import tpu as pltpu
from jax.experimental.pallas import tpu_sc as plsc

B = 16384
SEQ = 200
D = 32
HID = 64
VOCAB_ROWS = 1000000

NC = 2
NS = 16
NW = NC * NS
BPW = B // NW
CB = 8
TOK = CB * SEQ
IDXW = 100
NSTREAM = TOK // IDXW
NCHUNK = BPW // CB
L = 16


def _sc_pool(ids2d, table):
  mesh = plsc.VectorSubcoreMesh(
      core_axis_name="c", subcore_axis_name="s", num_cores=NC, num_subcores=NS)

  @functools.partial(
      pl.kernel,
      out_type=jax.ShapeDtypeStruct((B, D), jnp.float32),
      mesh=mesh,
      compiler_params=pltpu.CompilerParams(
          use_tc_tiling_on_sc=False, needs_layout_passes=False),
      scratch_types=[
          pltpu.VMEM((2, NSTREAM, IDXW), jnp.int32),
          pltpu.VMEM((2, TOK, D), jnp.float32),
          pltpu.VMEM((BPW, D), jnp.float32),
          pltpu.SemaphoreType.DMA,
          pltpu.SemaphoreType.DMA,
          pltpu.SemaphoreType.DMA,
          pltpu.SemaphoreType.DMA,
      ],
  )
  def body(ids_hbm, tab_hbm, out_hbm, idxb, gbuf, obuf, si0, si1, sg0, sg1):
    wid = lax.axis_index("s") * NC + lax.axis_index("c")
    row0 = wid * (BPW * SEQ // IDXW)
    sem_i = (si0, si1)
    sem_g = (sg0, sg1)
    tab_rows = tab_hbm

    def idx_copy(c, d):
      return pltpu.make_async_copy(
          ids_hbm.at[pl.ds(row0 + c * (TOK // IDXW), NSTREAM)],
          idxb.at[d], sem_i[d])

    def gathers(d):
      return [
          pltpu.make_async_copy(
              tab_rows.at[idxb.at[d, r]],
              gbuf.at[d, pl.ds(r * IDXW, IDXW)],
              sem_g[d],
          )
          for r in range(NSTREAM)
      ]

    cp = idx_copy(0, 0)
    cp.start()
    cp.wait()
    for g in gathers(0):
      g.start()
    idx_copy(1, 1).start()

    def pair_body(c2, carry):
      for d in range(2):
        e = 1 - d
        c = c2 * 2 + d
        @pl.when(c + 1 < NCHUNK)
        def _():
          idx_copy(c + 1, e).wait()
          for g in gathers(e):
            g.start()

        for g in gathers(d):
          g.wait()

        @pl.when(c + 2 < NCHUNK)
        def _():
          idx_copy(c + 2, d).start()

        scale = jnp.full((L,), 1.0 / SEQ, jnp.float32)
        for b in range(CB):
          base = b * SEQ

          def tok_body(t8, accs):
            a = list(accs)
            t = base + t8 * 8
            for j in range(8):
              k = (j % 4) * 2
              a[k] = a[k] + gbuf[d, t + j, pl.ds(0, L)]
              a[k + 1] = a[k + 1] + gbuf[d, t + j, pl.ds(L, L)]
            return tuple(a)

          z = jnp.zeros((L,), jnp.float32)
          accs = lax.fori_loop(0, SEQ // 8, tok_body, (z,) * 8)
          s0 = (accs[0] + accs[2]) + (accs[4] + accs[6])
          s1 = (accs[1] + accs[3]) + (accs[5] + accs[7])
          obuf[c * CB + b, pl.ds(0, L)] = s0 * scale
          obuf[c * CB + b, pl.ds(L, L)] = s1 * scale
      return carry

    lax.fori_loop(0, NCHUNK // 2, pair_body, 0)
    pltpu.sync_copy(obuf, out_hbm.at[pl.ds(wid * BPW, BPW)])

  return body(ids2d, table)


BV = 8192
BV4 = BV // 4
NBLK = -(-VOCAB_ROWS // BV)
VOCAB_PAD = NBLK * BV


def _compact(Et):

  def body(e_ref, o_ref):
    x = e_ref[...]
    eye = jnp.eye(D, dtype=jnp.float32)
    xt = lax.dot_general(x, eye, (((0,), (0,)), ((), ())),
                         preferred_element_type=jnp.float32)
    o_ref[...] = jnp.concatenate(
        [lax.slice(xt, (i * BV4, 0), ((i + 1) * BV4, D)) for i in range(4)],
        axis=1)

  return pl.pallas_call(
      body,
      grid=(NBLK,),
      in_specs=[pl.BlockSpec((D, BV), lambda j: (0, j))],
      out_specs=pl.BlockSpec((BV4, 4 * D), lambda j: (j, 0)),
      out_shape=jax.ShapeDtypeStruct((VOCAB_PAD // 4, 4 * D), jnp.float32),
  )(Et)


def _mlp(pooled, W1, b1, Wcat, bcat):
  BM = 2048

  def body(p_ref, w1_ref, b1_ref, wc_ref, bc_ref, o_ref):
    p = p_ref[...]
    h = jnp.dot(p, w1_ref[...], preferred_element_type=jnp.float32)
    h = jnp.maximum(h + b1_ref[...], 0.0)
    o = jnp.dot(h, wc_ref[...], preferred_element_type=jnp.float32)
    o_ref[...] = o + bc_ref[...]

  return pl.pallas_call(
      body,
      grid=(B // BM,),
      in_specs=[
          pl.BlockSpec((BM, D), lambda i: (i, 0)),
          pl.BlockSpec((D, HID), lambda i: (0, 0)),
          pl.BlockSpec((1, HID), lambda i: (0, 0)),
          pl.BlockSpec((HID, 8), lambda i: (0, 0)),
          pl.BlockSpec((1, 8), lambda i: (0, 0)),
      ],
      out_specs=pl.BlockSpec((BM, 8), lambda i: (i, 0)),
      out_shape=jax.ShapeDtypeStruct((B, 8), jnp.float32),
  )(pooled, W1, b1, Wcat, bcat)


def kernel(input_ids, E, W1, b1, Wr, br, Wc, bc):
  ids = input_ids.astype(jnp.int32)
  l = ids & (BV - 1)
  idsu = (ids - l) + ((l & (BV4 - 1)) << 2) + (l >> 11)
  ids2d = idsu.reshape(B * SEQ // IDXW, IDXW)
  pooled = _sc_pool(ids2d, _compact(E.T).reshape(VOCAB_PAD, D))
  Wcat = jnp.concatenate([Wr, Wc], axis=1)
  bcat = jnp.concatenate([br, bc]).reshape(1, 8)
  out8 = _mlp(pooled, W1, b1.reshape(1, HID), Wcat, bcat)
  return out8[:, :5], out8[:, 5:]

# --- scband reference (transcript-rebuilt; emitter-appended) ---
"""Pipeline reference for scband-text-model-13683765805840 (READ-ONLY COPY).

The authoritative reference and input builder live on the scoring server;
editing this copy changes nothing except your own understanding.
"""

import jax, jax.numpy as jnp
import numpy as np

VOCAB = 1000000
EMBED_DIM = 32
HIDDEN = 64
N_EMOTIONS = 3
BATCH = 16384
SEQ = 200


def setup_inputs(seed: int = 0) -> dict:
    key = jax.random.key(seed)
    ks = jax.random.split(key, 8)
    input_ids = jax.random.randint(ks[0], (BATCH, SEQ), 0, VOCAB)
    E = jax.random.normal(ks[1], (VOCAB, EMBED_DIM), dtype=jnp.float32) * 0.02
    E = E.at[0].set(0.0)  # padding_idx=0 row is zero
    W1 = jax.random.normal(ks[2], (EMBED_DIM, HIDDEN), dtype=jnp.float32) * 0.1
    b1 = jnp.zeros((HIDDEN,), dtype=jnp.float32)
    Wr = jax.random.normal(ks[3], (HIDDEN, 5), dtype=jnp.float32) * 0.1
    br = jnp.zeros((5,), dtype=jnp.float32)
    Wc = jax.random.normal(ks[4], (HIDDEN, N_EMOTIONS), dtype=jnp.float32) * 0.1
    bc = jnp.zeros((N_EMOTIONS,), dtype=jnp.float32)
    return {"input_ids": input_ids, "E": E, "W1": W1, "b1": b1,
            "Wr": Wr, "br": br, "Wc": Wc, "bc": bc}


def reference(input_ids, E, W1, b1, Wr, br, Wc, bc):
    # TextEncoderStub: embedding lookup + mean pooling over sequence
    emb = jnp.take(E, input_ids, axis=0)          # [B, L, D]
    pooled = jnp.mean(emb, axis=1)                # AdaptiveAvgPool1d(1) over L -> [B, D]
    # projection + heads
    h = jax.nn.relu(pooled @ W1 + b1)             # [B, hidden]
    traits = h @ Wr + br                          # [B, 5]
    logits = h @ Wc + bc                          # [B, n_emotions]
    return (traits, logits)

if __name__ == "__main__":
    import jax
    _d = setup_inputs()
    print(jax.jit(kernel)(*tuple(_d.values())))

</pallas_src>

<mosaic_0001>
#map = affine_map<(d0, d1) -> (0, 0)>
module attributes {stable_mosaic.version = 14 : i64} {
  func.func @body(%arg0: i32, %arg1: i32, %arg2: memref<32768x100xi32, #tpu.memory_space<hbm>>, %arg3: memref<1007616x32xf32, #tpu.memory_space<hbm>>, %arg4: memref<16384x32xf32, #tpu.memory_space<hbm>>, %arg5: memref<2x16x100xi32, #tpu.memory_space<vmem>>, %arg6: memref<2x1600x32xf32, #tpu.memory_space<vmem>>, %arg7: memref<512x32xf32, #tpu.memory_space<vmem>>, %arg8: memref<!tpu.dma_semaphore, #tpu.memory_space<semaphore_mem>>, %arg9: memref<!tpu.dma_semaphore, #tpu.memory_space<semaphore_mem>>, %arg10: memref<!tpu.dma_semaphore, #tpu.memory_space<semaphore_mem>>, %arg11: memref<!tpu.dma_semaphore, #tpu.memory_space<semaphore_mem>>) attributes {dimension_semantics = [#tpu.dimension_semantics<core_parallel>, #tpu.dimension_semantics<subcore_parallel>], iteration_bounds = array<i64: 2, 16>, scalar_prefetch = 0 : i64, scratch_operands = 7 : i64, tpu.core_type = #tpu.core_type<sc_vector_subcore>, window_params = [{transform_indices = #map}, {transform_indices = #map}, {transform_indices = #map}]} {
    %mul3A = arith.constant 2 : i32
    %mul3A_0 = arith.muli %arg1, %mul3A : i32
    %add3A = arith.addi %mul3A_0, %arg0 : i32
    %mul3A_1 = arith.constant 1024 : i32
    %mul3A_2 = arith.muli %add3A, %mul3A_1 : i32
    %add3A_3 = arith.constant 0 : i32
    %add3A_4 = arith.addi %mul3A_2, %add3A_3 : i32
    %dma_start3A = arith.constant 0 : i32
    %dma_start3A_5 = arith.constant 0 : i32
    %dma_start3A_6 = arith.constant 0 : i32
    %dma_start3A_7 = tpu.memref_slice %arg5[%dma_start3A, %dma_start3A_5, %dma_start3A_6] : memref<2x16x100xi32, #tpu.memory_space<vmem>> -> memref<1x16x100xi32, #tpu.memory_space<vmem>>
    %dma_start3A_8 = tpu.memref_squeeze %dma_start3A_7 : memref<1x16x100xi32, #tpu.memory_space<vmem>> -> memref<16x100xi32, #tpu.memory_space<vmem>>
    %dma_start3A_9 = arith.constant 0 : i32
    %dma_start3A_10 = tpu.memref_slice %arg2[%add3A_4, %dma_start3A_9] : memref<32768x100xi32, #tpu.memory_space<hbm>> -> memref<16x100xi32, #tpu.memory_space<hbm>>
    %dma_start3A_11 = arith.constant 0 : i32
    %dma_start3A_12 = arith.constant 0 : i32
    %dma_start3A_13 = tpu.memref_slice %arg5[%dma_start3A, %dma_start3A_11, %dma_start3A_12] : memref<2x16x100xi32, #tpu.memory_space<vmem>> -> memref<1x16x100xi32, #tpu.memory_space<vmem>>
    %dma_start3A_14 = tpu.memref_squeeze %dma_start3A_13 : memref<1x16x100xi32, #tpu.memory_space<vmem>> -> memref<16x100xi32, #tpu.memory_space<vmem>>
    %dma_start3A_15 = arith.constant 0 : i32
    %dma_start3A_16 = tpu.memref_slice %arg2[%add3A_4, %dma_start3A_15] : memref<32768x100xi32, #tpu.memory_space<hbm>> -> memref<16x100xi32, #tpu.memory_space<hbm>>
    tpu.enqueue_dma source(%dma_start3A_16 : memref<16x100xi32, #tpu.memory_space<hbm>>) target(%dma_start3A_14 : memref<16x100xi32, #tpu.memory_space<vmem>>) target_semaphore(%arg8 : memref<!tpu.dma_semaphore, #tpu.memory_space<semaphore_mem>>)
    %dma_wait3A = arith.constant 0 : i32
    %dma_wait3A_17 = arith.constant 0 : i32
    %dma_wait3A_18 = arith.constant 0 : i32
    %dma_wait3A_19 = tpu.memref_slice %arg5[%dma_wait3A, %dma_wait3A_17, %dma_wait3A_18] : memref<2x16x100xi32, #tpu.memory_space<vmem>> -> memref<1x16x100xi32, #tpu.memory_space<vmem>>
    %dma_wait3A_20 = tpu.memref_squeeze %dma_wait3A_19 : memref<1x16x100xi32, #tpu.memory_space<vmem>> -> memref<16x100xi32, #tpu.memory_space<vmem>>
    %dma_wait3A_21 = arith.constant 0 : i32
    %dma_wait3A_22 = tpu.memref_slice %arg2[%add3A_4, %dma_wait3A_21] : memref<32768x100xi32, #tpu.memory_space<hbm>> -> memref<16x100xi32, #tpu.memory_space<hbm>>
    %dma_wait3A_23 = arith.constant 0 : i32
    %dma_wait3A_24 = arith.constant 0 : i32
    %dma_wait3A_25 = tpu.memref_slice %arg5[%dma_wait3A, %dma_wait3A_23, %dma_wait3A_24] : memref<2x16x100xi32, #tpu.memory_space<vmem>> -> memref<1x16x100xi32, #tpu.memory_space<vmem>>
    %dma_wait3A_26 = tpu.memref_squeeze %dma_wait3A_25 : memref<1x16x100xi32, #tpu.memory_space<vmem>> -> memref<16x100xi32, #tpu.memory_space<vmem>>
    %dma_wait3A_27 = arith.constant 0 : i32
    %dma_wait3A_28 = tpu.memref_slice %arg2[%add3A_4, %dma_wait3A_27] : memref<32768x100xi32, #tpu.memory_space<hbm>> -> memref<16x100xi32, #tpu.memory_space<hbm>>
    tpu.wait_dma2 semaphore(%arg8 : memref<!tpu.dma_semaphore, #tpu.memory_space<semaphore_mem>>) src(%dma_wait3A_28 : memref<16x100xi32, #tpu.memory_space<hbm>>) dst(%dma_wait3A_26 : memref<16x100xi32, #tpu.memory_space<vmem>>)
    %dma_start3A_29 = arith.constant 0 : i32
    %dma_start3A_30 = arith.constant 0 : i32
    %dma_start3A_31 = arith.constant 0 : i32
    %dma_start3A_32 = arith.constant 0 : i32
    %dma_start3A_33 = arith.constant 0 : i32
    %dma_start3A_34 = tpu.memref_slice %arg6[%dma_start3A_31, %dma_start3A_32, %dma_start3A_33] : memref<2x1600x32xf32, #tpu.memory_space<vmem>> -> memref<1x100x32xf32, #tpu.memory_space<vmem>>
    %dma_start3A_35 = tpu.memref_squeeze %dma_start3A_34 : memref<1x100x32xf32, #tpu.memory_space<vmem>> -> memref<100x32xf32, #tpu.memory_space<vmem>>
    %dma_start3A_36 = arith.constant 0 : i32
    %dma_start3A_37 = tpu.memref_slice %arg5[%dma_start3A_29, %dma_start3A_30, %dma_start3A_36] : memref<2x16x100xi32, #tpu.memory_space<vmem>> -> memref<1x1x100xi32, #tpu.memory_space<vmem>>
    %dma_start3A_38 = tpu.memref_squeeze %dma_start3A_37 : memref<1x1x100xi32, #tpu.memory_space<vmem>> -> memref<100xi32, #tpu.memory_space<vmem>>
    %dma_start3A_39 = arith.constant 0 : i32
    %dma_start3A_40 = arith.constant 0 : i32
    %dma_start3A_41 = tpu.memref_slice %arg3[%dma_start3A_39, %dma_start3A_40] : memref<1007616x32xf32, #tpu.memory_space<hbm>> -> memref<1007616x32xf32, #tpu.memory_space<hbm>>
    tpu.enqueue_indirect_dma source(%dma_start3A_41 : memref<1007616x32xf32, #tpu.memory_space<hbm>>) target(%dma_start3A_35 : memref<100x32xf32, #tpu.memory_space<vmem>>) offsets(%dma_start3A_38 : memref<100xi32, #tpu.memory_space<vmem>>) semaphore(%arg10 : memref<!tpu.dma_semaphore, #tpu.memory_space<semaphore_mem>>)
    %dma_start3A_42 = arith.constant 0 : i32
    %dma_start3A_43 = arith.constant 1 : i32
    %dma_start3A_44 = arith.constant 0 : i32
    %dma_start3A_45 = arith.constant 100 : i32
    %dma_start3A_46 = arith.constant 0 : i32
    %dma_start3A_47 = tpu.memref_slice %arg6[%dma_start3A_44, %dma_start3A_45, %dma_start3A_46] : memref<2x1600x32xf32, #tpu.memory_space<vmem>> -> memref<1x100x32xf32, #tpu.memory_space<vmem>>
    %dma_start3A_48 = tpu.memref_squeeze %dma_start3A_47 : memref<1x100x32xf32, #tpu.memory_space<vmem>> -> memref<100x32xf32, #tpu.memory_space<vmem>>
    %dma_start3A_49 = arith.constant 0 : i32
    %dma_start3A_50 = tpu.memref_slice %arg5[%dma_start3A_42, %dma_start3A_43, %dma_start3A_49] : memref<2x16x100xi32, #tpu.memory_space<vmem>> -> memref<1x1x100xi32, #tpu.memory_space<vmem>>
    %dma_start3A_51 = tpu.memref_squeeze %dma_start3A_50 : memref<1x1x100xi32, #tpu.memory_space<vmem>> -> memref<100xi32, #tpu.memory_space<vmem>>
    %dma_start3A_52 = arith.constant 0 : i32
    %dma_start3A_53 = arith.constant 0 : i32
    %dma_start3A_54 = tpu.memref_slice %arg3[%dma_start3A_52, %dma_start3A_53] : memref<1007616x32xf32, #tpu.memory_space<hbm>> -> memref<1007616x32xf32, #tpu.memory_space<hbm>>
    tpu.enqueue_indirect_dma source(%dma_start3A_54 : memref<1007616x32xf32, #tpu.memory_space<hbm>>) target(%dma_start3A_48 : memref<100x32xf32, #tpu.memory_space<vmem>>) offsets(%dma_start3A_51 : memref<100xi32, #tpu.memory_space<vmem>>) semaphore(%arg10 : memref<!tpu.dma_semaphore, #tpu.memory_space<semaphore_mem>>)
    %dma_start3A_55 = arith.constant 0 : i32
    %dma_start3A_56 = arith.constant 2 : i32
    %dma_start3A_57 = arith.constant 0 : i32
    %dma_start3A_58 = arith.constant 200 : i32
    %dma_start3A_59 = arith.constant 0 : i32
    %dma_start3A_60 = tpu.memref_slice %arg6[%dma_start3A_57, %dma_start3A_58, %dma_start3A_59] : memref<2x1600x32xf32, #tpu.memory_space<vmem>> -> memref<1x100x32xf32, #tpu.memory_space<vmem>>
    %dma_start3A_61 = tpu.memref_squeeze %dma_start3A_60 : memref<1x100x32xf32, #tpu.memory_space<vmem>> -> memref<100x32xf32, #tpu.memory_space<vmem>>
    %dma_start3A_62 = arith.constant 0 : i32
    %dma_start3A_63 = tpu.memref_slice %arg5[%dma_start3A_55, %dma_start3A_56, %dma_start3A_62] : memref<2x16x100xi32, #tpu.memory_space<vmem>> -> memref<1x1x100xi32, #tpu.memory_space<vmem>>
    %dma_start3A_64 = tpu.memref_squeeze %dma_start3A_63 : memref<1x1x100xi32, #tpu.memory_space<vmem>> -> memref<100xi32, #tpu.memory_space<vmem>>
    %dma_start3A_65 = arith.constant 0 : i32
    %dma_start3A_66 = arith.constant 0 : i32
    %dma_start3A_67 = tpu.memref_slice %arg3[%dma_start3A_65, %dma_start3A_66] : memref<1007616x32xf32, #tpu.memory_space<hbm>> -> memref<1007616x32xf32, #tpu.memory_space<hbm>>
    tpu.enqueue_indirect_dma source(%dma_start3A_67 : memref<1007616x32xf32, #tpu.memory_space<hbm>>) target(%dma_start3A_61 : memref<100x32xf32, #tpu.memory_space<vmem>>) offsets(%dma_start3A_64 : memref<100xi32, #tpu.memory_space<vmem>>) semaphore(%arg10 : memref<!tpu.dma_semaphore, #tpu.memory_space<semaphore_mem>>)
    %dma_start3A_68 = arith.constant 0 : i32
    %dma_start3A_69 = arith.constant 3 : i32
    %dma_start3A_70 = arith.constant 0 : i32
    %dma_start3A_71 = arith.constant 300 : i32
    %dma_start3A_72 = arith.constant 0 : i32
    %dma_start3A_73 = tpu.memref_slice %arg6[%dma_start3A_70, %dma_start3A_71, %dma_start3A_72] : memref<2x1600x32xf32, #tpu.memory_space<vmem>> -> memref<1x100x32xf32, #tpu.memory_space<vmem>>
    %dma_start3A_74 = tpu.memref_squeeze %dma_start3A_73 : memref<1x100x32xf32, #tpu.memory_space<vmem>> -> memref<100x32xf32, #tpu.memory_space<vmem>>
    %dma_start3A_75 = arith.constant 0 : i32
    %dma_start3A_76 = tpu.memref_slice %arg5[%dma_start3A_68, %dma_start3A_69, %dma_start3A_75] : memref<2x16x100xi32, #tpu.memory_space<vmem>> -> memref<1x1x100xi32, #tpu.memory_space<vmem>>
    %dma_start3A_77 = tpu.memref_squeeze %dma_start3A_76 : memref<1x1x100xi32, #tpu.memory_space<vmem>> -> memref<100xi32, #tpu.memory_space<vmem>>
    %dma_start3A_78 = arith.constant 0 : i32
    %dma_start3A_79 = arith.constant 0 : i32
    %dma_start3A_80 = tpu.memref_slice %arg3[%dma_start3A_78, %dma_start3A_79] : memref<1007616x32xf32, #tpu.memory_space<hbm>> -> memref<1007616x32xf32, #tpu.memory_space<hbm>>
    tpu.enqueue_indirect_dma source(%dma_start3A_80 : memref<1007616x32xf32, #tpu.memory_space<hbm>>) target(%dma_start3A_74 : memref<100x32xf32, #tpu.memory_space<vmem>>) offsets(%dma_start3A_77 : memref<100xi32, #tpu.memory_space<vmem>>) semaphore(%arg10 : memref<!tpu.dma_semaphore, #tpu.memory_space<semaphore_mem>>)
    %dma_start3A_81 = arith.constant 0 : i32
    %dma_start3A_82 = arith.constant 4 : i32
    %dma_start3A_83 = arith.constant 0 : i32
    %dma_start3A_84 = arith.constant 400 : i32
    %dma_start3A_85 = arith.constant 0 : i32
    %dma_start3A_86 = tpu.memref_slice %arg6[%dma_start3A_83, %dma_start3A_84, %dma_start3A_85] : memref<2x1600x32xf32, #tpu.memory_space<vmem>> -> memref<1x100x32xf32, #tpu.memory_space<vmem>>
    %dma_start3A_87 = tpu.memref_squeeze %dma_start3A_86 : memref<1x100x32xf32, #tpu.memory_space<vmem>> -> memref<100x32xf32, #tpu.memory_space<vmem>>
    %dma_start3A_88 = arith.constant 0 : i32
    %dma_start3A_89 = tpu.memref_slice %arg5[%dma_start3A_81, %dma_start3A_82, %dma_start3A_88] : memref<2x16x100xi32, #tpu.memory_space<vmem>> -> memref<1x1x100xi32, #tpu.memory_space<vmem>>
    %dma_start3A_90 = tpu.memref_squeeze %dma_start3A_89 : memref<1x1x100xi32, #tpu.memory_space<vmem>> -> memref<100xi32, #tpu.memory_space<vmem>>
    %dma_start3A_91 = arith.constant 0 : i32
    %dma_start3A_92 = arith.constant 0 : i32
    %dma_start3A_93 = tpu.memref_slice %arg3[%dma_start3A_91, %dma_start3A_92] : memref<1007616x32xf32, #tpu.memory_space<hbm>> -> memref<1007616x32xf32, #tpu.memory_space<hbm>>
    tpu.enqueue_indirect_dma source(%dma_start3A_93 : memref<1007616x32xf32, #tpu.memory_space<hbm>>) target(%dma_start3A_87 : memref<100x32xf32, #tpu.memory_space<vmem>>) offsets(%dma_start3A_90 : memref<100xi32, #tpu.memory_space<vmem>>) semaphore(%arg10 : memref<!tpu.dma_semaphore, #tpu.memory_space<semaphore_mem>>)
    %dma_start3A_94 = arith.constant 0 : i32
    %dma_start3A_95 = arith.constant 5 : i32
    %dma_start3A_96 = arith.constant 0 : i32
    %dma_start3A_97 = arith.constant 500 : i32
    %dma_start3A_98 = arith.constant 0 : i32
    %dma_start3A_99 = tpu.memref_slice %arg6[%dma_start3A_96, %dma_start3A_97, %dma_start3A_98] : memref<2x1600x32xf32, #tpu.memory_space<vmem>> -> memref<1x100x32xf32, #tpu.memory_space<vmem>>
    %dma_start3A_100 = tpu.memref_squeeze %dma_start3A_99 : memref<1x100x32xf32, #tpu.memory_space<vmem>> -> memref<100x32xf32, #tpu.memory_space<vmem>>
    %dma_start3A_101 = arith.constant 0 : i32
    %dma_start3A_102 = tpu.memref_slice %arg5[%dma_start3A_94, %dma_start3A_95, %dma_start3A_101] : memref<2x16x100xi32, #tpu.memory_space<vmem>> -> memref<1x1x100xi32, #tpu.memory_space<vmem>>
    %dma_start3A_103 = tpu.memref_squeeze %dma_start3A_102 : memref<1x1x100xi32, #tpu.memory_space<vmem>> -> memref<100xi32, #tpu.memory_space<vmem>>
    %dma_start3A_104 = arith.constant 0 : i32
    %dma_start3A_105 = arith.constant 0 : i32
    %dma_start3A_106 = tpu.memref_slice %arg3[%dma_start3A_104, %dma_start3A_105] : memref<1007616x32xf32, #tpu.memory_space<hbm>> -> memref<1007616x32xf32, #tpu.memory_space<hbm>>
    tpu.enqueue_indirect_dma source(%dma_start3A_106 : memref<1007616x32xf32, #tpu.memory_space<hbm>>) target(%dma_start3A_100 : memref<100x32xf32, #tpu.memory_space<vmem>>) offsets(%dma_start3A_103 : memref<100xi32, #tpu.memory_space<vmem>>) semaphore(%arg10 : memref<!tpu.dma_semaphore, #tpu.memory_space<semaphore_mem>>)
    %dma_start3A_107 = arith.constant 0 : i32
    %dma_start3A_108 = arith.constant 6 : i32
    %dma_start3A_109 = arith.constant 0 : i32
    %dma_start3A_110 = arith.constant 600 : i32
    %dma_start3A_111 = arith.constant 0 : i32
    %dma_start3A_112 = tpu.memref_slice %arg6[%dma_start3A_109, %dma_start3A_110, %dma_start3A_111] : memref<2x1600x32xf32, #tpu.memory_space<vmem>> -> memref<1x100x32xf32, #tpu.memory_space<vmem>>
    %dma_start3A_113 = tpu.memref_squeeze %dma_start3A_112 : memref<1x100x32xf32, #tpu.memory_space<vmem>> -> memref<100x32xf32, #tpu.memory_space<vmem>>
    %dma_start3A_114 = arith.constant 0 : i32
    %dma_start3A_115 = tpu.memref_slice %arg5[%dma_start3A_107, %dma_start3A_108, %dma_start3A_114] : memref<2x16x100xi32, #tpu.memory_space<vmem>> -> memref<1x1x100xi32, #tpu.memory_space<vmem>>
    %dma_start3A_116 = tpu.memref_squeeze %dma_start3A_115 : memref<1x1x100xi32, #tpu.memory_space<vmem>> -> memref<100xi32, #tpu.memory_space<vmem>>
    %dma_start3A_117 = arith.constant 0 : i32
    %dma_start3A_118 = arith.constant 0 : i32
    %dma_start3A_119 = tpu.memref_slice %arg3[%dma_start3A_117, %dma_start3A_118] : memref<1007616x32xf32, #tpu.memory_space<hbm>> -> memref<1007616x32xf32, #tpu.memory_space<hbm>>
    tpu.enqueue_indirect_dma source(%dma_start3A_119 : memref<1007616x32xf32, #tpu.memory_space<hbm>>) target(%dma_start3A_113 : memref<100x32xf32, #tpu.memory_space<vmem>>) offsets(%dma_start3A_116 : memref<100xi32, #tpu.memory_space<vmem>>) semaphore(%arg10 : memref<!tpu.dma_semaphore, #tpu.memory_space<semaphore_mem>>)
    %dma_start3A_120 = arith.constant 0 : i32
    %dma_start3A_121 = arith.constant 7 : i32
    %dma_start3A_122 = arith.constant 0 : i32
    %dma_start3A_123 = arith.constant 700 : i32
    %dma_start3A_124 = arith.constant 0 : i32
    %dma_start3A_125 = tpu.memref_slice %arg6[%dma_start3A_122, %dma_start3A_123, %dma_start3A_124] : memref<2x1600x32xf32, #tpu.memory_space<vmem>> -> memref<1x100x32xf32, #tpu.memory_space<vmem>>
    %dma_start3A_126 = tpu.memref_squeeze %dma_start3A_125 : memref<1x100x32xf32, #tpu.memory_space<vmem>> -> memref<100x32xf32, #tpu.memory_space<vmem>>
    %dma_start3A_127 = arith.constant 0 : i32
    %dma_start3A_128 = tpu.memref_slice %arg5[%dma_start3A_120, %dma_start3A_121, %dma_start3A_127] : memref<2x16x100xi32, #tpu.memory_space<vmem>> -> memref<1x1x100xi32, #tpu.memory_space<vmem>>
    %dma_start3A_129 = tpu.memref_squeeze %dma_start3A_128 : memref<1x1x100xi32, #tpu.memory_space<vmem>> -> memref<100xi32, #tpu.memory_space<vmem>>
    %dma_start3A_130 = arith.constant 0 : i32
    %dma_start3A_131 = arith.constant 0 : i32
    %dma_start3A_132 = tpu.memref_slice %arg3[%dma_start3A_130, %dma_start3A_131] : memref<1007616x32xf32, #tpu.memory_space<hbm>> -> memref<1007616x32xf32, #tpu.memory_space<hbm>>
    tpu.enqueue_indirect_dma source(%dma_start3A_132 : memref<1007616x32xf32, #tpu.memory_space<hbm>>) target(%dma_start3A_126 : memref<100x32xf32, #tpu.memory_space<vmem>>) offsets(%dma_start3A_129 : memref<100xi32, #tpu.memory_space<vmem>>) semaphore(%arg10 : memref<!tpu.dma_semaphore, #tpu.memory_space<semaphore_mem>>)
    %dma_start3A_133 = arith.constant 0 : i32
    %dma_start3A_134 = arith.constant 8 : i32
    %dma_start3A_135 = arith.constant 0 : i32
    %dma_start3A_136 = arith.constant 800 : i32
    %dma_start3A_137 = arith.constant 0 : i32
    %dma_start3A_138 = tpu.memref_slice %arg6[%dma_start3A_135, %dma_start3A_136, %dma_start3A_137] : memref<2x1600x32xf32, #tpu.memory_space<vmem>> -> memref<1x100x32xf32, #tpu.memory_space<vmem>>
    %dma_start3A_139 = tpu.memref_squeeze %dma_start3A_138 : memref<1x100x32xf32, #tpu.memory_space<vmem>> -> memref<100x32xf32, #tpu.memory_space<vmem>>
    %dma_start3A_140 = arith.constant 0 : i32
    %dma_start3A_141 = tpu.memref_slice %arg5[%dma_start3A_133, %dma_start3A_134, %dma_start3A_140] : memref<2x16x100xi32, #tpu.memory_space<vmem>> -> memref<1x1x100xi32, #tpu.memory_space<vmem>>
    %dma_start3A_142 = tpu.memref_squeeze %dma_start3A_141 : memref<1x1x100xi32, #tpu.memory_space<vmem>> -> memref<100xi32, #tpu.memory_space<vmem>>
    %dma_start3A_143 = arith.constant 0 : i32
    %dma_start3A_144 = arith.constant 0 : i32
    %dma_start3A_145 = tpu.memref_slice %arg3[%dma_start3A_143, %dma_start3A_144] : memref<1007616x32xf32, #tpu.memory_space<hbm>> -> memref<1007616x32xf32, #tpu.memory_space<hbm>>
    tpu.enqueue_indirect_dma source(%dma_start3A_145 : memref<1007616x32xf32, #tpu.memory_space<hbm>>) target(%dma_start3A_139 : memref<100x32xf32, #tpu.memory_space<vmem>>) offsets(%dma_start3A_142 : memref<100xi32, #tpu.memory_space<vmem>>) semaphore(%arg10 : memref<!tpu.dma_semaphore, #tpu.memory_space<semaphore_mem>>)
    %dma_start3A_146 = arith.constant 0 : i32
    %dma_start3A_147 = arith.constant 9 : i32
    %dma_start3A_148 = arith.constant 0 : i32
    %dma_start3A_149 = arith.constant 900 : i32
    %dma_start3A_150 = arith.constant 0 : i32
    %dma_start3A_151 = tpu.memref_slice %arg6[%dma_start3A_148, %dma_start3A_149, %dma_start3A_150] : memref<2x1600x32xf32, #tpu.memory_space<vmem>> -> memref<1x100x32xf32, #tpu.memory_space<vmem>>
    %dma_start3A_152 = tpu.memref_squeeze %dma_start3A_151 : memref<1x100x32xf32, #tpu.memory_space<vmem>> -> memref<100x32xf32, #tpu.memory_space<vmem>>
    %dma_start3A_153 = arith.constant 0 : i32
    %dma_start3A_154 = tpu.memref_slice %arg5[%dma_start3A_146, %dma_start3A_147, %dma_start3A_153] : memref<2x16x100xi32, #tpu.memory_space<vmem>> -> memref<1x1x100xi32, #tpu.memory_space<vmem>>
    %dma_start3A_155 = tpu.memref_squeeze %dma_start3A_154 : memref<1x1x100xi32, #tpu.memory_space<vmem>> -> memref<100xi32, #tpu.memory_space<vmem>>
    %dma_start3A_156 = arith.constant 0 : i32
    %dma_start3A_157 = arith.constant 0 : i32
    %dma_start3A_158 = tpu.memref_slice %arg3[%dma_start3A_156, %dma_start3A_157] : memref<1007616x32xf32, #tpu.memory_space<hbm>> -> memref<1007616x32xf32, #tpu.memory_space<hbm>>
    tpu.enqueue_indirect_dma source(%dma_start3A_158 : memref<1007616x32xf32, #tpu.memory_space<hbm>>) target(%dma_start3A_152 : memref<100x32xf32, #tpu.memory_space<vmem>>) offsets(%dma_start3A_155 : memref<100xi32, #tpu.memory_space<vmem>>) semaphore(%arg10 : memref<!tpu.dma_semaphore, #tpu.memory_space<semaphore_mem>>)
    %dma_start3A_159 = arith.constant 0 : i32
    %dma_start3A_160 = arith.constant 10 : i32
    %dma_start3A_161 = arith.constant 0 : i32
    %dma_start3A_162 = arith.constant 1000 : i32
    %dma_start3A_163 = arith.constant 0 : i32
    %dma_start3A_164 = tpu.memref_slice %arg6[%dma_start3A_161, %dma_start3A_162, %dma_start3A_163] : memref<2x1600x32xf32, #tpu.memory_space<vmem>> -> memref<1x100x32xf32, #tpu.memory_space<vmem>>
    %dma_start3A_165 = tpu.memref_squeeze %dma_start3A_164 : memref<1x100x32xf32, #tpu.memory_space<vmem>> -> memref<100x32xf32, #tpu.memory_space<vmem>>
    %dma_start3A_166 = arith.constant 0 : i32
    %dma_start3A_167 = tpu.memref_slice %arg5[%dma_start3A_159, %dma_start3A_160, %dma_start3A_166] : memref<2x16x100xi32, #tpu.memory_space<vmem>> -> memref<1x1x100xi32, #tpu.memory_space<vmem>>
    %dma_start3A_168 = tpu.memref_squeeze %dma_start3A_167 : memref<1x1x100xi32, #tpu.memory_space<vmem>> -> memref<100xi32, #tpu.memory_space<vmem>>
    %dma_start3A_169 = arith.constant 0 : i32
    %dma_start3A_170 = arith.constant 0 : i32
    %dma_start3A_171 = tpu.memref_slice %arg3[%dma_start3A_169, %dma_start3A_170] : memref<1007616x32xf32, #tpu.memory_space<hbm>> -> memref<1007616x32xf32, #tpu.memory_space<hbm>>
    tpu.enqueue_indirect_dma source(%dma_start3A_171 : memref<1007616x32xf32, #tpu.memory_space<hbm>>) target(%dma_start3A_165 : memref<100x32xf32, #tpu.memory_space<vmem>>) offsets(%dma_start3A_168 : memref<100xi32, #tpu.memory_space<vmem>>) semaphore(%arg10 : memref<!tpu.dma_semaphore, #tpu.memory_space<semaphore_mem>>)
    %dma_start3A_172 = arith.constant 0 : i32
    %dma_start3A_173 = arith.constant 11 : i32
    %dma_start3A_174 = arith.constant 0 : i32
    %dma_start3A_175 = arith.constant 1100 : i32
    %dma_start3A_176 = arith.constant 0 : i32
    %dma_start3A_177 = tpu.memref_slice %arg6[%dma_start3A_174, %dma_start3A_175, %dma_start3A_176] : memref<2x1600x32xf32, #tpu.memory_space<vmem>> -> memref<1x100x32xf32, #tpu.memory_space<vmem>>
    %dma_start3A_178 = tpu.memref_squeeze %dma_start3A_177 : memref<1x100x32xf32, #tpu.memory_space<vmem>> -> memref<100x32xf32, #tpu.memory_space<vmem>>
    %dma_start3A_179 = arith.constant 0 : i32
    %dma_start3A_180 = tpu.memref_slice %arg5[%dma_start3A_172, %dma_start3A_173, %dma_start3A_179] : memref<2x16x100xi32, #tpu.memory_space<vmem>> -> memref<1x1x100xi32, #tpu.memory_space<vmem>>
    %dma_start3A_181 = tpu.memref_squeeze %dma_start3A_180 : memref<1x1x100xi32, #tpu.memory_space<vmem>> -> memref<100xi32, #tpu.memory_space<vmem>>
    %dma_start3A_182 = arith.constant 0 : i32
    %dma_start3A_183 = arith.constant 0 : i32
    %dma_start3A_184 = tpu.memref_slice %arg3[%dma_start3A_182, %dma_start3A_183] : memref<1007616x32xf32, #tpu.memory_space<hbm>> -> memref<1007616x32xf32, #tpu.memory_space<hbm>>
    tpu.enqueue_indirect_dma source(%dma_start3A_184 : memref<1007616x32xf32, #tpu.memory_space<hbm>>) target(%dma_start3A_178 : memref<100x32xf32, #tpu.memory_space<vmem>>) offsets(%dma_start3A_181 : memref<100xi32, #tpu.memory_space<vmem>>) semaphore(%arg10 : memref<!tpu.dma_semaphore, #tpu.memory_space<semaphore_mem>>)
    %dma_start3A_185 = arith.constant 0 : i32
    %dma_start3A_186 = arith.constant 12 : i32
    %dma_start3A_187 = arith.constant 0 : i32
    %dma_start3A_188 = arith.constant 1200 : i32
    %dma_start3A_189 = arith.constant 0 : i32
    %dma_start3A_190 = tpu.memref_slice %arg6[%dma_start3A_187, %dma_start3A_188, %dma_start3A_189] : memref<2x1600x32xf32, #tpu.memory_space<vmem>> -> memref<1x100x32xf32, #tpu.memory_space<vmem>>
    %dma_start3A_191 = tpu.memref_squeeze %dma_start3A_190 : memref<1x100x32xf32, #tpu.memory_space<vmem>> -> memref<100x32xf32, #tpu.memory_space<vmem>>
    %dma_start3A_192 = arith.constant 0 : i32
    %dma_start3A_193 = tpu.memref_slice %arg5[%dma_start3A_185, %dma_start3A_186, %dma_start3A_192] : memref<2x16x100xi32, #tpu.memory_space<vmem>> -> memref<1x1x100xi32, #tpu.memory_space<vmem>>
    %dma_start3A_194 = tpu.memref_squeeze %dma_start3A_193 : memref<1x1x100xi32, #tpu.memory_space<vmem>> -> memref<100xi32, #tpu.memory_space<vmem>>
    %dma_start3A_195 = arith.constant 0 : i32
    %dma_start3A_196 = arith.constant 0 : i32
    %dma_start3A_197 = tpu.memref_slice %arg3[%dma_start3A_195, %dma_start3A_196] : memref<1007616x32xf32, #tpu.memory_space<hbm>> -> memref<1007616x32xf32, #tpu.memory_space<hbm>>
    tpu.enqueue_indirect_dma source(%dma_start3A_197 : memref<1007616x32xf32, #tpu.memory_space<hbm>>) target(%dma_start3A_191 : memref<100x32xf32, #tpu.memory_space<vmem>>) offsets(%dma_start3A_194 : memref<100xi32, #tpu.memory_space<vmem>>) semaphore(%arg10 : memref<!tpu.dma_semaphore, #tpu.memory_space<semaphore_mem>>)
    %dma_start3A_198 = arith.constant 0 : i32
    %dma_start3A_199 = arith.constant 13 : i32
    %dma_start3A_200 = arith.constant 0 : i32
    %dma_start3A_201 = arith.constant 1300 : i32
    %dma_start3A_202 = arith.constant 0 : i32
    %dma_start3A_203 = tpu.memref_slice %arg6[%dma_start3A_200, %dma_start3A_201, %dma_start3A_202] : memref<2x1600x32xf32, #tpu.memory_space<vmem>> -> memref<1x100x32xf32, #tpu.memory_space<vmem>>
    %dma_start3A_204 = tpu.memref_squeeze %dma_start3A_203 : memref<1x100x32xf32, #tpu.memory_space<vmem>> -> memref<100x32xf32, #tpu.memory_space<vmem>>
    %dma_start3A_205 = arith.constant 0 : i32
    %dma_start3A_206 = tpu.memref_slice %arg5[%dma_start3A_198, %dma_start3A_199, %dma_start3A_205] : memref<2x16x100xi32, #tpu.memory_space<vmem>> -> memref<1x1x100xi32, #tpu.memory_space<vmem>>
    %dma_start3A_207 = tpu.memref_squeeze %dma_start3A_206 : memref<1x1x100xi32, #tpu.memory_space<vmem>> -> memref<100xi32, #tpu.memory_space<vmem>>
    %dma_start3A_208 = arith.constant 0 : i32
    %dma_start3A_209 = arith.constant 0 : i32
    %dma_start3A_210 = tpu.memref_slice %arg3[%dma_start3A_208, %dma_start3A_209] : memref<1007616x32xf32, #tpu.memory_space<hbm>> -> memref<1007616x32xf32, #tpu.memory_space<hbm>>
    tpu.enqueue_indirect_dma source(%dma_start3A_210 : memref<1007616x32xf32, #tpu.memory_space<hbm>>) target(%dma_start3A_204 : memref<100x32xf32, #tpu.memory_space<vmem>>) offsets(%dma_start3A_207 : memref<100xi32, #tpu.memory_space<vmem>>) semaphore(%arg10 : memref<!tpu.dma_semaphore, #tpu.memory_space<semaphore_mem>>)
    %dma_start3A_211 = arith.constant 0 : i32
    %dma_start3A_212 = arith.constant 14 : i32
    %dma_start3A_213 = arith.constant 0 : i32
    %dma_start3A_214 = arith.constant 1400 : i32
    %dma_start3A_215 = arith.constant 0 : i32
    %dma_start3A_216 = tpu.memref_slice %arg6[%dma_start3A_213, %dma_start3A_214, %dma_start3A_215] : memref<2x1600x32xf32, #tpu.memory_space<vmem>> -> memref<1x100x32xf32, #tpu.memory_space<vmem>>
    %dma_start3A_217 = tpu.memref_squeeze %dma_start3A_216 : memref<1x100x32xf32, #tpu.memory_space<vmem>> -> memref<100x32xf32, #tpu.memory_space<vmem>>
    %dma_start3A_218 = arith.constant 0 : i32
    %dma_start3A_219 = tpu.memref_slice %arg5[%dma_start3A_211, %dma_start3A_212, %dma_start3A_218] : memref<2x16x100xi32, #tpu.memory_space<vmem>> -> memref<1x1x100xi32, #tpu.memory_space<vmem>>
    %dma_start3A_220 = tpu.memref_squeeze %dma_start3A_219 : memref<1x1x100xi32, #tpu.memory_space<vmem>> -> memref<100xi32, #tpu.memory_space<vmem>>
    %dma_start3A_221 = arith.constant 0 : i32
    %dma_start3A_222 = arith.constant 0 : i32
    %dma_start3A_223 = tpu.memref_slice %arg3[%dma_start3A_221, %dma_start3A_222] : memref<1007616x32xf32, #tpu.memory_space<hbm>> -> memref<1007616x32xf32, #tpu.memory_space<hbm>>
    tpu.enqueue_indirect_dma source(%dma_start3A_223 : memref<1007616x32xf32, #tpu.memory_space<hbm>>) target(%dma_start3A_217 : memref<100x32xf32, #tpu.memory_space<vmem>>) offsets(%dma_start3A_220 : memref<100xi32, #tpu.memory_space<vmem>>) semaphore(%arg10 : memref<!tpu.dma_semaphore, #tpu.memory_space<semaphore_mem>>)
    %dma_start3A_224 = arith.constant 0 : i32
    %dma_start3A_225 = arith.constant 15 : i32
    %dma_start3A_226 = arith.constant 0 : i32
    %dma_start3A_227 = arith.constant 1500 : i32
    %dma_start3A_228 = arith.constant 0 : i32
    %dma_start3A_229 = tpu.memref_slice %arg6[%dma_start3A_226, %dma_start3A_227, %dma_start3A_228] : memref<2x1600x32xf32, #tpu.memory_space<vmem>> -> memref<1x100x32xf32, #tpu.memory_space<vmem>>
    %dma_start3A_230 = tpu.memref_squeeze %dma_start3A_229 : memref<1x100x32xf32, #tpu.memory_space<vmem>> -> memref<100x32xf32, #tpu.memory_space<vmem>>
    %dma_start3A_231 = arith.constant 0 : i32
    %dma_start3A_232 = tpu.memref_slice %arg5[%dma_start3A_224, %dma_start3A_225, %dma_start3A_231] : memref<2x16x100xi32, #tpu.memory_space<vmem>> -> memref<1x1x100xi32, #tpu.memory_space<vmem>>
    %dma_start3A_233 = tpu.memref_squeeze %dma_start3A_232 : memref<1x1x100xi32, #tpu.memory_space<vmem>> -> memref<100xi32, #tpu.memory_space<vmem>>
    %dma_start3A_234 = arith.constant 0 : i32
    %dma_start3A_235 = arith.constant 0 : i32
    %dma_start3A_236 = tpu.memref_slice %arg3[%dma_start3A_234, %dma_start3A_235] : memref<1007616x32xf32, #tpu.memory_space<hbm>> -> memref<1007616x32xf32, #tpu.memory_space<hbm>>
    tpu.enqueue_indirect_dma source(%dma_start3A_236 : memref<1007616x32xf32, #tpu.memory_space<hbm>>) target(%dma_start3A_230 : memref<100x32xf32, #tpu.memory_space<vmem>>) offsets(%dma_start3A_233 : memref<100xi32, #tpu.memory_space<vmem>>) semaphore(%arg10 : memref<!tpu.dma_semaphore, #tpu.memory_space<semaphore_mem>>)
    %add3A_237 = arith.constant 16 : i32
    %add3A_238 = arith.addi %mul3A_2, %add3A_237 : i32
    %dma_start3A_239 = arith.constant 1 : i32
    %dma_start3A_240 = arith.constant 0 : i32
    %dma_start3A_241 = arith.constant 0 : i32
    %dma_start3A_242 = tpu.memref_slice %arg5[%dma_start3A_239, %dma_start3A_240, %dma_start3A_241] : memref<2x16x100xi32, #tpu.memory_space<vmem>> -> memref<1x16x100xi32, #tpu.memory_space<vmem>>
    %dma_start3A_243 = tpu.memref_squeeze %dma_start3A_242 : memref<1x16x100xi32, #tpu.memory_space<vmem>> -> memref<16x100xi32, #tpu.memory_space<vmem>>
    %dma_start3A_244 = arith.constant 0 : i32
    %dma_start3A_245 = tpu.memref_slice %arg2[%add3A_238, %dma_start3A_244] : memref<32768x100xi32, #tpu.memory_space<hbm>> -> memref<16x100xi32, #tpu.memory_space<hbm>>
    %dma_start3A_246 = arith.constant 0 : i32
    %dma_start3A_247 = arith.constant 0 : i32
    %dma_start3A_248 = tpu.memref_slice %arg5[%dma_start3A_239, %dma_start3A_246, %dma_start3A_247] : memref<2x16x100xi32, #tpu.memory_space<vmem>> -> memref<1x16x100xi32, #tpu.memory_space<vmem>>
    %dma_start3A_249 = tpu.memref_squeeze %dma_start3A_248 : memref<1x16x100xi32, #tpu.memory_space<vmem>> -> memref<16x100xi32, #tpu.memory_space<vmem>>
    %dma_start3A_250 = arith.constant 0 : i32
    %dma_start3A_251 = tpu.memref_slice %arg2[%add3A_238, %dma_start3A_250] : memref<32768x100xi32, #tpu.memory_space<hbm>> -> memref<16x100xi32, #tpu.memory_space<hbm>>
    tpu.enqueue_dma source(%dma_start3A_251 : memref<16x100xi32, #tpu.memory_space<hbm>>) target(%dma_start3A_249 : memref<16x100xi32, #tpu.memory_space<vmem>>) target_semaphore(%arg9 : memref<!tpu.dma_semaphore, #tpu.memory_space<semaphore_mem>>)
    %scan3A = arith.constant 0 : i32
    %scan3A_252 = arith.constant 0 : i32
    %scan3A_253 = arith.constant 32 : i32
    %scan3A_254 = arith.addi %scan3A_252, %scan3A_253 : i32
    %scan3A_255 = arith.constant 1 : i32
    scf.for %scan3A_259 = %scan3A_252 to %scan3A_254 step %scan3A_255  : i32 {
      %mul3A_260 = arith.constant 2 : i32
      %mul3A_261 = arith.muli %scan3A_259, %mul3A_260 : i32
      %add3A_262 = arith.constant 0 : i32
      %add3A_263 = arith.addi %mul3A_261, %add3A_262 : i32
      %add3A_264 = arith.constant 1 : i32
      %add3A_265 = arith.addi %add3A_263, %add3A_264 : i32
      %lt3A = arith.constant 64 : i32
      %lt3A_266 = arith.cmpi slt, %add3A_265, %lt3A : i32
      %convert_element_type3A = arith.extui %lt3A_266 : i1 to i32
      %cond3A = arith.constant 0 : i32
      %cond3A_267 = arith.cmpi ne, %convert_element_type3A, %cond3A : i32
      scf.if %cond3A_267 {
        %add3A_1191 = arith.constant 1 : i32
        %add3A_1192 = arith.addi %add3A_263, %add3A_1191 : i32
        %mul3A_1193 = arith.constant 16 : i32
        %mul3A_1194 = arith.muli %add3A_1192, %mul3A_1193 : i32
        %add3A_1195 = arith.addi %mul3A_2, %mul3A_1194 : i32
        %dma_wait3A_1196 = arith.constant 1 : i32
        %dma_wait3A_1197 = arith.constant 0 : i32
        %dma_wait3A_1198 = arith.constant 0 : i32
        %dma_wait3A_1199 = tpu.memref_slice %arg5[%dma_wait3A_1196, %dma_wait3A_1197, %dma_wait3A_1198] : memref<2x16x100xi32, #tpu.memory_space<vmem>> -> memref<1x16x100xi32, #tpu.memory_space<vmem>>
        %dma_wait3A_1200 = tpu.memref_squeeze %dma_wait3A_1199 : memref<1x16x100xi32, #tpu.memory_space<vmem>> -> memref<16x100xi32, #tpu.memory_space<vmem>>
        %dma_wait3A_1201 = arith.constant 0 : i32
        %dma_wait3A_1202 = tpu.memref_slice %arg2[%add3A_1195, %dma_wait3A_1201] : memref<32768x100xi32, #tpu.memory_space<hbm>> -> memref<16x100xi32, #tpu.memory_space<hbm>>
        %dma_wait3A_1203 = arith.constant 0 : i32
        %dma_wait3A_1204 = arith.constant 0 : i32
        %dma_wait3A_1205 = tpu.memref_slice %arg5[%dma_wait3A_1196, %dma_wait3A_1203, %dma_wait3A_1204] : memref<2x16x100xi32, #tpu.memory_space<vmem>> -> memref<1x16x100xi32, #tpu.memory_space<vmem>>
        %dma_wait3A_1206 = tpu.memref_squeeze %dma_wait3A_1205 : memref<1x16x100xi32, #tpu.memory_space<vmem>> -> memref<16x100xi32, #tpu.memory_space<vmem>>
        %dma_wait3A_1207 = arith.constant 0 : i32
        %dma_wait3A_1208 = tpu.memref_slice %arg2[%add3A_1195, %dma_wait3A_1207] : memref<32768x100xi32, #tpu.memory_space<hbm>> -> memref<16x100xi32, #tpu.memory_space<hbm>>
        tpu.wait_dma2 semaphore(%arg9 : memref<!tpu.dma_semaphore, #tpu.memory_space<semaphore_mem>>) src(%dma_wait3A_1208 : memref<16x100xi32, #tpu.memory_space<hbm>>) dst(%dma_wait3A_1206 : memref<16x100xi32, #tpu.memory_space<vmem>>)
        %dma_start3A_1209 = arith.constant 1 : i32
        %dma_start3A_1210 = arith.constant 0 : i32
        %dma_start3A_1211 = arith.constant 1 : i32
        %dma_start3A_1212 = arith.constant 0 : i32
        %dma_start3A_1213 = arith.constant 0 : i32
        %dma_start3A_1214 = tpu.memref_slice %arg6[%dma_start3A_1211, %dma_start3A_1212, %dma_start3A_1213] : memref<2x1600x32xf32, #tpu.memory_space<vmem>> -> memref<1x100x32xf32, #tpu.memory_space<vmem>>
        %dma_start3A_1215 = tpu.memref_squeeze %dma_start3A_1214 : memref<1x100x32xf32, #tpu.memory_space<vmem>> -> memref<100x32xf32, #tpu.memory_space<vmem>>
        %dma_start3A_1216 = arith.constant 0 : i32
        %dma_start3A_1217 = tpu.memref_slice %arg5[%dma_start3A_1209, %dma_start3A_1210, %dma_start3A_1216] : memref<2x16x100xi32, #tpu.memory_space<vmem>> -> memref<1x1x100xi32, #tpu.memory_space<vmem>>
        %dma_start3A_1218 = tpu.memref_squeeze %dma_start3A_1217 : memref<1x1x100xi32, #tpu.memory_space<vmem>> -> memref<100xi32, #tpu.memory_space<vmem>>
        %dma_start3A_1219 = arith.constant 0 : i32
        %dma_start3A_1220 = arith.constant 0 : i32
        %dma_start3A_1221 = tpu.memref_slice %arg3[%dma_start3A_1219, %dma_start3A_1220] : memref<1007616x32xf32, #tpu.memory_space<hbm>> -> memref<1007616x32xf32, #tpu.memory_space<hbm>>
        tpu.enqueue_indirect_dma source(%dma_start3A_1221 : memref<1007616x32xf32, #tpu.memory_space<hbm>>) target(%dma_start3A_1215 : memref<100x32xf32, #tpu.memory_space<vmem>>) offsets(%dma_start3A_1218 : memref<100xi32, #tpu.memory_space<vmem>>) semaphore(%arg11 : memref<!tpu.dma_semaphore, #tpu.memory_space<semaphore_mem>>)
        %dma_start3A_1222 = arith.constant 1 : i32
        %dma_start3A_1223 = arith.constant 1 : i32
        %dma_start3A_1224 = arith.constant 1 : i32
        %dma_start3A_1225 = arith.constant 100 : i32
        %dma_start3A_1226 = arith.constant 0 : i32
        %dma_start3A_1227 = tpu.memref_slice %arg6[%dma_start3A_1224, %dma_start3A_1225, %dma_start3A_1226] : memref<2x1600x32xf32, #tpu.memory_space<vmem>> -> memref<1x100x32xf32, #tpu.memory_space<vmem>>
        %dma_start3A_1228 = tpu.memref_squeeze %dma_start3A_1227 : memref<1x100x32xf32, #tpu.memory_space<vmem>> -> memref<100x32xf32, #tpu.memory_space<vmem>>
        %dma_start3A_1229 = arith.constant 0 : i32
        %dma_start3A_1230 = tpu.memref_slice %arg5[%dma_start3A_1222, %dma_start3A_1223, %dma_start3A_1229] : memref<2x16x100xi32, #tpu.memory_space<vmem>> -> memref<1x1x100xi32, #tpu.memory_space<vmem>>
        %dma_start3A_1231 = tpu.memref_squeeze %dma_start3A_1230 : memref<1x1x100xi32, #tpu.memory_space<vmem>> -> memref<100xi32, #tpu.memory_space<vmem>>
        %dma_start3A_1232 = arith.constant 0 : i32
        %dma_start3A_1233 = arith.constant 0 : i32
        %dma_start3A_1234 = tpu.memref_slice %arg3[%dma_start3A_1232, %dma_start3A_1233] : memref<1007616x32xf32, #tpu.memory_space<hbm>> -> memref<1007616x32xf32, #tpu.memory_space<hbm>>
        tpu.enqueue_indirect_dma source(%dma_start3A_1234 : memref<1007616x32xf32, #tpu.memory_space<hbm>>) target(%dma_start3A_1228 : memref<100x32xf32, #tpu.memory_space<vmem>>) offsets(%dma_start3A_1231 : memref<100xi32, #tpu.memory_space<vmem>>) semaphore(%arg11 : memref<!tpu.dma_semaphore, #tpu.memory_space<semaphore_mem>>)
        %dma_start3A_1235 = arith.constant 1 : i32
        %dma_start3A_1236 = arith.constant 2 : i32
        %dma_start3A_1237 = arith.constant 1 : i32
        %dma_start3A_1238 = arith.constant 200 : i32
        %dma_start3A_1239 = arith.constant 0 : i32
        %dma_start3A_1240 = tpu.memref_slice %arg6[%dma_start3A_1237, %dma_start3A_1238, %dma_start3A_1239] : memref<2x1600x32xf32, #tpu.memory_space<vmem>> -> memref<1x100x32xf32, #tpu.memory_space<vmem>>
        %dma_start3A_1241 = tpu.memref_squeeze %dma_start3A_1240 : memref<1x100x32xf32, #tpu.memory_space<vmem>> -> memref<100x32xf32, #tpu.memory_space<vmem>>
        %dma_start3A_1242 = arith.constant 0 : i32
        %dma_start3A_1243 = tpu.memref_slice %arg5[%dma_start3A_1235, %dma_start3A_1236, %dma_start3A_1242] : memref<2x16x100xi32, #tpu.memory_space<vmem>> -> memref<1x1x100xi32, #tpu.memory_space<vmem>>
        %dma_start3A_1244 = tpu.memref_squeeze %dma_start3A_1243 : memref<1x1x100xi32, #tpu.memory_space<vmem>> -> memref<100xi32, #tpu.memory_space<vmem>>
        %dma_start3A_1245 = arith.constant 0 : i32
        %dma_start3A_1246 = arith.constant 0 : i32
        %dma_start3A_1247 = tpu.memref_slice %arg3[%dma_start3A_1245, %dma_start3A_1246] : memref<1007616x32xf32, #tpu.memory_space<hbm>> -> memref<1007616x32xf32, #tpu.memory_space<hbm>>
        tpu.enqueue_indirect_dma source(%dma_start3A_1247 : memref<1007616x32xf32, #tpu.memory_space<hbm>>) target(%dma_start3A_1241 : memref<100x32xf32, #tpu.memory_space<vmem>>) offsets(%dma_start3A_1244 : memref<100xi32, #tpu.memory_space<vmem>>) semaphore(%arg11 : memref<!tpu.dma_semaphore, #tpu.memory_space<semaphore_mem>>)
        %dma_start3A_1248 = arith.constant 1 : i32
        %dma_start3A_1249 = arith.constant 3 : i32
        %dma_start3A_1250 = arith.constant 1 : i32
        %dma_start3A_1251 = arith.constant 300 : i32
        %dma_start3A_1252 = arith.constant 0 : i32
        %dma_start3A_1253 = tpu.memref_slice %arg6[%dma_start3A_1250, %dma_start3A_1251, %dma_start3A_1252] : memref<2x1600x32xf32, #tpu.memory_space<vmem>> -> memref<1x100x32xf32, #tpu.memory_space<vmem>>
        %dma_start3A_1254 = tpu.memref_squeeze %dma_start3A_1253 : memref<1x100x32xf32, #tpu.memory_space<vmem>> -> memref<100x32xf32, #tpu.memory_space<vmem>>
        %dma_start3A_1255 = arith.constant 0 : i32
        %dma_start3A_1256 = tpu.memref_slice %arg5[%dma_start3A_1248, %dma_start3A_1249, %dma_start3A_1255] : memref<2x16x100xi32, #tpu.memory_space<vmem>> -> memref<1x1x100xi32, #tpu.memory_space<vmem>>
        %dma_start3A_1257 = tpu.memref_squeeze %dma_start3A_1256 : memref<1x1x100xi32, #tpu.memory_space<vmem>> -> memref<100xi32, #tpu.memory_space<vmem>>
        %dma_start3A_1258 = arith.constant 0 : i32
        %dma_start3A_1259 = arith.constant 0 : i32
        %dma_start3A_1260 = tpu.memref_slice %arg3[%dma_start3A_1258, %dma_start3A_1259] : memref<1007616x32xf32, #tpu.memory_space<hbm>> -> memref<1007616x32xf32, #tpu.memory_space<hbm>>
        tpu.enqueue_indirect_dma source(%dma_start3A_1260 : memref<1007616x32xf32, #tpu.memory_space<hbm>>) target(%dma_start3A_1254 : memref<100x32xf32, #tpu.memory_space<vmem>>) offsets(%dma_start3A_1257 : memref<100xi32, #tpu.memory_space<vmem>>) semaphore(%arg11 : memref<!tpu.dma_semaphore, #tpu.memory_space<semaphore_mem>>)
        %dma_start3A_1261 = arith.constant 1 : i32
        %dma_start3A_1262 = arith.constant 4 : i32
        %dma_start3A_1263 = arith.constant 1 : i32
        %dma_start3A_1264 = arith.constant 400 : i32
        %dma_start3A_1265 = arith.constant 0 : i32
        %dma_start3A_1266 = tpu.memref_slice %arg6[%dma_start3A_1263, %dma_start3A_1264, %dma_start3A_1265] : memref<2x1600x32xf32, #tpu.memory_space<vmem>> -> memref<1x100x32xf32, #tpu.memory_space<vmem>>
        %dma_start3A_1267 = tpu.memref_squeeze %dma_start3A_1266 : memref<1x100x32xf32, #tpu.memory_space<vmem>> -> memref<100x32xf32, #tpu.memory_space<vmem>>
        %dma_start3A_1268 = arith.constant 0 : i32
        %dma_start3A_1269 = tpu.memref_slice %arg5[%dma_start3A_1261, %dma_start3A_1262, %dma_start3A_1268] : memref<2x16x100xi32, #tpu.memory_space<vmem>> -> memref<1x1x100xi32, #tpu.memory_space<vmem>>
        %dma_start3A_1270 = tpu.memref_squeeze %dma_start3A_1269 : memref<1x1x100xi32, #tpu.memory_space<vmem>> -> memref<100xi32, #tpu.memory_space<vmem>>
        %dma_start3A_1271 = arith.constant 0 : i32
        %dma_start3A_1272 = arith.constant 0 : i32
        %dma_start3A_1273 = tpu.memref_slice %arg3[%dma_start3A_1271, %dma_start3A_1272] : memref<1007616x32xf32, #tpu.memory_space<hbm>> -> memref<1007616x32xf32, #tpu.memory_space<hbm>>
        tpu.enqueue_indirect_dma source(%dma_start3A_1273 : memref<1007616x32xf32, #tpu.memory_space<hbm>>) target(%dma_start3A_1267 : memref<100x32xf32, #tpu.memory_space<vmem>>) offsets(%dma_start3A_1270 : memref<100xi32, #tpu.memory_space<vmem>>) semaphore(%arg11 : memref<!tpu.dma_semaphore, #tpu.memory_space<semaphore_mem>>)
        %dma_start3A_1274 = arith.constant 1 : i32
        %dma_start3A_1275 = arith.constant 5 : i32
        %dma_start3A_1276 = arith.constant 1 : i32
        %dma_start3A_1277 = arith.constant 500 : i32
        %dma_start3A_1278 = arith.constant 0 : i32
        %dma_start3A_1279 = tpu.memref_slice %arg6[%dma_start3A_1276, %dma_start3A_1277, %dma_start3A_1278] : memref<2x1600x32xf32, #tpu.memory_space<vmem>> -> memref<1x100x32xf32, #tpu.memory_space<vmem>>
        %dma_start3A_1280 = tpu.memref_squeeze %dma_start3A_1279 : memref<1x100x32xf32, #tpu.memory_space<vmem>> -> memref<100x32xf32, #tpu.memory_space<vmem>>
        %dma_start3A_1281 = arith.constant 0 : i32
        %dma_start3A_1282 = tpu.memref_slice %arg5[%dma_start3A_1274, %dma_start3A_1275, %dma_start3A_1281] : memref<2x16x100xi32, #tpu.memory_space<vmem>> -> memref<1x1x100xi32, #tpu.memory_space<vmem>>
        %dma_start3A_1283 = tpu.memref_squeeze %dma_start3A_1282 : memref<1x1x100xi32, #tpu.memory_space<vmem>> -> memref<100xi32, #tpu.memory_space<vmem>>
        %dma_start3A_1284 = arith.constant 0 : i32
        %dma_start3A_1285 = arith.constant 0 : i32
        %dma_start3A_1286 = tpu.memref_slice %arg3[%dma_start3A_1284, %dma_start3A_1285] : memref<1007616x32xf32, #tpu.memory_space<hbm>> -> memref<1007616x32xf32, #tpu.memory_space<hbm>>
        tpu.enqueue_indirect_dma source(%dma_start3A_1286 : memref<1007616x32xf32, #tpu.memory_space<hbm>>) target(%dma_start3A_1280 : memref<100x32xf32, #tpu.memory_space<vmem>>) offsets(%dma_start3A_1283 : memref<100xi32, #tpu.memory_space<vmem>>) semaphore(%arg11 : memref<!tpu.dma_semaphore, #tpu.memory_space<semaphore_mem>>)
        %dma_start3A_1287 = arith.constant 1 : i32
        %dma_start3A_1288 = arith.constant 6 : i32
        %dma_start3A_1289 = arith.constant 1 : i32
        %dma_start3A_1290 = arith.constant 600 : i32
        %dma_start3A_1291 = arith.constant 0 : i32
        %dma_start3A_1292 = tpu.memref_slice %arg6[%dma_start3A_1289, %dma_start3A_1290, %dma_start3A_1291] : memref<2x1600x32xf32, #tpu.memory_space<vmem>> -> memref<1x100x32xf32, #tpu.memory_space<vmem>>
        %dma_start3A_1293 = tpu.memref_squeeze %dma_start3A_1292 : memref<1x100x32xf32, #tpu.memory_space<vmem>> -> memref<100x32xf32, #tpu.memory_space<vmem>>
        %dma_start3A_1294 = arith.constant 0 : i32
        %dma_start3A_1295 = tpu.memref_slice %arg5[%dma_start3A_1287, %dma_start3A_1288, %dma_start3A_1294] : memref<2x16x100xi32, #tpu.memory_space<vmem>> -> memref<1x1x100xi32, #tpu.memory_space<vmem>>
        %dma_start3A_1296 = tpu.memref_squeeze %dma_start3A_1295 : memref<1x1x100xi32, #tpu.memory_space<vmem>> -> memref<100xi32, #tpu.memory_space<vmem>>
        %dma_start3A_1297 = arith.constant 0 : i32
        %dma_start3A_1298 = arith.constant 0 : i32
        %dma_start3A_1299 = tpu.memref_slice %arg3[%dma_start3A_1297, %dma_start3A_1298] : memref<1007616x32xf32, #tpu.memory_space<hbm>> -> memref<1007616x32xf32, #tpu.memory_space<hbm>>
        tpu.enqueue_indirect_dma source(%dma_start3A_1299 : memref<1007616x32xf32, #tpu.memory_space<hbm>>) target(%dma_start3A_1293 : memref<100x32xf32, #tpu.memory_space<vmem>>) offsets(%dma_start3A_1296 : memref<100xi32, #tpu.memory_space<vmem>>) semaphore(%arg11 : memref<!tpu.dma_semaphore, #tpu.memory_space<semaphore_mem>>)
        %dma_start3A_1300 = arith.constant 1 : i32
        %dma_start3A_1301 = arith.constant 7 : i32
        %dma_start3A_1302 = arith.constant 1 : i32
        %dma_start3A_1303 = arith.constant 700 : i32
        %dma_start3A_1304 = arith.constant 0 : i32
        %dma_start3A_1305 = tpu.memref_slice %arg6[%dma_start3A_1302, %dma_start3A_1303, %dma_start3A_1304] : memref<2x1600x32xf32, #tpu.memory_space<vmem>> -> memref<1x100x32xf32, #tpu.memory_space<vmem>>
        %dma_start3A_1306 = tpu.memref_squeeze %dma_start3A_1305 : memref<1x100x32xf32, #tpu.memory_space<vmem>> -> memref<100x32xf32, #tpu.memory_space<vmem>>
        %dma_start3A_1307 = arith.constant 0 : i32
        %dma_start3A_1308 = tpu.memref_slice %arg5[%dma_start3A_1300, %dma_start3A_1301, %dma_start3A_1307] : memref<2x16x100xi32, #tpu.memory_space<vmem>> -> memref<1x1x100xi32, #tpu.memory_space<vmem>>
        %dma_start3A_1309 = tpu.memref_squeeze %dma_start3A_1308 : memref<1x1x100xi32, #tpu.memory_space<vmem>> -> memref<100xi32, #tpu.memory_space<vmem>>
        %dma_start3A_1310 = arith.constant 0 : i32
        %dma_start3A_1311 = arith.constant 0 : i32
        %dma_start3A_1312 = tpu.memref_slice %arg3[%dma_start3A_1310, %dma_start3A_1311] : memref<1007616x32xf32, #tpu.memory_space<hbm>> -> memref<1007616x32xf32, #tpu.memory_space<hbm>>
        tpu.enqueue_indirect_dma source(%dma_start3A_1312 : memref<1007616x32xf32, #tpu.memory_space<hbm>>) target(%dma_start3A_1306 : memref<100x32xf32, #tpu.memory_space<vmem>>) offsets(%dma_start3A_1309 : memref<100xi32, #tpu.memory_space<vmem>>) semaphore(%arg11 : memref<!tpu.dma_semaphore, #tpu.memory_space<semaphore_mem>>)
        %dma_start3A_1313 = arith.constant 1 : i32
        %dma_start3A_1314 = arith.constant 8 : i32
        %dma_start3A_1315 = arith.constant 1 : i32
        %dma_start3A_1316 = arith.constant 800 : i32
        %dma_start3A_1317 = arith.constant 0 : i32
        %dma_start3A_1318 = tpu.memref_slice %arg6[%dma_start3A_1315, %dma_start3A_1316, %dma_start3A_1317] : memref<2x1600x32xf32, #tpu.memory_space<vmem>> -> memref<1x100x32xf32, #tpu.memory_space<vmem>>
        %dma_start3A_1319 = tpu.memref_squeeze %dma_start3A_1318 : memref<1x100x32xf32, #tpu.memory_space<vmem>> -> memref<100x32xf32, #tpu.memory_space<vmem>>
        %dma_start3A_1320 = arith.constant 0 : i32
        %dma_start3A_1321 = tpu.memref_slice %arg5[%dma_start3A_1313, %dma_start3A_1314, %dma_start3A_1320] : memref<2x16x100xi32, #tpu.memory_space<vmem>> -> memref<1x1x100xi32, #tpu.memory_space<vmem>>
        %dma_start3A_1322 = tpu.memref_squeeze %dma_start3A_1321 : memref<1x1x100xi32, #tpu.memory_space<vmem>> -> memref<100xi32, #tpu.memory_space<vmem>>
        %dma_start3A_1323 = arith.constant 0 : i32
        %dma_start3A_1324 = arith.constant 0 : i32
        %dma_start3A_1325 = tpu.memref_slice %arg3[%dma_start3A_1323, %dma_start3A_1324] : memref<1007616x32xf32, #tpu.memory_space<hbm>> -> memref<1007616x32xf32, #tpu.memory_space<hbm>>
        tpu.enqueue_indirect_dma source(%dma_start3A_1325 : memref<1007616x32xf32, #tpu.memory_space<hbm>>) target(%dma_start3A_1319 : memref<100x32xf32, #tpu.memory_space<vmem>>) offsets(%dma_start3A_1322 : memref<100xi32, #tpu.memory_space<vmem>>) semaphore(%arg11 : memref<!tpu.dma_semaphore, #tpu.memory_space<semaphore_mem>>)
        %dma_start3A_1326 = arith.constant 1 : i32
        %dma_start3A_1327 = arith.constant 9 : i32
        %dma_start3A_1328 = arith.constant 1 : i32
        %dma_start3A_1329 = arith.constant 900 : i32
        %dma_start3A_1330 = arith.constant 0 : i32
        %dma_start3A_1331 = tpu.memref_slice %arg6[%dma_start3A_1328, %dma_start3A_1329, %dma_start3A_1330] : memref<2x1600x32xf32, #tpu.memory_space<vmem>> -> memref<1x100x32xf32, #tpu.memory_space<vmem>>
        %dma_start3A_1332 = tpu.memref_squeeze %dma_start3A_1331 : memref<1x100x32xf32, #tpu.memory_space<vmem>> -> memref<100x32xf32, #tpu.memory_space<vmem>>
        %dma_start3A_1333 = arith.constant 0 : i32
        %dma_start3A_1334 = tpu.memref_slice %arg5[%dma_start3A_1326, %dma_start3A_1327, %dma_start3A_1333] : memref<2x16x100xi32, #tpu.memory_space<vmem>> -> memref<1x1x100xi32, #tpu.memory_space<vmem>>
        %dma_start3A_1335 = tpu.memref_squeeze %dma_start3A_1334 : memref<1x1x100xi32, #tpu.memory_space<vmem>> -> memref<100xi32, #tpu.memory_space<vmem>>
        %dma_start3A_1336 = arith.constant 0 : i32
        %dma_start3A_1337 = arith.constant 0 : i32
        %dma_start3A_1338 = tpu.memref_slice %arg3[%dma_start3A_1336, %dma_start3A_1337] : memref<1007616x32xf32, #tpu.memory_space<hbm>> -> memref<1007616x32xf32, #tpu.memory_space<hbm>>
        tpu.enqueue_indirect_dma source(%dma_start3A_1338 : memref<1007616x32xf32, #tpu.memory_space<hbm>>) target(%dma_start3A_1332 : memref<100x32xf32, #tpu.memory_space<vmem>>) offsets(%dma_start3A_1335 : memref<100xi32, #tpu.memory_space<vmem>>) semaphore(%arg11 : memref<!tpu.dma_semaphore, #tpu.memory_space<semaphore_mem>>)
        %dma_start3A_1339 = arith.constant 1 : i32
        %dma_start3A_1340 = arith.constant 10 : i32
        %dma_start3A_1341 = arith.constant 1 : i32
        %dma_start3A_1342 = arith.constant 1000 : i32
        %dma_start3A_1343 = arith.constant 0 : i32
        %dma_start3A_1344 = tpu.memref_slice %arg6[%dma_start3A_1341, %dma_start3A_1342, %dma_start3A_1343] : memref<2x1600x32xf32, #tpu.memory_space<vmem>> -> memref<1x100x32xf32, #tpu.memory_space<vmem>>
        %dma_start3A_1345 = tpu.memref_squeeze %dma_start3A_1344 : memref<1x100x32xf32, #tpu.memory_space<vmem>> -> memref<100x32xf32, #tpu.memory_space<vmem>>
        %dma_start3A_1346 = arith.constant 0 : i32
        %dma_start3A_1347 = tpu.memref_slice %arg5[%dma_start3A_1339, %dma_start3A_1340, %dma_start3A_1346] : memref<2x16x100xi32, #tpu.memory_space<vmem>> -> memref<1x1x100xi32, #tpu.memory_space<vmem>>
        %dma_start3A_1348 = tpu.memref_squeeze %dma_start3A_1347 : memref<1x1x100xi32, #tpu.memory_space<vmem>> -> memref<100xi32, #tpu.memory_space<vmem>>
        %dma_start3A_1349 = arith.constant 0 : i32
        %dma_start3A_1350 = arith.constant 0 : i32
        %dma_start3A_1351 = tpu.memref_slice %arg3[%dma_start3A_1349, %dma_start3A_1350] : memref<1007616x32xf32, #tpu.memory_space<hbm>> -> memref<1007616x32xf32, #tpu.memory_space<hbm>>
        tpu.enqueue_indirect_dma source(%dma_start3A_1351 : memref<1007616x32xf32, #tpu.memory_space<hbm>>) target(%dma_start3A_1345 : memref<100x32xf32, #tpu.memory_space<vmem>>) offsets(%dma_start3A_1348 : memref<100xi32, #tpu.memory_space<vmem>>) semaphore(%arg11 : memref<!tpu.dma_semaphore, #tpu.memory_space<semaphore_mem>>)
        %dma_start3A_1352 = arith.constant 1 : i32
        %dma_start3A_1353 = arith.constant 11 : i32
        %dma_start3A_1354 = arith.constant 1 : i32
        %dma_start3A_1355 = arith.constant 1100 : i32
        %dma_start3A_1356 = arith.constant 0 : i32
        %dma_start3A_1357 = tpu.memref_slice %arg6[%dma_start3A_1354, %dma_start3A_1355, %dma_start3A_1356] : memref<2x1600x32xf32, #tpu.memory_space<vmem>> -> memref<1x100x32xf32, #tpu.memory_space<vmem>>
        %dma_start3A_1358 = tpu.memref_squeeze %dma_start3A_1357 : memref<1x100x32xf32, #tpu.memory_space<vmem>> -> memref<100x32xf32, #tpu.memory_space<vmem>>
        %dma_start3A_1359 = arith.constant 0 : i32
        %dma_start3A_1360 = tpu.memref_slice %arg5[%dma_start3A_1352, %dma_start3A_1353, %dma_start3A_1359] : memref<2x16x100xi32, #tpu.memory_space<vmem>> -> memref<1x1x100xi32, #tpu.memory_space<vmem>>
        %dma_start3A_1361 = tpu.memref_squeeze %dma_start3A_1360 : memref<1x1x100xi32, #tpu.memory_space<vmem>> -> memref<100xi32, #tpu.memory_space<vmem>>
        %dma_start3A_1362 = arith.constant 0 : i32
        %dma_start3A_1363 = arith.constant 0 : i32
        %dma_start3A_1364 = tpu.memref_slice %arg3[%dma_start3A_1362, %dma_start3A_1363] : memref<1007616x32xf32, #tpu.memory_space<hbm>> -> memref<1007616x32xf32, #tpu.memory_space<hbm>>
        tpu.enqueue_indirect_dma source(%dma_start3A_1364 : memref<1007616x32xf32, #tpu.memory_space<hbm>>) target(%dma_start3A_1358 : memref<100x32xf32, #tpu.memory_space<vmem>>) offsets(%dma_start3A_1361 : memref<100xi32, #tpu.memory_space<vmem>>) semaphore(%arg11 : memref<!tpu.dma_semaphore, #tpu.memory_space<semaphore_mem>>)
        %dma_start3A_1365 = arith.constant 1 : i32
        %dma_start3A_1366 = arith.constant 12 : i32
        %dma_start3A_1367 = arith.constant 1 : i32
        %dma_start3A_1368 = arith.constant 1200 : i32
        %dma_start3A_1369 = arith.constant 0 : i32
        %dma_start3A_1370 = tpu.memref_slice %arg6[%dma_start3A_1367, %dma_start3A_1368, %dma_start3A_1369] : memref<2x1600x32xf32, #tpu.memory_space<vmem>> -> memref<1x100x32xf32, #tpu.memory_space<vmem>>
        %dma_start3A_1371 = tpu.memref_squeeze %dma_start3A_1370 : memref<1x100x32xf32, #tpu.memory_space<vmem>> -> memref<100x32xf32, #tpu.memory_space<vmem>>
        %dma_start3A_1372 = arith.constant 0 : i32
        %dma_start3A_1373 = tpu.memref_slice %arg5[%dma_start3A_1365, %dma_start3A_1366, %dma_start3A_1372] : memref<2x16x100xi32, #tpu.memory_space<vmem>> -> memref<1x1x100xi32, #tpu.memory_space<vmem>>
        %dma_start3A_1374 = tpu.memref_squeeze %dma_start3A_1373 : memref<1x1x100xi32, #tpu.memory_space<vmem>> -> memref<100xi32, #tpu.memory_space<vmem>>
        %dma_start3A_1375 = arith.constant 0 : i32
        %dma_start3A_1376 = arith.constant 0 : i32
        %dma_start3A_1377 = tpu.memref_slice %arg3[%dma_start3A_1375, %dma_start3A_1376] : memref<1007616x32xf32, #tpu.memory_space<hbm>> -> memref<1007616x32xf32, #tpu.memory_space<hbm>>
        tpu.enqueue_indirect_dma source(%dma_start3A_1377 : memref<1007616x32xf32, #tpu.memory_space<hbm>>) target(%dma_start3A_1371 : memref<100x32xf32, #tpu.memory_space<vmem>>) offsets(%dma_start3A_1374 : memref<100xi32, #tpu.memory_space<vmem>>) semaphore(%arg11 : memref<!tpu.dma_semaphore, #tpu.memory_space<semaphore_mem>>)
        %dma_start3A_1378 = arith.constant 1 : i32
        %dma_start3A_1379 = arith.constant 13 : i32
        %dma_start3A_1380 = arith.constant 1 : i32
        %dma_start3A_1381 = arith.constant 1300 : i32
        %dma_start3A_1382 = arith.constant 0 : i32
        %dma_start3A_1383 = tpu.memref_slice %arg6[%dma_start3A_1380, %dma_start3A_1381, %dma_start3A_1382] : memref<2x1600x32xf32, #tpu.memory_space<vmem>> -> memref<1x100x32xf32, #tpu.memory_space<vmem>>
        %dma_start3A_1384 = tpu.memref_squeeze %dma_start3A_1383 : memref<1x100x32xf32, #tpu.memory_space<vmem>> -> memref<100x32xf32, #tpu.memory_space<vmem>>
        %dma_start3A_1385 = arith.constant 0 : i32
        %dma_start3A_1386 = tpu.memref_slice %arg5[%dma_start3A_1378, %dma_start3A_1379, %dma_start3A_1385] : memref<2x16x100xi32, #tpu.memory_space<vmem>> -> memref<1x1x100xi32, #tpu.memory_space<vmem>>
        %dma_start3A_1387 = tpu.memref_squeeze %dma_start3A_1386 : memref<1x1x100xi32, #tpu.memory_space<vmem>> -> memref<100xi32, #tpu.memory_space<vmem>>
        %dma_start3A_1388 = arith.constant 0 : i32
        %dma_start3A_1389 = arith.constant 0 : i32
        %dma_start3A_1390 = tpu.memref_slice %arg3[%dma_start3A_1388, %dma_start3A_1389] : memref<1007616x32xf32, #tpu.memory_space<hbm>> -> memref<1007616x32xf32, #tpu.memory_space<hbm>>
        tpu.enqueue_indirect_dma source(%dma_start3A_1390 : memref<1007616x32xf32, #tpu.memory_space<hbm>>) target(%dma_start3A_1384 : memref<100x32xf32, #tpu.memory_space<vmem>>) offsets(%dma_start3A_1387 : memref<100xi32, #tpu.memory_space<vmem>>) semaphore(%arg11 : memref<!tpu.dma_semaphore, #tpu.memory_space<semaphore_mem>>)
        %dma_start3A_1391 = arith.constant 1 : i32
        %dma_start3A_1392 = arith.constant 14 : i32
        %dma_start3A_1393 = arith.constant 1 : i32
        %dma_start3A_1394 = arith.constant 1400 : i32
        %dma_start3A_1395 = arith.constant 0 : i32
        %dma_start3A_1396 = tpu.memref_slice %arg6[%dma_start3A_1393, %dma_start3A_1394, %dma_start3A_1395] : memref<2x1600x32xf32, #tpu.memory_space<vmem>> -> memref<1x100x32xf32, #tpu.memory_space<vmem>>
        %dma_start3A_1397 = tpu.memref_squeeze %dma_start3A_1396 : memref<1x100x32xf32, #tpu.memory_space<vmem>> -> memref<100x32xf32, #tpu.memory_space<vmem>>
        %dma_start3A_1398 = arith.constant 0 : i32
        %dma_start3A_1399 = tpu.memref_slice %arg5[%dma_start3A_1391, %dma_start3A_1392, %dma_start3A_1398] : memref<2x16x100xi32, #tpu.memory_space<vmem>> -> memref<1x1x100xi32, #tpu.memory_space<vmem>>
        %dma_start3A_1400 = tpu.memref_squeeze %dma_start3A_1399 : memref<1x1x100xi32, #tpu.memory_space<vmem>> -> memref<100xi32, #tpu.memory_space<vmem>>
        %dma_start3A_1401 = arith.constant 0 : i32
        %dma_start3A_1402 = arith.constant 0 : i32
        %dma_start3A_1403 = tpu.memref_slice %arg3[%dma_start3A_1401, %dma_start3A_1402] : memref<1007616x32xf32, #tpu.memory_space<hbm>> -> memref<1007616x32xf32, #tpu.memory_space<hbm>>
        tpu.enqueue_indirect_dma source(%dma_start3A_1403 : memref<1007616x32xf32, #tpu.memory_space<hbm>>) target(%dma_start3A_1397 : memref<100x32xf32, #tpu.memory_space<vmem>>) offsets(%dma_start3A_1400 : memref<100xi32, #tpu.memory_space<vmem>>) semaphore(%arg11 : memref<!tpu.dma_semaphore, #tpu.memory_space<semaphore_mem>>)
        %dma_start3A_1404 = arith.constant 1 : i32
        %dma_start3A_1405 = arith.constant 15 : i32
        %dma_start3A_1406 = arith.constant 1 : i32
        %dma_start3A_1407 = arith.constant 1500 : i32
        %dma_start3A_1408 = arith.constant 0 : i32
        %dma_start3A_1409 = tpu.memref_slice %arg6[%dma_start3A_1406, %dma_start3A_1407, %dma_start3A_1408] : memref<2x1600x32xf32, #tpu.memory_space<vmem>> -> memref<1x100x32xf32, #tpu.memory_space<vmem>>
        %dma_start3A_1410 = tpu.memref_squeeze %dma_start3A_1409 : memref<1x100x32xf32, #tpu.memory_space<vmem>> -> memref<100x32xf32, #tpu.memory_space<vmem>>
        %dma_start3A_1411 = arith.constant 0 : i32
        %dma_start3A_1412 = tpu.memref_slice %arg5[%dma_start3A_1404, %dma_start3A_1405, %dma_start3A_1411] : memref<2x16x100xi32, #tpu.memory_space<vmem>> -> memref<1x1x100xi32, #tpu.memory_space<vmem>>
        %dma_start3A_1413 = tpu.memref_squeeze %dma_start3A_1412 : memref<1x1x100xi32, #tpu.memory_space<vmem>> -> memref<100xi32, #tpu.memory_space<vmem>>
        %dma_start3A_1414 = arith.constant 0 : i32
        %dma_start3A_1415 = arith.constant 0 : i32
        %dma_start3A_1416 = tpu.memref_slice %arg3[%dma_start3A_1414, %dma_start3A_1415] : memref<1007616x32xf32, #tpu.memory_space<hbm>> -> memref<1007616x32xf32, #tpu.memory_space<hbm>>
        tpu.enqueue_indirect_dma source(%dma_start3A_1416 : memref<1007616x32xf32, #tpu.memory_space<hbm>>) target(%dma_start3A_1410 : memref<100x32xf32, #tpu.memory_space<vmem>>) offsets(%dma_start3A_1413 : memref<100xi32, #tpu.memory_space<vmem>>) semaphore(%arg11 : memref<!tpu.dma_semaphore, #tpu.memory_space<semaphore_mem>>)
      } else {
      }
      %dma_wait3A_268 = arith.constant 0 : i32
      %dma_wait3A_269 = arith.constant 0 : i32
      %dma_wait3A_270 = arith.constant 0 : i32
      %dma_wait3A_271 = arith.constant 0 : i32
      %dma_wait3A_272 = arith.constant 0 : i32
      %dma_wait3A_273 = tpu.memref_slice %arg6[%dma_wait3A_270, %dma_wait3A_271, %dma_wait3A_272] : memref<2x1600x32xf32, #tpu.memory_space<vmem>> -> memref<1x100x32xf32, #tpu.memory_space<vmem>>
      %dma_wait3A_274 = tpu.memref_squeeze %dma_wait3A_273 : memref<1x100x32xf32, #tpu.memory_space<vmem>> -> memref<100x32xf32, #tpu.memory_space<vmem>>
      %dma_wait3A_275 = arith.constant 0 : i32
      %dma_wait3A_276 = tpu.memref_slice %arg5[%dma_wait3A_268, %dma_wait3A_269, %dma_wait3A_275] : memref<2x16x100xi32, #tpu.memory_space<vmem>> -> memref<1x1x100xi32, #tpu.memory_space<vmem>>
      %dma_wait3A_277 = tpu.memref_squeeze %dma_wait3A_276 : memref<1x1x100xi32, #tpu.memory_space<vmem>> -> memref<100xi32, #tpu.memory_space<vmem>>
      %dma_wait3A_278 = arith.constant 0 : i32
      %dma_wait3A_279 = arith.constant 0 : i32
      %dma_wait3A_280 = tpu.memref_slice %arg3[%dma_wait3A_278, %dma_wait3A_279] : memref<1007616x32xf32, #tpu.memory_space<hbm>> -> memref<1007616x32xf32, #tpu.memory_space<hbm>>
      tpu.wait_indirect_dma semaphore(%arg10 : memref<!tpu.dma_semaphore, #tpu.memory_space<semaphore_mem>>) src(%dma_wait3A_280 : memref<1007616x32xf32, #tpu.memory_space<hbm>>) dst(%dma_wait3A_274 : memref<100x32xf32, #tpu.memory_space<vmem>>)
      %dma_wait3A_281 = arith.constant 0 : i32
      %dma_wait3A_282 = arith.constant 1 : i32
      %dma_wait3A_283 = arith.constant 0 : i32
      %dma_wait3A_284 = arith.constant 100 : i32
      %dma_wait3A_285 = arith.constant 0 : i32
      %dma_wait3A_286 = tpu.memref_slice %arg6[%dma_wait3A_283, %dma_wait3A_284, %dma_wait3A_285] : memref<2x1600x32xf32, #tpu.memory_space<vmem>> -> memref<1x100x32xf32, #tpu.memory_space<vmem>>
      %dma_wait3A_287 = tpu.memref_squeeze %dma_wait3A_286 : memref<1x100x32xf32, #tpu.memory_space<vmem>> -> memref<100x32xf32, #tpu.memory_space<vmem>>
      %dma_wait3A_288 = arith.constant 0 : i32
      %dma_wait3A_289 = tpu.memref_slice %arg5[%dma_wait3A_281, %dma_wait3A_282, %dma_wait3A_288] : memref<2x16x100xi32, #tpu.memory_space<vmem>> -> memref<1x1x100xi32, #tpu.memory_space<vmem>>
      %dma_wait3A_290 = tpu.memref_squeeze %dma_wait3A_289 : memref<1x1x100xi32, #tpu.memory_space<vmem>> -> memref<100xi32, #tpu.memory_space<vmem>>
      %dma_wait3A_291 = arith.constant 0 : i32
      %dma_wait3A_292 = arith.constant 0 : i32
      %dma_wait3A_293 = tpu.memref_slice %arg3[%dma_wait3A_291, %dma_wait3A_292] : memref<1007616x32xf32, #tpu.memory_space<hbm>> -> memref<1007616x32xf32, #tpu.memory_space<hbm>>
      tpu.wait_indirect_dma semaphore(%arg10 : memref<!tpu.dma_semaphore, #tpu.memory_space<semaphore_mem>>) src(%dma_wait3A_293 : memref<1007616x32xf32, #tpu.memory_space<hbm>>) dst(%dma_wait3A_287 : memref<100x32xf32, #tpu.memory_space<vmem>>)
      %dma_wait3A_294 = arith.constant 0 : i32
      %dma_wait3A_295 = arith.constant 2 : i32
      %dma_wait3A_296 = arith.constant 0 : i32
      %dma_wait3A_297 = arith.constant 200 : i32
      %dma_wait3A_298 = arith.constant 0 : i32
      %dma_wait3A_299 = tpu.memref_slice %arg6[%dma_wait3A_296, %dma_wait3A_297, %dma_wait3A_298] : memref<2x1600x32xf32, #tpu.memory_space<vmem>> -> memref<1x100x32xf32, #tpu.memory_space<vmem>>
      %dma_wait3A_300 = tpu.memref_squeeze %dma_wait3A_299 : memref<1x100x32xf32, #tpu.memory_space<vmem>> -> memref<100x32xf32, #tpu.memory_space<vmem>>
      %dma_wait3A_301 = arith.constant 0 : i32
      %dma_wait3A_302 = tpu.memref_slice %arg5[%dma_wait3A_294, %dma_wait3A_295, %dma_wait3A_301] : memref<2x16x100xi32, #tpu.memory_space<vmem>> -> memref<1x1x100xi32, #tpu.memory_space<vmem>>
      %dma_wait3A_303 = tpu.memref_squeeze %dma_wait3A_302 : memref<1x1x100xi32, #tpu.memory_space<vmem>> -> memref<100xi32, #tpu.memory_space<vmem>>
      %dma_wait3A_304 = arith.constant 0 : i32
      %dma_wait3A_305 = arith.constant 0 : i32
      %dma_wait3A_306 = tpu.memref_slice %arg3[%dma_wait3A_304, %dma_wait3A_305] : memref<1007616x32xf32, #tpu.memory_space<hbm>> -> memref<1007616x32xf32, #tpu.memory_space<hbm>>
      tpu.wait_indirect_dma semaphore(%arg10 : memref<!tpu.dma_semaphore, #tpu.memory_space<semaphore_mem>>) src(%dma_wait3A_306 : memref<1007616x32xf32, #tpu.memory_space<hbm>>) dst(%dma_wait3A_300 : memref<100x32xf32, #tpu.memory_space<vmem>>)
      %dma_wait3A_307 = arith.constant 0 : i32
      %dma_wait3A_308 = arith.constant 3 : i32
      %dma_wait3A_309 = arith.constant 0 : i32
      %dma_wait3A_310 = arith.constant 300 : i32
      %dma_wait3A_311 = arith.constant 0 : i32
      %dma_wait3A_312 = tpu.memref_slice %arg6[%dma_wait3A_309, %dma_wait3A_310, %dma_wait3A_311] : memref<2x1600x32xf32, #tpu.memory_space<vmem>> -> memref<1x100x32xf32, #tpu.memory_space<vmem>>
      %dma_wait3A_313 = tpu.memref_squeeze %dma_wait3A_312 : memref<1x100x32xf32, #tpu.memory_space<vmem>> -> memref<100x32xf32, #tpu.memory_space<vmem>>
      %dma_wait3A_314 = arith.constant 0 : i32
      %dma_wait3A_315 = tpu.memref_slice %arg5[%dma_wait3A_307, %dma_wait3A_308, %dma_wait3A_314] : memref<2x16x100xi32, #tpu.memory_space<vmem>> -> memref<1x1x100xi32, #tpu.memory_space<vmem>>
      %dma_wait3A_316 = tpu.memref_squeeze %dma_wait3A_315 : memref<1x1x100xi32, #tpu.memory_space<vmem>> -> memref<100xi32, #tpu.memory_space<vmem>>
      %dma_wait3A_317 = arith.constant 0 : i32
      %dma_wait3A_318 = arith.constant 0 : i32
      %dma_wait3A_319 = tpu.memref_slice %arg3[%dma_wait3A_317, %dma_wait3A_318] : memref<1007616x32xf32, #tpu.memory_space<hbm>> -> memref<1007616x32xf32, #tpu.memory_space<hbm>>
      tpu.wait_indirect_dma semaphore(%arg10 : memref<!tpu.dma_semaphore, #tpu.memory_space<semaphore_mem>>) src(%dma_wait3A_319 : memref<1007616x32xf32, #tpu.memory_space<hbm>>) dst(%dma_wait3A_313 : memref<100x32xf32, #tpu.memory_space<vmem>>)
      %dma_wait3A_320 = arith.constant 0 : i32
      %dma_wait3A_321 = arith.constant 4 : i32
      %dma_wait3A_322 = arith.constant 0 : i32
      %dma_wait3A_323 = arith.constant 400 : i32
      %dma_wait3A_324 = arith.constant 0 : i32
      %dma_wait3A_325 = tpu.memref_slice %arg6[%dma_wait3A_322, %dma_wait3A_323, %dma_wait3A_324] : memref<2x1600x32xf32, #tpu.memory_space<vmem>> -> memref<1x100x32xf32, #tpu.memory_space<vmem>>
      %dma_wait3A_326 = tpu.memref_squeeze %dma_wait3A_325 : memref<1x100x32xf32, #tpu.memory_space<vmem>> -> memref<100x32xf32, #tpu.memory_space<vmem>>
      %dma_wait3A_327 = arith.constant 0 : i32
      %dma_wait3A_328 = tpu.memref_slice %arg5[%dma_wait3A_320, %dma_wait3A_321, %dma_wait3A_327] : memref<2x16x100xi32, #tpu.memory_space<vmem>> -> memref<1x1x100xi32, #tpu.memory_space<vmem>>
      %dma_wait3A_329 = tpu.memref_squeeze %dma_wait3A_328 : memref<1x1x100xi32, #tpu.memory_space<vmem>> -> memref<100xi32, #tpu.memory_space<vmem>>
      %dma_wait3A_330 = arith.constant 0 : i32
      %dma_wait3A_331 = arith.constant 0 : i32
      %dma_wait3A_332 = tpu.memref_slice %arg3[%dma_wait3A_330, %dma_wait3A_331] : memref<1007616x32xf32, #tpu.memory_space<hbm>> -> memref<1007616x32xf32, #tpu.memory_space<hbm>>
      tpu.wait_indirect_dma semaphore(%arg10 : memref<!tpu.dma_semaphore, #tpu.memory_space<semaphore_mem>>) src(%dma_wait3A_332 : memref<1007616x32xf32, #tpu.memory_space<hbm>>) dst(%dma_wait3A_326 : memref<100x32xf32, #tpu.memory_space<vmem>>)
      %dma_wait3A_333 = arith.constant 0 : i32
      %dma_wait3A_334 = arith.constant 5 : i32
      %dma_wait3A_335 = arith.constant 0 : i32
      %dma_wait3A_336 = arith.constant 500 : i32
      %dma_wait3A_337 = arith.constant 0 : i32
      %dma_wait3A_338 = tpu.memref_slice %arg6[%dma_wait3A_335, %dma_wait3A_336, %dma_wait3A_337] : memref<2x1600x32xf32, #tpu.memory_space<vmem>> -> memref<1x100x32xf32, #tpu.memory_space<vmem>>
      %dma_wait3A_339 = tpu.memref_squeeze %dma_wait3A_338 : memref<1x100x32xf32, #tpu.memory_space<vmem>> -> memref<100x32xf32, #tpu.memory_space<vmem>>
      %dma_wait3A_340 = arith.constant 0 : i32
      %dma_wait3A_341 = tpu.memref_slice %arg5[%dma_wait3A_333, %dma_wait3A_334, %dma_wait3A_340] : memref<2x16x100xi32, #tpu.memory_space<vmem>> -> memref<1x1x100xi32, #tpu.memory_space<vmem>>
      %dma_wait3A_342 = tpu.memref_squeeze %dma_wait3A_341 : memref<1x1x100xi32, #tpu.memory_space<vmem>> -> memref<100xi32, #tpu.memory_space<vmem>>
      %dma_wait3A_343 = arith.constant 0 : i32
      %dma_wait3A_344 = arith.constant 0 : i32
      %dma_wait3A_345 = tpu.memref_slice %arg3[%dma_wait3A_343, %dma_wait3A_344] : memref<1007616x32xf32, #tpu.memory_space<hbm>> -> memref<1007616x32xf32, #tpu.memory_space<hbm>>
      tpu.wait_indirect_dma semaphore(%arg10 : memref<!tpu.dma_semaphore, #tpu.memory_space<semaphore_mem>>) src(%dma_wait3A_345 : memref<1007616x32xf32, #tpu.memory_space<hbm>>) dst(%dma_wait3A_339 : memref<100x32xf32, #tpu.memory_space<vmem>>)
      %dma_wait3A_346 = arith.constant 0 : i32
      %dma_wait3A_347 = arith.constant 6 : i32
      %dma_wait3A_348 = arith.constant 0 : i32
      %dma_wait3A_349 = arith.constant 600 : i32
      %dma_wait3A_350 = arith.constant 0 : i32
      %dma_wait3A_351 = tpu.memref_slice %arg6[%dma_wait3A_348, %dma_wait3A_349, %dma_wait3A_350] : memref<2x1600x32xf32, #tpu.memory_space<vmem>> -> memref<1x100x32xf32, #tpu.memory_space<vmem>>
      %dma_wait3A_352 = tpu.memref_squeeze %dma_wait3A_351 : memref<1x100x32xf32, #tpu.memory_space<vmem>> -> memref<100x32xf32, #tpu.memory_space<vmem>>
      %dma_wait3A_353 = arith.constant 0 : i32
      %dma_wait3A_354 = tpu.memref_slice %arg5[%dma_wait3A_346, %dma_wait3A_347, %dma_wait3A_353] : memref<2x16x100xi32, #tpu.memory_space<vmem>> -> memref<1x1x100xi32, #tpu.memory_space<vmem>>
      %dma_wait3A_355 = tpu.memref_squeeze %dma_wait3A_354 : memref<1x1x100xi32, #tpu.memory_space<vmem>> -> memref<100xi32, #tpu.memory_space<vmem>>
      %dma_wait3A_356 = arith.constant 0 : i32
      %dma_wait3A_357 = arith.constant 0 : i32
      %dma_wait3A_358 = tpu.memref_slice %arg3[%dma_wait3A_356, %dma_wait3A_357] : memref<1007616x32xf32, #tpu.memory_space<hbm>> -> memref<1007616x32xf32, #tpu.memory_space<hbm>>
      tpu.wait_indirect_dma semaphore(%arg10 : memref<!tpu.dma_semaphore, #tpu.memory_space<semaphore_mem>>) src(%dma_wait3A_358 : memref<1007616x32xf32, #tpu.memory_space<hbm>>) dst(%dma_wait3A_352 : memref<100x32xf32, #tpu.memory_space<vmem>>)
      %dma_wait3A_359 = arith.constant 0 : i32
      %dma_wait3A_360 = arith.constant 7 : i32
      %dma_wait3A_361 = arith.constant 0 : i32
      %dma_wait3A_362 = arith.constant 700 : i32
      %dma_wait3A_363 = arith.constant 0 : i32
      %dma_wait3A_364 = tpu.memref_slice %arg6[%dma_wait3A_361, %dma_wait3A_362, %dma_wait3A_363] : memref<2x1600x32xf32, #tpu.memory_space<vmem>> -> memref<1x100x32xf32, #tpu.memory_space<vmem>>
      %dma_wait3A_365 = tpu.memref_squeeze %dma_wait3A_364 : memref<1x100x32xf32, #tpu.memory_space<vmem>> -> memref<100x32xf32, #tpu.memory_space<vmem>>
      %dma_wait3A_366 = arith.constant 0 : i32
      %dma_wait3A_367 = tpu.memref_slice %arg5[%dma_wait3A_359, %dma_wait3A_360, %dma_wait3A_366] : memref<2x16x100xi32, #tpu.memory_space<vmem>> -> memref<1x1x100xi32, #tpu.memory_space<vmem>>
      %dma_wait3A_368 = tpu.memref_squeeze %dma_wait3A_367 : memref<1x1x100xi32, #tpu.memory_space<vmem>> -> memref<100xi32, #tpu.memory_space<vmem>>
      %dma_wait3A_369 = arith.constant 0 : i32
      %dma_wait3A_370 = arith.constant 0 : i32
      %dma_wait3A_371 = tpu.memref_slice %arg3[%dma_wait3A_369, %dma_wait3A_370] : memref<1007616x32xf32, #tpu.memory_space<hbm>> -> memref<1007616x32xf32, #tpu.memory_space<hbm>>
      tpu.wait_indirect_dma semaphore(%arg10 : memref<!tpu.dma_semaphore, #tpu.memory_space<semaphore_mem>>) src(%dma_wait3A_371 : memref<1007616x32xf32, #tpu.memory_space<hbm>>) dst(%dma_wait3A_365 : memref<100x32xf32, #tpu.memory_space<vmem>>)
      %dma_wait3A_372 = arith.constant 0 : i32
      %dma_wait3A_373 = arith.constant 8 : i32
      %dma_wait3A_374 = arith.constant 0 : i32
      %dma_wait3A_375 = arith.constant 800 : i32
      %dma_wait3A_376 = arith.constant 0 : i32
      %dma_wait3A_377 = tpu.memref_slice %arg6[%dma_wait3A_374, %dma_wait3A_375, %dma_wait3A_376] : memref<2x1600x32xf32, #tpu.memory_space<vmem>> -> memref<1x100x32xf32, #tpu.memory_space<vmem>>
      %dma_wait3A_378 = tpu.memref_squeeze %dma_wait3A_377 : memref<1x100x32xf32, #tpu.memory_space<vmem>> -> memref<100x32xf32, #tpu.memory_space<vmem>>
      %dma_wait3A_379 = arith.constant 0 : i32
      %dma_wait3A_380 = tpu.memref_slice %arg5[%dma_wait3A_372, %dma_wait3A_373, %dma_wait3A_379] : memref<2x16x100xi32, #tpu.memory_space<vmem>> -> memref<1x1x100xi32, #tpu.memory_space<vmem>>
      %dma_wait3A_381 = tpu.memref_squeeze %dma_wait3A_380 : memref<1x1x100xi32, #tpu.memory_space<vmem>> -> memref<100xi32, #tpu.memory_space<vmem>>
      %dma_wait3A_382 = arith.constant 0 : i32
      %dma_wait3A_383 = arith.constant 0 : i32
      %dma_wait3A_384 = tpu.memref_slice %arg3[%dma_wait3A_382, %dma_wait3A_383] : memref<1007616x32xf32, #tpu.memory_space<hbm>> -> memref<1007616x32xf32, #tpu.memory_space<hbm>>
      tpu.wait_indirect_dma semaphore(%arg10 : memref<!tpu.dma_semaphore, #tpu.memory_space<semaphore_mem>>) src(%dma_wait3A_384 : memref<1007616x32xf32, #tpu.memory_space<hbm>>) dst(%dma_wait3A_378 : memref<100x32xf32, #tpu.memory_space<vmem>>)
      %dma_wait3A_385 = arith.constant 0 : i32
      %dma_wait3A_386 = arith.constant 9 : i32
      %dma_wait3A_387 = arith.constant 0 : i32
      %dma_wait3A_388 = arith.constant 900 : i32
      %dma_wait3A_389 = arith.constant 0 : i32
      %dma_wait3A_390 = tpu.memref_slice %arg6[%dma_wait3A_387, %dma_wait3A_388, %dma_wait3A_389] : memref<2x1600x32xf32, #tpu.memory_space<vmem>> -> memref<1x100x32xf32, #tpu.memory_space<vmem>>
      %dma_wait3A_391 = tpu.memref_squeeze %dma_wait3A_390 : memref<1x100x32xf32, #tpu.memory_space<vmem>> -> memref<100x32xf32, #tpu.memory_space<vmem>>
      %dma_wait3A_392 = arith.constant 0 : i32
      %dma_wait3A_393 = tpu.memref_slice %arg5[%dma_wait3A_385, %dma_wait3A_386, %dma_wait3A_392] : memref<2x16x100xi32, #tpu.memory_space<vmem>> -> memref<1x1x100xi32, #tpu.memory_space<vmem>>
      %dma_wait3A_394 = tpu.memref_squeeze %dma_wait3A_393 : memref<1x1x100xi32, #tpu.memory_space<vmem>> -> memref<100xi32, #tpu.memory_space<vmem>>
      %dma_wait3A_395 = arith.constant 0 : i32
      %dma_wait3A_396 = arith.constant 0 : i32
      %dma_wait3A_397 = tpu.memref_slice %arg3[%dma_wait3A_395, %dma_wait3A_396] : memref<1007616x32xf32, #tpu.memory_space<hbm>> -> memref<1007616x32xf32, #tpu.memory_space<hbm>>
      tpu.wait_indirect_dma semaphore(%arg10 : memref<!tpu.dma_semaphore, #tpu.memory_space<semaphore_mem>>) src(%dma_wait3A_397 : memref<1007616x32xf32, #tpu.memory_space<hbm>>) dst(%dma_wait3A_391 : memref<100x32xf32, #tpu.memory_space<vmem>>)
      %dma_wait3A_398 = arith.constant 0 : i32
      %dma_wait3A_399 = arith.constant 10 : i32
      %dma_wait3A_400 = arith.constant 0 : i32
      %dma_wait3A_401 = arith.constant 1000 : i32
      %dma_wait3A_402 = arith.constant 0 : i32
      %dma_wait3A_403 = tpu.memref_slice %arg6[%dma_wait3A_400, %dma_wait3A_401, %dma_wait3A_402] : memref<2x1600x32xf32, #tpu.memory_space<vmem>> -> memref<1x100x32xf32, #tpu.memory_space<vmem>>
      %dma_wait3A_404 = tpu.memref_squeeze %dma_wait3A_403 : memref<1x100x32xf32, #tpu.memory_space<vmem>> -> memref<100x32xf32, #tpu.memory_space<vmem>>
      %dma_wait3A_405 = arith.constant 0 : i32
      %dma_wait3A_406 = tpu.memref_slice %arg5[%dma_wait3A_398, %dma_wait3A_399, %dma_wait3A_405] : memref<2x16x100xi32, #tpu.memory_space<vmem>> -> memref<1x1x100xi32, #tpu.memory_space<vmem>>
      %dma_wait3A_407 = tpu.memref_squeeze %dma_wait3A_406 : memref<1x1x100xi32, #tpu.memory_space<vmem>> -> memref<100xi32, #tpu.memory_space<vmem>>
      %dma_wait3A_408 = arith.constant 0 : i32
      %dma_wait3A_409 = arith.constant 0 : i32
      %dma_wait3A_410 = tpu.memref_slice %arg3[%dma_wait3A_408, %dma_wait3A_409] : memref<1007616x32xf32, #tpu.memory_space<hbm>> -> memref<1007616x32xf32, #tpu.memory_space<hbm>>
      tpu.wait_indirect_dma semaphore(%arg10 : memref<!tpu.dma_semaphore, #tpu.memory_space<semaphore_mem>>) src(%dma_wait3A_410 : memref<1007616x32xf32, #tpu.memory_space<hbm>>) dst(%dma_wait3A_404 : memref<100x32xf32, #tpu.memory_space<vmem>>)
      %dma_wait3A_411 = arith.constant 0 : i32
      %dma_wait3A_412 = arith.constant 11 : i32
      %dma_wait3A_413 = arith.constant 0 : i32
      %dma_wait3A_414 = arith.constant 1100 : i32
      %dma_wait3A_415 = arith.constant 0 : i32
      %dma_wait3A_416 = tpu.memref_slice %arg6[%dma_wait3A_413, %dma_wait3A_414, %dma_wait3A_415] : memref<2x1600x32xf32, #tpu.memory_space<vmem>> -> memref<1x100x32xf32, #tpu.memory_space<vmem>>
      %dma_wait3A_417 = tpu.memref_squeeze %dma_wait3A_416 : memref<1x100x32xf32, #tpu.memory_space<vmem>> -> memref<100x32xf32, #tpu.memory_space<vmem>>
      %dma_wait3A_418 = arith.constant 0 : i32
      %dma_wait3A_419 = tpu.memref_slice %arg5[%dma_wait3A_411, %dma_wait3A_412, %dma_wait3A_418] : memref<2x16x100xi32, #tpu.memory_space<vmem>> -> memref<1x1x100xi32, #tpu.memory_space<vmem>>
      %dma_wait3A_420 = tpu.memref_squeeze %dma_wait3A_419 : memref<1x1x100xi32, #tpu.memory_space<vmem>> -> memref<100xi32, #tpu.memory_space<vmem>>
      %dma_wait3A_421 = arith.constant 0 : i32
      %dma_wait3A_422 = arith.constant 0 : i32
      %dma_wait3A_423 = tpu.memref_slice %arg3[%dma_wait3A_421, %dma_wait3A_422] : memref<1007616x32xf32, #tpu.memory_space<hbm>> -> memref<1007616x32xf32, #tpu.memory_space<hbm>>
      tpu.wait_indirect_dma semaphore(%arg10 : memref<!tpu.dma_semaphore, #tpu.memory_space<semaphore_mem>>) src(%dma_wait3A_423 : memref<1007616x32xf32, #tpu.memory_space<hbm>>) dst(%dma_wait3A_417 : memref<100x32xf32, #tpu.memory_space<vmem>>)
      %dma_wait3A_424 = arith.constant 0 : i32
      %dma_wait3A_425 = arith.constant 12 : i32
      %dma_wait3A_426 = arith.constant 0 : i32
      %dma_wait3A_427 = arith.constant 1200 : i32
      %dma_wait3A_428 = arith.constant 0 : i32
      %dma_wait3A_429 = tpu.memref_slice %arg6[%dma_wait3A_426, %dma_wait3A_427, %dma_wait3A_428] : memref<2x1600x32xf32, #tpu.memory_space<vmem>> -> memref<1x100x32xf32, #tpu.memory_space<vmem>>
      %dma_wait3A_430 = tpu.memref_squeeze %dma_wait3A_429 : memref<1x100x32xf32, #tpu.memory_space<vmem>> -> memref<100x32xf32, #tpu.memory_space<vmem>>
      %dma_wait3A_431 = arith.constant 0 : i32
      %dma_wait3A_432 = tpu.memref_slice %arg5[%dma_wait3A_424, %dma_wait3A_425, %dma_wait3A_431] : memref<2x16x100xi32, #tpu.memory_space<vmem>> -> memref<1x1x100xi32, #tpu.memory_space<vmem>>
      %dma_wait3A_433 = tpu.memref_squeeze %dma_wait3A_432 : memref<1x1x100xi32, #tpu.memory_space<vmem>> -> memref<100xi32, #tpu.memory_space<vmem>>
      %dma_wait3A_434 = arith.constant 0 : i32
      %dma_wait3A_435 = arith.constant 0 : i32
      %dma_wait3A_436 = tpu.memref_slice %arg3[%dma_wait3A_434, %dma_wait3A_435] : memref<1007616x32xf32, #tpu.memory_space<hbm>> -> memref<1007616x32xf32, #tpu.memory_space<hbm>>
      tpu.wait_indirect_dma semaphore(%arg10 : memref<!tpu.dma_semaphore, #tpu.memory_space<semaphore_mem>>) src(%dma_wait3A_436 : memref<1007616x32xf32, #tpu.memory_space<hbm>>) dst(%dma_wait3A_430 : memref<100x32xf32, #tpu.memory_space<vmem>>)
      %dma_wait3A_437 = arith.constant 0 : i32
      %dma_wait3A_438 = arith.constant 13 : i32
      %dma_wait3A_439 = arith.constant 0 : i32
      %dma_wait3A_440 = arith.constant 1300 : i32
      %dma_wait3A_441 = arith.constant 0 : i32
      %dma_wait3A_442 = tpu.memref_slice %arg6[%dma_wait3A_439, %dma_wait3A_440, %dma_wait3A_441] : memref<2x1600x32xf32, #tpu.memory_space<vmem>> -> memref<1x100x32xf32, #tpu.memory_space<vmem>>
      %dma_wait3A_443 = tpu.memref_squeeze %dma_wait3A_442 : memref<1x100x32xf32, #tpu.memory_space<vmem>> -> memref<100x32xf32, #tpu.memory_space<vmem>>
      %dma_wait3A_444 = arith.constant 0 : i32
      %dma_wait3A_445 = tpu.memref_slice %arg5[%dma_wait3A_437, %dma_wait3A_438, %dma_wait3A_444] : memref<2x16x100xi32, #tpu.memory_space<vmem>> -> memref<1x1x100xi32, #tpu.memory_space<vmem>>
      %dma_wait3A_446 = tpu.memref_squeeze %dma_wait3A_445 : memref<1x1x100xi32, #tpu.memory_space<vmem>> -> memref<100xi32, #tpu.memory_space<vmem>>
      %dma_wait3A_447 = arith.constant 0 : i32
      %dma_wait3A_448 = arith.constant 0 : i32
      %dma_wait3A_449 = tpu.memref_slice %arg3[%dma_wait3A_447, %dma_wait3A_448] : memref<1007616x32xf32, #tpu.memory_space<hbm>> -> memref<1007616x32xf32, #tpu.memory_space<hbm>>
      tpu.wait_indirect_dma semaphore(%arg10 : memref<!tpu.dma_semaphore, #tpu.memory_space<semaphore_mem>>) src(%dma_wait3A_449 : memref<1007616x32xf32, #tpu.memory_space<hbm>>) dst(%dma_wait3A_443 : memref<100x32xf32, #tpu.memory_space<vmem>>)
      %dma_wait3A_450 = arith.constant 0 : i32
      %dma_wait3A_451 = arith.constant 14 : i32
      %dma_wait3A_452 = arith.constant 0 : i32
      %dma_wait3A_453 = arith.constant 1400 : i32
      %dma_wait3A_454 = arith.constant 0 : i32
      %dma_wait3A_455 = tpu.memref_slice %arg6[%dma_wait3A_452, %dma_wait3A_453, %dma_wait3A_454] : memref<2x1600x32xf32, #tpu.memory_space<vmem>> -> memref<1x100x32xf32, #tpu.memory_space<vmem>>
      %dma_wait3A_456 = tpu.memref_squeeze %dma_wait3A_455 : memref<1x100x32xf32, #tpu.memory_space<vmem>> -> memref<100x32xf32, #tpu.memory_space<vmem>>
      %dma_wait3A_457 = arith.constant 0 : i32
      %dma_wait3A_458 = tpu.memref_slice %arg5[%dma_wait3A_450, %dma_wait3A_451, %dma_wait3A_457] : memref<2x16x100xi32, #tpu.memory_space<vmem>> -> memref<1x1x100xi32, #tpu.memory_space<vmem>>
      %dma_wait3A_459 = tpu.memref_squeeze %dma_wait3A_458 : memref<1x1x100xi32, #tpu.memory_space<vmem>> -> memref<100xi32, #tpu.memory_space<vmem>>
      %dma_wait3A_460 = arith.constant 0 : i32
      %dma_wait3A_461 = arith.constant 0 : i32
      %dma_wait3A_462 = tpu.memref_slice %arg3[%dma_wait3A_460, %dma_wait3A_461] : memref<1007616x32xf32, #tpu.memory_space<hbm>> -> memref<1007616x32xf32, #tpu.memory_space<hbm>>
      tpu.wait_indirect_dma semaphore(%arg10 : memref<!tpu.dma_semaphore, #tpu.memory_space<semaphore_mem>>) src(%dma_wait3A_462 : memref<1007616x32xf32, #tpu.memory_space<hbm>>) dst(%dma_wait3A_456 : memref<100x32xf32, #tpu.memory_space<vmem>>)
      %dma_wait3A_463 = arith.constant 0 : i32
      %dma_wait3A_464 = arith.constant 15 : i32
      %dma_wait3A_465 = arith.constant 0 : i32
      %dma_wait3A_466 = arith.constant 1500 : i32
      %dma_wait3A_467 = arith.constant 0 : i32
      %dma_wait3A_468 = tpu.memref_slice %arg6[%dma_wait3A_465, %dma_wait3A_466, %dma_wait3A_467] : memref<2x1600x32xf32, #tpu.memory_space<vmem>> -> memref<1x100x32xf32, #tpu.memory_space<vmem>>
      %dma_wait3A_469 = tpu.memref_squeeze %dma_wait3A_468 : memref<1x100x32xf32, #tpu.memory_space<vmem>> -> memref<100x32xf32, #tpu.memory_space<vmem>>
      %dma_wait3A_470 = arith.constant 0 : i32
      %dma_wait3A_471 = tpu.memref_slice %arg5[%dma_wait3A_463, %dma_wait3A_464, %dma_wait3A_470] : memref<2x16x100xi32, #tpu.memory_space<vmem>> -> memref<1x1x100xi32, #tpu.memory_space<vmem>>
      %dma_wait3A_472 = tpu.memref_squeeze %dma_wait3A_471 : memref<1x1x100xi32, #tpu.memory_space<vmem>> -> memref<100xi32, #tpu.memory_space<vmem>>
      %dma_wait3A_473 = arith.constant 0 : i32
      %dma_wait3A_474 = arith.constant 0 : i32
      %dma_wait3A_475 = tpu.memref_slice %arg3[%dma_wait3A_473, %dma_wait3A_474] : memref<1007616x32xf32, #tpu.memory_space<hbm>> -> memref<1007616x32xf32, #tpu.memory_space<hbm>>
      tpu.wait_indirect_dma semaphore(%arg10 : memref<!tpu.dma_semaphore, #tpu.memory_space<semaphore_mem>>) src(%dma_wait3A_475 : memref<1007616x32xf32, #tpu.memory_space<hbm>>) dst(%dma_wait3A_469 : memref<100x32xf32, #tpu.memory_space<vmem>>)
      %add3A_476 = arith.constant 2 : i32
      %add3A_477 = arith.addi %add3A_263, %add3A_476 : i32
      %lt3A_478 = arith.constant 64 : i32
      %lt3A_479 = arith.cmpi slt, %add3A_477, %lt3A_478 : i32
      %convert_element_type3A_480 = arith.extui %lt3A_479 : i1 to i32
      %cond3A_481 = arith.constant 0 : i32
      %cond3A_482 = arith.cmpi ne, %convert_element_type3A_480, %cond3A_481 : i32
      scf.if %cond3A_482 {
        %add3A_1191 = arith.constant 2 : i32
        %add3A_1192 = arith.addi %add3A_263, %add3A_1191 : i32
        %mul3A_1193 = arith.constant 16 : i32
        %mul3A_1194 = arith.muli %add3A_1192, %mul3A_1193 : i32
        %add3A_1195 = arith.addi %mul3A_2, %mul3A_1194 : i32
        %dma_start3A_1196 = arith.constant 0 : i32
        %dma_start3A_1197 = arith.constant 0 : i32
        %dma_start3A_1198 = arith.constant 0 : i32
        %dma_start3A_1199 = tpu.memref_slice %arg5[%dma_start3A_1196, %dma_start3A_1197, %dma_start3A_1198] : memref<2x16x100xi32, #tpu.memory_space<vmem>> -> memref<1x16x100xi32, #tpu.memory_space<vmem>>
        %dma_start3A_1200 = tpu.memref_squeeze %dma_start3A_1199 : memref<1x16x100xi32, #tpu.memory_space<vmem>> -> memref<16x100xi32, #tpu.memory_space<vmem>>
        %dma_start3A_1201 = arith.constant 0 : i32
        %dma_start3A_1202 = tpu.memref_slice %arg2[%add3A_1195, %dma_start3A_1201] : memref<32768x100xi32, #tpu.memory_space<hbm>> -> memref<16x100xi32, #tpu.memory_space<hbm>>
        %dma_start3A_1203 = arith.constant 0 : i32
        %dma_start3A_1204 = arith.constant 0 : i32
        %dma_start3A_1205 = tpu.memref_slice %arg5[%dma_start3A_1196, %dma_start3A_1203, %dma_start3A_1204] : memref<2x16x100xi32, #tpu.memory_space<vmem>> -> memref<1x16x100xi32, #tpu.memory_space<vmem>>
        %dma_start3A_1206 = tpu.memref_squeeze %dma_start3A_1205 : memref<1x16x100xi32, #tpu.memory_space<vmem>> -> memref<16x100xi32, #tpu.memory_space<vmem>>
        %dma_start3A_1207 = arith.constant 0 : i32
        %dma_start3A_1208 = tpu.memref_slice %arg2[%add3A_1195, %dma_start3A_1207] : memref<32768x100xi32, #tpu.memory_space<hbm>> -> memref<16x100xi32, #tpu.memory_space<hbm>>
        tpu.enqueue_dma source(%dma_start3A_1208 : memref<16x100xi32, #tpu.memory_space<hbm>>) target(%dma_start3A_1206 : memref<16x100xi32, #tpu.memory_space<vmem>>) target_semaphore(%arg8 : memref<!tpu.dma_semaphore, #tpu.memory_space<semaphore_mem>>)
      } else {
      }
      %broadcast_in_dim3A = arith.constant 5.000000e-03 : f32
      %broadcast_in_dim3A_483 = vector.broadcast %broadcast_in_dim3A : f32 to vector<16xf32>
      %broadcast_in_dim3A_484 = arith.constant 0.000000e+00 : f32
      %broadcast_in_dim3A_485 = vector.broadcast %broadcast_in_dim3A_484 : f32 to vector<16xf32>
      %scan3A_486 = arith.constant 0 : i32
      %scan3A_487 = arith.constant 25 : i32
      %scan3A_488 = arith.addi %scan3A_486, %scan3A_487 : i32
      %scan3A_489 = arith.constant 1 : i32
      %scan3A_490:8 = scf.for %scan3A_1191 = %scan3A_486 to %scan3A_488 step %scan3A_489 iter_args(%scan3A_1192 = %broadcast_in_dim3A_485, %scan3A_1193 = %broadcast_in_dim3A_485, %scan3A_1194 = %broadcast_in_dim3A_485, %scan3A_1195 = %broadcast_in_dim3A_485, %scan3A_1196 = %broadcast_in_dim3A_485, %scan3A_1197 = %broadcast_in_dim3A_485, %scan3A_1198 = %broadcast_in_dim3A_485, %scan3A_1199 = %broadcast_in_dim3A_485) -> (vector<16xf32>, vector<16xf32>, vector<16xf32>, vector<16xf32>, vector<16xf32>, vector<16xf32>, vector<16xf32>, vector<16xf32>)  : i32 {
        %mul3A_1200 = arith.constant 8 : i32
        %mul3A_1201 = arith.muli %scan3A_1191, %mul3A_1200 : i32
        %add3A_1202 = arith.constant 0 : i32
        %add3A_1203 = arith.addi %add3A_1202, %mul3A_1201 : i32
        %add3A_1204 = arith.constant 0 : i32
        %add3A_1205 = arith.addi %add3A_1203, %add3A_1204 : i32
        %get3A = arith.constant 0 : i32
        %get3A_1206 = arith.index_cast %get3A : i32 to index
        %get3A_1207 = arith.index_cast %add3A_1205 : i32 to index
        %get3A_1208 = arith.constant 0 : index
        %get3A_1209 = tpu.vector_load %arg6[%get3A_1206, %get3A_1207, %get3A_1208] {strides = array<i32>} : memref<2x1600x32xf32, #tpu.memory_space<vmem>>, vector<16xf32>,
        %add3A_1210 = arith.addf %scan3A_1192, %get3A_1209 : vector<16xf32>
        %add3A_1211 = arith.constant 0 : i32
        %add3A_1212 = arith.addi %add3A_1203, %add3A_1211 : i32
        %get3A_1213 = arith.constant 0 : i32
        %get3A_1214 = arith.index_cast %get3A_1213 : i32 to index
        %get3A_1215 = arith.index_cast %add3A_1212 : i32 to index
        %get3A_1216 = arith.constant 16 : index
        %get3A_1217 = tpu.vector_load %arg6[%get3A_1214, %get3A_1215, %get3A_1216] {strides = array<i32>} : memref<2x1600x32xf32, #tpu.memory_space<vmem>>, vector<16xf32>,
        %add3A_1218 = arith.addf %scan3A_1193, %get3A_1217 : vector<16xf32>
        %add3A_1219 = arith.constant 1 : i32
        %add3A_1220 = arith.addi %add3A_1203, %add3A_1219 : i32
        %get3A_1221 = arith.constant 0 : i32
        %get3A_1222 = arith.index_cast %get3A_1221 : i32 to index
        %get3A_1223 = arith.index_cast %add3A_1220 : i32 to index
        %get3A_1224 = arith.constant 0 : index
        %get3A_1225 = tpu.vector_load %arg6[%get3A_1222, %get3A_1223, %get3A_1224] {strides = array<i32>} : memref<2x1600x32xf32, #tpu.memory_space<vmem>>, vector<16xf32>,
        %add3A_1226 = arith.addf %scan3A_1194, %get3A_1225 : vector<16xf32>
        %add3A_1227 = arith.constant 1 : i32
        %add3A_1228 = arith.addi %add3A_1203, %add3A_1227 : i32
        %get3A_1229 = arith.constant 0 : i32
        %get3A_1230 = arith.index_cast %get3A_1229 : i32 to index
        %get3A_1231 = arith.index_cast %add3A_1228 : i32 to index
        %get3A_1232 = arith.constant 16 : index
        %get3A_1233 = tpu.vector_load %arg6[%get3A_1230, %get3A_1231, %get3A_1232] {strides = array<i32>} : memref<2x1600x32xf32, #tpu.memory_space<vmem>>, vector<16xf32>,
        %add3A_1234 = arith.addf %scan3A_1195, %get3A_1233 : vector<16xf32>
        %add3A_1235 = arith.constant 2 : i32
        %add3A_1236 = arith.addi %add3A_1203, %add3A_1235 : i32
        %get3A_1237 = arith.constant 0 : i32
        %get3A_1238 = arith.index_cast %get3A_1237 : i32 to index
        %get3A_1239 = arith.index_cast %add3A_1236 : i32 to index
        %get3A_1240 = arith.constant 0 : index
        %get3A_1241 = tpu.vector_load %arg6[%get3A_1238, %get3A_1239, %get3A_1240] {strides = array<i32>} : memref<2x1600x32xf32, #tpu.memory_space<vmem>>, vector<16xf32>,
        %add3A_1242 = arith.addf %scan3A_1196, %get3A_1241 : vector<16xf32>
        %add3A_1243 = arith.constant 2 : i32
        %add3A_1244 = arith.addi %add3A_1203, %add3A_1243 : i32
        %get3A_1245 = arith.constant 0 : i32
        %get3A_1246 = arith.index_cast %get3A_1245 : i32 to index
        %get3A_1247 = arith.index_cast %add3A_1244 : i32 to index
        %get3A_1248 = arith.constant 16 : index
        %get3A_1249 = tpu.vector_load %arg6[%get3A_1246, %get3A_1247, %get3A_1248] {strides = array<i32>} : memref<2x1600x32xf32, #tpu.memory_space<vmem>>, vector<16xf32>,
        %add3A_1250 = arith.addf %scan3A_1197, %get3A_1249 : vector<16xf32>
        %add3A_1251 = arith.constant 3 : i32
        %add3A_1252 = arith.addi %add3A_1203, %add3A_1251 : i32
        %get3A_1253 = arith.constant 0 : i32
        %get3A_1254 = arith.index_cast %get3A_1253 : i32 to index
        %get3A_1255 = arith.index_cast %add3A_1252 : i32 to index
        %get3A_1256 = arith.constant 0 : index
        %get3A_1257 = tpu.vector_load %arg6[%get3A_1254, %get3A_1255, %get3A_1256] {strides = array<i32>} : memref<2x1600x32xf32, #tpu.memory_space<vmem>>, vector<16xf32>,
        %add3A_1258 = arith.addf %scan3A_1198, %get3A_1257 : vector<16xf32>
        %add3A_1259 = arith.constant 3 : i32
        %add3A_1260 = arith.addi %add3A_1203, %add3A_1259 : i32
        %get3A_1261 = arith.constant 0 : i32
        %get3A_1262 = arith.index_cast %get3A_1261 : i32 to index
        %get3A_1263 = arith.index_cast %add3A_1260 : i32 to index
        %get3A_1264 = arith.constant 16 : index
        %get3A_1265 = tpu.vector_load %arg6[%get3A_1262, %get3A_1263, %get3A_1264] {strides = array<i32>} : memref<2x1600x32xf32, #tpu.memory_space<vmem>>, vector<16xf32>,
        %add3A_1266 = arith.addf %scan3A_1199, %get3A_1265 : vector<16xf32>
        %add3A_1267 = arith.constant 4 : i32
        %add3A_1268 = arith.addi %add3A_1203, %add3A_1267 : i32
        %get3A_1269 = arith.constant 0 : i32
        %get3A_1270 = arith.index_cast %get3A_1269 : i32 to index
        %get3A_1271 = arith.index_cast %add3A_1268 : i32 to index
        %get3A_1272 = arith.constant 0 : index
        %get3A_1273 = tpu.vector_load %arg6[%get3A_1270, %get3A_1271, %get3A_1272] {strides = array<i32>} : memref<2x1600x32xf32, #tpu.memory_space<vmem>>, vector<16xf32>,
        %add3A_1274 = arith.addf %add3A_1210, %get3A_1273 : vector<16xf32>
        %add3A_1275 = arith.constant 4 : i32
        %add3A_1276 = arith.addi %add3A_1203, %add3A_1275 : i32
        %get3A_1277 = arith.constant 0 : i32
        %get3A_1278 = arith.index_cast %get3A_1277 : i32 to index
        %get3A_1279 = arith.index_cast %add3A_1276 : i32 to index
        %get3A_1280 = arith.constant 16 : index
        %get3A_1281 = tpu.vector_load %arg6[%get3A_1278, %get3A_1279, %get3A_1280] {strides = array<i32>} : memref<2x1600x32xf32, #tpu.memory_space<vmem>>, vector<16xf32>,
        %add3A_1282 = arith.addf %add3A_1218, %get3A_1281 : vector<16xf32>
        %add3A_1283 = arith.constant 5 : i32
        %add3A_1284 = arith.addi %add3A_1203, %add3A_1283 : i32
        %get3A_1285 = arith.constant 0 : i32
        %get3A_1286 = arith.index_cast %get3A_1285 : i32 to index
        %get3A_1287 = arith.index_cast %add3A_1284 : i32 to index
        %get3A_1288 = arith.constant 0 : index
        %get3A_1289 = tpu.vector_load %arg6[%get3A_1286, %get3A_1287, %get3A_1288] {strides = array<i32>} : memref<2x1600x32xf32, #tpu.memory_space<vmem>>, vector<16xf32>,
        %add3A_1290 = arith.addf %add3A_1226, %get3A_1289 : vector<16xf32>
        %add3A_1291 = arith.constant 5 : i32
        %add3A_1292 = arith.addi %add3A_1203, %add3A_1291 : i32
        %get3A_1293 = arith.constant 0 : i32
        %get3A_1294 = arith.index_cast %get3A_1293 : i32 to index
        %get3A_1295 = arith.index_cast %add3A_1292 : i32 to index
        %get3A_1296 = arith.constant 16 : index
        %get3A_1297 = tpu.vector_load %arg6[%get3A_1294, %get3A_1295, %get3A_1296] {strides = array<i32>} : memref<2x1600x32xf32, #tpu.memory_space<vmem>>, vector<16xf32>,
        %add3A_1298 = arith.addf %add3A_1234, %get3A_1297 : vector<16xf32>
        %add3A_1299 = arith.constant 6 : i32
        %add3A_1300 = arith.addi %add3A_1203, %add3A_1299 : i32
        %get3A_1301 = arith.constant 0 : i32
        %get3A_1302 = arith.index_cast %get3A_1301 : i32 to index
        %get3A_1303 = arith.index_cast %add3A_1300 : i32 to index
        %get3A_1304 = arith.constant 0 : index
        %get3A_1305 = tpu.vector_load %arg6[%get3A_1302, %get3A_1303, %get3A_1304] {strides = array<i32>} : memref<2x1600x32xf32, #tpu.memory_space<vmem>>, vector<16xf32>,
        %add3A_1306 = arith.addf %add3A_1242, %get3A_1305 : vector<16xf32>
        %add3A_1307 = arith.constant 6 : i32
        %add3A_1308 = arith.addi %add3A_1203, %add3A_1307 : i32
        %get3A_1309 = arith.constant 0 : i32
        %get3A_1310 = arith.index_cast %get3A_1309 : i32 to index
        %get3A_1311 = arith.index_cast %add3A_1308 : i32 to index
        %get3A_1312 = arith.constant 16 : index
        %get3A_1313 = tpu.vector_load %arg6[%get3A_1310, %get3A_1311, %get3A_1312] {strides = array<i32>} : memref<2x1600x32xf32, #tpu.memory_space<vmem>>, vector<16xf32>,
        %add3A_1314 = arith.addf %add3A_1250, %get3A_1313 : vector<16xf32>
        %add3A_1315 = arith.constant 7 : i32
        %add3A_1316 = arith.addi %add3A_1203, %add3A_1315 : i32
        %get3A_1317 = arith.constant 0 : i32
        %get3A_1318 = arith.index_cast %get3A_1317 : i32 to index
        %get3A_1319 = arith.index_cast %add3A_1316 : i32 to index
        %get3A_1320 = arith.constant 0 : index
        %get3A_1321 = tpu.vector_load %arg6[%get3A_1318, %get3A_1319, %get3A_1320] {strides = array<i32>} : memref<2x1600x32xf32, #tpu.memory_space<vmem>>, vector<16xf32>,
        %add3A_1322 = arith.addf %add3A_1258, %get3A_1321 : vector<16xf32>
        %add3A_1323 = arith.constant 7 : i32
        %add3A_1324 = arith.addi %add3A_1203, %add3A_1323 : i32
        %get3A_1325 = arith.constant 0 : i32
        %get3A_1326 = arith.index_cast %get3A_1325 : i32 to index
        %get3A_1327 = arith.index_cast %add3A_1324 : i32 to index
        %get3A_1328 = arith.constant 16 : index
        %get3A_1329 = tpu.vector_load %arg6[%get3A_1326, %get3A_1327, %get3A_1328] {strides = array<i32>} : memref<2x1600x32xf32, #tpu.memory_space<vmem>>, vector<16xf32>,
        %add3A_1330 = arith.addf %add3A_1266, %get3A_1329 : vector<16xf32>
        scf.yield %add3A_1274, %add3A_1282, %add3A_1290, %add3A_1298, %add3A_1306, %add3A_1314, %add3A_1322, %add3A_1330 : vector<16xf32>, vector<16xf32>, vector<16xf32>, vector<16xf32>, vector<16xf32>, vector<16xf32>, vector<16xf32>, vector<16xf32>
      }
      %scan3A_491 = arith.constant 25 : i32
      %add3A_492 = arith.addf %scan3A_490#0, %scan3A_490#2 : vector<16xf32>
      %add3A_493 = arith.addf %scan3A_490#4, %scan3A_490#6 : vector<16xf32>
      %add3A_494 = arith.addf %add3A_492, %add3A_493 : vector<16xf32>
      %add3A_495 = arith.addf %scan3A_490#1, %scan3A_490#3 : vector<16xf32>
      %add3A_496 = arith.addf %scan3A_490#5, %scan3A_490#7 : vector<16xf32>
      %add3A_497 = arith.addf %add3A_495, %add3A_496 : vector<16xf32>
      %mul3A_498 = arith.mulf %add3A_494, %broadcast_in_dim3A_483 : vector<16xf32>
      %mul3A_499 = arith.constant 8 : i32
      %mul3A_500 = arith.muli %add3A_263, %mul3A_499 : i32
      %add3A_501 = arith.constant 0 : i32
      %add3A_502 = arith.addi %mul3A_500, %add3A_501 : i32
      %swap3A = arith.index_cast %add3A_502 : i32 to index
      %swap3A_503 = arith.constant 0 : index
      %swap3A_504 = tpu.vector_load %arg7[%swap3A, %swap3A_503] {strides = array<i32>} : memref<512x32xf32, #tpu.memory_space<vmem>>, vector<16xf32>,
      tpu.vector_store %arg7[%swap3A, %swap3A_503], %mul3A_498 {strides = array<i32>} : memref<512x32xf32, #tpu.memory_space<vmem>>, vector<16xf32>,
      %mul3A_505 = arith.mulf %add3A_497, %broadcast_in_dim3A_483 : vector<16xf32>
      %mul3A_506 = arith.constant 8 : i32
      %mul3A_507 = arith.muli %add3A_263, %mul3A_506 : i32
      %add3A_508 = arith.constant 0 : i32
      %add3A_509 = arith.addi %mul3A_507, %add3A_508 : i32
      %swap3A_510 = arith.index_cast %add3A_509 : i32 to index
      %swap3A_511 = arith.constant 16 : index
      %swap3A_512 = tpu.vector_load %arg7[%swap3A_510, %swap3A_511] {strides = array<i32>} : memref<512x32xf32, #tpu.memory_space<vmem>>, vector<16xf32>,
      tpu.vector_store %arg7[%swap3A_510, %swap3A_511], %mul3A_505 {strides = array<i32>} : memref<512x32xf32, #tpu.memory_space<vmem>>, vector<16xf32>,
      %broadcast_in_dim3A_513 = arith.constant 0.000000e+00 : f32
      %broadcast_in_dim3A_514 = vector.broadcast %broadcast_in_dim3A_513 : f32 to vector<16xf32>
      %scan3A_515 = arith.constant 0 : i32
      %scan3A_516 = arith.constant 25 : i32
      %scan3A_517 = arith.addi %scan3A_515, %scan3A_516 : i32
      %scan3A_518 = arith.constant 1 : i32
      %scan3A_519:8 = scf.for %scan3A_1191 = %scan3A_515 to %scan3A_517 step %scan3A_518 iter_args(%scan3A_1192 = %broadcast_in_dim3A_514, %scan3A_1193 = %broadcast_in_dim3A_514, %scan3A_1194 = %broadcast_in_dim3A_514, %scan3A_1195 = %broadcast_in_dim3A_514, %scan3A_1196 = %broadcast_in_dim3A_514, %scan3A_1197 = %broadcast_in_dim3A_514, %scan3A_1198 = %broadcast_in_dim3A_514, %scan3A_1199 = %broadcast_in_dim3A_514) -> (vector<16xf32>, vector<16xf32>, vector<16xf32>, vector<16xf32>, vector<16xf32>, vector<16xf32>, vector<16xf32>, vector<16xf32>)  : i32 {
        %mul3A_1200 = arith.constant 8 : i32
        %mul3A_1201 = arith.muli %scan3A_1191, %mul3A_1200 : i32
        %add3A_1202 = arith.constant 200 : i32
        %add3A_1203 = arith.addi %add3A_1202, %mul3A_1201 : i32
        %add3A_1204 = arith.constant 0 : i32
        %add3A_1205 = arith.addi %add3A_1203, %add3A_1204 : i32
        %get3A = arith.constant 0 : i32
        %get3A_1206 = arith.index_cast %get3A : i32 to index
        %get3A_1207 = arith.index_cast %add3A_1205 : i32 to index
        %get3A_1208 = arith.constant 0 : index
        %get3A_1209 = tpu.vector_load %arg6[%get3A_1206, %get3A_1207, %get3A_1208] {strides = array<i32>} : memref<2x1600x32xf32, #tpu.memory_space<vmem>>, vector<16xf32>,
        %add3A_1210 = arith.addf %scan3A_1192, %get3A_1209 : vector<16xf32>
        %add3A_1211 = arith.constant 0 : i32
        %add3A_1212 = arith.addi %add3A_1203, %add3A_1211 : i32
        %get3A_1213 = arith.constant 0 : i32
        %get3A_1214 = arith.index_cast %get3A_1213 : i32 to index
        %get3A_1215 = arith.index_cast %add3A_1212 : i32 to index
        %get3A_1216 = arith.constant 16 : index
        %get3A_1217 = tpu.vector_load %arg6[%get3A_1214, %get3A_1215, %get3A_1216] {strides = array<i32>} : memref<2x1600x32xf32, #tpu.memory_space<vmem>>, vector<16xf32>,
        %add3A_1218 = arith.addf %scan3A_1193, %get3A_1217 : vector<16xf32>
        %add3A_1219 = arith.constant 1 : i32
        %add3A_1220 = arith.addi %add3A_1203, %add3A_1219 : i32
        %get3A_1221 = arith.constant 0 : i32
        %get3A_1222 = arith.index_cast %get3A_1221 : i32 to index
        %get3A_1223 = arith.index_cast %add3A_1220 : i32 to index
        %get3A_1224 = arith.constant 0 : index
        %get3A_1225 = tpu.vector_load %arg6[%get3A_1222, %get3A_1223, %get3A_1224] {strides = array<i32>} : memref<2x1600x32xf32, #tpu.memory_space<vmem>>, vector<16xf32>,
        %add3A_1226 = arith.addf %scan3A_1194, %get3A_1225 : vector<16xf32>
        %add3A_1227 = arith.constant 1 : i32
        %add3A_1228 = arith.addi %add3A_1203, %add3A_1227 : i32
        %get3A_1229 = arith.constant 0 : i32
        %get3A_1230 = arith.index_cast %get3A_1229 : i32 to index
        %get3A_1231 = arith.index_cast %add3A_1228 : i32 to index
        %get3A_1232 = arith.constant 16 : index
        %get3A_1233 = tpu.vector_load %arg6[%get3A_1230, %get3A_1231, %get3A_1232] {strides = array<i32>} : memref<2x1600x32xf32, #tpu.memory_space<vmem>>, vector<16xf32>,
        %add3A_1234 = arith.addf %scan3A_1195, %get3A_1233 : vector<16xf32>
        %add3A_1235 = arith.constant 2 : i32
        %add3A_1236 = arith.addi %add3A_1203, %add3A_1235 : i32
        %get3A_1237 = arith.constant 0 : i32
        %get3A_1238 = arith.index_cast %get3A_1237 : i32 to index
        %get3A_1239 = arith.index_cast %add3A_1236 : i32 to index
        %get3A_1240 = arith.constant 0 : index
        %get3A_1241 = tpu.vector_load %arg6[%get3A_1238, %get3A_1239, %get3A_1240] {strides = array<i32>} : memref<2x1600x32xf32, #tpu.memory_space<vmem>>, vector<16xf32>,
        %add3A_1242 = arith.addf %scan3A_1196, %get3A_1241 : vector<16xf32>
        %add3A_1243 = arith.constant 2 : i32
        %add3A_1244 = arith.addi %add3A_1203, %add3A_1243 : i32
        %get3A_1245 = arith.constant 0 : i32
        %get3A_1246 = arith.index_cast %get3A_1245 : i32 to index
        %get3A_1247 = arith.index_cast %add3A_1244 : i32 to index
        %get3A_1248 = arith.constant 16 : index
        %get3A_1249 = tpu.vector_load %arg6[%get3A_1246, %get3A_1247, %get3A_1248] {strides = array<i32>} : memref<2x1600x32xf32, #tpu.memory_space<vmem>>, vector<16xf32>,
        %add3A_1250 = arith.addf %scan3A_1197, %get3A_1249 : vector<16xf32>
        %add3A_1251 = arith.constant 3 : i32
        %add3A_1252 = arith.addi %add3A_1203, %add3A_1251 : i32
        %get3A_1253 = arith.constant 0 : i32
        %get3A_1254 = arith.index_cast %get3A_1253 : i32 to index
        %get3A_1255 = arith.index_cast %add3A_1252 : i32 to index
        %get3A_1256 = arith.constant 0 : index
        %get3A_1257 = tpu.vector_load %arg6[%get3A_1254, %get3A_1255, %get3A_1256] {strides = array<i32>} : memref<2x1600x32xf32, #tpu.memory_space<vmem>>, vector<16xf32>,
        %add3A_1258 = arith.addf %scan3A_1198, %get3A_1257 : vector<16xf32>
        %add3A_1259 = arith.constant 3 : i32
        %add3A_1260 = arith.addi %add3A_1203, %add3A_1259 : i32
        %get3A_1261 = arith.constant 0 : i32
        %get3A_1262 = arith.index_cast %get3A_1261 : i32 to index
        %get3A_1263 = arith.index_cast %add3A_1260 : i32 to index
        %get3A_1264 = arith.constant 16 : index
        %get3A_1265 = tpu.vector_load %arg6[%get3A_1262, %get3A_1263, %get3A_1264] {strides = array<i32>} : memref<2x1600x32xf32, #tpu.memory_space<vmem>>, vector<16xf32>,
        %add3A_1266 = arith.addf %scan3A_1199, %get3A_1265 : vector<16xf32>
        %add3A_1267 = arith.constant 4 : i32
        %add3A_1268 = arith.addi %add3A_1203, %add3A_1267 : i32
        %get3A_1269 = arith.constant 0 : i32
        %get3A_1270 = arith.index_cast %get3A_1269 : i32 to index
        %get3A_1271 = arith.index_cast %add3A_1268 : i32 to index
        %get3A_1272 = arith.constant 0 : index
        %get3A_1273 = tpu.vector_load %arg6[%get3A_1270, %get3A_1271, %get3A_1272] {strides = array<i32>} : memref<2x1600x32xf32, #tpu.memory_space<vmem>>, vector<16xf32>,
        %add3A_1274 = arith.addf %add3A_1210, %get3A_1273 : vector<16xf32>
        %add3A_1275 = arith.constant 4 : i32
        %add3A_1276 = arith.addi %add3A_1203, %add3A_1275 : i32
        %get3A_1277 = arith.constant 0 : i32
        %get3A_1278 = arith.index_cast %get3A_1277 : i32 to index
        %get3A_1279 = arith.index_cast %add3A_1276 : i32 to index
        %get3A_1280 = arith.constant 16 : index
        %get3A_1281 = tpu.vector_load %arg6[%get3A_1278, %get3A_1279, %get3A_1280] {strides = array<i32>} : memref<2x1600x32xf32, #tpu.memory_space<vmem>>, vector<16xf32>,
        %add3A_1282 = arith.addf %add3A_1218, %get3A_1281 : vector<16xf32>
        %add3A_1283 = arith.constant 5 : i32
        %add3A_1284 = arith.addi %add3A_1203, %add3A_1283 : i32
        %get3A_1285 = arith.constant 0 : i32
        %get3A_1286 = arith.index_cast %get3A_1285 : i32 to index
        %get3A_1287 = arith.index_cast %add3A_1284 : i32 to index
        %get3A_1288 = arith.constant 0 : index
        %get3A_1289 = tpu.vector_load %arg6[%get3A_1286, %get3A_1287, %get3A_1288] {strides = array<i32>} : memref<2x1600x32xf32, #tpu.memory_space<vmem>>, vector<16xf32>,
        %add3A_1290 = arith.addf %add3A_1226, %get3A_1289 : vector<16xf32>
        %add3A_1291 = arith.constant 5 : i32
        %add3A_1292 = arith.addi %add3A_1203, %add3A_1291 : i32
        %get3A_1293 = arith.constant 0 : i32
        %get3A_1294 = arith.index_cast %get3A_1293 : i32 to index
        %get3A_1295 = arith.index_cast %add3A_1292 : i32 to index
        %get3A_1296 = arith.constant 16 : index
        %get3A_1297 = tpu.vector_load %arg6[%get3A_1294, %get3A_1295, %get3A_1296] {strides = array<i32>} : memref<2x1600x32xf32, #tpu.memory_space<vmem>>, vector<16xf32>,
        %add3A_1298 = arith.addf %add3A_1234, %get3A_1297 : vector<16xf32>
        %add3A_1299 = arith.constant 6 : i32
        %add3A_1300 = arith.addi %add3A_1203, %add3A_1299 : i32
        %get3A_1301 = arith.constant 0 : i32
        %get3A_1302 = arith.index_cast %get3A_1301 : i32 to index
        %get3A_1303 = arith.index_cast %add3A_1300 : i32 to index
        %get3A_1304 = arith.constant 0 : index
        %get3A_1305 = tpu.vector_load %arg6[%get3A_1302, %get3A_1303, %get3A_1304] {strides = array<i32>} : memref<2x1600x32xf32, #tpu.memory_space<vmem>>, vector<16xf32>,
        %add3A_1306 = arith.addf %add3A_1242, %get3A_1305 : vector<16xf32>
        %add3A_1307 = arith.constant 6 : i32
        %add3A_1308 = arith.addi %add3A_1203, %add3A_1307 : i32
        %get3A_1309 = arith.constant 0 : i32
        %get3A_1310 = arith.index_cast %get3A_1309 : i32 to index
        %get3A_1311 = arith.index_cast %add3A_1308 : i32 to index
        %get3A_1312 = arith.constant 16 : index
        %get3A_1313 = tpu.vector_load %arg6[%get3A_1310, %get3A_1311, %get3A_1312] {strides = array<i32>} : memref<2x1600x32xf32, #tpu.memory_space<vmem>>, vector<16xf32>,
        %add3A_1314 = arith.addf %add3A_1250, %get3A_1313 : vector<16xf32>
        %add3A_1315 = arith.constant 7 : i32
        %add3A_1316 = arith.addi %add3A_1203, %add3A_1315 : i32
        %get3A_1317 = arith.constant 0 : i32
        %get3A_1318 = arith.index_cast %get3A_1317 : i32 to index
        %get3A_1319 = arith.index_cast %add3A_1316 : i32 to index
        %get3A_1320 = arith.constant 0 : index
        %get3A_1321 = tpu.vector_load %arg6[%get3A_1318, %get3A_1319, %get3A_1320] {strides = array<i32>} : memref<2x1600x32xf32, #tpu.memory_space<vmem>>, vector<16xf32>,
        %add3A_1322 = arith.addf %add3A_1258, %get3A_1321 : vector<16xf32>
        %add3A_1323 = arith.constant 7 : i32
        %add3A_1324 = arith.addi %add3A_1203, %add3A_1323 : i32
        %get3A_1325 = arith.constant 0 : i32
        %get3A_1326 = arith.index_cast %get3A_1325 : i32 to index
        %get3A_1327 = arith.index_cast %add3A_1324 : i32 to index
        %get3A_1328 = arith.constant 16 : index
        %get3A_1329 = tpu.vector_load %arg6[%get3A_1326, %get3A_1327, %get3A_1328] {strides = array<i32>} : memref<2x1600x32xf32, #tpu.memory_space<vmem>>, vector<16xf32>,
        %add3A_1330 = arith.addf %add3A_1266, %get3A_1329 : vector<16xf32>
        scf.yield %add3A_1274, %add3A_1282, %add3A_1290, %add3A_1298, %add3A_1306, %add3A_1314, %add3A_1322, %add3A_1330 : vector<16xf32>, vector<16xf32>, vector<16xf32>, vector<16xf32>, vector<16xf32>, vector<16xf32>, vector<16xf32>, vector<16xf32>
      }
      %scan3A_520 = arith.constant 25 : i32
      %add3A_521 = arith.addf %scan3A_519#0, %scan3A_519#2 : vector<16xf32>
      %add3A_522 = arith.addf %scan3A_519#4, %scan3A_519#6 : vector<16xf32>
      %add3A_523 = arith.addf %add3A_521, %add3A_522 : vector<16xf32>
      %add3A_524 = arith.addf %scan3A_519#1, %scan3A_519#3 : vector<16xf32>
      %add3A_525 = arith.addf %scan3A_519#5, %scan3A_519#7 : vector<16xf32>
      %add3A_526 = arith.addf %add3A_524, %add3A_525 : vector<16xf32>
      %mul3A_527 = arith.mulf %add3A_523, %broadcast_in_dim3A_483 : vector<16xf32>
      %mul3A_528 = arith.constant 8 : i32
      %mul3A_529 = arith.muli %add3A_263, %mul3A_528 : i32
      %add3A_530 = arith.constant 1 : i32
      %add3A_531 = arith.addi %mul3A_529, %add3A_530 : i32
      %swap3A_532 = arith.index_cast %add3A_531 : i32 to index
      %swap3A_533 = arith.constant 0 : index
      %swap3A_534 = tpu.vector_load %arg7[%swap3A_532, %swap3A_533] {strides = array<i32>} : memref<512x32xf32, #tpu.memory_space<vmem>>, vector<16xf32>,
      tpu.vector_store %arg7[%swap3A_532, %swap3A_533], %mul3A_527 {strides = array<i32>} : memref<512x32xf32, #tpu.memory_space<vmem>>, vector<16xf32>,
      %mul3A_535 = arith.mulf %add3A_526, %broadcast_in_dim3A_483 : vector<16xf32>
      %mul3A_536 = arith.constant 8 : i32
      %mul3A_537 = arith.muli %add3A_263, %mul3A_536 : i32
      %add3A_538 = arith.constant 1 : i32
      %add3A_539 = arith.addi %mul3A_537, %add3A_538 : i32
      %swap3A_540 = arith.index_cast %add3A_539 : i32 to index
      %swap3A_541 = arith.constant 16 : index
      %swap3A_542 = tpu.vector_load %arg7[%swap3A_540, %swap3A_541] {strides = array<i32>} : memref<512x32xf32, #tpu.memory_space<vmem>>, vector<16xf32>,
      tpu.vector_store %arg7[%swap3A_540, %swap3A_541], %mul3A_535 {strides = array<i32>} : memref<512x32xf32, #tpu.memory_space<vmem>>, vector<16xf32>,
      %broadcast_in_dim3A_543 = arith.constant 0.000000e+00 : f32
      %broadcast_in_dim3A_544 = vector.broadcast %broadcast_in_dim3A_543 : f32 to vector<16xf32>
      %scan3A_545 = arith.constant 0 : i32
      %scan3A_546 = arith.constant 25 : i32
      %scan3A_547 = arith.addi %scan3A_545, %scan3A_546 : i32
      %scan3A_548 = arith.constant 1 : i32
      %scan3A_549:8 = scf.for %scan3A_1191 = %scan3A_545 to %scan3A_547 step %scan3A_548 iter_args(%scan3A_1192 = %broadcast_in_dim3A_544, %scan3A_1193 = %broadcast_in_dim3A_544, %scan3A_1194 = %broadcast_in_dim3A_544, %scan3A_1195 = %broadcast_in_dim3A_544, %scan3A_1196 = %broadcast_in_dim3A_544, %scan3A_1197 = %broadcast_in_dim3A_544, %scan3A_1198 = %broadcast_in_dim3A_544, %scan3A_1199 = %broadcast_in_dim3A_544) -> (vector<16xf32>, vector<16xf32>, vector<16xf32>, vector<16xf32>, vector<16xf32>, vector<16xf32>, vector<16xf32>, vector<16xf32>)  : i32 {
        %mul3A_1200 = arith.constant 8 : i32
        %mul3A_1201 = arith.muli %scan3A_1191, %mul3A_1200 : i32
        %add3A_1202 = arith.constant 400 : i32
        %add3A_1203 = arith.addi %add3A_1202, %mul3A_1201 : i32
        %add3A_1204 = arith.constant 0 : i32
        %add3A_1205 = arith.addi %add3A_1203, %add3A_1204 : i32
        %get3A = arith.constant 0 : i32
        %get3A_1206 = arith.index_cast %get3A : i32 to index
        %get3A_1207 = arith.index_cast %add3A_1205 : i32 to index
        %get3A_1208 = arith.constant 0 : index
        %get3A_1209 = tpu.vector_load %arg6[%get3A_1206, %get3A_1207, %get3A_1208] {strides = array<i32>} : memref<2x1600x32xf32, #tpu.memory_space<vmem>>, vector<16xf32>,
        %add3A_1210 = arith.addf %scan3A_1192, %get3A_1209 : vector<16xf32>
        %add3A_1211 = arith.constant 0 : i32
        %add3A_1212 = arith.addi %add3A_1203, %add3A_1211 : i32
        %get3A_1213 = arith.constant 0 : i32
        %get3A_1214 = arith.index_cast %get3A_1213 : i32 to index
        %get3A_1215 = arith.index_cast %add3A_1212 : i32 to index
        %get3A_1216 = arith.constant 16 : index
        %get3A_1217 = tpu.vector_load %arg6[%get3A_1214, %get3A_1215, %get3A_1216] {strides = array<i32>} : memref<2x1600x32xf32, #tpu.memory_space<vmem>>, vector<16xf32>,
        %add3A_1218 = arith.addf %scan3A_1193, %get3A_1217 : vector<16xf32>
        %add3A_1219 = arith.constant 1 : i32
        %add3A_1220 = arith.addi %add3A_1203, %add3A_1219 : i32
        %get3A_1221 = arith.constant 0 : i32
        %get3A_1222 = arith.index_cast %get3A_1221 : i32 to index
        %get3A_1223 = arith.index_cast %add3A_1220 : i32 to index
        %get3A_1224 = arith.constant 0 : index
        %get3A_1225 = tpu.vector_load %arg6[%get3A_1222, %get3A_1223, %get3A_1224] {strides = array<i32>} : memref<2x1600x32xf32, #tpu.memory_space<vmem>>, vector<16xf32>,
        %add3A_1226 = arith.addf %scan3A_1194, %get3A_1225 : vector<16xf32>
        %add3A_1227 = arith.constant 1 : i32
        %add3A_1228 = arith.addi %add3A_1203, %add3A_1227 : i32
        %get3A_1229 = arith.constant 0 : i32
        %get3A_1230 = arith.index_cast %get3A_1229 : i32 to index
        %get3A_1231 = arith.index_cast %add3A_1228 : i32 to index
        %get3A_1232 = arith.constant 16 : index
        %get3A_1233 = tpu.vector_load %arg6[%get3A_1230, %get3A_1231, %get3A_1232] {strides = array<i32>} : memref<2x1600x32xf32, #tpu.memory_space<vmem>>, vector<16xf32>,
        %add3A_1234 = arith.addf %scan3A_1195, %get3A_1233 : vector<16xf32>
        %add3A_1235 = arith.constant 2 : i32
        %add3A_1236 = arith.addi %add3A_1203, %add3A_1235 : i32
        %get3A_1237 = arith.constant 0 : i32
        %get3A_1238 = arith.index_cast %get3A_1237 : i32 to index
        %get3A_1239 = arith.index_cast %add3A_1236 : i32 to index
        %get3A_1240 = arith.constant 0 : index
        %get3A_1241 = tpu.vector_load %arg6[%get3A_1238, %get3A_1239, %get3A_1240] {strides = array<i32>} : memref<2x1600x32xf32, #tpu.memory_space<vmem>>, vector<16xf32>,
        %add3A_1242 = arith.addf %scan3A_1196, %get3A_1241 : vector<16xf32>
        %add3A_1243 = arith.constant 2 : i32
        %add3A_1244 = arith.addi %add3A_1203, %add3A_1243 : i32
        %get3A_1245 = arith.constant 0 : i32
        %get3A_1246 = arith.index_cast %get3A_1245 : i32 to index
        %get3A_1247 = arith.index_cast %add3A_1244 : i32 to index
        %get3A_1248 = arith.constant 16 : index
        %get3A_1249 = tpu.vector_load %arg6[%get3A_1246, %get3A_1247, %get3A_1248] {strides = array<i32>} : memref<2x1600x32xf32, #tpu.memory_space<vmem>>, vector<16xf32>,
        %add3A_1250 = arith.addf %scan3A_1197, %get3A_1249 : vector<16xf32>
        %add3A_1251 = arith.constant 3 : i32
        %add3A_1252 = arith.addi %add3A_1203, %add3A_1251 : i32
        %get3A_1253 = arith.constant 0 : i32
        %get3A_1254 = arith.index_cast %get3A_1253 : i32 to index
        %get3A_1255 = arith.index_cast %add3A_1252 : i32 to index
        %get3A_1256 = arith.constant 0 : index
        %get3A_1257 = tpu.vector_load %arg6[%get3A_1254, %get3A_1255, %get3A_1256] {strides = array<i32>} : memref<2x1600x32xf32, #tpu.memory_space<vmem>>, vector<16xf32>,
        %add3A_1258 = arith.addf %scan3A_1198, %get3A_1257 : vector<16xf32>
        %add3A_1259 = arith.constant 3 : i32
        %add3A_1260 = arith.addi %add3A_1203, %add3A_1259 : i32
        %get3A_1261 = arith.constant 0 : i32
        %get3A_1262 = arith.index_cast %get3A_1261 : i32 to index
        %get3A_1263 = arith.index_cast %add3A_1260 : i32 to index
        %get3A_1264 = arith.constant 16 : index
        %get3A_1265 = tpu.vector_load %arg6[%get3A_1262, %get3A_1263, %get3A_1264] {strides = array<i32>} : memref<2x1600x32xf32, #tpu.memory_space<vmem>>, vector<16xf32>,
        %add3A_1266 = arith.addf %scan3A_1199, %get3A_1265 : vector<16xf32>
        %add3A_1267 = arith.constant 4 : i32
        %add3A_1268 = arith.addi %add3A_1203, %add3A_1267 : i32
        %get3A_1269 = arith.constant 0 : i32
        %get3A_1270 = arith.index_cast %get3A_1269 : i32 to index
        %get3A_1271 = arith.index_cast %add3A_1268 : i32 to index
        %get3A_1272 = arith.constant 0 : index
        %get3A_1273 = tpu.vector_load %arg6[%get3A_1270, %get3A_1271, %get3A_1272] {strides = array<i32>} : memref<2x1600x32xf32, #tpu.memory_space<vmem>>, vector<16xf32>,
        %add3A_1274 = arith.addf %add3A_1210, %get3A_1273 : vector<16xf32>
        %add3A_1275 = arith.constant 4 : i32
        %add3A_1276 = arith.addi %add3A_1203, %add3A_1275 : i32
        %get3A_1277 = arith.constant 0 : i32
        %get3A_1278 = arith.index_cast %get3A_1277 : i32 to index
        %get3A_1279 = arith.index_cast %add3A_1276 : i32 to index
        %get3A_1280 = arith.constant 16 : index
        %get3A_1281 = tpu.vector_load %arg6[%get3A_1278, %get3A_1279, %get3A_1280] {strides = array<i32>} : memref<2x1600x32xf32, #tpu.memory_space<vmem>>, vector<16xf32>,
        %add3A_1282 = arith.addf %add3A_1218, %get3A_1281 : vector<16xf32>
        %add3A_1283 = arith.constant 5 : i32
        %add3A_1284 = arith.addi %add3A_1203, %add3A_1283 : i32
        %get3A_1285 = arith.constant 0 : i32
        %get3A_1286 = arith.index_cast %get3A_1285 : i32 to index
        %get3A_1287 = arith.index_cast %add3A_1284 : i32 to index
        %get3A_1288 = arith.constant 0 : index
        %get3A_1289 = tpu.vector_load %arg6[%get3A_1286, %get3A_1287, %get3A_1288] {strides = array<i32>} : memref<2x1600x32xf32, #tpu.memory_space<vmem>>, vector<16xf32>,
        %add3A_1290 = arith.addf %add3A_1226, %get3A_1289 : vector<16xf32>
        %add3A_1291 = arith.constant 5 : i32
        %add3A_1292 = arith.addi %add3A_1203, %add3A_1291 : i32
        %get3A_1293 = arith.constant 0 : i32
        %get3A_1294 = arith.index_cast %get3A_1293 : i32 to index
        %get3A_1295 = arith.index_cast %add3A_1292 : i32 to index
        %get3A_1296 = arith.constant 16 : index
        %get3A_1297 = tpu.vector_load %arg6[%get3A_1294, %get3A_1295, %get3A_1296] {strides = array<i32>} : memref<2x1600x32xf32, #tpu.memory_space<vmem>>, vector<16xf32>,
        %add3A_1298 = arith.addf %add3A_1234, %get3A_1297 : vector<16xf32>
        %add3A_1299 = arith.constant 6 : i32
        %add3A_1300 = arith.addi %add3A_1203, %add3A_1299 : i32
        %get3A_1301 = arith.constant 0 : i32
        %get3A_1302 = arith.index_cast %get3A_1301 : i32 to index
        %get3A_1303 = arith.index_cast %add3A_1300 : i32 to index
        %get3A_1304 = arith.constant 0 : index
        %get3A_1305 = tpu.vector_load %arg6[%get3A_1302, %get3A_1303, %get3A_1304] {strides = array<i32>} : memref<2x1600x32xf32, #tpu.memory_space<vmem>>, vector<16xf32>,
        %add3A_1306 = arith.addf %add3A_1242, %get3A_1305 : vector<16xf32>
        %add3A_1307 = arith.constant 6 : i32
        %add3A_1308 = arith.addi %add3A_1203, %add3A_1307 : i32
        %get3A_1309 = arith.constant 0 : i32
        %get3A_1310 = arith.index_cast %get3A_1309 : i32 to index
        %get3A_1311 = arith.index_cast %add3A_1308 : i32 to index
        %get3A_1312 = arith.constant 16 : index
        %get3A_1313 = tpu.vector_load %arg6[%get3A_1310, %get3A_1311, %get3A_1312] {strides = array<i32>} : memref<2x1600x32xf32, #tpu.memory_space<vmem>>, vector<16xf32>,
        %add3A_1314 = arith.addf %add3A_1250, %get3A_1313 : vector<16xf32>
        %add3A_1315 = arith.constant 7 : i32
        %add3A_1316 = arith.addi %add3A_1203, %add3A_1315 : i32
        %get3A_1317 = arith.constant 0 : i32
        %get3A_1318 = arith.index_cast %get3A_1317 : i32 to index
        %get3A_1319 = arith.index_cast %add3A_1316 : i32 to index
        %get3A_1320 = arith.constant 0 : index
        %get3A_1321 = tpu.vector_load %arg6[%get3A_1318, %get3A_1319, %get3A_1320] {strides = array<i32>} : memref<2x1600x32xf32, #tpu.memory_space<vmem>>, vector<16xf32>,
        %add3A_1322 = arith.addf %add3A_1258, %get3A_1321 : vector<16xf32>
        %add3A_1323 = arith.constant 7 : i32
        %add3A_1324 = arith.addi %add3A_1203, %add3A_1323 : i32
        %get3A_1325 = arith.constant 0 : i32
        %get3A_1326 = arith.index_cast %get3A_1325 : i32 to index
        %get3A_1327 = arith.index_cast %add3A_1324 : i32 to index
        %get3A_1328 = arith.constant 16 : index
        %get3A_1329 = tpu.vector_load %arg6[%get3A_1326, %get3A_1327, %get3A_1328] {strides = array<i32>} : memref<2x1600x32xf32, #tpu.memory_space<vmem>>, vector<16xf32>,
        %add3A_1330 = arith.addf %add3A_1266, %get3A_1329 : vector<16xf32>
        scf.yield %add3A_1274, %add3A_1282, %add3A_1290, %add3A_1298, %add3A_1306, %add3A_1314, %add3A_1322, %add3A_1330 : vector<16xf32>, vector<16xf32>, vector<16xf32>, vector<16xf32>, vector<16xf32>, vector<16xf32>, vector<16xf32>, vector<16xf32>
      }
      %scan3A_550 = arith.constant 25 : i32
      %add3A_551 = arith.addf %scan3A_549#0, %scan3A_549#2 : vector<16xf32>
      %add3A_552 = arith.addf %scan3A_549#4, %scan3A_549#6 : vector<16xf32>
      %add3A_553 = arith.addf %add3A_551, %add3A_552 : vector<16xf32>
      %add3A_554 = arith.addf %scan3A_549#1, %scan3A_549#3 : vector<16xf32>
      %add3A_555 = arith.addf %scan3A_549#5, %scan3A_549#7 : vector<16xf32>
      %add3A_556 = arith.addf %add3A_554, %add3A_555 : vector<16xf32>
      %mul3A_557 = arith.mulf %add3A_553, %broadcast_in_dim3A_483 : vector<16xf32>
      %mul3A_558 = arith.constant 8 : i32
      %mul3A_559 = arith.muli %add3A_263, %mul3A_558 : i32
      %add3A_560 = arith.constant 2 : i32
      %add3A_561 = arith.addi %mul3A_559, %add3A_560 : i32
      %swap3A_562 = arith.index_cast %add3A_561 : i32 to index
      %swap3A_563 = arith.constant 0 : index
      %swap3A_564 = tpu.vector_load %arg7[%swap3A_562, %swap3A_563] {strides = array<i32>} : memref<512x32xf32, #tpu.memory_space<vmem>>, vector<16xf32>,
      tpu.vector_store %arg7[%swap3A_562, %swap3A_563], %mul3A_557 {strides = array<i32>} : memref<512x32xf32, #tpu.memory_space<vmem>>, vector<16xf32>,
      %mul3A_565 = arith.mulf %add3A_556, %broadcast_in_dim3A_483 : vector<16xf32>
      %mul3A_566 = arith.constant 8 : i32
      %mul3A_567 = arith.muli %add3A_263, %mul3A_566 : i32
      %add3A_568 = arith.constant 2 : i32
      %add3A_569 = arith.addi %mul3A_567, %add3A_568 : i32
      %swap3A_570 = arith.index_cast %add3A_569 : i32 to index
      %swap3A_571 = arith.constant 16 : index
      %swap3A_572 = tpu.vector_load %arg7[%swap3A_570, %swap3A_571] {strides = array<i32>} : memref<512x32xf32, #tpu.memory_space<vmem>>, vector<16xf32>,
      tpu.vector_store %arg7[%swap3A_570, %swap3A_571], %mul3A_565 {strides = array<i32>} : memref<512x32xf32, #tpu.memory_space<vmem>>, vector<16xf32>,
      %broadcast_in_dim3A_573 = arith.constant 0.000000e+00 : f32
      %broadcast_in_dim3A_574 = vector.broadcast %broadcast_in_dim3A_573 : f32 to vector<16xf32>
      %scan3A_575 = arith.constant 0 : i32
      %scan3A_576 = arith.constant 25 : i32
      %scan3A_577 = arith.addi %scan3A_575, %scan3A_576 : i32
      %scan3A_578 = arith.constant 1 : i32
      %scan3A_579:8 = scf.for %scan3A_1191 = %scan3A_575 to %scan3A_577 step %scan3A_578 iter_args(%scan3A_1192 = %broadcast_in_dim3A_574, %scan3A_1193 = %broadcast_in_dim3A_574, %scan3A_1194 = %broadcast_in_dim3A_574, %scan3A_1195 = %broadcast_in_dim3A_574, %scan3A_1196 = %broadcast_in_dim3A_574, %scan3A_1197 = %broadcast_in_dim3A_574, %scan3A_1198 = %broadcast_in_dim3A_574, %scan3A_1199 = %broadcast_in_dim3A_574) -> (vector<16xf32>, vector<16xf32>, vector<16xf32>, vector<16xf32>, vector<16xf32>, vector<16xf32>, vector<16xf32>, vector<16xf32>)  : i32 {
        %mul3A_1200 = arith.constant 8 : i32
        %mul3A_1201 = arith.muli %scan3A_1191, %mul3A_1200 : i32
        %add3A_1202 = arith.constant 600 : i32
        %add3A_1203 = arith.addi %add3A_1202, %mul3A_1201 : i32
        %add3A_1204 = arith.constant 0 : i32
        %add3A_1205 = arith.addi %add3A_1203, %add3A_1204 : i32
        %get3A = arith.constant 0 : i32
        %get3A_1206 = arith.index_cast %get3A : i32 to index
        %get3A_1207 = arith.index_cast %add3A_1205 : i32 to index
        %get3A_1208 = arith.constant 0 : index
        %get3A_1209 = tpu.vector_load %arg6[%get3A_1206, %get3A_1207, %get3A_1208] {strides = array<i32>} : memref<2x1600x32xf32, #tpu.memory_space<vmem>>, vector<16xf32>,
        %add3A_1210 = arith.addf %scan3A_1192, %get3A_1209 : vector<16xf32>
        %add3A_1211 = arith.constant 0 : i32
        %add3A_1212 = arith.addi %add3A_1203, %add3A_1211 : i32
        %get3A_1213 = arith.constant 0 : i32
        %get3A_1214 = arith.index_cast %get3A_1213 : i32 to index
        %get3A_1215 = arith.index_cast %add3A_1212 : i32 to index
        %get3A_1216 = arith.constant 16 : index
        %get3A_1217 = tpu.vector_load %arg6[%get3A_1214, %get3A_1215, %get3A_1216] {strides = array<i32>} : memref<2x1600x32xf32, #tpu.memory_space<vmem>>, vector<16xf32>,
        %add3A_1218 = arith.addf %scan3A_1193, %get3A_1217 : vector<16xf32>
        %add3A_1219 = arith.constant 1 : i32
        %add3A_1220 = arith.addi %add3A_1203, %add3A_1219 : i32
        %get3A_1221 = arith.constant 0 : i32
        %get3A_1222 = arith.index_cast %get3A_1221 : i32 to index
        %get3A_1223 = arith.index_cast %add3A_1220 : i32 to index
        %get3A_1224 = arith.constant 0 : index
        %get3A_1225 = tpu.vector_load %arg6[%get3A_1222, %get3A_1223, %get3A_1224] {strides = array<i32>} : memref<2x1600x32xf32, #tpu.memory_space<vmem>>, vector<16xf32>,
        %add3A_1226 = arith.addf %scan3A_1194, %get3A_1225 : vector<16xf32>
        %add3A_1227 = arith.constant 1 : i32
        %add3A_1228 = arith.addi %add3A_1203, %add3A_1227 : i32
        %get3A_1229 = arith.constant 0 : i32
        %get3A_1230 = arith.index_cast %get3A_1229 : i32 to index
        %get3A_1231 = arith.index_cast %add3A_1228 : i32 to index
        %get3A_1232 = arith.constant 16 : index
        %get3A_1233 = tpu.vector_load %arg6[%get3A_1230, %get3A_1231, %get3A_1232] {strides = array<i32>} : memref<2x1600x32xf32, #tpu.memory_space<vmem>>, vector<16xf32>,
        %add3A_1234 = arith.addf %scan3A_1195, %get3A_1233 : vector<16xf32>
        %add3A_1235 = arith.constant 2 : i32
        %add3A_1236 = arith.addi %add3A_1203, %add3A_1235 : i32
        %get3A_1237 = arith.constant 0 : i32
        %get3A_1238 = arith.index_cast %get3A_1237 : i32 to index
        %get3A_1239 = arith.index_cast %add3A_1236 : i32 to index
        %get3A_1240 = arith.constant 0 : index
        %get3A_1241 = tpu.vector_load %arg6[%get3A_1238, %get3A_1239, %get3A_1240] {strides = array<i32>} : memref<2x1600x32xf32, #tpu.memory_space<vmem>>, vector<16xf32>,
        %add3A_1242 = arith.addf %scan3A_1196, %get3A_1241 : vector<16xf32>
        %add3A_1243 = arith.constant 2 : i32
        %add3A_1244 = arith.addi %add3A_1203, %add3A_1243 : i32
        %get3A_1245 = arith.constant 0 : i32
        %get3A_1246 = arith.index_cast %get3A_1245 : i32 to index
        %get3A_1247 = arith.index_cast %add3A_1244 : i32 to index
        %get3A_1248 = arith.constant 16 : index
        %get3A_1249 = tpu.vector_load %arg6[%get3A_1246, %get3A_1247, %get3A_1248] {strides = array<i32>} : memref<2x1600x32xf32, #tpu.memory_space<vmem>>, vector<16xf32>,
        %add3A_1250 = arith.addf %scan3A_1197, %get3A_1249 : vector<16xf32>
        %add3A_1251 = arith.constant 3 : i32
        %add3A_1252 = arith.addi %add3A_1203, %add3A_1251 : i32
        %get3A_1253 = arith.constant 0 : i32
        %get3A_1254 = arith.index_cast %get3A_1253 : i32 to index
        %get3A_1255 = arith.index_cast %add3A_1252 : i32 to index
        %get3A_1256 = arith.constant 0 : index
        %get3A_1257 = tpu.vector_load %arg6[%get3A_1254, %get3A_1255, %get3A_1256] {strides = array<i32>} : memref<2x1600x32xf32, #tpu.memory_space<vmem>>, vector<16xf32>,
        %add3A_1258 = arith.addf %scan3A_1198, %get3A_1257 : vector<16xf32>
        %add3A_1259 = arith.constant 3 : i32
        %add3A_1260 = arith.addi %add3A_1203, %add3A_1259 : i32
        %get3A_1261 = arith.constant 0 : i32
        %get3A_1262 = arith.index_cast %get3A_1261 : i32 to index
        %get3A_1263 = arith.index_cast %add3A_1260 : i32 to index
        %get3A_1264 = arith.constant 16 : index
        %get3A_1265 = tpu.vector_load %arg6[%get3A_1262, %get3A_1263, %get3A_1264] {strides = array<i32>} : memref<2x1600x32xf32, #tpu.memory_space<vmem>>, vector<16xf32>,
        %add3A_1266 = arith.addf %scan3A_1199, %get3A_1265 : vector<16xf32>
        %add3A_1267 = arith.constant 4 : i32
        %add3A_1268 = arith.addi %add3A_1203, %add3A_1267 : i32
        %get3A_1269 = arith.constant 0 : i32
        %get3A_1270 = arith.index_cast %get3A_1269 : i32 to index
        %get3A_1271 = arith.index_cast %add3A_1268 : i32 to index
        %get3A_1272 = arith.constant 0 : index
        %get3A_1273 = tpu.vector_load %arg6[%get3A_1270, %get3A_1271, %get3A_1272] {strides = array<i32>} : memref<2x1600x32xf32, #tpu.memory_space<vmem>>, vector<16xf32>,
        %add3A_1274 = arith.addf %add3A_1210, %get3A_1273 : vector<16xf32>
        %add3A_1275 = arith.constant 4 : i32
        %add3A_1276 = arith.addi %add3A_1203, %add3A_1275 : i32
        %get3A_1277 = arith.constant 0 : i32
        %get3A_1278 = arith.index_cast %get3A_1277 : i32 to index
        %get3A_1279 = arith.index_cast %add3A_1276 : i32 to index
        %get3A_1280 = arith.constant 16 : index
        %get3A_1281 = tpu.vector_load %arg6[%get3A_1278, %get3A_1279, %get3A_1280] {strides = array<i32>} : memref<2x1600x32xf32, #tpu.memory_space<vmem>>, vector<16xf32>,
        %add3A_1282 = arith.addf %add3A_1218, %get3A_1281 : vector<16xf32>
        %add3A_1283 = arith.constant 5 : i32
        %add3A_1284 = arith.addi %add3A_1203, %add3A_1283 : i32
        %get3A_1285 = arith.constant 0 : i32
        %get3A_1286 = arith.index_cast %get3A_1285 : i32 to index
        %get3A_1287 = arith.index_cast %add3A_1284 : i32 to index
        %get3A_1288 = arith.constant 0 : index
        %get3A_1289 = tpu.vector_load %arg6[%get3A_1286, %get3A_1287, %get3A_1288] {strides = array<i32>} : memref<2x1600x32xf32, #tpu.memory_space<vmem>>, vector<16xf32>,
        %add3A_1290 = arith.addf %add3A_1226, %get3A_1289 : vector<16xf32>
        %add3A_1291 = arith.constant 5 : i32
        %add3A_1292 = arith.addi %add3A_1203, %add3A_1291 : i32
        %get3A_1293 = arith.constant 0 : i32
        %get3A_1294 = arith.index_cast %get3A_1293 : i32 to index
        %get3A_1295 = arith.index_cast %add3A_1292 : i32 to index
        %get3A_1296 = arith.constant 16 : index
        %get3A_1297 = tpu.vector_load %arg6[%get3A_1294, %get3A_1295, %get3A_1296] {strides = array<i32>} : memref<2x1600x32xf32, #tpu.memory_space<vmem>>, vector<16xf32>,
        %add3A_1298 = arith.addf %add3A_1234, %get3A_1297 : vector<16xf32>
        %add3A_1299 = arith.constant 6 : i32
        %add3A_1300 = arith.addi %add3A_1203, %add3A_1299 : i32
        %get3A_1301 = arith.constant 0 : i32
        %get3A_1302 = arith.index_cast %get3A_1301 : i32 to index
        %get3A_1303 = arith.index_cast %add3A_1300 : i32 to index
        %get3A_1304 = arith.constant 0 : index
        %get3A_1305 = tpu.vector_load %arg6[%get3A_1302, %get3A_1303, %get3A_1304] {strides = array<i32>} : memref<2x1600x32xf32, #tpu.memory_space<vmem>>, vector<16xf32>,
        %add3A_1306 = arith.addf %add3A_1242, %get3A_1305 : vector<16xf32>
        %add3A_1307 = arith.constant 6 : i32
        %add3A_1308 = arith.addi %add3A_1203, %add3A_1307 : i32
        %get3A_1309 = arith.constant 0 : i32
        %get3A_1310 = arith.index_cast %get3A_1309 : i32 to index
        %get3A_1311 = arith.index_cast %add3A_1308 : i32 to index
        %get3A_1312 = arith.constant 16 : index
        %get3A_1313 = tpu.vector_load %arg6[%get3A_1310, %get3A_1311, %get3A_1312] {strides = array<i32>} : memref<2x1600x32xf32, #tpu.memory_space<vmem>>, vector<16xf32>,
        %add3A_1314 = arith.addf %add3A_1250, %get3A_1313 : vector<16xf32>
        %add3A_1315 = arith.constant 7 : i32
        %add3A_1316 = arith.addi %add3A_1203, %add3A_1315 : i32
        %get3A_1317 = arith.constant 0 : i32
        %get3A_1318 = arith.index_cast %get3A_1317 : i32 to index
        %get3A_1319 = arith.index_cast %add3A_1316 : i32 to index
        %get3A_1320 = arith.constant 0 : index
        %get3A_1321 = tpu.vector_load %arg6[%get3A_1318, %get3A_1319, %get3A_1320] {strides = array<i32>} : memref<2x1600x32xf32, #tpu.memory_space<vmem>>, vector<16xf32>,
        %add3A_1322 = arith.addf %add3A_1258, %get3A_1321 : vector<16xf32>
        %add3A_1323 = arith.constant 7 : i32
        %add3A_1324 = arith.addi %add3A_1203, %add3A_1323 : i32
        %get3A_1325 = arith.constant 0 : i32
        %get3A_1326 = arith.index_cast %get3A_1325 : i32 to index
        %get3A_1327 = arith.index_cast %add3A_1324 : i32 to index
        %get3A_1328 = arith.constant 16 : index
        %get3A_1329 = tpu.vector_load %arg6[%get3A_1326, %get3A_1327, %get3A_1328] {strides = array<i32>} : memref<2x1600x32xf32, #tpu.memory_space<vmem>>, vector<16xf32>,
        %add3A_1330 = arith.addf %add3A_1266, %get3A_1329 : vector<16xf32>
        scf.yield %add3A_1274, %add3A_1282, %add3A_1290, %add3A_1298, %add3A_1306, %add3A_1314, %add3A_1322, %add3A_1330 : vector<16xf32>, vector<16xf32>, vector<16xf32>, vector<16xf32>, vector<16xf32>, vector<16xf32>, vector<16xf32>, vector<16xf32>
      }
      %scan3A_580 = arith.constant 25 : i32
      %add3A_581 = arith.addf %scan3A_579#0, %scan3A_579#2 : vector<16xf32>
      %add3A_582 = arith.addf %scan3A_579#4, %scan3A_579#6 : vector<16xf32>
      %add3A_583 = arith.addf %add3A_581, %add3A_582 : vector<16xf32>
      %add3A_584 = arith.addf %scan3A_579#1, %scan3A_579#3 : vector<16xf32>
      %add3A_585 = arith.addf %scan3A_579#5, %scan3A_579#7 : vector<16xf32>
      %add3A_586 = arith.addf %add3A_584, %add3A_585 : vector<16xf32>
      %mul3A_587 = arith.mulf %add3A_583, %broadcast_in_dim3A_483 : vector<16xf32>
      %mul3A_588 = arith.constant 8 : i32
      %mul3A_589 = arith.muli %add3A_263, %mul3A_588 : i32
      %add3A_590 = arith.constant 3 : i32
      %add3A_591 = arith.addi %mul3A_589, %add3A_590 : i32
      %swap3A_592 = arith.index_cast %add3A_591 : i32 to index
      %swap3A_593 = arith.constant 0 : index
      %swap3A_594 = tpu.vector_load %arg7[%swap3A_592, %swap3A_593] {strides = array<i32>} : memref<512x32xf32, #tpu.memory_space<vmem>>, vector<16xf32>,
      tpu.vector_store %arg7[%swap3A_592, %swap3A_593], %mul3A_587 {strides = array<i32>} : memref<512x32xf32, #tpu.memory_space<vmem>>, vector<16xf32>,
      %mul3A_595 = arith.mulf %add3A_586, %broadcast_in_dim3A_483 : vector<16xf32>
      %mul3A_596 = arith.constant 8 : i32
      %mul3A_597 = arith.muli %add3A_263, %mul3A_596 : i32
      %add3A_598 = arith.constant 3 : i32
      %add3A_599 = arith.addi %mul3A_597, %add3A_598 : i32
      %swap3A_600 = arith.index_cast %add3A_599 : i32 to index
      %swap3A_601 = arith.constant 16 : index
      %swap3A_602 = tpu.vector_load %arg7[%swap3A_600, %swap3A_601] {strides = array<i32>} : memref<512x32xf32, #tpu.memory_space<vmem>>, vector<16xf32>,
      tpu.vector_store %arg7[%swap3A_600, %swap3A_601], %mul3A_595 {strides = array<i32>} : memref<512x32xf32, #tpu.memory_space<vmem>>, vector<16xf32>,
      %broadcast_in_dim3A_603 = arith.constant 0.000000e+00 : f32
      %broadcast_in_dim3A_604 = vector.broadcast %broadcast_in_dim3A_603 : f32 to vector<16xf32>
      %scan3A_605 = arith.constant 0 : i32
      %scan3A_606 = arith.constant 25 : i32
      %scan3A_607 = arith.addi %scan3A_605, %scan3A_606 : i32
      %scan3A_608 = arith.constant 1 : i32
      %scan3A_609:8 = scf.for %scan3A_1191 = %scan3A_605 to %scan3A_607 step %scan3A_608 iter_args(%scan3A_1192 = %broadcast_in_dim3A_604, %scan3A_1193 = %broadcast_in_dim3A_604, %scan3A_1194 = %broadcast_in_dim3A_604, %scan3A_1195 = %broadcast_in_dim3A_604, %scan3A_1196 = %broadcast_in_dim3A_604, %scan3A_1197 = %broadcast_in_dim3A_604, %scan3A_1198 = %broadcast_in_dim3A_604, %scan3A_1199 = %broadcast_in_dim3A_604) -> (vector<16xf32>, vector<16xf32>, vector<16xf32>, vector<16xf32>, vector<16xf32>, vector<16xf32>, vector<16xf32>, vector<16xf32>)  : i32 {
        %mul3A_1200 = arith.constant 8 : i32
        %mul3A_1201 = arith.muli %scan3A_1191, %mul3A_1200 : i32
        %add3A_1202 = arith.constant 800 : i32
        %add3A_1203 = arith.addi %add3A_1202, %mul3A_1201 : i32
        %add3A_1204 = arith.constant 0 : i32
        %add3A_1205 = arith.addi %add3A_1203, %add3A_1204 : i32
        %get3A = arith.constant 0 : i32
        %get3A_1206 = arith.index_cast %get3A : i32 to index
        %get3A_1207 = arith.index_cast %add3A_1205 : i32 to index
        %get3A_1208 = arith.constant 0 : index
        %get3A_1209 = tpu.vector_load %arg6[%get3A_1206, %get3A_1207, %get3A_1208] {strides = array<i32>} : memref<2x1600x32xf32, #tpu.memory_space<vmem>>, vector<16xf32>,
        %add3A_1210 = arith.addf %scan3A_1192, %get3A_1209 : vector<16xf32>
        %add3A_1211 = arith.constant 0 : i32
        %add3A_1212 = arith.addi %add3A_1203, %add3A_1211 : i32
        %get3A_1213 = arith.constant 0 : i32
        %get3A_1214 = arith.index_cast %get3A_1213 : i32 to index
        %get3A_1215 = arith.index_cast %add3A_1212 : i32 to index
        %get3A_1216 = arith.constant 16 : index
        %get3A_1217 = tpu.vector_load %arg6[%get3A_1214, %get3A_1215, %get3A_1216] {strides = array<i32>} : memref<2x1600x32xf32, #tpu.memory_space<vmem>>, vector<16xf32>,
        %add3A_1218 = arith.addf %scan3A_1193, %get3A_1217 : vector<16xf32>
        %add3A_1219 = arith.constant 1 : i32
        %add3A_1220 = arith.addi %add3A_1203, %add3A_1219 : i32
        %get3A_1221 = arith.constant 0 : i32
        %get3A_1222 = arith.index_cast %get3A_1221 : i32 to index
        %get3A_1223 = arith.index_cast %add3A_1220 : i32 to index
        %get3A_1224 = arith.constant 0 : index
        %get3A_1225 = tpu.vector_load %arg6[%get3A_1222, %get3A_1223, %get3A_1224] {strides = array<i32>} : memref<2x1600x32xf32, #tpu.memory_space<vmem>>, vector<16xf32>,
        %add3A_1226 = arith.addf %scan3A_1194, %get3A_1225 : vector<16xf32>
        %add3A_1227 = arith.constant 1 : i32
        %add3A_1228 = arith.addi %add3A_1203, %add3A_1227 : i32
        %get3A_1229 = arith.constant 0 : i32
        %get3A_1230 = arith.index_cast %get3A_1229 : i32 to index
        %get3A_1231 = arith.index_cast %add3A_1228 : i32 to index
        %get3A_1232 = arith.constant 16 : index
        %get3A_1233 = tpu.vector_load %arg6[%get3A_1230, %get3A_1231, %get3A_1232] {strides = array<i32>} : memref<2x1600x32xf32, #tpu.memory_space<vmem>>, vector<16xf32>,
        %add3A_1234 = arith.addf %scan3A_1195, %get3A_1233 : vector<16xf32>
        %add3A_1235 = arith.constant 2 : i32
        %add3A_1236 = arith.addi %add3A_1203, %add3A_1235 : i32
        %get3A_1237 = arith.constant 0 : i32
        %get3A_1238 = arith.index_cast %get3A_1237 : i32 to index
        %get3A_1239 = arith.index_cast %add3A_1236 : i32 to index
        %get3A_1240 = arith.constant 0 : index
        %get3A_1241 = tpu.vector_load %arg6[%get3A_1238, %get3A_1239, %get3A_1240] {strides = array<i32>} : memref<2x1600x32xf32, #tpu.memory_space<vmem>>, vector<16xf32>,
        %add3A_1242 = arith.addf %scan3A_1196, %get3A_1241 : vector<16xf32>
        %add3A_1243 = arith.constant 2 : i32
        %add3A_1244 = arith.addi %add3A_1203, %add3A_1243 : i32
        %get3A_1245 = arith.constant 0 : i32
        %get3A_1246 = arith.index_cast %get3A_1245 : i32 to index
        %get3A_1247 = arith.index_cast %add3A_1244 : i32 to index
        %get3A_1248 = arith.constant 16 : index
        %get3A_1249 = tpu.vector_load %arg6[%get3A_1246, %get3A_1247, %get3A_1248] {strides = array<i32>} : memref<2x1600x32xf32, #tpu.memory_space<vmem>>, vector<16xf32>,
        %add3A_1250 = arith.addf %scan3A_1197, %get3A_1249 : vector<16xf32>
        %add3A_1251 = arith.constant 3 : i32
        %add3A_1252 = arith.addi %add3A_1203, %add3A_1251 : i32
        %get3A_1253 = arith.constant 0 : i32
        %get3A_1254 = arith.index_cast %get3A_1253 : i32 to index
        %get3A_1255 = arith.index_cast %add3A_1252 : i32 to index
        %get3A_1256 = arith.constant 0 : index
        %get3A_1257 = tpu.vector_load %arg6[%get3A_1254, %get3A_1255, %get3A_1256] {strides = array<i32>} : memref<2x1600x32xf32, #tpu.memory_space<vmem>>, vector<16xf32>,
        %add3A_1258 = arith.addf %scan3A_1198, %get3A_1257 : vector<16xf32>
        %add3A_1259 = arith.constant 3 : i32
        %add3A_1260 = arith.addi %add3A_1203, %add3A_1259 : i32
        %get3A_1261 = arith.constant 0 : i32
        %get3A_1262 = arith.index_cast %get3A_1261 : i32 to index
        %get3A_1263 = arith.index_cast %add3A_1260 : i32 to index
        %get3A_1264 = arith.constant 16 : index
        %get3A_1265 = tpu.vector_load %arg6[%get3A_1262, %get3A_1263, %get3A_1264] {strides = array<i32>} : memref<2x1600x32xf32, #tpu.memory_space<vmem>>, vector<16xf32>,
        %add3A_1266 = arith.addf %scan3A_1199, %get3A_1265 : vector<16xf32>
        %add3A_1267 = arith.constant 4 : i32
        %add3A_1268 = arith.addi %add3A_1203, %add3A_1267 : i32
        %get3A_1269 = arith.constant 0 : i32
        %get3A_1270 = arith.index_cast %get3A_1269 : i32 to index
        %get3A_1271 = arith.index_cast %add3A_1268 : i32 to index
        %get3A_1272 = arith.constant 0 : index
        %get3A_1273 = tpu.vector_load %arg6[%get3A_1270, %get3A_1271, %get3A_1272] {strides = array<i32>} : memref<2x1600x32xf32, #tpu.memory_space<vmem>>, vector<16xf32>,
        %add3A_1274 = arith.addf %add3A_1210, %get3A_1273 : vector<16xf32>
        %add3A_1275 = arith.constant 4 : i32
        %add3A_1276 = arith.addi %add3A_1203, %add3A_1275 : i32
        %get3A_1277 = arith.constant 0 : i32
        %get3A_1278 = arith.index_cast %get3A_1277 : i32 to index
        %get3A_1279 = arith.index_cast %add3A_1276 : i32 to index
        %get3A_1280 = arith.constant 16 : index
        %get3A_1281 = tpu.vector_load %arg6[%get3A_1278, %get3A_1279, %get3A_1280] {strides = array<i32>} : memref<2x1600x32xf32, #tpu.memory_space<vmem>>, vector<16xf32>,
        %add3A_1282 = arith.addf %add3A_1218, %get3A_1281 : vector<16xf32>
        %add3A_1283 = arith.constant 5 : i32
        %add3A_1284 = arith.addi %add3A_1203, %add3A_1283 : i32
        %get3A_1285 = arith.constant 0 : i32
        %get3A_1286 = arith.index_cast %get3A_1285 : i32 to index
        %get3A_1287 = arith.index_cast %add3A_1284 : i32 to index
        %get3A_1288 = arith.constant 0 : index
        %get3A_1289 = tpu.vector_load %arg6[%get3A_1286, %get3A_1287, %get3A_1288] {strides = array<i32>} : memref<2x1600x32xf32, #tpu.memory_space<vmem>>, vector<16xf32>,
        %add3A_1290 = arith.addf %add3A_1226, %get3A_1289 : vector<16xf32>
        %add3A_1291 = arith.constant 5 : i32
        %add3A_1292 = arith.addi %add3A_1203, %add3A_1291 : i32
        %get3A_1293 = arith.constant 0 : i32
        %get3A_1294 = arith.index_cast %get3A_1293 : i32 to index
        %get3A_1295 = arith.index_cast %add3A_1292 : i32 to index
        %get3A_1296 = arith.constant 16 : index
        %get3A_1297 = tpu.vector_load %arg6[%get3A_1294, %get3A_1295, %get3A_1296] {strides = array<i32>} : memref<2x1600x32xf32, #tpu.memory_space<vmem>>, vector<16xf32>,
        %add3A_1298 = arith.addf %add3A_1234, %get3A_1297 : vector<16xf32>
        %add3A_1299 = arith.constant 6 : i32
        %add3A_1300 = arith.addi %add3A_1203, %add3A_1299 : i32
        %get3A_1301 = arith.constant 0 : i32
        %get3A_1302 = arith.index_cast %get3A_1301 : i32 to index
        %get3A_1303 = arith.index_cast %add3A_1300 : i32 to index
        %get3A_1304 = arith.constant 0 : index
        %get3A_1305 = tpu.vector_load %arg6[%get3A_1302, %get3A_1303, %get3A_1304] {strides = array<i32>} : memref<2x1600x32xf32, #tpu.memory_space<vmem>>, vector<16xf32>,
        %add3A_1306 = arith.addf %add3A_1242, %get3A_1305 : vector<16xf32>
        %add3A_1307 = arith.constant 6 : i32
        %add3A_1308 = arith.addi %add3A_1203, %add3A_1307 : i32
        %get3A_1309 = arith.constant 0 : i32
        %get3A_1310 = arith.index_cast %get3A_1309 : i32 to index
        %get3A_1311 = arith.index_cast %add3A_1308 : i32 to index
        %get3A_1312 = arith.constant 16 : index
        %get3A_1313 = tpu.vector_load %arg6[%get3A_1310, %get3A_1311, %get3A_1312] {strides = array<i32>} : memref<2x1600x32xf32, #tpu.memory_space<vmem>>, vector<16xf32>,
        %add3A_1314 = arith.addf %add3A_1250, %get3A_1313 : vector<16xf32>
        %add3A_1315 = arith.constant 7 : i32
        %add3A_1316 = arith.addi %add3A_1203, %add3A_1315 : i32
        %get3A_1317 = arith.constant 0 : i32
        %get3A_1318 = arith.index_cast %get3A_1317 : i32 to index
        %get3A_1319 = arith.index_cast %add3A_1316 : i32 to index
        %get3A_1320 = arith.constant 0 : index
        %get3A_1321 = tpu.vector_load %arg6[%get3A_1318, %get3A_1319, %get3A_1320] {strides = array<i32>} : memref<2x1600x32xf32, #tpu.memory_space<vmem>>, vector<16xf32>,
        %add3A_1322 = arith.addf %add3A_1258, %get3A_1321 : vector<16xf32>
        %add3A_1323 = arith.constant 7 : i32
        %add3A_1324 = arith.addi %add3A_1203, %add3A_1323 : i32
        %get3A_1325 = arith.constant 0 : i32
        %get3A_1326 = arith.index_cast %get3A_1325 : i32 to index
        %get3A_1327 = arith.index_cast %add3A_1324 : i32 to index
        %get3A_1328 = arith.constant 16 : index
        %get3A_1329 = tpu.vector_load %arg6[%get3A_1326, %get3A_1327, %get3A_1328] {strides = array<i32>} : memref<2x1600x32xf32, #tpu.memory_space<vmem>>, vector<16xf32>,
        %add3A_1330 = arith.addf %add3A_1266, %get3A_1329 : vector<16xf32>
        scf.yield %add3A_1274, %add3A_1282, %add3A_1290, %add3A_1298, %add3A_1306, %add3A_1314, %add3A_1322, %add3A_1330 : vector<16xf32>, vector<16xf32>, vector<16xf32>, vector<16xf32>, vector<16xf32>, vector<16xf32>, vector<16xf32>, vector<16xf32>
      }
      %scan3A_610 = arith.constant 25 : i32
      %add3A_611 = arith.addf %scan3A_609#0, %scan3A_609#2 : vector<16xf32>
      %add3A_612 = arith.addf %scan3A_609#4, %scan3A_609#6 : vector<16xf32>
      %add3A_613 = arith.addf %add3A_611, %add3A_612 : vector<16xf32>
      %add3A_614 = arith.addf %scan3A_609#1, %scan3A_609#3 : vector<16xf32>
      %add3A_615 = arith.addf %scan3A_609#5, %scan3A_609#7 : vector<16xf32>
      %add3A_616 = arith.addf %add3A_614, %add3A_615 : vector<16xf32>
      %mul3A_617 = arith.mulf %add3A_613, %broadcast_in_dim3A_483 : vector<16xf32>
      %mul3A_618 = arith.constant 8 : i32
      %mul3A_619 = arith.muli %add3A_263, %mul3A_618 : i32
      %add3A_620 = arith.constant 4 : i32
      %add3A_621 = arith.addi %mul3A_619, %add3A_620 : i32
      %swap3A_622 = arith.index_cast %add3A_621 : i32 to index
      %swap3A_623 = arith.constant 0 : index
      %swap3A_624 = tpu.vector_load %arg7[%swap3A_622, %swap3A_623] {strides = array<i32>} : memref<512x32xf32, #tpu.memory_space<vmem>>, vector<16xf32>,
      tpu.vector_store %arg7[%swap3A_622, %swap3A_623], %mul3A_617 {strides = array<i32>} : memref<512x32xf32, #tpu.memory_space<vmem>>, vector<16xf32>,
      %mul3A_625 = arith.mulf %add3A_616, %broadcast_in_dim3A_483 : vector<16xf32>
      %mul3A_626 = arith.constant 8 : i32
      %mul3A_627 = arith.muli %add3A_263, %mul3A_626 : i32
      %add3A_628 = arith.constant 4 : i32
      %add3A_629 = arith.addi %mul3A_627, %add3A_628 : i32
      %swap3A_630 = arith.index_cast %add3A_629 : i32 to index
      %swap3A_631 = arith.constant 16 : index
      %swap3A_632 = tpu.vector_load %arg7[%swap3A_630, %swap3A_631] {strides = array<i32>} : memref<512x32xf32, #tpu.memory_space<vmem>>, vector<16xf32>,
      tpu.vector_store %arg7[%swap3A_630, %swap3A_631], %mul3A_625 {strides = array<i32>} : memref<512x32xf32, #tpu.memory_space<vmem>>, vector<16xf32>,
      %broadcast_in_dim3A_633 = arith.constant 0.000000e+00 : f32
      %broadcast_in_dim3A_634 = vector.broadcast %broadcast_in_dim3A_633 : f32 to vector<16xf32>
      %scan3A_635 = arith.constant 0 : i32
      %scan3A_636 = arith.constant 25 : i32
      %scan3A_637 = arith.addi %scan3A_635, %scan3A_636 : i32
      %scan3A_638 = arith.constant 1 : i32
      %scan3A_639:8 = scf.for %scan3A_1191 = %scan3A_635 to %scan3A_637 step %scan3A_638 iter_args(%scan3A_1192 = %broadcast_in_dim3A_634, %scan3A_1193 = %broadcast_in_dim3A_634, %scan3A_1194 = %broadcast_in_dim3A_634, %scan3A_1195 = %broadcast_in_dim3A_634, %scan3A_1196 = %broadcast_in_dim3A_634, %scan3A_1197 = %broadcast_in_dim3A_634, %scan3A_1198 = %broadcast_in_dim3A_634, %scan3A_1199 = %broadcast_in_dim3A_634) -> (vector<16xf32>, vector<16xf32>, vector<16xf32>, vector<16xf32>, vector<16xf32>, vector<16xf32>, vector<16xf32>, vector<16xf32>)  : i32 {
        %mul3A_1200 = arith.constant 8 : i32
        %mul3A_1201 = arith.muli %scan3A_1191, %mul3A_1200 : i32
        %add3A_1202 = arith.constant 1000 : i32
        %add3A_1203 = arith.addi %add3A_1202, %mul3A_1201 : i32
        %add3A_1204 = arith.constant 0 : i32
        %add3A_1205 = arith.addi %add3A_1203, %add3A_1204 : i32
        %get3A = arith.constant 0 : i32
        %get3A_1206 = arith.index_cast %get3A : i32 to index
        %get3A_1207 = arith.index_cast %add3A_1205 : i32 to index
        %get3A_1208 = arith.constant 0 : index
        %get3A_1209 = tpu.vector_load %arg6[%get3A_1206, %get3A_1207, %get3A_1208] {strides = array<i32>} : memref<2x1600x32xf32, #tpu.memory_space<vmem>>, vector<16xf32>,
        %add3A_1210 = arith.addf %scan3A_1192, %get3A_1209 : vector<16xf32>
        %add3A_1211 = arith.constant 0 : i32
        %add3A_1212 = arith.addi %add3A_1203, %add3A_1211 : i32
        %get3A_1213 = arith.constant 0 : i32
        %get3A_1214 = arith.index_cast %get3A_1213 : i32 to index
        %get3A_1215 = arith.index_cast %add3A_1212 : i32 to index
        %get3A_1216 = arith.constant 16 : index
        %get3A_1217 = tpu.vector_load %arg6[%get3A_1214, %get3A_1215, %get3A_1216] {strides = array<i32>} : memref<2x1600x32xf32, #tpu.memory_space<vmem>>, vector<16xf32>,
        %add3A_1218 = arith.addf %scan3A_1193, %get3A_1217 : vector<16xf32>
        %add3A_1219 = arith.constant 1 : i32
        %add3A_1220 = arith.addi %add3A_1203, %add3A_1219 : i32
        %get3A_1221 = arith.constant 0 : i32
        %get3A_1222 = arith.index_cast %get3A_1221 : i32 to index
        %get3A_1223 = arith.index_cast %add3A_1220 : i32 to index
        %get3A_1224 = arith.constant 0 : index
        %get3A_1225 = tpu.vector_load %arg6[%get3A_1222, %get3A_1223, %get3A_1224] {strides = array<i32>} : memref<2x1600x32xf32, #tpu.memory_space<vmem>>, vector<16xf32>,
        %add3A_1226 = arith.addf %scan3A_1194, %get3A_1225 : vector<16xf32>
        %add3A_1227 = arith.constant 1 : i32
        %add3A_1228 = arith.addi %add3A_1203, %add3A_1227 : i32
        %get3A_1229 = arith.constant 0 : i32
        %get3A_1230 = arith.index_cast %get3A_1229 : i32 to index
        %get3A_1231 = arith.index_cast %add3A_1228 : i32 to index
        %get3A_1232 = arith.constant 16 : index
        %get3A_1233 = tpu.vector_load %arg6[%get3A_1230, %get3A_1231, %get3A_1232] {strides = array<i32>} : memref<2x1600x32xf32, #tpu.memory_space<vmem>>, vector<16xf32>,
        %add3A_1234 = arith.addf %scan3A_1195, %get3A_1233 : vector<16xf32>
        %add3A_1235 = arith.constant 2 : i32
        %add3A_1236 = arith.addi %add3A_1203, %add3A_1235 : i32
        %get3A_1237 = arith.constant 0 : i32
        %get3A_1238 = arith.index_cast %get3A_1237 : i32 to index
        %get3A_1239 = arith.index_cast %add3A_1236 : i32 to index
        %get3A_1240 = arith.constant 0 : index
        %get3A_1241 = tpu.vector_load %arg6[%get3A_1238, %get3A_1239, %get3A_1240] {strides = array<i32>} : memref<2x1600x32xf32, #tpu.memory_space<vmem>>, vector<16xf32>,
        %add3A_1242 = arith.addf %scan3A_1196, %get3A_1241 : vector<16xf32>
        %add3A_1243 = arith.constant 2 : i32
        %add3A_1244 = arith.addi %add3A_1203, %add3A_1243 : i32
        %get3A_1245 = arith.constant 0 : i32
        %get3A_1246 = arith.index_cast %get3A_1245 : i32 to index
        %get3A_1247 = arith.index_cast %add3A_1244 : i32 to index
        %get3A_1248 = arith.constant 16 : index
        %get3A_1249 = tpu.vector_load %arg6[%get3A_1246, %get3A_1247, %get3A_1248] {strides = array<i32>} : memref<2x1600x32xf32, #tpu.memory_space<vmem>>, vector<16xf32>,
        %add3A_1250 = arith.addf %scan3A_1197, %get3A_1249 : vector<16xf32>
        %add3A_1251 = arith.constant 3 : i32
        %add3A_1252 = arith.addi %add3A_1203, %add3A_1251 : i32
        %get3A_1253 = arith.constant 0 : i32
        %get3A_1254 = arith.index_cast %get3A_1253 : i32 to index
        %get3A_1255 = arith.index_cast %add3A_1252 : i32 to index
        %get3A_1256 = arith.constant 0 : index
        %get3A_1257 = tpu.vector_load %arg6[%get3A_1254, %get3A_1255, %get3A_1256] {strides = array<i32>} : memref<2x1600x32xf32, #tpu.memory_space<vmem>>, vector<16xf32>,
        %add3A_1258 = arith.addf %scan3A_1198, %get3A_1257 : vector<16xf32>
        %add3A_1259 = arith.constant 3 : i32
        %add3A_1260 = arith.addi %add3A_1203, %add3A_1259 : i32
        %get3A_1261 = arith.constant 0 : i32
        %get3A_1262 = arith.index_cast %get3A_1261 : i32 to index
        %get3A_1263 = arith.index_cast %add3A_1260 : i32 to index
        %get3A_1264 = arith.constant 16 : index
        %get3A_1265 = tpu.vector_load %arg6[%get3A_1262, %get3A_1263, %get3A_1264] {strides = array<i32>} : memref<2x1600x32xf32, #tpu.memory_space<vmem>>, vector<16xf32>,
        %add3A_1266 = arith.addf %scan3A_1199, %get3A_1265 : vector<16xf32>
        %add3A_1267 = arith.constant 4 : i32
        %add3A_1268 = arith.addi %add3A_1203, %add3A_1267 : i32
        %get3A_1269 = arith.constant 0 : i32
        %get3A_1270 = arith.index_cast %get3A_1269 : i32 to index
        %get3A_1271 = arith.index_cast %add3A_1268 : i32 to index
        %get3A_1272 = arith.constant 0 : index
        %get3A_1273 = tpu.vector_load %arg6[%get3A_1270, %get3A_1271, %get3A_1272] {strides = array<i32>} : memref<2x1600x32xf32, #tpu.memory_space<vmem>>, vector<16xf32>,
        %add3A_1274 = arith.addf %add3A_1210, %get3A_1273 : vector<16xf32>
        %add3A_1275 = arith.constant 4 : i32
        %add3A_1276 = arith.addi %add3A_1203, %add3A_1275 : i32
        %get3A_1277 = arith.constant 0 : i32
        %get3A_1278 = arith.index_cast %get3A_1277 : i32 to index
        %get3A_1279 = arith.index_cast %add3A_1276 : i32 to index
        %get3A_1280 = arith.constant 16 : index
        %get3A_1281 = tpu.vector_load %arg6[%get3A_1278, %get3A_1279, %get3A_1280] {strides = array<i32>} : memref<2x1600x32xf32, #tpu.memory_space<vmem>>, vector<16xf32>,
        %add3A_1282 = arith.addf %add3A_1218, %get3A_1281 : vector<16xf32>
        %add3A_1283 = arith.constant 5 : i32
        %add3A_1284 = arith.addi %add3A_1203, %add3A_1283 : i32
        %get3A_1285 = arith.constant 0 : i32
        %get3A_1286 = arith.index_cast %get3A_1285 : i32 to index
        %get3A_1287 = arith.index_cast %add3A_1284 : i32 to index
        %get3A_1288 = arith.constant 0 : index
        %get3A_1289 = tpu.vector_load %arg6[%get3A_1286, %get3A_1287, %get3A_1288] {strides = array<i32>} : memref<2x1600x32xf32, #tpu.memory_space<vmem>>, vector<16xf32>,
        %add3A_1290 = arith.addf %add3A_1226, %get3A_1289 : vector<16xf32>
        %add3A_1291 = arith.constant 5 : i32
        %add3A_1292 = arith.addi %add3A_1203, %add3A_1291 : i32
        %get3A_1293 = arith.constant 0 : i32
        %get3A_1294 = arith.index_cast %get3A_1293 : i32 to index
        %get3A_1295 = arith.index_cast %add3A_1292 : i32 to index
        %get3A_1296 = arith.constant 16 : index
        %get3A_1297 = tpu.vector_load %arg6[%get3A_1294, %get3A_1295, %get3A_1296] {strides = array<i32>} : memref<2x1600x32xf32, #tpu.memory_space<vmem>>, vector<16xf32>,
        %add3A_1298 = arith.addf %add3A_1234, %get3A_1297 : vector<16xf32>
        %add3A_1299 = arith.constant 6 : i32
        %add3A_1300 = arith.addi %add3A_1203, %add3A_1299 : i32
        %get3A_1301 = arith.constant 0 : i32
        %get3A_1302 = arith.index_cast %get3A_1301 : i32 to index
        %get3A_1303 = arith.index_cast %add3A_1300 : i32 to index
        %get3A_1304 = arith.constant 0 : index
        %get3A_1305 = tpu.vector_load %arg6[%get3A_1302, %get3A_1303, %get3A_1304] {strides = array<i32>} : memref<2x1600x32xf32, #tpu.memory_space<vmem>>, vector<16xf32>,
        %add3A_1306 = arith.addf %add3A_1242, %get3A_1305 : vector<16xf32>
        %add3A_1307 = arith.constant 6 : i32
        %add3A_1308 = arith.addi %add3A_1203, %add3A_1307 : i32
        %get3A_1309 = arith.constant 0 : i32
        %get3A_1310 = arith.index_cast %get3A_1309 : i32 to index
        %get3A_1311 = arith.index_cast %add3A_1308 : i32 to index
        %get3A_1312 = arith.constant 16 : index
        %get3A_1313 = tpu.vector_load %arg6[%get3A_1310, %get3A_1311, %get3A_1312] {strides = array<i32>} : memref<2x1600x32xf32, #tpu.memory_space<vmem>>, vector<16xf32>,
        %add3A_1314 = arith.addf %add3A_1250, %get3A_1313 : vector<16xf32>
        %add3A_1315 = arith.constant 7 : i32
        %add3A_1316 = arith.addi %add3A_1203, %add3A_1315 : i32
        %get3A_1317 = arith.constant 0 : i32
        %get3A_1318 = arith.index_cast %get3A_1317 : i32 to index
        %get3A_1319 = arith.index_cast %add3A_1316 : i32 to index
        %get3A_1320 = arith.constant 0 : index
        %get3A_1321 = tpu.vector_load %arg6[%get3A_1318, %get3A_1319, %get3A_1320] {strides = array<i32>} : memref<2x1600x32xf32, #tpu.memory_space<vmem>>, vector<16xf32>,
        %add3A_1322 = arith.addf %add3A_1258, %get3A_1321 : vector<16xf32>
        %add3A_1323 = arith.constant 7 : i32
        %add3A_1324 = arith.addi %add3A_1203, %add3A_1323 : i32
        %get3A_1325 = arith.constant 0 : i32
        %get3A_1326 = arith.index_cast %get3A_1325 : i32 to index
        %get3A_1327 = arith.index_cast %add3A_1324 : i32 to index
        %get3A_1328 = arith.constant 16 : index
        %get3A_1329 = tpu.vector_load %arg6[%get3A_1326, %get3A_1327, %get3A_1328] {strides = array<i32>} : memref<2x1600x32xf32, #tpu.memory_space<vmem>>, vector<16xf32>,
        %add3A_1330 = arith.addf %add3A_1266, %get3A_1329 : vector<16xf32>
        scf.yield %add3A_1274, %add3A_1282, %add3A_1290, %add3A_1298, %add3A_1306, %add3A_1314, %add3A_1322, %add3A_1330 : vector<16xf32>, vector<16xf32>, vector<16xf32>, vector<16xf32>, vector<16xf32>, vector<16xf32>, vector<16xf32>, vector<16xf32>
      }
      %scan3A_640 = arith.constant 25 : i32
      %add3A_641 = arith.addf %scan3A_639#0, %scan3A_639#2 : vector<16xf32>
      %add3A_642 = arith.addf %scan3A_639#4, %scan3A_639#6 : vector<16xf32>
      %add3A_643 = arith.addf %add3A_641, %add3A_642 : vector<16xf32>
      %add3A_644 = arith.addf %scan3A_639#1, %scan3A_639#3 : vector<16xf32>
      %add3A_645 = arith.addf %scan3A_639#5, %scan3A_639#7 : vector<16xf32>
      %add3A_646 = arith.addf %add3A_644, %add3A_645 : vector<16xf32>
      %mul3A_647 = arith.mulf %add3A_643, %broadcast_in_dim3A_483 : vector<16xf32>
      %mul3A_648 = arith.constant 8 : i32
      %mul3A_649 = arith.muli %add3A_263, %mul3A_648 : i32
      %add3A_650 = arith.constant 5 : i32
      %add3A_651 = arith.addi %mul3A_649, %add3A_650 : i32
      %swap3A_652 = arith.index_cast %add3A_651 : i32 to index
      %swap3A_653 = arith.constant 0 : index
      %swap3A_654 = tpu.vector_load %arg7[%swap3A_652, %swap3A_653] {strides = array<i32>} : memref<512x32xf32, #tpu.memory_space<vmem>>, vector<16xf32>,
      tpu.vector_store %arg7[%swap3A_652, %swap3A_653], %mul3A_647 {strides = array<i32>} : memref<512x32xf32, #tpu.memory_space<vmem>>, vector<16xf32>,
      %mul3A_655 = arith.mulf %add3A_646, %broadcast_in_dim3A_483 : vector<16xf32>
      %mul3A_656 = arith.constant 8 : i32
      %mul3A_657 = arith.muli %add3A_263, %mul3A_656 : i32
      %add3A_658 = arith.constant 5 : i32
      %add3A_659 = arith.addi %mul3A_657, %add3A_658 : i32
      %swap3A_660 = arith.index_cast %add3A_659 : i32 to index
      %swap3A_661 = arith.constant 16 : index
      %swap3A_662 = tpu.vector_load %arg7[%swap3A_660, %swap3A_661] {strides = array<i32>} : memref<512x32xf32, #tpu.memory_space<vmem>>, vector<16xf32>,
      tpu.vector_store %arg7[%swap3A_660, %swap3A_661], %mul3A_655 {strides = array<i32>} : memref<512x32xf32, #tpu.memory_space<vmem>>, vector<16xf32>,
      %broadcast_in_dim3A_663 = arith.constant 0.000000e+00 : f32
      %broadcast_in_dim3A_664 = vector.broadcast %broadcast_in_dim3A_663 : f32 to vector<16xf32>
      %scan3A_665 = arith.constant 0 : i32
      %scan3A_666 = arith.constant 25 : i32
      %scan3A_667 = arith.addi %scan3A_665, %scan3A_666 : i32
      %scan3A_668 = arith.constant 1 : i32
      %scan3A_669:8 = scf.for %scan3A_1191 = %scan3A_665 to %scan3A_667 step %scan3A_668 iter_args(%scan3A_1192 = %broadcast_in_dim3A_664, %scan3A_1193 = %broadcast_in_dim3A_664, %scan3A_1194 = %broadcast_in_dim3A_664, %scan3A_1195 = %broadcast_in_dim3A_664, %scan3A_1196 = %broadcast_in_dim3A_664, %scan3A_1197 = %broadcast_in_dim3A_664, %scan3A_1198 = %broadcast_in_dim3A_664, %scan3A_1199 = %broadcast_in_dim3A_664) -> (vector<16xf32>, vector<16xf32>, vector<16xf32>, vector<16xf32>, vector<16xf32>, vector<16xf32>, vector<16xf32>, vector<16xf32>)  : i32 {
        %mul3A_1200 = arith.constant 8 : i32
        %mul3A_1201 = arith.muli %scan3A_1191, %mul3A_1200 : i32
        %add3A_1202 = arith.constant 1200 : i32
        %add3A_1203 = arith.addi %add3A_1202, %mul3A_1201 : i32
        %add3A_1204 = arith.constant 0 : i32
        %add3A_1205 = arith.addi %add3A_1203, %add3A_1204 : i32
        %get3A = arith.constant 0 : i32
        %get3A_1206 = arith.index_cast %get3A : i32 to index
        %get3A_1207 = arith.index_cast %add3A_1205 : i32 to index
        %get3A_1208 = arith.constant 0 : index
        %get3A_1209 = tpu.vector_load %arg6[%get3A_1206, %get3A_1207, %get3A_1208] {strides = array<i32>} : memref<2x1600x32xf32, #tpu.memory_space<vmem>>, vector<16xf32>,
        %add3A_1210 = arith.addf %scan3A_1192, %get3A_1209 : vector<16xf32>
        %add3A_1211 = arith.constant 0 : i32
        %add3A_1212 = arith.addi %add3A_1203, %add3A_1211 : i32
        %get3A_1213 = arith.constant 0 : i32
        %get3A_1214 = arith.index_cast %get3A_1213 : i32 to index
        %get3A_1215 = arith.index_cast %add3A_1212 : i32 to index
        %get3A_1216 = arith.constant 16 : index
        %get3A_1217 = tpu.vector_load %arg6[%get3A_1214, %get3A_1215, %get3A_1216] {strides = array<i32>} : memref<2x1600x32xf32, #tpu.memory_space<vmem>>, vector<16xf32>,
        %add3A_1218 = arith.addf %scan3A_1193, %get3A_1217 : vector<16xf32>
        %add3A_1219 = arith.constant 1 : i32
        %add3A_1220 = arith.addi %add3A_1203, %add3A_1219 : i32
        %get3A_1221 = arith.constant 0 : i32
        %get3A_1222 = arith.index_cast %get3A_1221 : i32 to index
        %get3A_1223 = arith.index_cast %add3A_1220 : i32 to index
        %get3A_1224 = arith.constant 0 : index
        %get3A_1225 = tpu.vector_load %arg6[%get3A_1222, %get3A_1223, %get3A_1224] {strides = array<i32>} : memref<2x1600x32xf32, #tpu.memory_space<vmem>>, vector<16xf32>,
        %add3A_1226 = arith.addf %scan3A_1194, %get3A_1225 : vector<16xf32>
        %add3A_1227 = arith.constant 1 : i32
        %add3A_1228 = arith.addi %add3A_1203, %add3A_1227 : i32
        %get3A_1229 = arith.constant 0 : i32
        %get3A_1230 = arith.index_cast %get3A_1229 : i32 to index
        %get3A_1231 = arith.index_cast %add3A_1228 : i32 to index
        %get3A_1232 = arith.constant 16 : index
        %get3A_1233 = tpu.vector_load %arg6[%get3A_1230, %get3A_1231, %get3A_1232] {strides = array<i32>} : memref<2x1600x32xf32, #tpu.memory_space<vmem>>, vector<16xf32>,
        %add3A_1234 = arith.addf %scan3A_1195, %get3A_1233 : vector<16xf32>
        %add3A_1235 = arith.constant 2 : i32
        %add3A_1236 = arith.addi %add3A_1203, %add3A_1235 : i32
        %get3A_1237 = arith.constant 0 : i32
        %get3A_1238 = arith.index_cast %get3A_1237 : i32 to index
        %get3A_1239 = arith.index_cast %add3A_1236 : i32 to index
        %get3A_1240 = arith.constant 0 : index
        %get3A_1241 = tpu.vector_load %arg6[%get3A_1238, %get3A_1239, %get3A_1240] {strides = array<i32>} : memref<2x1600x32xf32, #tpu.memory_space<vmem>>, vector<16xf32>,
        %add3A_1242 = arith.addf %scan3A_1196, %get3A_1241 : vector<16xf32>
        %add3A_1243 = arith.constant 2 : i32
        %add3A_1244 = arith.addi %add3A_1203, %add3A_1243 : i32
        %get3A_1245 = arith.constant 0 : i32
        %get3A_1246 = arith.index_cast %get3A_1245 : i32 to index
        %get3A_1247 = arith.index_cast %add3A_1244 : i32 to index
        %get3A_1248 = arith.constant 16 : index
        %get3A_1249 = tpu.vector_load %arg6[%get3A_1246, %get3A_1247, %get3A_1248] {strides = array<i32>} : memref<2x1600x32xf32, #tpu.memory_space<vmem>>, vector<16xf32>,
        %add3A_1250 = arith.addf %scan3A_1197, %get3A_1249 : vector<16xf32>
        %add3A_1251 = arith.constant 3 : i32
        %add3A_1252 = arith.addi %add3A_1203, %add3A_1251 : i32
        %get3A_1253 = arith.constant 0 : i32
        %get3A_1254 = arith.index_cast %get3A_1253 : i32 to index
        %get3A_1255 = arith.index_cast %add3A_1252 : i32 to index
        %get3A_1256 = arith.constant 0 : index
        %get3A_1257 = tpu.vector_load %arg6[%get3A_1254, %get3A_1255, %get3A_1256] {strides = array<i32>} : memref<2x1600x32xf32, #tpu.memory_space<vmem>>, vector<16xf32>,
        %add3A_1258 = arith.addf %scan3A_1198, %get3A_1257 : vector<16xf32>
        %add3A_1259 = arith.constant 3 : i32
        %add3A_1260 = arith.addi %add3A_1203, %add3A_1259 : i32
        %get3A_1261 = arith.constant 0 : i32
        %get3A_1262 = arith.index_cast %get3A_1261 : i32 to index
        %get3A_1263 = arith.index_cast %add3A_1260 : i32 to index
        %get3A_1264 = arith.constant 16 : index
        %get3A_1265 = tpu.vector_load %arg6[%get3A_1262, %get3A_1263, %get3A_1264] {strides = array<i32>} : memref<2x1600x32xf32, #tpu.memory_space<vmem>>, vector<16xf32>,
        %add3A_1266 = arith.addf %scan3A_1199, %get3A_1265 : vector<16xf32>
        %add3A_1267 = arith.constant 4 : i32
        %add3A_1268 = arith.addi %add3A_1203, %add3A_1267 : i32
        %get3A_1269 = arith.constant 0 : i32
        %get3A_1270 = arith.index_cast %get3A_1269 : i32 to index
        %get3A_1271 = arith.index_cast %add3A_1268 : i32 to index
        %get3A_1272 = arith.constant 0 : index
        %get3A_1273 = tpu.vector_load %arg6[%get3A_1270, %get3A_1271, %get3A_1272] {strides = array<i32>} : memref<2x1600x32xf32, #tpu.memory_space<vmem>>, vector<16xf32>,
        %add3A_1274 = arith.addf %add3A_1210, %get3A_1273 : vector<16xf32>
        %add3A_1275 = arith.constant 4 : i32
        %add3A_1276 = arith.addi %add3A_1203, %add3A_1275 : i32
        %get3A_1277 = arith.constant 0 : i32
        %get3A_1278 = arith.index_cast %get3A_1277 : i32 to index
        %get3A_1279 = arith.index_cast %add3A_1276 : i32 to index
        %get3A_1280 = arith.constant 16 : index
        %get3A_1281 = tpu.vector_load %arg6[%get3A_1278, %get3A_1279, %get3A_1280] {strides = array<i32>} : memref<2x1600x32xf32, #tpu.memory_space<vmem>>, vector<16xf32>,
        %add3A_1282 = arith.addf %add3A_1218, %get3A_1281 : vector<16xf32>
        %add3A_1283 = arith.constant 5 : i32
        %add3A_1284 = arith.addi %add3A_1203, %add3A_1283 : i32
        %get3A_1285 = arith.constant 0 : i32
        %get3A_1286 = arith.index_cast %get3A_1285 : i32 to index
        %get3A_1287 = arith.index_cast %add3A_1284 : i32 to index
        %get3A_1288 = arith.constant 0 : index
        %get3A_1289 = tpu.vector_load %arg6[%get3A_1286, %get3A_1287, %get3A_1288] {strides = array<i32>} : memref<2x1600x32xf32, #tpu.memory_space<vmem>>, vector<16xf32>,
        %add3A_1290 = arith.addf %add3A_1226, %get3A_1289 : vector<16xf32>
        %add3A_1291 = arith.constant 5 : i32
        %add3A_1292 = arith.addi %add3A_1203, %add3A_1291 : i32
        %get3A_1293 = arith.constant 0 : i32
        %get3A_1294 = arith.index_cast %get3A_1293 : i32 to index
        %get3A_1295 = arith.index_cast %add3A_1292 : i32 to index
        %get3A_1296 = arith.constant 16 : index
        %get3A_1297 = tpu.vector_load %arg6[%get3A_1294, %get3A_1295, %get3A_1296] {strides = array<i32>} : memref<2x1600x32xf32, #tpu.memory_space<vmem>>, vector<16xf32>,
        %add3A_1298 = arith.addf %add3A_1234, %get3A_1297 : vector<16xf32>
        %add3A_1299 = arith.constant 6 : i32
        %add3A_1300 = arith.addi %add3A_1203, %add3A_1299 : i32
        %get3A_1301 = arith.constant 0 : i32
        %get3A_1302 = arith.index_cast %get3A_1301 : i32 to index
        %get3A_1303 = arith.index_cast %add3A_1300 : i32 to index
        %get3A_1304 = arith.constant 0 : index
        %get3A_1305 = tpu.vector_load %arg6[%get3A_1302, %get3A_1303, %get3A_1304] {strides = array<i32>} : memref<2x1600x32xf32, #tpu.memory_space<vmem>>, vector<16xf32>,
        %add3A_1306 = arith.addf %add3A_1242, %get3A_1305 : vector<16xf32>
        %add3A_1307 = arith.constant 6 : i32
        %add3A_1308 = arith.addi %add3A_1203, %add3A_1307 : i32
        %get3A_1309 = arith.constant 0 : i32
        %get3A_1310 = arith.index_cast %get3A_1309 : i32 to index
        %get3A_1311 = arith.index_cast %add3A_1308 : i32 to index
        %get3A_1312 = arith.constant 16 : index
        %get3A_1313 = tpu.vector_load %arg6[%get3A_1310, %get3A_1311, %get3A_1312] {strides = array<i32>} : memref<2x1600x32xf32, #tpu.memory_space<vmem>>, vector<16xf32>,
        %add3A_1314 = arith.addf %add3A_1250, %get3A_1313 : vector<16xf32>
        %add3A_1315 = arith.constant 7 : i32
        %add3A_1316 = arith.addi %add3A_1203, %add3A_1315 : i32
        %get3A_1317 = arith.constant 0 : i32
        %get3A_1318 = arith.index_cast %get3A_1317 : i32 to index
        %get3A_1319 = arith.index_cast %add3A_1316 : i32 to index
        %get3A_1320 = arith.constant 0 : index
        %get3A_1321 = tpu.vector_load %arg6[%get3A_1318, %get3A_1319, %get3A_1320] {strides = array<i32>} : memref<2x1600x32xf32, #tpu.memory_space<vmem>>, vector<16xf32>,
        %add3A_1322 = arith.addf %add3A_1258, %get3A_1321 : vector<16xf32>
        %add3A_1323 = arith.constant 7 : i32
        %add3A_1324 = arith.addi %add3A_1203, %add3A_1323 : i32
        %get3A_1325 = arith.constant 0 : i32
        %get3A_1326 = arith.index_cast %get3A_1325 : i32 to index
        %get3A_1327 = arith.index_cast %add3A_1324 : i32 to index
        %get3A_1328 = arith.constant 16 : index
        %get3A_1329 = tpu.vector_load %arg6[%get3A_1326, %get3A_1327, %get3A_1328] {strides = array<i32>} : memref<2x1600x32xf32, #tpu.memory_space<vmem>>, vector<16xf32>,
        %add3A_1330 = arith.addf %add3A_1266, %get3A_1329 : vector<16xf32>
        scf.yield %add3A_1274, %add3A_1282, %add3A_1290, %add3A_1298, %add3A_1306, %add3A_1314, %add3A_1322, %add3A_1330 : vector<16xf32>, vector<16xf32>, vector<16xf32>, vector<16xf32>, vector<16xf32>, vector<16xf32>, vector<16xf32>, vector<16xf32>
      }
      %scan3A_670 = arith.constant 25 : i32
      %add3A_671 = arith.addf %scan3A_669#0, %scan3A_669#2 : vector<16xf32>
      %add3A_672 = arith.addf %scan3A_669#4, %scan3A_669#6 : vector<16xf32>
      %add3A_673 = arith.addf %add3A_671, %add3A_672 : vector<16xf32>
      %add3A_674 = arith.addf %scan3A_669#1, %scan3A_669#3 : vector<16xf32>
      %add3A_675 = arith.addf %scan3A_669#5, %scan3A_669#7 : vector<16xf32>
      %add3A_676 = arith.addf %add3A_674, %add3A_675 : vector<16xf32>
      %mul3A_677 = arith.mulf %add3A_673, %broadcast_in_dim3A_483 : vector<16xf32>
      %mul3A_678 = arith.constant 8 : i32
      %mul3A_679 = arith.muli %add3A_263, %mul3A_678 : i32
      %add3A_680 = arith.constant 6 : i32
      %add3A_681 = arith.addi %mul3A_679, %add3A_680 : i32
      %swap3A_682 = arith.index_cast %add3A_681 : i32 to index
      %swap3A_683 = arith.constant 0 : index
      %swap3A_684 = tpu.vector_load %arg7[%swap3A_682, %swap3A_683] {strides = array<i32>} : memref<512x32xf32, #tpu.memory_space<vmem>>, vector<16xf32>,
      tpu.vector_store %arg7[%swap3A_682, %swap3A_683], %mul3A_677 {strides = array<i32>} : memref<512x32xf32, #tpu.memory_space<vmem>>, vector<16xf32>,
      %mul3A_685 = arith.mulf %add3A_676, %broadcast_in_dim3A_483 : vector<16xf32>
      %mul3A_686 = arith.constant 8 : i32
      %mul3A_687 = arith.muli %add3A_263, %mul3A_686 : i32
      %add3A_688 = arith.constant 6 : i32
      %add3A_689 = arith.addi %mul3A_687, %add3A_688 : i32
      %swap3A_690 = arith.index_cast %add3A_689 : i32 to index
      %swap3A_691 = arith.constant 16 : index
      %swap3A_692 = tpu.vector_load %arg7[%swap3A_690, %swap3A_691] {strides = array<i32>} : memref<512x32xf32, #tpu.memory_space<vmem>>, vector<16xf32>,
      tpu.vector_store %arg7[%swap3A_690, %swap3A_691], %mul3A_685 {strides = array<i32>} : memref<512x32xf32, #tpu.memory_space<vmem>>, vector<16xf32>,
      %broadcast_in_dim3A_693 = arith.constant 0.000000e+00 : f32
      %broadcast_in_dim3A_694 = vector.broadcast %broadcast_in_dim3A_693 : f32 to vector<16xf32>
      %scan3A_695 = arith.constant 0 : i32
      %scan3A_696 = arith.constant 25 : i32
      %scan3A_697 = arith.addi %scan3A_695, %scan3A_696 : i32
      %scan3A_698 = arith.constant 1 : i32
      %scan3A_699:8 = scf.for %scan3A_1191 = %scan3A_695 to %scan3A_697 step %scan3A_698 iter_args(%scan3A_1192 = %broadcast_in_dim3A_694, %scan3A_1193 = %broadcast_in_dim3A_694, %scan3A_1194 = %broadcast_in_dim3A_694, %scan3A_1195 = %broadcast_in_dim3A_694, %scan3A_1196 = %broadcast_in_dim3A_694, %scan3A_1197 = %broadcast_in_dim3A_694, %scan3A_1198 = %broadcast_in_dim3A_694, %scan3A_1199 = %broadcast_in_dim3A_694) -> (vector<16xf32>, vector<16xf32>, vector<16xf32>, vector<16xf32>, vector<16xf32>, vector<16xf32>, vector<16xf32>, vector<16xf32>)  : i32 {
        %mul3A_1200 = arith.constant 8 : i32
        %mul3A_1201 = arith.muli %scan3A_1191, %mul3A_1200 : i32
        %add3A_1202 = arith.constant 1400 : i32
        %add3A_1203 = arith.addi %add3A_1202, %mul3A_1201 : i32
        %add3A_1204 = arith.constant 0 : i32
        %add3A_1205 = arith.addi %add3A_1203, %add3A_1204 : i32
        %get3A = arith.constant 0 : i32
        %get3A_1206 = arith.index_cast %get3A : i32 to index
        %get3A_1207 = arith.index_cast %add3A_1205 : i32 to index
        %get3A_1208 = arith.constant 0 : index
        %get3A_1209 = tpu.vector_load %arg6[%get3A_1206, %get3A_1207, %get3A_1208] {strides = array<i32>} : memref<2x1600x32xf32, #tpu.memory_space<vmem>>, vector<16xf32>,
        %add3A_1210 = arith.addf %scan3A_1192, %get3A_1209 : vector<16xf32>
        %add3A_1211 = arith.constant 0 : i32
        %add3A_1212 = arith.addi %add3A_1203, %add3A_1211 : i32
        %get3A_1213 = arith.constant 0 : i32
        %get3A_1214 = arith.index_cast %get3A_1213 : i32 to index
        %get3A_1215 = arith.index_cast %add3A_1212 : i32 to index
        %get3A_1216 = arith.constant 16 : index
        %get3A_1217 = tpu.vector_load %arg6[%get3A_1214, %get3A_1215, %get3A_1216] {strides = array<i32>} : memref<2x1600x32xf32, #tpu.memory_space<vmem>>, vector<16xf32>,
        %add3A_1218 = arith.addf %scan3A_1193, %get3A_1217 : vector<16xf32>
        %add3A_1219 = arith.constant 1 : i32
        %add3A_1220 = arith.addi %add3A_1203, %add3A_1219 : i32
        %get3A_1221 = arith.constant 0 : i32
        %get3A_1222 = arith.index_cast %get3A_1221 : i32 to index
        %get3A_1223 = arith.index_cast %add3A_1220 : i32 to index
        %get3A_1224 = arith.constant 0 : index
        %get3A_1225 = tpu.vector_load %arg6[%get3A_1222, %get3A_1223, %get3A_1224] {strides = array<i32>} : memref<2x1600x32xf32, #tpu.memory_space<vmem>>, vector<16xf32>,
        %add3A_1226 = arith.addf %scan3A_1194, %get3A_1225 : vector<16xf32>
        %add3A_1227 = arith.constant 1 : i32
        %add3A_1228 = arith.addi %add3A_1203, %add3A_1227 : i32
        %get3A_1229 = arith.constant 0 : i32
        %get3A_1230 = arith.index_cast %get3A_1229 : i32 to index
        %get3A_1231 = arith.index_cast %add3A_1228 : i32 to index
        %get3A_1232 = arith.constant 16 : index
        %get3A_1233 = tpu.vector_load %arg6[%get3A_1230, %get3A_1231, %get3A_1232] {strides = array<i32>} : memref<2x1600x32xf32, #tpu.memory_space<vmem>>, vector<16xf32>,
        %add3A_1234 = arith.addf %scan3A_1195, %get3A_1233 : vector<16xf32>
        %add3A_1235 = arith.constant 2 : i32
        %add3A_1236 = arith.addi %add3A_1203, %add3A_1235 : i32
        %get3A_1237 = arith.constant 0 : i32
        %get3A_1238 = arith.index_cast %get3A_1237 : i32 to index
        %get3A_1239 = arith.index_cast %add3A_1236 : i32 to index
        %get3A_1240 = arith.constant 0 : index
        %get3A_1241 = tpu.vector_load %arg6[%get3A_1238, %get3A_1239, %get3A_1240] {strides = array<i32>} : memref<2x1600x32xf32, #tpu.memory_space<vmem>>, vector<16xf32>,
        %add3A_1242 = arith.addf %scan3A_1196, %get3A_1241 : vector<16xf32>
        %add3A_1243 = arith.constant 2 : i32
        %add3A_1244 = arith.addi %add3A_1203, %add3A_1243 : i32
        %get3A_1245 = arith.constant 0 : i32
        %get3A_1246 = arith.index_cast %get3A_1245 : i32 to index
        %get3A_1247 = arith.index_cast %add3A_1244 : i32 to index
        %get3A_1248 = arith.constant 16 : index
        %get3A_1249 = tpu.vector_load %arg6[%get3A_1246, %get3A_1247, %get3A_1248] {strides = array<i32>} : memref<2x1600x32xf32, #tpu.memory_space<vmem>>, vector<16xf32>,
        %add3A_1250 = arith.addf %scan3A_1197, %get3A_1249 : vector<16xf32>
        %add3A_1251 = arith.constant 3 : i32
        %add3A_1252 = arith.addi %add3A_1203, %add3A_1251 : i32
        %get3A_1253 = arith.constant 0 : i32
        %get3A_1254 = arith.index_cast %get3A_1253 : i32 to index
        %get3A_1255 = arith.index_cast %add3A_1252 : i32 to index
        %get3A_1256 = arith.constant 0 : index
        %get3A_1257 = tpu.vector_load %arg6[%get3A_1254, %get3A_1255, %get3A_1256] {strides = array<i32>} : memref<2x1600x32xf32, #tpu.memory_space<vmem>>, vector<16xf32>,
        %add3A_1258 = arith.addf %scan3A_1198, %get3A_1257 : vector<16xf32>
        %add3A_1259 = arith.constant 3 : i32
        %add3A_1260 = arith.addi %add3A_1203, %add3A_1259 : i32
        %get3A_1261 = arith.constant 0 : i32
        %get3A_1262 = arith.index_cast %get3A_1261 : i32 to index
        %get3A_1263 = arith.index_cast %add3A_1260 : i32 to index
        %get3A_1264 = arith.constant 16 : index
        %get3A_1265 = tpu.vector_load %arg6[%get3A_1262, %get3A_1263, %get3A_1264] {strides = array<i32>} : memref<2x1600x32xf32, #tpu.memory_space<vmem>>, vector<16xf32>,
        %add3A_1266 = arith.addf %scan3A_1199, %get3A_1265 : vector<16xf32>
        %add3A_1267 = arith.constant 4 : i32
        %add3A_1268 = arith.addi %add3A_1203, %add3A_1267 : i32
        %get3A_1269 = arith.constant 0 : i32
        %get3A_1270 = arith.index_cast %get3A_1269 : i32 to index
        %get3A_1271 = arith.index_cast %add3A_1268 : i32 to index
        %get3A_1272 = arith.constant 0 : index
        %get3A_1273 = tpu.vector_load %arg6[%get3A_1270, %get3A_1271, %get3A_1272] {strides = array<i32>} : memref<2x1600x32xf32, #tpu.memory_space<vmem>>, vector<16xf32>,
        %add3A_1274 = arith.addf %add3A_1210, %get3A_1273 : vector<16xf32>
        %add3A_1275 = arith.constant 4 : i32
        %add3A_1276 = arith.addi %add3A_1203, %add3A_1275 : i32
        %get3A_1277 = arith.constant 0 : i32
        %get3A_1278 = arith.index_cast %get3A_1277 : i32 to index
        %get3A_1279 = arith.index_cast %add3A_1276 : i32 to index
        %get3A_1280 = arith.constant 16 : index
        %get3A_1281 = tpu.vector_load %arg6[%get3A_1278, %get3A_1279, %get3A_1280] {strides = array<i32>} : memref<2x1600x32xf32, #tpu.memory_space<vmem>>, vector<16xf32>,
        %add3A_1282 = arith.addf %add3A_1218, %get3A_1281 : vector<16xf32>
        %add3A_1283 = arith.constant 5 : i32
        %add3A_1284 = arith.addi %add3A_1203, %add3A_1283 : i32
        %get3A_1285 = arith.constant 0 : i32
        %get3A_1286 = arith.index_cast %get3A_1285 : i32 to index
        %get3A_1287 = arith.index_cast %add3A_1284 : i32 to index
        %get3A_1288 = arith.constant 0 : index
        %get3A_1289 = tpu.vector_load %arg6[%get3A_1286, %get3A_1287, %get3A_1288] {strides = array<i32>} : memref<2x1600x32xf32, #tpu.memory_space<vmem>>, vector<16xf32>,
        %add3A_1290 = arith.addf %add3A_1226, %get3A_1289 : vector<16xf32>
        %add3A_1291 = arith.constant 5 : i32
        %add3A_1292 = arith.addi %add3A_1203, %add3A_1291 : i32
        %get3A_1293 = arith.constant 0 : i32
        %get3A_1294 = arith.index_cast %get3A_1293 : i32 to index
        %get3A_1295 = arith.index_cast %add3A_1292 : i32 to index
        %get3A_1296 = arith.constant 16 : index
        %get3A_1297 = tpu.vector_load %arg6[%get3A_1294, %get3A_1295, %get3A_1296] {strides = array<i32>} : memref<2x1600x32xf32, #tpu.memory_space<vmem>>, vector<16xf32>,
        %add3A_1298 = arith.addf %add3A_1234, %get3A_1297 : vector<16xf32>
        %add3A_1299 = arith.constant 6 : i32
        %add3A_1300 = arith.addi %add3A_1203, %add3A_1299 : i32
        %get3A_1301 = arith.constant 0 : i32
        %get3A_1302 = arith.index_cast %get3A_1301 : i32 to index
        %get3A_1303 = arith.index_cast %add3A_1300 : i32 to index
        %get3A_1304 = arith.constant 0 : index
        %get3A_1305 = tpu.vector_load %arg6[%get3A_1302, %get3A_1303, %get3A_1304] {strides = array<i32>} : memref<2x1600x32xf32, #tpu.memory_space<vmem>>, vector<16xf32>,
        %add3A_1306 = arith.addf %add3A_1242, %get3A_1305 : vector<16xf32>
        %add3A_1307 = arith.constant 6 : i32
        %add3A_1308 = arith.addi %add3A_1203, %add3A_1307 : i32
        %get3A_1309 = arith.constant 0 : i32
        %get3A_1310 = arith.index_cast %get3A_1309 : i32 to index
        %get3A_1311 = arith.index_cast %add3A_1308 : i32 to index
        %get3A_1312 = arith.constant 16 : index
        %get3A_1313 = tpu.vector_load %arg6[%get3A_1310, %get3A_1311, %get3A_1312] {strides = array<i32>} : memref<2x1600x32xf32, #tpu.memory_space<vmem>>, vector<16xf32>,
        %add3A_1314 = arith.addf %add3A_1250, %get3A_1313 : vector<16xf32>
        %add3A_1315 = arith.constant 7 : i32
        %add3A_1316 = arith.addi %add3A_1203, %add3A_1315 : i32
        %get3A_1317 = arith.constant 0 : i32
        %get3A_1318 = arith.index_cast %get3A_1317 : i32 to index
        %get3A_1319 = arith.index_cast %add3A_1316 : i32 to index
        %get3A_1320 = arith.constant 0 : index
        %get3A_1321 = tpu.vector_load %arg6[%get3A_1318, %get3A_1319, %get3A_1320] {strides = array<i32>} : memref<2x1600x32xf32, #tpu.memory_space<vmem>>, vector<16xf32>,
        %add3A_1322 = arith.addf %add3A_1258, %get3A_1321 : vector<16xf32>
        %add3A_1323 = arith.constant 7 : i32
        %add3A_1324 = arith.addi %add3A_1203, %add3A_1323 : i32
        %get3A_1325 = arith.constant 0 : i32
        %get3A_1326 = arith.index_cast %get3A_1325 : i32 to index
        %get3A_1327 = arith.index_cast %add3A_1324 : i32 to index
        %get3A_1328 = arith.constant 16 : index
        %get3A_1329 = tpu.vector_load %arg6[%get3A_1326, %get3A_1327, %get3A_1328] {strides = array<i32>} : memref<2x1600x32xf32, #tpu.memory_space<vmem>>, vector<16xf32>,
        %add3A_1330 = arith.addf %add3A_1266, %get3A_1329 : vector<16xf32>
        scf.yield %add3A_1274, %add3A_1282, %add3A_1290, %add3A_1298, %add3A_1306, %add3A_1314, %add3A_1322, %add3A_1330 : vector<16xf32>, vector<16xf32>, vector<16xf32>, vector<16xf32>, vector<16xf32>, vector<16xf32>, vector<16xf32>, vector<16xf32>
      }
      %scan3A_700 = arith.constant 25 : i32
      %add3A_701 = arith.addf %scan3A_699#0, %scan3A_699#2 : vector<16xf32>
      %add3A_702 = arith.addf %scan3A_699#4, %scan3A_699#6 : vector<16xf32>
      %add3A_703 = arith.addf %add3A_701, %add3A_702 : vector<16xf32>
      %add3A_704 = arith.addf %scan3A_699#1, %scan3A_699#3 : vector<16xf32>
      %add3A_705 = arith.addf %scan3A_699#5, %scan3A_699#7 : vector<16xf32>
      %add3A_706 = arith.addf %add3A_704, %add3A_705 : vector<16xf32>
      %mul3A_707 = arith.mulf %add3A_703, %broadcast_in_dim3A_483 : vector<16xf32>
      %mul3A_708 = arith.constant 8 : i32
      %mul3A_709 = arith.muli %add3A_263, %mul3A_708 : i32
      %add3A_710 = arith.constant 7 : i32
      %add3A_711 = arith.addi %mul3A_709, %add3A_710 : i32
      %swap3A_712 = arith.index_cast %add3A_711 : i32 to index
      %swap3A_713 = arith.constant 0 : index
      %swap3A_714 = tpu.vector_load %arg7[%swap3A_712, %swap3A_713] {strides = array<i32>} : memref<512x32xf32, #tpu.memory_space<vmem>>, vector<16xf32>,
      tpu.vector_store %arg7[%swap3A_712, %swap3A_713], %mul3A_707 {strides = array<i32>} : memref<512x32xf32, #tpu.memory_space<vmem>>, vector<16xf32>,
      %mul3A_715 = arith.mulf %add3A_706, %broadcast_in_dim3A_483 : vector<16xf32>
      %mul3A_716 = arith.constant 8 : i32
      %mul3A_717 = arith.muli %add3A_263, %mul3A_716 : i32
      %add3A_718 = arith.constant 7 : i32
      %add3A_719 = arith.addi %mul3A_717, %add3A_718 : i32
      %swap3A_720 = arith.index_cast %add3A_719 : i32 to index
      %swap3A_721 = arith.constant 16 : index
      %swap3A_722 = tpu.vector_load %arg7[%swap3A_720, %swap3A_721] {strides = array<i32>} : memref<512x32xf32, #tpu.memory_space<vmem>>, vector<16xf32>,
      tpu.vector_store %arg7[%swap3A_720, %swap3A_721], %mul3A_715 {strides = array<i32>} : memref<512x32xf32, #tpu.memory_space<vmem>>, vector<16xf32>,
      %mul3A_723 = arith.constant 2 : i32
      %mul3A_724 = arith.muli %scan3A_259, %mul3A_723 : i32
      %add3A_725 = arith.constant 1 : i32
      %add3A_726 = arith.addi %mul3A_724, %add3A_725 : i32
      %add3A_727 = arith.constant 1 : i32
      %add3A_728 = arith.addi %add3A_726, %add3A_727 : i32
      %lt3A_729 = arith.constant 64 : i32
      %lt3A_730 = arith.cmpi slt, %add3A_728, %lt3A_729 : i32
      %convert_element_type3A_731 = arith.extui %lt3A_730 : i1 to i32
      %cond3A_732 = arith.constant 0 : i32
      %cond3A_733 = arith.cmpi ne, %convert_element_type3A_731, %cond3A_732 : i32
      scf.if %cond3A_733 {
        %add3A_1191 = arith.constant 1 : i32
        %add3A_1192 = arith.addi %add3A_726, %add3A_1191 : i32
        %mul3A_1193 = arith.constant 16 : i32
        %mul3A_1194 = arith.muli %add3A_1192, %mul3A_1193 : i32
        %add3A_1195 = arith.addi %mul3A_2, %mul3A_1194 : i32
        %dma_wait3A_1196 = arith.constant 0 : i32
        %dma_wait3A_1197 = arith.constant 0 : i32
        %dma_wait3A_1198 = arith.constant 0 : i32
        %dma_wait3A_1199 = tpu.memref_slice %arg5[%dma_wait3A_1196, %dma_wait3A_1197, %dma_wait3A_1198] : memref<2x16x100xi32, #tpu.memory_space<vmem>> -> memref<1x16x100xi32, #tpu.memory_space<vmem>>
        %dma_wait3A_1200 = tpu.memref_squeeze %dma_wait3A_1199 : memref<1x16x100xi32, #tpu.memory_space<vmem>> -> memref<16x100xi32, #tpu.memory_space<vmem>>
        %dma_wait3A_1201 = arith.constant 0 : i32
        %dma_wait3A_1202 = tpu.memref_slice %arg2[%add3A_1195, %dma_wait3A_1201] : memref<32768x100xi32, #tpu.memory_space<hbm>> -> memref<16x100xi32, #tpu.memory_space<hbm>>
        %dma_wait3A_1203 = arith.constant 0 : i32
        %dma_wait3A_1204 = arith.constant 0 : i32
        %dma_wait3A_1205 = tpu.memref_slice %arg5[%dma_wait3A_1196, %dma_wait3A_1203, %dma_wait3A_1204] : memref<2x16x100xi32, #tpu.memory_space<vmem>> -> memref<1x16x100xi32, #tpu.memory_space<vmem>>
        %dma_wait3A_1206 = tpu.memref_squeeze %dma_wait3A_1205 : memref<1x16x100xi32, #tpu.memory_space<vmem>> -> memref<16x100xi32, #tpu.memory_space<vmem>>
        %dma_wait3A_1207 = arith.constant 0 : i32
        %dma_wait3A_1208 = tpu.memref_slice %arg2[%add3A_1195, %dma_wait3A_1207] : memref<32768x100xi32, #tpu.memory_space<hbm>> -> memref<16x100xi32, #tpu.memory_space<hbm>>
        tpu.wait_dma2 semaphore(%arg8 : memref<!tpu.dma_semaphore, #tpu.memory_space<semaphore_mem>>) src(%dma_wait3A_1208 : memref<16x100xi32, #tpu.memory_space<hbm>>) dst(%dma_wait3A_1206 : memref<16x100xi32, #tpu.memory_space<vmem>>)
        %dma_start3A_1209 = arith.constant 0 : i32
        %dma_start3A_1210 = arith.constant 0 : i32
        %dma_start3A_1211 = arith.constant 0 : i32
        %dma_start3A_1212 = arith.constant 0 : i32
        %dma_start3A_1213 = arith.constant 0 : i32
        %dma_start3A_1214 = tpu.memref_slice %arg6[%dma_start3A_1211, %dma_start3A_1212, %dma_start3A_1213] : memref<2x1600x32xf32, #tpu.memory_space<vmem>> -> memref<1x100x32xf32, #tpu.memory_space<vmem>>
        %dma_start3A_1215 = tpu.memref_squeeze %dma_start3A_1214 : memref<1x100x32xf32, #tpu.memory_space<vmem>> -> memref<100x32xf32, #tpu.memory_space<vmem>>
        %dma_start3A_1216 = arith.constant 0 : i32
        %dma_start3A_1217 = tpu.memref_slice %arg5[%dma_start3A_1209, %dma_start3A_1210, %dma_start3A_1216] : memref<2x16x100xi32, #tpu.memory_space<vmem>> -> memref<1x1x100xi32, #tpu.memory_space<vmem>>
        %dma_start3A_1218 = tpu.memref_squeeze %dma_start3A_1217 : memref<1x1x100xi32, #tpu.memory_space<vmem>> -> memref<100xi32, #tpu.memory_space<vmem>>
        %dma_start3A_1219 = arith.constant 0 : i32
        %dma_start3A_1220 = arith.constant 0 : i32
        %dma_start3A_1221 = tpu.memref_slice %arg3[%dma_start3A_1219, %dma_start3A_1220] : memref<1007616x32xf32, #tpu.memory_space<hbm>> -> memref<1007616x32xf32, #tpu.memory_space<hbm>>
        tpu.enqueue_indirect_dma source(%dma_start3A_1221 : memref<1007616x32xf32, #tpu.memory_space<hbm>>) target(%dma_start3A_1215 : memref<100x32xf32, #tpu.memory_space<vmem>>) offsets(%dma_start3A_1218 : memref<100xi32, #tpu.memory_space<vmem>>) semaphore(%arg10 : memref<!tpu.dma_semaphore, #tpu.memory_space<semaphore_mem>>)
        %dma_start3A_1222 = arith.constant 0 : i32
        %dma_start3A_1223 = arith.constant 1 : i32
        %dma_start3A_1224 = arith.constant 0 : i32
        %dma_start3A_1225 = arith.constant 100 : i32
        %dma_start3A_1226 = arith.constant 0 : i32
        %dma_start3A_1227 = tpu.memref_slice %arg6[%dma_start3A_1224, %dma_start3A_1225, %dma_start3A_1226] : memref<2x1600x32xf32, #tpu.memory_space<vmem>> -> memref<1x100x32xf32, #tpu.memory_space<vmem>>
        %dma_start3A_1228 = tpu.memref_squeeze %dma_start3A_1227 : memref<1x100x32xf32, #tpu.memory_space<vmem>> -> memref<100x32xf32, #tpu.memory_space<vmem>>
        %dma_start3A_1229 = arith.constant 0 : i32
        %dma_start3A_1230 = tpu.memref_slice %arg5[%dma_start3A_1222, %dma_start3A_1223, %dma_start3A_1229] : memref<2x16x100xi32, #tpu.memory_space<vmem>> -> memref<1x1x100xi32, #tpu.memory_space<vmem>>
        %dma_start3A_1231 = tpu.memref_squeeze %dma_start3A_1230 : memref<1x1x100xi32, #tpu.memory_space<vmem>> -> memref<100xi32, #tpu.memory_space<vmem>>
        %dma_start3A_1232 = arith.constant 0 : i32
        %dma_start3A_1233 = arith.constant 0 : i32
        %dma_start3A_1234 = tpu.memref_slice %arg3[%dma_start3A_1232, %dma_start3A_1233] : memref<1007616x32xf32, #tpu.memory_space<hbm>> -> memref<1007616x32xf32, #tpu.memory_space<hbm>>
        tpu.enqueue_indirect_dma source(%dma_start3A_1234 : memref<1007616x32xf32, #tpu.memory_space<hbm>>) target(%dma_start3A_1228 : memref<100x32xf32, #tpu.memory_space<vmem>>) offsets(%dma_start3A_1231 : memref<100xi32, #tpu.memory_space<vmem>>) semaphore(%arg10 : memref<!tpu.dma_semaphore, #tpu.memory_space<semaphore_mem>>)
        %dma_start3A_1235 = arith.constant 0 : i32
        %dma_start3A_1236 = arith.constant 2 : i32
        %dma_start3A_1237 = arith.constant 0 : i32
        %dma_start3A_1238 = arith.constant 200 : i32
        %dma_start3A_1239 = arith.constant 0 : i32
        %dma_start3A_1240 = tpu.memref_slice %arg6[%dma_start3A_1237, %dma_start3A_1238, %dma_start3A_1239] : memref<2x1600x32xf32, #tpu.memory_space<vmem>> -> memref<1x100x32xf32, #tpu.memory_space<vmem>>
        %dma_start3A_1241 = tpu.memref_squeeze %dma_start3A_1240 : memref<1x100x32xf32, #tpu.memory_space<vmem>> -> memref<100x32xf32, #tpu.memory_space<vmem>>
        %dma_start3A_1242 = arith.constant 0 : i32
        %dma_start3A_1243 = tpu.memref_slice %arg5[%dma_start3A_1235, %dma_start3A_1236, %dma_start3A_1242] : memref<2x16x100xi32, #tpu.memory_space<vmem>> -> memref<1x1x100xi32, #tpu.memory_space<vmem>>
        %dma_start3A_1244 = tpu.memref_squeeze %dma_start3A_1243 : memref<1x1x100xi32, #tpu.memory_space<vmem>> -> memref<100xi32, #tpu.memory_space<vmem>>
        %dma_start3A_1245 = arith.constant 0 : i32
        %dma_start3A_1246 = arith.constant 0 : i32
        %dma_start3A_1247 = tpu.memref_slice %arg3[%dma_start3A_1245, %dma_start3A_1246] : memref<1007616x32xf32, #tpu.memory_space<hbm>> -> memref<1007616x32xf32, #tpu.memory_space<hbm>>
        tpu.enqueue_indirect_dma source(%dma_start3A_1247 : memref<1007616x32xf32, #tpu.memory_space<hbm>>) target(%dma_start3A_1241 : memref<100x32xf32, #tpu.memory_space<vmem>>) offsets(%dma_start3A_1244 : memref<100xi32, #tpu.memory_space<vmem>>) semaphore(%arg10 : memref<!tpu.dma_semaphore, #tpu.memory_space<semaphore_mem>>)
        %dma_start3A_1248 = arith.constant 0 : i32
        %dma_start3A_1249 = arith.constant 3 : i32
        %dma_start3A_1250 = arith.constant 0 : i32
        %dma_start3A_1251 = arith.constant 300 : i32
        %dma_start3A_1252 = arith.constant 0 : i32
        %dma_start3A_1253 = tpu.memref_slice %arg6[%dma_start3A_1250, %dma_start3A_1251, %dma_start3A_1252] : memref<2x1600x32xf32, #tpu.memory_space<vmem>> -> memref<1x100x32xf32, #tpu.memory_space<vmem>>
        %dma_start3A_1254 = tpu.memref_squeeze %dma_start3A_1253 : memref<1x100x32xf32, #tpu.memory_space<vmem>> -> memref<100x32xf32, #tpu.memory_space<vmem>>
        %dma_start3A_1255 = arith.constant 0 : i32
        %dma_start3A_1256 = tpu.memref_slice %arg5[%dma_start3A_1248, %dma_start3A_1249, %dma_start3A_1255] : memref<2x16x100xi32, #tpu.memory_space<vmem>> -> memref<1x1x100xi32, #tpu.memory_space<vmem>>
        %dma_start3A_1257 = tpu.memref_squeeze %dma_start3A_1256 : memref<1x1x100xi32, #tpu.memory_space<vmem>> -> memref<100xi32, #tpu.memory_space<vmem>>
        %dma_start3A_1258 = arith.constant 0 : i32
        %dma_start3A_1259 = arith.constant 0 : i32
        %dma_start3A_1260 = tpu.memref_slice %arg3[%dma_start3A_1258, %dma_start3A_1259] : memref<1007616x32xf32, #tpu.memory_space<hbm>> -> memref<1007616x32xf32, #tpu.memory_space<hbm>>
        tpu.enqueue_indirect_dma source(%dma_start3A_1260 : memref<1007616x32xf32, #tpu.memory_space<hbm>>) target(%dma_start3A_1254 : memref<100x32xf32, #tpu.memory_space<vmem>>) offsets(%dma_start3A_1257 : memref<100xi32, #tpu.memory_space<vmem>>) semaphore(%arg10 : memref<!tpu.dma_semaphore, #tpu.memory_space<semaphore_mem>>)
        %dma_start3A_1261 = arith.constant 0 : i32
        %dma_start3A_1262 = arith.constant 4 : i32
        %dma_start3A_1263 = arith.constant 0 : i32
        %dma_start3A_1264 = arith.constant 400 : i32
        %dma_start3A_1265 = arith.constant 0 : i32
        %dma_start3A_1266 = tpu.memref_slice %arg6[%dma_start3A_1263, %dma_start3A_1264, %dma_start3A_1265] : memref<2x1600x32xf32, #tpu.memory_space<vmem>> -> memref<1x100x32xf32, #tpu.memory_space<vmem>>
        %dma_start3A_1267 = tpu.memref_squeeze %dma_start3A_1266 : memref<1x100x32xf32, #tpu.memory_space<vmem>> -> memref<100x32xf32, #tpu.memory_space<vmem>>
        %dma_start3A_1268 = arith.constant 0 : i32
        %dma_start3A_1269 = tpu.memref_slice %arg5[%dma_start3A_1261, %dma_start3A_1262, %dma_start3A_1268] : memref<2x16x100xi32, #tpu.memory_space<vmem>> -> memref<1x1x100xi32, #tpu.memory_space<vmem>>
        %dma_start3A_1270 = tpu.memref_squeeze %dma_start3A_1269 : memref<1x1x100xi32, #tpu.memory_space<vmem>> -> memref<100xi32, #tpu.memory_space<vmem>>
        %dma_start3A_1271 = arith.constant 0 : i32
        %dma_start3A_1272 = arith.constant 0 : i32
        %dma_start3A_1273 = tpu.memref_slice %arg3[%dma_start3A_1271, %dma_start3A_1272] : memref<1007616x32xf32, #tpu.memory_space<hbm>> -> memref<1007616x32xf32, #tpu.memory_space<hbm>>
        tpu.enqueue_indirect_dma source(%dma_start3A_1273 : memref<1007616x32xf32, #tpu.memory_space<hbm>>) target(%dma_start3A_1267 : memref<100x32xf32, #tpu.memory_space<vmem>>) offsets(%dma_start3A_1270 : memref<100xi32, #tpu.memory_space<vmem>>) semaphore(%arg10 : memref<!tpu.dma_semaphore, #tpu.memory_space<semaphore_mem>>)
        %dma_start3A_1274 = arith.constant 0 : i32
        %dma_start3A_1275 = arith.constant 5 : i32
        %dma_start3A_1276 = arith.constant 0 : i32
        %dma_start3A_1277 = arith.constant 500 : i32
        %dma_start3A_1278 = arith.constant 0 : i32
        %dma_start3A_1279 = tpu.memref_slice %arg6[%dma_start3A_1276, %dma_start3A_1277, %dma_start3A_1278] : memref<2x1600x32xf32, #tpu.memory_space<vmem>> -> memref<1x100x32xf32, #tpu.memory_space<vmem>>
        %dma_start3A_1280 = tpu.memref_squeeze %dma_start3A_1279 : memref<1x100x32xf32, #tpu.memory_space<vmem>> -> memref<100x32xf32, #tpu.memory_space<vmem>>
        %dma_start3A_1281 = arith.constant 0 : i32
        %dma_start3A_1282 = tpu.memref_slice %arg5[%dma_start3A_1274, %dma_start3A_1275, %dma_start3A_1281] : memref<2x16x100xi32, #tpu.memory_space<vmem>> -> memref<1x1x100xi32, #tpu.memory_space<vmem>>
        %dma_start3A_1283 = tpu.memref_squeeze %dma_start3A_1282 : memref<1x1x100xi32, #tpu.memory_space<vmem>> -> memref<100xi32, #tpu.memory_space<vmem>>
        %dma_start3A_1284 = arith.constant 0 : i32
        %dma_start3A_1285 = arith.constant 0 : i32
        %dma_start3A_1286 = tpu.memref_slice %arg3[%dma_start3A_1284, %dma_start3A_1285] : memref<1007616x32xf32, #tpu.memory_space<hbm>> -> memref<1007616x32xf32, #tpu.memory_space<hbm>>
        tpu.enqueue_indirect_dma source(%dma_start3A_1286 : memref<1007616x32xf32, #tpu.memory_space<hbm>>) target(%dma_start3A_1280 : memref<100x32xf32, #tpu.memory_space<vmem>>) offsets(%dma_start3A_1283 : memref<100xi32, #tpu.memory_space<vmem>>) semaphore(%arg10 : memref<!tpu.dma_semaphore, #tpu.memory_space<semaphore_mem>>)
        %dma_start3A_1287 = arith.constant 0 : i32
        %dma_start3A_1288 = arith.constant 6 : i32
        %dma_start3A_1289 = arith.constant 0 : i32
        %dma_start3A_1290 = arith.constant 600 : i32
        %dma_start3A_1291 = arith.constant 0 : i32
        %dma_start3A_1292 = tpu.memref_slice %arg6[%dma_start3A_1289, %dma_start3A_1290, %dma_start3A_1291] : memref<2x1600x32xf32, #tpu.memory_space<vmem>> -> memref<1x100x32xf32, #tpu.memory_space<vmem>>
        %dma_start3A_1293 = tpu.memref_squeeze %dma_start3A_1292 : memref<1x100x32xf32, #tpu.memory_space<vmem>> -> memref<100x32xf32, #tpu.memory_space<vmem>>
        %dma_start3A_1294 = arith.constant 0 : i32
        %dma_start3A_1295 = tpu.memref_slice %arg5[%dma_start3A_1287, %dma_start3A_1288, %dma_start3A_1294] : memref<2x16x100xi32, #tpu.memory_space<vmem>> -> memref<1x1x100xi32, #tpu.memory_space<vmem>>
        %dma_start3A_1296 = tpu.memref_squeeze %dma_start3A_1295 : memref<1x1x100xi32, #tpu.memory_space<vmem>> -> memref<100xi32, #tpu.memory_space<vmem>>
        %dma_start3A_1297 = arith.constant 0 : i32
        %dma_start3A_1298 = arith.constant 0 : i32
        %dma_start3A_1299 = tpu.memref_slice %arg3[%dma_start3A_1297, %dma_start3A_1298] : memref<1007616x32xf32, #tpu.memory_space<hbm>> -> memref<1007616x32xf32, #tpu.memory_space<hbm>>
        tpu.enqueue_indirect_dma source(%dma_start3A_1299 : memref<1007616x32xf32, #tpu.memory_space<hbm>>) target(%dma_start3A_1293 : memref<100x32xf32, #tpu.memory_space<vmem>>) offsets(%dma_start3A_1296 : memref<100xi32, #tpu.memory_space<vmem>>) semaphore(%arg10 : memref<!tpu.dma_semaphore, #tpu.memory_space<semaphore_mem>>)
        %dma_start3A_1300 = arith.constant 0 : i32
        %dma_start3A_1301 = arith.constant 7 : i32
        %dma_start3A_1302 = arith.constant 0 : i32
        %dma_start3A_1303 = arith.constant 700 : i32
        %dma_start3A_1304 = arith.constant 0 : i32
        %dma_start3A_1305 = tpu.memref_slice %arg6[%dma_start3A_1302, %dma_start3A_1303, %dma_start3A_1304] : memref<2x1600x32xf32, #tpu.memory_space<vmem>> -> memref<1x100x32xf32, #tpu.memory_space<vmem>>
        %dma_start3A_1306 = tpu.memref_squeeze %dma_start3A_1305 : memref<1x100x32xf32, #tpu.memory_space<vmem>> -> memref<100x32xf32, #tpu.memory_space<vmem>>
        %dma_start3A_1307 = arith.constant 0 : i32
        %dma_start3A_1308 = tpu.memref_slice %arg5[%dma_start3A_1300, %dma_start3A_1301, %dma_start3A_1307] : memref<2x16x100xi32, #tpu.memory_space<vmem>> -> memref<1x1x100xi32, #tpu.memory_space<vmem>>
        %dma_start3A_1309 = tpu.memref_squeeze %dma_start3A_1308 : memref<1x1x100xi32, #tpu.memory_space<vmem>> -> memref<100xi32, #tpu.memory_space<vmem>>
        %dma_start3A_1310 = arith.constant 0 : i32
        %dma_start3A_1311 = arith.constant 0 : i32
        %dma_start3A_1312 = tpu.memref_slice %arg3[%dma_start3A_1310, %dma_start3A_1311] : memref<1007616x32xf32, #tpu.memory_space<hbm>> -> memref<1007616x32xf32, #tpu.memory_space<hbm>>
        tpu.enqueue_indirect_dma source(%dma_start3A_1312 : memref<1007616x32xf32, #tpu.memory_space<hbm>>) target(%dma_start3A_1306 : memref<100x32xf32, #tpu.memory_space<vmem>>) offsets(%dma_start3A_1309 : memref<100xi32, #tpu.memory_space<vmem>>) semaphore(%arg10 : memref<!tpu.dma_semaphore, #tpu.memory_space<semaphore_mem>>)
        %dma_start3A_1313 = arith.constant 0 : i32
        %dma_start3A_1314 = arith.constant 8 : i32
        %dma_start3A_1315 = arith.constant 0 : i32
        %dma_start3A_1316 = arith.constant 800 : i32
        %dma_start3A_1317 = arith.constant 0 : i32
        %dma_start3A_1318 = tpu.memref_slice %arg6[%dma_start3A_1315, %dma_start3A_1316, %dma_start3A_1317] : memref<2x1600x32xf32, #tpu.memory_space<vmem>> -> memref<1x100x32xf32, #tpu.memory_space<vmem>>
        %dma_start3A_1319 = tpu.memref_squeeze %dma_start3A_1318 : memref<1x100x32xf32, #tpu.memory_space<vmem>> -> memref<100x32xf32, #tpu.memory_space<vmem>>
        %dma_start3A_1320 = arith.constant 0 : i32
        %dma_start3A_1321 = tpu.memref_slice %arg5[%dma_start3A_1313, %dma_start3A_1314, %dma_start3A_1320] : memref<2x16x100xi32, #tpu.memory_space<vmem>> -> memref<1x1x100xi32, #tpu.memory_space<vmem>>
        %dma_start3A_1322 = tpu.memref_squeeze %dma_start3A_1321 : memref<1x1x100xi32, #tpu.memory_space<vmem>> -> memref<100xi32, #tpu.memory_space<vmem>>
        %dma_start3A_1323 = arith.constant 0 : i32
        %dma_start3A_1324 = arith.constant 0 : i32
        %dma_start3A_1325 = tpu.memref_slice %arg3[%dma_start3A_1323, %dma_start3A_1324] : memref<1007616x32xf32, #tpu.memory_space<hbm>> -> memref<1007616x32xf32, #tpu.memory_space<hbm>>
        tpu.enqueue_indirect_dma source(%dma_start3A_1325 : memref<1007616x32xf32, #tpu.memory_space<hbm>>) target(%dma_start3A_1319 : memref<100x32xf32, #tpu.memory_space<vmem>>) offsets(%dma_start3A_1322 : memref<100xi32, #tpu.memory_space<vmem>>) semaphore(%arg10 : memref<!tpu.dma_semaphore, #tpu.memory_space<semaphore_mem>>)
        %dma_start3A_1326 = arith.constant 0 : i32
        %dma_start3A_1327 = arith.constant 9 : i32
        %dma_start3A_1328 = arith.constant 0 : i32
        %dma_start3A_1329 = arith.constant 900 : i32
        %dma_start3A_1330 = arith.constant 0 : i32
        %dma_start3A_1331 = tpu.memref_slice %arg6[%dma_start3A_1328, %dma_start3A_1329, %dma_start3A_1330] : memref<2x1600x32xf32, #tpu.memory_space<vmem>> -> memref<1x100x32xf32, #tpu.memory_space<vmem>>
        %dma_start3A_1332 = tpu.memref_squeeze %dma_start3A_1331 : memref<1x100x32xf32, #tpu.memory_space<vmem>> -> memref<100x32xf32, #tpu.memory_space<vmem>>
        %dma_start3A_1333 = arith.constant 0 : i32
        %dma_start3A_1334 = tpu.memref_slice %arg5[%dma_start3A_1326, %dma_start3A_1327, %dma_start3A_1333] : memref<2x16x100xi32, #tpu.memory_space<vmem>> -> memref<1x1x100xi32, #tpu.memory_space<vmem>>
        %dma_start3A_1335 = tpu.memref_squeeze %dma_start3A_1334 : memref<1x1x100xi32, #tpu.memory_space<vmem>> -> memref<100xi32, #tpu.memory_space<vmem>>
        %dma_start3A_1336 = arith.constant 0 : i32
        %dma_start3A_1337 = arith.constant 0 : i32
        %dma_start3A_1338 = tpu.memref_slice %arg3[%dma_start3A_1336, %dma_start3A_1337] : memref<1007616x32xf32, #tpu.memory_space<hbm>> -> memref<1007616x32xf32, #tpu.memory_space<hbm>>
        tpu.enqueue_indirect_dma source(%dma_start3A_1338 : memref<1007616x32xf32, #tpu.memory_space<hbm>>) target(%dma_start3A_1332 : memref<100x32xf32, #tpu.memory_space<vmem>>) offsets(%dma_start3A_1335 : memref<100xi32, #tpu.memory_space<vmem>>) semaphore(%arg10 : memref<!tpu.dma_semaphore, #tpu.memory_space<semaphore_mem>>)
        %dma_start3A_1339 = arith.constant 0 : i32
        %dma_start3A_1340 = arith.constant 10 : i32
        %dma_start3A_1341 = arith.constant 0 : i32
        %dma_start3A_1342 = arith.constant 1000 : i32
        %dma_start3A_1343 = arith.constant 0 : i32
        %dma_start3A_1344 = tpu.memref_slice %arg6[%dma_start3A_1341, %dma_start3A_1342, %dma_start3A_1343] : memref<2x1600x32xf32, #tpu.memory_space<vmem>> -> memref<1x100x32xf32, #tpu.memory_space<vmem>>
        %dma_start3A_1345 = tpu.memref_squeeze %dma_start3A_1344 : memref<1x100x32xf32, #tpu.memory_space<vmem>> -> memref<100x32xf32, #tpu.memory_space<vmem>>
        %dma_start3A_1346 = arith.constant 0 : i32
        %dma_start3A_1347 = tpu.memref_slice %arg5[%dma_start3A_1339, %dma_start3A_1340, %dma_start3A_1346] : memref<2x16x100xi32, #tpu.memory_space<vmem>> -> memref<1x1x100xi32, #tpu.memory_space<vmem>>
        %dma_start3A_1348 = tpu.memref_squeeze %dma_start3A_1347 : memref<1x1x100xi32, #tpu.memory_space<vmem>> -> memref<100xi32, #tpu.memory_space<vmem>>
        %dma_start3A_1349 = arith.constant 0 : i32
        %dma_start3A_1350 = arith.constant 0 : i32
        %dma_start3A_1351 = tpu.memref_slice %arg3[%dma_start3A_1349, %dma_start3A_1350] : memref<1007616x32xf32, #tpu.memory_space<hbm>> -> memref<1007616x32xf32, #tpu.memory_space<hbm>>
        tpu.enqueue_indirect_dma source(%dma_start3A_1351 : memref<1007616x32xf32, #tpu.memory_space<hbm>>) target(%dma_start3A_1345 : memref<100x32xf32, #tpu.memory_space<vmem>>) offsets(%dma_start3A_1348 : memref<100xi32, #tpu.memory_space<vmem>>) semaphore(%arg10 : memref<!tpu.dma_semaphore, #tpu.memory_space<semaphore_mem>>)
        %dma_start3A_1352 = arith.constant 0 : i32
        %dma_start3A_1353 = arith.constant 11 : i32
        %dma_start3A_1354 = arith.constant 0 : i32
        %dma_start3A_1355 = arith.constant 1100 : i32
        %dma_start3A_1356 = arith.constant 0 : i32
        %dma_start3A_1357 = tpu.memref_slice %arg6[%dma_start3A_1354, %dma_start3A_1355, %dma_start3A_1356] : memref<2x1600x32xf32, #tpu.memory_space<vmem>> -> memref<1x100x32xf32, #tpu.memory_space<vmem>>
        %dma_start3A_1358 = tpu.memref_squeeze %dma_start3A_1357 : memref<1x100x32xf32, #tpu.memory_space<vmem>> -> memref<100x32xf32, #tpu.memory_space<vmem>>
        %dma_start3A_1359 = arith.constant 0 : i32
        %dma_start3A_1360 = tpu.memref_slice %arg5[%dma_start3A_1352, %dma_start3A_1353, %dma_start3A_1359] : memref<2x16x100xi32, #tpu.memory_space<vmem>> -> memref<1x1x100xi32, #tpu.memory_space<vmem>>
        %dma_start3A_1361 = tpu.memref_squeeze %dma_start3A_1360 : memref<1x1x100xi32, #tpu.memory_space<vmem>> -> memref<100xi32, #tpu.memory_space<vmem>>
        %dma_start3A_1362 = arith.constant 0 : i32
        %dma_start3A_1363 = arith.constant 0 : i32
        %dma_start3A_1364 = tpu.memref_slice %arg3[%dma_start3A_1362, %dma_start3A_1363] : memref<1007616x32xf32, #tpu.memory_space<hbm>> -> memref<1007616x32xf32, #tpu.memory_space<hbm>>
        tpu.enqueue_indirect_dma source(%dma_start3A_1364 : memref<1007616x32xf32, #tpu.memory_space<hbm>>) target(%dma_start3A_1358 : memref<100x32xf32, #tpu.memory_space<vmem>>) offsets(%dma_start3A_1361 : memref<100xi32, #tpu.memory_space<vmem>>) semaphore(%arg10 : memref<!tpu.dma_semaphore, #tpu.memory_space<semaphore_mem>>)
        %dma_start3A_1365 = arith.constant 0 : i32
        %dma_start3A_1366 = arith.constant 12 : i32
        %dma_start3A_1367 = arith.constant 0 : i32
        %dma_start3A_1368 = arith.constant 1200 : i32
        %dma_start3A_1369 = arith.constant 0 : i32
        %dma_start3A_1370 = tpu.memref_slice %arg6[%dma_start3A_1367, %dma_start3A_1368, %dma_start3A_1369] : memref<2x1600x32xf32, #tpu.memory_space<vmem>> -> memref<1x100x32xf32, #tpu.memory_space<vmem>>
        %dma_start3A_1371 = tpu.memref_squeeze %dma_start3A_1370 : memref<1x100x32xf32, #tpu.memory_space<vmem>> -> memref<100x32xf32, #tpu.memory_space<vmem>>
        %dma_start3A_1372 = arith.constant 0 : i32
        %dma_start3A_1373 = tpu.memref_slice %arg5[%dma_start3A_1365, %dma_start3A_1366, %dma_start3A_1372] : memref<2x16x100xi32, #tpu.memory_space<vmem>> -> memref<1x1x100xi32, #tpu.memory_space<vmem>>
        %dma_start3A_1374 = tpu.memref_squeeze %dma_start3A_1373 : memref<1x1x100xi32, #tpu.memory_space<vmem>> -> memref<100xi32, #tpu.memory_space<vmem>>
        %dma_start3A_1375 = arith.constant 0 : i32
        %dma_start3A_1376 = arith.constant 0 : i32
        %dma_start3A_1377 = tpu.memref_slice %arg3[%dma_start3A_1375, %dma_start3A_1376] : memref<1007616x32xf32, #tpu.memory_space<hbm>> -> memref<1007616x32xf32, #tpu.memory_space<hbm>>
        tpu.enqueue_indirect_dma source(%dma_start3A_1377 : memref<1007616x32xf32, #tpu.memory_space<hbm>>) target(%dma_start3A_1371 : memref<100x32xf32, #tpu.memory_space<vmem>>) offsets(%dma_start3A_1374 : memref<100xi32, #tpu.memory_space<vmem>>) semaphore(%arg10 : memref<!tpu.dma_semaphore, #tpu.memory_space<semaphore_mem>>)
        %dma_start3A_1378 = arith.constant 0 : i32
        %dma_start3A_1379 = arith.constant 13 : i32
        %dma_start3A_1380 = arith.constant 0 : i32
        %dma_start3A_1381 = arith.constant 1300 : i32
        %dma_start3A_1382 = arith.constant 0 : i32
        %dma_start3A_1383 = tpu.memref_slice %arg6[%dma_start3A_1380, %dma_start3A_1381, %dma_start3A_1382] : memref<2x1600x32xf32, #tpu.memory_space<vmem>> -> memref<1x100x32xf32, #tpu.memory_space<vmem>>
        %dma_start3A_1384 = tpu.memref_squeeze %dma_start3A_1383 : memref<1x100x32xf32, #tpu.memory_space<vmem>> -> memref<100x32xf32, #tpu.memory_space<vmem>>
        %dma_start3A_1385 = arith.constant 0 : i32
        %dma_start3A_1386 = tpu.memref_slice %arg5[%dma_start3A_1378, %dma_start3A_1379, %dma_start3A_1385] : memref<2x16x100xi32, #tpu.memory_space<vmem>> -> memref<1x1x100xi32, #tpu.memory_space<vmem>>
        %dma_start3A_1387 = tpu.memref_squeeze %dma_start3A_1386 : memref<1x1x100xi32, #tpu.memory_space<vmem>> -> memref<100xi32, #tpu.memory_space<vmem>>
        %dma_start3A_1388 = arith.constant 0 : i32
        %dma_start3A_1389 = arith.constant 0 : i32
        %dma_start3A_1390 = tpu.memref_slice %arg3[%dma_start3A_1388, %dma_start3A_1389] : memref<1007616x32xf32, #tpu.memory_space<hbm>> -> memref<1007616x32xf32, #tpu.memory_space<hbm>>
        tpu.enqueue_indirect_dma source(%dma_start3A_1390 : memref<1007616x32xf32, #tpu.memory_space<hbm>>) target(%dma_start3A_1384 : memref<100x32xf32, #tpu.memory_space<vmem>>) offsets(%dma_start3A_1387 : memref<100xi32, #tpu.memory_space<vmem>>) semaphore(%arg10 : memref<!tpu.dma_semaphore, #tpu.memory_space<semaphore_mem>>)
        %dma_start3A_1391 = arith.constant 0 : i32
        %dma_start3A_1392 = arith.constant 14 : i32
        %dma_start3A_1393 = arith.constant 0 : i32
        %dma_start3A_1394 = arith.constant 1400 : i32
        %dma_start3A_1395 = arith.constant 0 : i32
        %dma_start3A_1396 = tpu.memref_slice %arg6[%dma_start3A_1393, %dma_start3A_1394, %dma_start3A_1395] : memref<2x1600x32xf32, #tpu.memory_space<vmem>> -> memref<1x100x32xf32, #tpu.memory_space<vmem>>
        %dma_start3A_1397 = tpu.memref_squeeze %dma_start3A_1396 : memref<1x100x32xf32, #tpu.memory_space<vmem>> -> memref<100x32xf32, #tpu.memory_space<vmem>>
        %dma_start3A_1398 = arith.constant 0 : i32
        %dma_start3A_1399 = tpu.memref_slice %arg5[%dma_start3A_1391, %dma_start3A_1392, %dma_start3A_1398] : memref<2x16x100xi32, #tpu.memory_space<vmem>> -> memref<1x1x100xi32, #tpu.memory_space<vmem>>
        %dma_start3A_1400 = tpu.memref_squeeze %dma_start3A_1399 : memref<1x1x100xi32, #tpu.memory_space<vmem>> -> memref<100xi32, #tpu.memory_space<vmem>>
        %dma_start3A_1401 = arith.constant 0 : i32
        %dma_start3A_1402 = arith.constant 0 : i32
        %dma_start3A_1403 = tpu.memref_slice %arg3[%dma_start3A_1401, %dma_start3A_1402] : memref<1007616x32xf32, #tpu.memory_space<hbm>> -> memref<1007616x32xf32, #tpu.memory_space<hbm>>
        tpu.enqueue_indirect_dma source(%dma_start3A_1403 : memref<1007616x32xf32, #tpu.memory_space<hbm>>) target(%dma_start3A_1397 : memref<100x32xf32, #tpu.memory_space<vmem>>) offsets(%dma_start3A_1400 : memref<100xi32, #tpu.memory_space<vmem>>) semaphore(%arg10 : memref<!tpu.dma_semaphore, #tpu.memory_space<semaphore_mem>>)
        %dma_start3A_1404 = arith.constant 0 : i32
        %dma_start3A_1405 = arith.constant 15 : i32
        %dma_start3A_1406 = arith.constant 0 : i32
        %dma_start3A_1407 = arith.constant 1500 : i32
        %dma_start3A_1408 = arith.constant 0 : i32
        %dma_start3A_1409 = tpu.memref_slice %arg6[%dma_start3A_1406, %dma_start3A_1407, %dma_start3A_1408] : memref<2x1600x32xf32, #tpu.memory_space<vmem>> -> memref<1x100x32xf32, #tpu.memory_space<vmem>>
        %dma_start3A_1410 = tpu.memref_squeeze %dma_start3A_1409 : memref<1x100x32xf32, #tpu.memory_space<vmem>> -> memref<100x32xf32, #tpu.memory_space<vmem>>
        %dma_start3A_1411 = arith.constant 0 : i32
        %dma_start3A_1412 = tpu.memref_slice %arg5[%dma_start3A_1404, %dma_start3A_1405, %dma_start3A_1411] : memref<2x16x100xi32, #tpu.memory_space<vmem>> -> memref<1x1x100xi32, #tpu.memory_space<vmem>>
        %dma_start3A_1413 = tpu.memref_squeeze %dma_start3A_1412 : memref<1x1x100xi32, #tpu.memory_space<vmem>> -> memref<100xi32, #tpu.memory_space<vmem>>
        %dma_start3A_1414 = arith.constant 0 : i32
        %dma_start3A_1415 = arith.constant 0 : i32
        %dma_start3A_1416 = tpu.memref_slice %arg3[%dma_start3A_1414, %dma_start3A_1415] : memref<1007616x32xf32, #tpu.memory_space<hbm>> -> memref<1007616x32xf32, #tpu.memory_space<hbm>>
        tpu.enqueue_indirect_dma source(%dma_start3A_1416 : memref<1007616x32xf32, #tpu.memory_space<hbm>>) target(%dma_start3A_1410 : memref<100x32xf32, #tpu.memory_space<vmem>>) offsets(%dma_start3A_1413 : memref<100xi32, #tpu.memory_space<vmem>>) semaphore(%arg10 : memref<!tpu.dma_semaphore, #tpu.memory_space<semaphore_mem>>)
      } else {
      }
      %dma_wait3A_734 = arith.constant 1 : i32
      %dma_wait3A_735 = arith.constant 0 : i32
      %dma_wait3A_736 = arith.constant 1 : i32
      %dma_wait3A_737 = arith.constant 0 : i32
      %dma_wait3A_738 = arith.constant 0 : i32
      %dma_wait3A_739 = tpu.memref_slice %arg6[%dma_wait3A_736, %dma_wait3A_737, %dma_wait3A_738] : memref<2x1600x32xf32, #tpu.memory_space<vmem>> -> memref<1x100x32xf32, #tpu.memory_space<vmem>>
      %dma_wait3A_740 = tpu.memref_squeeze %dma_wait3A_739 : memref<1x100x32xf32, #tpu.memory_space<vmem>> -> memref<100x32xf32, #tpu.memory_space<vmem>>
      %dma_wait3A_741 = arith.constant 0 : i32
      %dma_wait3A_742 = tpu.memref_slice %arg5[%dma_wait3A_734, %dma_wait3A_735, %dma_wait3A_741] : memref<2x16x100xi32, #tpu.memory_space<vmem>> -> memref<1x1x100xi32, #tpu.memory_space<vmem>>
      %dma_wait3A_743 = tpu.memref_squeeze %dma_wait3A_742 : memref<1x1x100xi32, #tpu.memory_space<vmem>> -> memref<100xi32, #tpu.memory_space<vmem>>
      %dma_wait3A_744 = arith.constant 0 : i32
      %dma_wait3A_745 = arith.constant 0 : i32
      %dma_wait3A_746 = tpu.memref_slice %arg3[%dma_wait3A_744, %dma_wait3A_745] : memref<1007616x32xf32, #tpu.memory_space<hbm>> -> memref<1007616x32xf32, #tpu.memory_space<hbm>>
      tpu.wait_indirect_dma semaphore(%arg11 : memref<!tpu.dma_semaphore, #tpu.memory_space<semaphore_mem>>) src(%dma_wait3A_746 : memref<1007616x32xf32, #tpu.memory_space<hbm>>) dst(%dma_wait3A_740 : memref<100x32xf32, #tpu.memory_space<vmem>>)
      %dma_wait3A_747 = arith.constant 1 : i32
      %dma_wait3A_748 = arith.constant 1 : i32
      %dma_wait3A_749 = arith.constant 1 : i32
      %dma_wait3A_750 = arith.constant 100 : i32
      %dma_wait3A_751 = arith.constant 0 : i32
      %dma_wait3A_752 = tpu.memref_slice %arg6[%dma_wait3A_749, %dma_wait3A_750, %dma_wait3A_751] : memref<2x1600x32xf32, #tpu.memory_space<vmem>> -> memref<1x100x32xf32, #tpu.memory_space<vmem>>
      %dma_wait3A_753 = tpu.memref_squeeze %dma_wait3A_752 : memref<1x100x32xf32, #tpu.memory_space<vmem>> -> memref<100x32xf32, #tpu.memory_space<vmem>>
      %dma_wait3A_754 = arith.constant 0 : i32
      %dma_wait3A_755 = tpu.memref_slice %arg5[%dma_wait3A_747, %dma_wait3A_748, %dma_wait3A_754] : memref<2x16x100xi32, #tpu.memory_space<vmem>> -> memref<1x1x100xi32, #tpu.memory_space<vmem>>
      %dma_wait3A_756 = tpu.memref_squeeze %dma_wait3A_755 : memref<1x1x100xi32, #tpu.memory_space<vmem>> -> memref<100xi32, #tpu.memory_space<vmem>>
      %dma_wait3A_757 = arith.constant 0 : i32
      %dma_wait3A_758 = arith.constant 0 : i32
      %dma_wait3A_759 = tpu.memref_slice %arg3[%dma_wait3A_757, %dma_wait3A_758] : memref<1007616x32xf32, #tpu.memory_space<hbm>> -> memref<1007616x32xf32, #tpu.memory_space<hbm>>
      tpu.wait_indirect_dma semaphore(%arg11 : memref<!tpu.dma_semaphore, #tpu.memory_space<semaphore_mem>>) src(%dma_wait3A_759 : memref<1007616x32xf32, #tpu.memory_space<hbm>>) dst(%dma_wait3A_753 : memref<100x32xf32, #tpu.memory_space<vmem>>)
      %dma_wait3A_760 = arith.constant 1 : i32
      %dma_wait3A_761 = arith.constant 2 : i32
      %dma_wait3A_762 = arith.constant 1 : i32
      %dma_wait3A_763 = arith.constant 200 : i32
      %dma_wait3A_764 = arith.constant 0 : i32
      %dma_wait3A_765 = tpu.memref_slice %arg6[%dma_wait3A_762, %dma_wait3A_763, %dma_wait3A_764] : memref<2x1600x32xf32, #tpu.memory_space<vmem>> -> memref<1x100x32xf32, #tpu.memory_space<vmem>>
      %dma_wait3A_766 = tpu.memref_squeeze %dma_wait3A_765 : memref<1x100x32xf32, #tpu.memory_space<vmem>> -> memref<100x32xf32, #tpu.memory_space<vmem>>
      %dma_wait3A_767 = arith.constant 0 : i32
      %dma_wait3A_768 = tpu.memref_slice %arg5[%dma_wait3A_760, %dma_wait3A_761, %dma_wait3A_767] : memref<2x16x100xi32, #tpu.memory_space<vmem>> -> memref<1x1x100xi32, #tpu.memory_space<vmem>>
      %dma_wait3A_769 = tpu.memref_squeeze %dma_wait3A_768 : memref<1x1x100xi32, #tpu.memory_space<vmem>> -> memref<100xi32, #tpu.memory_space<vmem>>
      %dma_wait3A_770 = arith.constant 0 : i32
      %dma_wait3A_771 = arith.constant 0 : i32
      %dma_wait3A_772 = tpu.memref_slice %arg3[%dma_wait3A_770, %dma_wait3A_771] : memref<1007616x32xf32, #tpu.memory_space<hbm>> -> memref<1007616x32xf32, #tpu.memory_space<hbm>>
      tpu.wait_indirect_dma semaphore(%arg11 : memref<!tpu.dma_semaphore, #tpu.memory_space<semaphore_mem>>) src(%dma_wait3A_772 : memref<1007616x32xf32, #tpu.memory_space<hbm>>) dst(%dma_wait3A_766 : memref<100x32xf32, #tpu.memory_space<vmem>>)
      %dma_wait3A_773 = arith.constant 1 : i32
      %dma_wait3A_774 = arith.constant 3 : i32
      %dma_wait3A_775 = arith.constant 1 : i32
      %dma_wait3A_776 = arith.constant 300 : i32
      %dma_wait3A_777 = arith.constant 0 : i32
      %dma_wait3A_778 = tpu.memref_slice %arg6[%dma_wait3A_775, %dma_wait3A_776, %dma_wait3A_777] : memref<2x1600x32xf32, #tpu.memory_space<vmem>> -> memref<1x100x32xf32, #tpu.memory_space<vmem>>
      %dma_wait3A_779 = tpu.memref_squeeze %dma_wait3A_778 : memref<1x100x32xf32, #tpu.memory_space<vmem>> -> memref<100x32xf32, #tpu.memory_space<vmem>>
      %dma_wait3A_780 = arith.constant 0 : i32
      %dma_wait3A_781 = tpu.memref_slice %arg5[%dma_wait3A_773, %dma_wait3A_774, %dma_wait3A_780] : memref<2x16x100xi32, #tpu.memory_space<vmem>> -> memref<1x1x100xi32, #tpu.memory_space<vmem>>
      %dma_wait3A_782 = tpu.memref_squeeze %dma_wait3A_781 : memref<1x1x100xi32, #tpu.memory_space<vmem>> -> memref<100xi32, #tpu.memory_space<vmem>>
      %dma_wait3A_783 = arith.constant 0 : i32
      %dma_wait3A_784 = arith.constant 0 : i32
      %dma_wait3A_785 = tpu.memref_slice %arg3[%dma_wait3A_783, %dma_wait3A_784] : memref<1007616x32xf32, #tpu.memory_space<hbm>> -> memref<1007616x32xf32, #tpu.memory_space<hbm>>
      tpu.wait_indirect_dma semaphore(%arg11 : memref<!tpu.dma_semaphore, #tpu.memory_space<semaphore_mem>>) src(%dma_wait3A_785 : memref<1007616x32xf32, #tpu.memory_space<hbm>>) dst(%dma_wait3A_779 : memref<100x32xf32, #tpu.memory_space<vmem>>)
      %dma_wait3A_786 = arith.constant 1 : i32
      %dma_wait3A_787 = arith.constant 4 : i32
      %dma_wait3A_788 = arith.constant 1 : i32
      %dma_wait3A_789 = arith.constant 400 : i32
      %dma_wait3A_790 = arith.constant 0 : i32
      %dma_wait3A_791 = tpu.memref_slice %arg6[%dma_wait3A_788, %dma_wait3A_789, %dma_wait3A_790] : memref<2x1600x32xf32, #tpu.memory_space<vmem>> -> memref<1x100x32xf32, #tpu.memory_space<vmem>>
      %dma_wait3A_792 = tpu.memref_squeeze %dma_wait3A_791 : memref<1x100x32xf32, #tpu.memory_space<vmem>> -> memref<100x32xf32, #tpu.memory_space<vmem>>
      %dma_wait3A_793 = arith.constant 0 : i32
      %dma_wait3A_794 = tpu.memref_slice %arg5[%dma_wait3A_786, %dma_wait3A_787, %dma_wait3A_793] : memref<2x16x100xi32, #tpu.memory_space<vmem>> -> memref<1x1x100xi32, #tpu.memory_space<vmem>>
      %dma_wait3A_795 = tpu.memref_squeeze %dma_wait3A_794 : memref<1x1x100xi32, #tpu.memory_space<vmem>> -> memref<100xi32, #tpu.memory_space<vmem>>
      %dma_wait3A_796 = arith.constant 0 : i32
      %dma_wait3A_797 = arith.constant 0 : i32
      %dma_wait3A_798 = tpu.memref_slice %arg3[%dma_wait3A_796, %dma_wait3A_797] : memref<1007616x32xf32, #tpu.memory_space<hbm>> -> memref<1007616x32xf32, #tpu.memory_space<hbm>>
      tpu.wait_indirect_dma semaphore(%arg11 : memref<!tpu.dma_semaphore, #tpu.memory_space<semaphore_mem>>) src(%dma_wait3A_798 : memref<1007616x32xf32, #tpu.memory_space<hbm>>) dst(%dma_wait3A_792 : memref<100x32xf32, #tpu.memory_space<vmem>>)
      %dma_wait3A_799 = arith.constant 1 : i32
      %dma_wait3A_800 = arith.constant 5 : i32
      %dma_wait3A_801 = arith.constant 1 : i32
      %dma_wait3A_802 = arith.constant 500 : i32
      %dma_wait3A_803 = arith.constant 0 : i32
      %dma_wait3A_804 = tpu.memref_slice %arg6[%dma_wait3A_801, %dma_wait3A_802, %dma_wait3A_803] : memref<2x1600x32xf32, #tpu.memory_space<vmem>> -> memref<1x100x32xf32, #tpu.memory_space<vmem>>
      %dma_wait3A_805 = tpu.memref_squeeze %dma_wait3A_804 : memref<1x100x32xf32, #tpu.memory_space<vmem>> -> memref<100x32xf32, #tpu.memory_space<vmem>>
      %dma_wait3A_806 = arith.constant 0 : i32
      %dma_wait3A_807 = tpu.memref_slice %arg5[%dma_wait3A_799, %dma_wait3A_800, %dma_wait3A_806] : memref<2x16x100xi32, #tpu.memory_space<vmem>> -> memref<1x1x100xi32, #tpu.memory_space<vmem>>
      %dma_wait3A_808 = tpu.memref_squeeze %dma_wait3A_807 : memref<1x1x100xi32, #tpu.memory_space<vmem>> -> memref<100xi32, #tpu.memory_space<vmem>>
      %dma_wait3A_809 = arith.constant 0 : i32
      %dma_wait3A_810 = arith.constant 0 : i32
      %dma_wait3A_811 = tpu.memref_slice %arg3[%dma_wait3A_809, %dma_wait3A_810] : memref<1007616x32xf32, #tpu.memory_space<hbm>> -> memref<1007616x32xf32, #tpu.memory_space<hbm>>
      tpu.wait_indirect_dma semaphore(%arg11 : memref<!tpu.dma_semaphore, #tpu.memory_space<semaphore_mem>>) src(%dma_wait3A_811 : memref<1007616x32xf32, #tpu.memory_space<hbm>>) dst(%dma_wait3A_805 : memref<100x32xf32, #tpu.memory_space<vmem>>)
      %dma_wait3A_812 = arith.constant 1 : i32
      %dma_wait3A_813 = arith.constant 6 : i32
      %dma_wait3A_814 = arith.constant 1 : i32
      %dma_wait3A_815 = arith.constant 600 : i32
      %dma_wait3A_816 = arith.constant 0 : i32
      %dma_wait3A_817 = tpu.memref_slice %arg6[%dma_wait3A_814, %dma_wait3A_815, %dma_wait3A_816] : memref<2x1600x32xf32, #tpu.memory_space<vmem>> -> memref<1x100x32xf32, #tpu.memory_space<vmem>>
      %dma_wait3A_818 = tpu.memref_squeeze %dma_wait3A_817 : memref<1x100x32xf32, #tpu.memory_space<vmem>> -> memref<100x32xf32, #tpu.memory_space<vmem>>
      %dma_wait3A_819 = arith.constant 0 : i32
      %dma_wait3A_820 = tpu.memref_slice %arg5[%dma_wait3A_812, %dma_wait3A_813, %dma_wait3A_819] : memref<2x16x100xi32, #tpu.memory_space<vmem>> -> memref<1x1x100xi32, #tpu.memory_space<vmem>>
      %dma_wait3A_821 = tpu.memref_squeeze %dma_wait3A_820 : memref<1x1x100xi32, #tpu.memory_space<vmem>> -> memref<100xi32, #tpu.memory_space<vmem>>
      %dma_wait3A_822 = arith.constant 0 : i32
      %dma_wait3A_823 = arith.constant 0 : i32
      %dma_wait3A_824 = tpu.memref_slice %arg3[%dma_wait3A_822, %dma_wait3A_823] : memref<1007616x32xf32, #tpu.memory_space<hbm>> -> memref<1007616x32xf32, #tpu.memory_space<hbm>>
      tpu.wait_indirect_dma semaphore(%arg11 : memref<!tpu.dma_semaphore, #tpu.memory_space<semaphore_mem>>) src(%dma_wait3A_824 : memref<1007616x32xf32, #tpu.memory_space<hbm>>) dst(%dma_wait3A_818 : memref<100x32xf32, #tpu.memory_space<vmem>>)
      %dma_wait3A_825 = arith.constant 1 : i32
      %dma_wait3A_826 = arith.constant 7 : i32
      %dma_wait3A_827 = arith.constant 1 : i32
      %dma_wait3A_828 = arith.constant 700 : i32
      %dma_wait3A_829 = arith.constant 0 : i32
      %dma_wait3A_830 = tpu.memref_slice %arg6[%dma_wait3A_827, %dma_wait3A_828, %dma_wait3A_829] : memref<2x1600x32xf32, #tpu.memory_space<vmem>> -> memref<1x100x32xf32, #tpu.memory_space<vmem>>
      %dma_wait3A_831 = tpu.memref_squeeze %dma_wait3A_830 : memref<1x100x32xf32, #tpu.memory_space<vmem>> -> memref<100x32xf32, #tpu.memory_space<vmem>>
      %dma_wait3A_832 = arith.constant 0 : i32
      %dma_wait3A_833 = tpu.memref_slice %arg5[%dma_wait3A_825, %dma_wait3A_826, %dma_wait3A_832] : memref<2x16x100xi32, #tpu.memory_space<vmem>> -> memref<1x1x100xi32, #tpu.memory_space<vmem>>
      %dma_wait3A_834 = tpu.memref_squeeze %dma_wait3A_833 : memref<1x1x100xi32, #tpu.memory_space<vmem>> -> memref<100xi32, #tpu.memory_space<vmem>>
      %dma_wait3A_835 = arith.constant 0 : i32
      %dma_wait3A_836 = arith.constant 0 : i32
      %dma_wait3A_837 = tpu.memref_slice %arg3[%dma_wait3A_835, %dma_wait3A_836] : memref<1007616x32xf32, #tpu.memory_space<hbm>> -> memref<1007616x32xf32, #tpu.memory_space<hbm>>
      tpu.wait_indirect_dma semaphore(%arg11 : memref<!tpu.dma_semaphore, #tpu.memory_space<semaphore_mem>>) src(%dma_wait3A_837 : memref<1007616x32xf32, #tpu.memory_space<hbm>>) dst(%dma_wait3A_831 : memref<100x32xf32, #tpu.memory_space<vmem>>)
      %dma_wait3A_838 = arith.constant 1 : i32
      %dma_wait3A_839 = arith.constant 8 : i32
      %dma_wait3A_840 = arith.constant 1 : i32
      %dma_wait3A_841 = arith.constant 800 : i32
      %dma_wait3A_842 = arith.constant 0 : i32
      %dma_wait3A_843 = tpu.memref_slice %arg6[%dma_wait3A_840, %dma_wait3A_841, %dma_wait3A_842] : memref<2x1600x32xf32, #tpu.memory_space<vmem>> -> memref<1x100x32xf32, #tpu.memory_space<vmem>>
      %dma_wait3A_844 = tpu.memref_squeeze %dma_wait3A_843 : memref<1x100x32xf32, #tpu.memory_space<vmem>> -> memref<100x32xf32, #tpu.memory_space<vmem>>
      %dma_wait3A_845 = arith.constant 0 : i32
      %dma_wait3A_846 = tpu.memref_slice %arg5[%dma_wait3A_838, %dma_wait3A_839, %dma_wait3A_845] : memref<2x16x100xi32, #tpu.memory_space<vmem>> -> memref<1x1x100xi32, #tpu.memory_space<vmem>>
      %dma_wait3A_847 = tpu.memref_squeeze %dma_wait3A_846 : memref<1x1x100xi32, #tpu.memory_space<vmem>> -> memref<100xi32, #tpu.memory_space<vmem>>
      %dma_wait3A_848 = arith.constant 0 : i32
      %dma_wait3A_849 = arith.constant 0 : i32
      %dma_wait3A_850 = tpu.memref_slice %arg3[%dma_wait3A_848, %dma_wait3A_849] : memref<1007616x32xf32, #tpu.memory_space<hbm>> -> memref<1007616x32xf32, #tpu.memory_space<hbm>>
      tpu.wait_indirect_dma semaphore(%arg11 : memref<!tpu.dma_semaphore, #tpu.memory_space<semaphore_mem>>) src(%dma_wait3A_850 : memref<1007616x32xf32, #tpu.memory_space<hbm>>) dst(%dma_wait3A_844 : memref<100x32xf32, #tpu.memory_space<vmem>>)
      %dma_wait3A_851 = arith.constant 1 : i32
      %dma_wait3A_852 = arith.constant 9 : i32
      %dma_wait3A_853 = arith.constant 1 : i32
      %dma_wait3A_854 = arith.constant 900 : i32
      %dma_wait3A_855 = arith.constant 0 : i32
      %dma_wait3A_856 = tpu.memref_slice %arg6[%dma_wait3A_853, %dma_wait3A_854, %dma_wait3A_855] : memref<2x1600x32xf32, #tpu.memory_space<vmem>> -> memref<1x100x32xf32, #tpu.memory_space<vmem>>
      %dma_wait3A_857 = tpu.memref_squeeze %dma_wait3A_856 : memref<1x100x32xf32, #tpu.memory_space<vmem>> -> memref<100x32xf32, #tpu.memory_space<vmem>>
      %dma_wait3A_858 = arith.constant 0 : i32
      %dma_wait3A_859 = tpu.memref_slice %arg5[%dma_wait3A_851, %dma_wait3A_852, %dma_wait3A_858] : memref<2x16x100xi32, #tpu.memory_space<vmem>> -> memref<1x1x100xi32, #tpu.memory_space<vmem>>
      %dma_wait3A_860 = tpu.memref_squeeze %dma_wait3A_859 : memref<1x1x100xi32, #tpu.memory_space<vmem>> -> memref<100xi32, #tpu.memory_space<vmem>>
      %dma_wait3A_861 = arith.constant 0 : i32
      %dma_wait3A_862 = arith.constant 0 : i32
      %dma_wait3A_863 = tpu.memref_slice %arg3[%dma_wait3A_861, %dma_wait3A_862] : memref<1007616x32xf32, #tpu.memory_space<hbm>> -> memref<1007616x32xf32, #tpu.memory_space<hbm>>
      tpu.wait_indirect_dma semaphore(%arg11 : memref<!tpu.dma_semaphore, #tpu.memory_space<semaphore_mem>>) src(%dma_wait3A_863 : memref<1007616x32xf32, #tpu.memory_space<hbm>>) dst(%dma_wait3A_857 : memref<100x32xf32, #tpu.memory_space<vmem>>)
      %dma_wait3A_864 = arith.constant 1 : i32
      %dma_wait3A_865 = arith.constant 10 : i32
      %dma_wait3A_866 = arith.constant 1 : i32
      %dma_wait3A_867 = arith.constant 1000 : i32
      %dma_wait3A_868 = arith.constant 0 : i32
      %dma_wait3A_869 = tpu.memref_slice %arg6[%dma_wait3A_866, %dma_wait3A_867, %dma_wait3A_868] : memref<2x1600x32xf32, #tpu.memory_space<vmem>> -> memref<1x100x32xf32, #tpu.memory_space<vmem>>
      %dma_wait3A_870 = tpu.memref_squeeze %dma_wait3A_869 : memref<1x100x32xf32, #tpu.memory_space<vmem>> -> memref<100x32xf32, #tpu.memory_space<vmem>>
      %dma_wait3A_871 = arith.constant 0 : i32
      %dma_wait3A_872 = tpu.memref_slice %arg5[%dma_wait3A_864, %dma_wait3A_865, %dma_wait3A_871] : memref<2x16x100xi32, #tpu.memory_space<vmem>> -> memref<1x1x100xi32, #tpu.memory_space<vmem>>
      %dma_wait3A_873 = tpu.memref_squeeze %dma_wait3A_872 : memref<1x1x100xi32, #tpu.memory_space<vmem>> -> memref<100xi32, #tpu.memory_space<vmem>>
      %dma_wait3A_874 = arith.constant 0 : i32
      %dma_wait3A_875 = arith.constant 0 : i32
      %dma_wait3A_876 = tpu.memref_slice %arg3[%dma_wait3A_874, %dma_wait3A_875] : memref<1007616x32xf32, #tpu.memory_space<hbm>> -> memref<1007616x32xf32, #tpu.memory_space<hbm>>
      tpu.wait_indirect_dma semaphore(%arg11 : memref<!tpu.dma_semaphore, #tpu.memory_space<semaphore_mem>>) src(%dma_wait3A_876 : memref<1007616x32xf32, #tpu.memory_space<hbm>>) dst(%dma_wait3A_870 : memref<100x32xf32, #tpu.memory_space<vmem>>)
      %dma_wait3A_877 = arith.constant 1 : i32
      %dma_wait3A_878 = arith.constant 11 : i32
      %dma_wait3A_879 = arith.constant 1 : i32
      %dma_wait3A_880 = arith.constant 1100 : i32
      %dma_wait3A_881 = arith.constant 0 : i32
      %dma_wait3A_882 = tpu.memref_slice %arg6[%dma_wait3A_879, %dma_wait3A_880, %dma_wait3A_881] : memref<2x1600x32xf32, #tpu.memory_space<vmem>> -> memref<1x100x32xf32, #tpu.memory_space<vmem>>
      %dma_wait3A_883 = tpu.memref_squeeze %dma_wait3A_882 : memref<1x100x32xf32, #tpu.memory_space<vmem>> -> memref<100x32xf32, #tpu.memory_space<vmem>>
      %dma_wait3A_884 = arith.constant 0 : i32
      %dma_wait3A_885 = tpu.memref_slice %arg5[%dma_wait3A_877, %dma_wait3A_878, %dma_wait3A_884] : memref<2x16x100xi32, #tpu.memory_space<vmem>> -> memref<1x1x100xi32, #tpu.memory_space<vmem>>
      %dma_wait3A_886 = tpu.memref_squeeze %dma_wait3A_885 : memref<1x1x100xi32, #tpu.memory_space<vmem>> -> memref<100xi32, #tpu.memory_space<vmem>>
      %dma_wait3A_887 = arith.constant 0 : i32
      %dma_wait3A_888 = arith.constant 0 : i32
      %dma_wait3A_889 = tpu.memref_slice %arg3[%dma_wait3A_887, %dma_wait3A_888] : memref<1007616x32xf32, #tpu.memory_space<hbm>> -> memref<1007616x32xf32, #tpu.memory_space<hbm>>
      tpu.wait_indirect_dma semaphore(%arg11 : memref<!tpu.dma_semaphore, #tpu.memory_space<semaphore_mem>>) src(%dma_wait3A_889 : memref<1007616x32xf32, #tpu.memory_space<hbm>>) dst(%dma_wait3A_883 : memref<100x32xf32, #tpu.memory_space<vmem>>)
      %dma_wait3A_890 = arith.constant 1 : i32
      %dma_wait3A_891 = arith.constant 12 : i32
      %dma_wait3A_892 = arith.constant 1 : i32
      %dma_wait3A_893 = arith.constant 1200 : i32
      %dma_wait3A_894 = arith.constant 0 : i32
      %dma_wait3A_895 = tpu.memref_slice %arg6[%dma_wait3A_892, %dma_wait3A_893, %dma_wait3A_894] : memref<2x1600x32xf32, #tpu.memory_space<vmem>> -> memref<1x100x32xf32, #tpu.memory_space<vmem>>
      %dma_wait3A_896 = tpu.memref_squeeze %dma_wait3A_895 : memref<1x100x32xf32, #tpu.memory_space<vmem>> -> memref<100x32xf32, #tpu.memory_space<vmem>>
      %dma_wait3A_897 = arith.constant 0 : i32
      %dma_wait3A_898 = tpu.memref_slice %arg5[%dma_wait3A_890, %dma_wait3A_891, %dma_wait3A_897] : memref<2x16x100xi32, #tpu.memory_space<vmem>> -> memref<1x1x100xi32, #tpu.memory_space<vmem>>
      %dma_wait3A_899 = tpu.memref_squeeze %dma_wait3A_898 : memref<1x1x100xi32, #tpu.memory_space<vmem>> -> memref<100xi32, #tpu.memory_space<vmem>>
      %dma_wait3A_900 = arith.constant 0 : i32
      %dma_wait3A_901 = arith.constant 0 : i32
      %dma_wait3A_902 = tpu.memref_slice %arg3[%dma_wait3A_900, %dma_wait3A_901] : memref<1007616x32xf32, #tpu.memory_space<hbm>> -> memref<1007616x32xf32, #tpu.memory_space<hbm>>
      tpu.wait_indirect_dma semaphore(%arg11 : memref<!tpu.dma_semaphore, #tpu.memory_space<semaphore_mem>>) src(%dma_wait3A_902 : memref<1007616x32xf32, #tpu.memory_space<hbm>>) dst(%dma_wait3A_896 : memref<100x32xf32, #tpu.memory_space<vmem>>)
      %dma_wait3A_903 = arith.constant 1 : i32
      %dma_wait3A_904 = arith.constant 13 : i32
      %dma_wait3A_905 = arith.constant 1 : i32
      %dma_wait3A_906 = arith.constant 1300 : i32
      %dma_wait3A_907 = arith.constant 0 : i32
      %dma_wait3A_908 = tpu.memref_slice %arg6[%dma_wait3A_905, %dma_wait3A_906, %dma_wait3A_907] : memref<2x1600x32xf32, #tpu.memory_space<vmem>> -> memref<1x100x32xf32, #tpu.memory_space<vmem>>
      %dma_wait3A_909 = tpu.memref_squeeze %dma_wait3A_908 : memref<1x100x32xf32, #tpu.memory_space<vmem>> -> memref<100x32xf32, #tpu.memory_space<vmem>>
      %dma_wait3A_910 = arith.constant 0 : i32
      %dma_wait3A_911 = tpu.memref_slice %arg5[%dma_wait3A_903, %dma_wait3A_904, %dma_wait3A_910] : memref<2x16x100xi32, #tpu.memory_space<vmem>> -> memref<1x1x100xi32, #tpu.memory_space<vmem>>
      %dma_wait3A_912 = tpu.memref_squeeze %dma_wait3A_911 : memref<1x1x100xi32, #tpu.memory_space<vmem>> -> memref<100xi32, #tpu.memory_space<vmem>>
      %dma_wait3A_913 = arith.constant 0 : i32
      %dma_wait3A_914 = arith.constant 0 : i32
      %dma_wait3A_915 = tpu.memref_slice %arg3[%dma_wait3A_913, %dma_wait3A_914] : memref<1007616x32xf32, #tpu.memory_space<hbm>> -> memref<1007616x32xf32, #tpu.memory_space<hbm>>
      tpu.wait_indirect_dma semaphore(%arg11 : memref<!tpu.dma_semaphore, #tpu.memory_space<semaphore_mem>>) src(%dma_wait3A_915 : memref<1007616x32xf32, #tpu.memory_space<hbm>>) dst(%dma_wait3A_909 : memref<100x32xf32, #tpu.memory_space<vmem>>)
      %dma_wait3A_916 = arith.constant 1 : i32
      %dma_wait3A_917 = arith.constant 14 : i32
      %dma_wait3A_918 = arith.constant 1 : i32
      %dma_wait3A_919 = arith.constant 1400 : i32
      %dma_wait3A_920 = arith.constant 0 : i32
      %dma_wait3A_921 = tpu.memref_slice %arg6[%dma_wait3A_918, %dma_wait3A_919, %dma_wait3A_920] : memref<2x1600x32xf32, #tpu.memory_space<vmem>> -> memref<1x100x32xf32, #tpu.memory_space<vmem>>
      %dma_wait3A_922 = tpu.memref_squeeze %dma_wait3A_921 : memref<1x100x32xf32, #tpu.memory_space<vmem>> -> memref<100x32xf32, #tpu.memory_space<vmem>>
      %dma_wait3A_923 = arith.constant 0 : i32
      %dma_wait3A_924 = tpu.memref_slice %arg5[%dma_wait3A_916, %dma_wait3A_917, %dma_wait3A_923] : memref<2x16x100xi32, #tpu.memory_space<vmem>> -> memref<1x1x100xi32, #tpu.memory_space<vmem>>
      %dma_wait3A_925 = tpu.memref_squeeze %dma_wait3A_924 : memref<1x1x100xi32, #tpu.memory_space<vmem>> -> memref<100xi32, #tpu.memory_space<vmem>>
      %dma_wait3A_926 = arith.constant 0 : i32
      %dma_wait3A_927 = arith.constant 0 : i32
      %dma_wait3A_928 = tpu.memref_slice %arg3[%dma_wait3A_926, %dma_wait3A_927] : memref<1007616x32xf32, #tpu.memory_space<hbm>> -> memref<1007616x32xf32, #tpu.memory_space<hbm>>
      tpu.wait_indirect_dma semaphore(%arg11 : memref<!tpu.dma_semaphore, #tpu.memory_space<semaphore_mem>>) src(%dma_wait3A_928 : memref<1007616x32xf32, #tpu.memory_space<hbm>>) dst(%dma_wait3A_922 : memref<100x32xf32, #tpu.memory_space<vmem>>)
      %dma_wait3A_929 = arith.constant 1 : i32
      %dma_wait3A_930 = arith.constant 15 : i32
      %dma_wait3A_931 = arith.constant 1 : i32
      %dma_wait3A_932 = arith.constant 1500 : i32
      %dma_wait3A_933 = arith.constant 0 : i32
      %dma_wait3A_934 = tpu.memref_slice %arg6[%dma_wait3A_931, %dma_wait3A_932, %dma_wait3A_933] : memref<2x1600x32xf32, #tpu.memory_space<vmem>> -> memref<1x100x32xf32, #tpu.memory_space<vmem>>
      %dma_wait3A_935 = tpu.memref_squeeze %dma_wait3A_934 : memref<1x100x32xf32, #tpu.memory_space<vmem>> -> memref<100x32xf32, #tpu.memory_space<vmem>>
      %dma_wait3A_936 = arith.constant 0 : i32
      %dma_wait3A_937 = tpu.memref_slice %arg5[%dma_wait3A_929, %dma_wait3A_930, %dma_wait3A_936] : memref<2x16x100xi32, #tpu.memory_space<vmem>> -> memref<1x1x100xi32, #tpu.memory_space<vmem>>
      %dma_wait3A_938 = tpu.memref_squeeze %dma_wait3A_937 : memref<1x1x100xi32, #tpu.memory_space<vmem>> -> memref<100xi32, #tpu.memory_space<vmem>>
      %dma_wait3A_939 = arith.constant 0 : i32
      %dma_wait3A_940 = arith.constant 0 : i32
      %dma_wait3A_941 = tpu.memref_slice %arg3[%dma_wait3A_939, %dma_wait3A_940] : memref<1007616x32xf32, #tpu.memory_space<hbm>> -> memref<1007616x32xf32, #tpu.memory_space<hbm>>
      tpu.wait_indirect_dma semaphore(%arg11 : memref<!tpu.dma_semaphore, #tpu.memory_space<semaphore_mem>>) src(%dma_wait3A_941 : memref<1007616x32xf32, #tpu.memory_space<hbm>>) dst(%dma_wait3A_935 : memref<100x32xf32, #tpu.memory_space<vmem>>)
      %add3A_942 = arith.constant 2 : i32
      %add3A_943 = arith.addi %add3A_726, %add3A_942 : i32
      %lt3A_944 = arith.constant 64 : i32
      %lt3A_945 = arith.cmpi slt, %add3A_943, %lt3A_944 : i32
      %convert_element_type3A_946 = arith.extui %lt3A_945 : i1 to i32
      %cond3A_947 = arith.constant 0 : i32
      %cond3A_948 = arith.cmpi ne, %convert_element_type3A_946, %cond3A_947 : i32
      scf.if %cond3A_948 {
        %add3A_1191 = arith.constant 2 : i32
        %add3A_1192 = arith.addi %add3A_726, %add3A_1191 : i32
        %mul3A_1193 = arith.constant 16 : i32
        %mul3A_1194 = arith.muli %add3A_1192, %mul3A_1193 : i32
        %add3A_1195 = arith.addi %mul3A_2, %mul3A_1194 : i32
        %dma_start3A_1196 = arith.constant 1 : i32
        %dma_start3A_1197 = arith.constant 0 : i32
        %dma_start3A_1198 = arith.constant 0 : i32
        %dma_start3A_1199 = tpu.memref_slice %arg5[%dma_start3A_1196, %dma_start3A_1197, %dma_start3A_1198] : memref<2x16x100xi32, #tpu.memory_space<vmem>> -> memref<1x16x100xi32, #tpu.memory_space<vmem>>
        %dma_start3A_1200 = tpu.memref_squeeze %dma_start3A_1199 : memref<1x16x100xi32, #tpu.memory_space<vmem>> -> memref<16x100xi32, #tpu.memory_space<vmem>>
        %dma_start3A_1201 = arith.constant 0 : i32
        %dma_start3A_1202 = tpu.memref_slice %arg2[%add3A_1195, %dma_start3A_1201] : memref<32768x100xi32, #tpu.memory_space<hbm>> -> memref<16x100xi32, #tpu.memory_space<hbm>>
        %dma_start3A_1203 = arith.constant 0 : i32
        %dma_start3A_1204 = arith.constant 0 : i32
        %dma_start3A_1205 = tpu.memref_slice %arg5[%dma_start3A_1196, %dma_start3A_1203, %dma_start3A_1204] : memref<2x16x100xi32, #tpu.memory_space<vmem>> -> memref<1x16x100xi32, #tpu.memory_space<vmem>>
        %dma_start3A_1206 = tpu.memref_squeeze %dma_start3A_1205 : memref<1x16x100xi32, #tpu.memory_space<vmem>> -> memref<16x100xi32, #tpu.memory_space<vmem>>
        %dma_start3A_1207 = arith.constant 0 : i32
        %dma_start3A_1208 = tpu.memref_slice %arg2[%add3A_1195, %dma_start3A_1207] : memref<32768x100xi32, #tpu.memory_space<hbm>> -> memref<16x100xi32, #tpu.memory_space<hbm>>
        tpu.enqueue_dma source(%dma_start3A_1208 : memref<16x100xi32, #tpu.memory_space<hbm>>) target(%dma_start3A_1206 : memref<16x100xi32, #tpu.memory_space<vmem>>) target_semaphore(%arg9 : memref<!tpu.dma_semaphore, #tpu.memory_space<semaphore_mem>>)
      } else {
      }
      %broadcast_in_dim3A_949 = arith.constant 5.000000e-03 : f32
      %broadcast_in_dim3A_950 = vector.broadcast %broadcast_in_dim3A_949 : f32 to vector<16xf32>
      %broadcast_in_dim3A_951 = arith.constant 0.000000e+00 : f32
      %broadcast_in_dim3A_952 = vector.broadcast %broadcast_in_dim3A_951 : f32 to vector<16xf32>
      %scan3A_953 = arith.constant 0 : i32
      %scan3A_954 = arith.constant 25 : i32
      %scan3A_955 = arith.addi %scan3A_953, %scan3A_954 : i32
      %scan3A_956 = arith.constant 1 : i32
      %scan3A_957:8 = scf.for %scan3A_1191 = %scan3A_953 to %scan3A_955 step %scan3A_956 iter_args(%scan3A_1192 = %broadcast_in_dim3A_952, %scan3A_1193 = %broadcast_in_dim3A_952, %scan3A_1194 = %broadcast_in_dim3A_952, %scan3A_1195 = %broadcast_in_dim3A_952, %scan3A_1196 = %broadcast_in_dim3A_952, %scan3A_1197 = %broadcast_in_dim3A_952, %scan3A_1198 = %broadcast_in_dim3A_952, %scan3A_1199 = %broadcast_in_dim3A_952) -> (vector<16xf32>, vector<16xf32>, vector<16xf32>, vector<16xf32>, vector<16xf32>, vector<16xf32>, vector<16xf32>, vector<16xf32>)  : i32 {
        %mul3A_1200 = arith.constant 8 : i32
        %mul3A_1201 = arith.muli %scan3A_1191, %mul3A_1200 : i32
        %add3A_1202 = arith.constant 0 : i32
        %add3A_1203 = arith.addi %add3A_1202, %mul3A_1201 : i32
        %add3A_1204 = arith.constant 0 : i32
        %add3A_1205 = arith.addi %add3A_1203, %add3A_1204 : i32
        %get3A = arith.constant 1 : i32
        %get3A_1206 = arith.index_cast %get3A : i32 to index
        %get3A_1207 = arith.index_cast %add3A_1205 : i32 to index
        %get3A_1208 = arith.constant 0 : index
        %get3A_1209 = tpu.vector_load %arg6[%get3A_1206, %get3A_1207, %get3A_1208] {strides = array<i32>} : memref<2x1600x32xf32, #tpu.memory_space<vmem>>, vector<16xf32>,
        %add3A_1210 = arith.addf %scan3A_1192, %get3A_1209 : vector<16xf32>
        %add3A_1211 = arith.constant 0 : i32
        %add3A_1212 = arith.addi %add3A_1203, %add3A_1211 : i32
        %get3A_1213 = arith.constant 1 : i32
        %get3A_1214 = arith.index_cast %get3A_1213 : i32 to index
        %get3A_1215 = arith.index_cast %add3A_1212 : i32 to index
        %get3A_1216 = arith.constant 16 : index
        %get3A_1217 = tpu.vector_load %arg6[%get3A_1214, %get3A_1215, %get3A_1216] {strides = array<i32>} : memref<2x1600x32xf32, #tpu.memory_space<vmem>>, vector<16xf32>,
        %add3A_1218 = arith.addf %scan3A_1193, %get3A_1217 : vector<16xf32>
        %add3A_1219 = arith.constant 1 : i32
        %add3A_1220 = arith.addi %add3A_1203, %add3A_1219 : i32
        %get3A_1221 = arith.constant 1 : i32
        %get3A_1222 = arith.index_cast %get3A_1221 : i32 to index
        %get3A_1223 = arith.index_cast %add3A_1220 : i32 to index
        %get3A_1224 = arith.constant 0 : index
        %get3A_1225 = tpu.vector_load %arg6[%get3A_1222, %get3A_1223, %get3A_1224] {strides = array<i32>} : memref<2x1600x32xf32, #tpu.memory_space<vmem>>, vector<16xf32>,
        %add3A_1226 = arith.addf %scan3A_1194, %get3A_1225 : vector<16xf32>
        %add3A_1227 = arith.constant 1 : i32
        %add3A_1228 = arith.addi %add3A_1203, %add3A_1227 : i32
        %get3A_1229 = arith.constant 1 : i32
        %get3A_1230 = arith.index_cast %get3A_1229 : i32 to index
        %get3A_1231 = arith.index_cast %add3A_1228 : i32 to index
        %get3A_1232 = arith.constant 16 : index
        %get3A_1233 = tpu.vector_load %arg6[%get3A_1230, %get3A_1231, %get3A_1232] {strides = array<i32>} : memref<2x1600x32xf32, #tpu.memory_space<vmem>>, vector<16xf32>,
        %add3A_1234 = arith.addf %scan3A_1195, %get3A_1233 : vector<16xf32>
        %add3A_1235 = arith.constant 2 : i32
        %add3A_1236 = arith.addi %add3A_1203, %add3A_1235 : i32
        %get3A_1237 = arith.constant 1 : i32
        %get3A_1238 = arith.index_cast %get3A_1237 : i32 to index
        %get3A_1239 = arith.index_cast %add3A_1236 : i32 to index
        %get3A_1240 = arith.constant 0 : index
        %get3A_1241 = tpu.vector_load %arg6[%get3A_1238, %get3A_1239, %get3A_1240] {strides = array<i32>} : memref<2x1600x32xf32, #tpu.memory_space<vmem>>, vector<16xf32>,
        %add3A_1242 = arith.addf %scan3A_1196, %get3A_1241 : vector<16xf32>
        %add3A_1243 = arith.constant 2 : i32
        %add3A_1244 = arith.addi %add3A_1203, %add3A_1243 : i32
        %get3A_1245 = arith.constant 1 : i32
        %get3A_1246 = arith.index_cast %get3A_1245 : i32 to index
        %get3A_1247 = arith.index_cast %add3A_1244 : i32 to index
        %get3A_1248 = arith.constant 16 : index
        %get3A_1249 = tpu.vector_load %arg6[%get3A_1246, %get3A_1247, %get3A_1248] {strides = array<i32>} : memref<2x1600x32xf32, #tpu.memory_space<vmem>>, vector<16xf32>,
        %add3A_1250 = arith.addf %scan3A_1197, %get3A_1249 : vector<16xf32>
        %add3A_1251 = arith.constant 3 : i32
        %add3A_1252 = arith.addi %add3A_1203, %add3A_1251 : i32
        %get3A_1253 = arith.constant 1 : i32
        %get3A_1254 = arith.index_cast %get3A_1253 : i32 to index
        %get3A_1255 = arith.index_cast %add3A_1252 : i32 to index
        %get3A_1256 = arith.constant 0 : index
        %get3A_1257 = tpu.vector_load %arg6[%get3A_1254, %get3A_1255, %get3A_1256] {strides = array<i32>} : memref<2x1600x32xf32, #tpu.memory_space<vmem>>, vector<16xf32>,
        %add3A_1258 = arith.addf %scan3A_1198, %get3A_1257 : vector<16xf32>
        %add3A_1259 = arith.constant 3 : i32
        %add3A_1260 = arith.addi %add3A_1203, %add3A_1259 : i32
        %get3A_1261 = arith.constant 1 : i32
        %get3A_1262 = arith.index_cast %get3A_1261 : i32 to index
        %get3A_1263 = arith.index_cast %add3A_1260 : i32 to index
        %get3A_1264 = arith.constant 16 : index
        %get3A_1265 = tpu.vector_load %arg6[%get3A_1262, %get3A_1263, %get3A_1264] {strides = array<i32>} : memref<2x1600x32xf32, #tpu.memory_space<vmem>>, vector<16xf32>,
        %add3A_1266 = arith.addf %scan3A_1199, %get3A_1265 : vector<16xf32>
        %add3A_1267 = arith.constant 4 : i32
        %add3A_1268 = arith.addi %add3A_1203, %add3A_1267 : i32
        %get3A_1269 = arith.constant 1 : i32
        %get3A_1270 = arith.index_cast %get3A_1269 : i32 to index
        %get3A_1271 = arith.index_cast %add3A_1268 : i32 to index
        %get3A_1272 = arith.constant 0 : index
        %get3A_1273 = tpu.vector_load %arg6[%get3A_1270, %get3A_1271, %get3A_1272] {strides = array<i32>} : memref<2x1600x32xf32, #tpu.memory_space<vmem>>, vector<16xf32>,
        %add3A_1274 = arith.addf %add3A_1210, %get3A_1273 : vector<16xf32>
        %add3A_1275 = arith.constant 4 : i32
        %add3A_1276 = arith.addi %add3A_1203, %add3A_1275 : i32
        %get3A_1277 = arith.constant 1 : i32
        %get3A_1278 = arith.index_cast %get3A_1277 : i32 to index
        %get3A_1279 = arith.index_cast %add3A_1276 : i32 to index
        %get3A_1280 = arith.constant 16 : index
        %get3A_1281 = tpu.vector_load %arg6[%get3A_1278, %get3A_1279, %get3A_1280] {strides = array<i32>} : memref<2x1600x32xf32, #tpu.memory_space<vmem>>, vector<16xf32>,
        %add3A_1282 = arith.addf %add3A_1218, %get3A_1281 : vector<16xf32>
        %add3A_1283 = arith.constant 5 : i32
        %add3A_1284 = arith.addi %add3A_1203, %add3A_1283 : i32
        %get3A_1285 = arith.constant 1 : i32
        %get3A_1286 = arith.index_cast %get3A_1285 : i32 to index
        %get3A_1287 = arith.index_cast %add3A_1284 : i32 to index
        %get3A_1288 = arith.constant 0 : index
        %get3A_1289 = tpu.vector_load %arg6[%get3A_1286, %get3A_1287, %get3A_1288] {strides = array<i32>} : memref<2x1600x32xf32, #tpu.memory_space<vmem>>, vector<16xf32>,
        %add3A_1290 = arith.addf %add3A_1226, %get3A_1289 : vector<16xf32>
        %add3A_1291 = arith.constant 5 : i32
        %add3A_1292 = arith.addi %add3A_1203, %add3A_1291 : i32
        %get3A_1293 = arith.constant 1 : i32
        %get3A_1294 = arith.index_cast %get3A_1293 : i32 to index
        %get3A_1295 = arith.index_cast %add3A_1292 : i32 to index
        %get3A_1296 = arith.constant 16 : index
        %get3A_1297 = tpu.vector_load %arg6[%get3A_1294, %get3A_1295, %get3A_1296] {strides = array<i32>} : memref<2x1600x32xf32, #tpu.memory_space<vmem>>, vector<16xf32>,
        %add3A_1298 = arith.addf %add3A_1234, %get3A_1297 : vector<16xf32>
        %add3A_1299 = arith.constant 6 : i32
        %add3A_1300 = arith.addi %add3A_1203, %add3A_1299 : i32
        %get3A_1301 = arith.constant 1 : i32
        %get3A_1302 = arith.index_cast %get3A_1301 : i32 to index
        %get3A_1303 = arith.index_cast %add3A_1300 : i32 to index
        %get3A_1304 = arith.constant 0 : index
        %get3A_1305 = tpu.vector_load %arg6[%get3A_1302, %get3A_1303, %get3A_1304] {strides = array<i32>} : memref<2x1600x32xf32, #tpu.memory_space<vmem>>, vector<16xf32>,
        %add3A_1306 = arith.addf %add3A_1242, %get3A_1305 : vector<16xf32>
        %add3A_1307 = arith.constant 6 : i32
        %add3A_1308 = arith.addi %add3A_1203, %add3A_1307 : i32
        %get3A_1309 = arith.constant 1 : i32
        %get3A_1310 = arith.index_cast %get3A_1309 : i32 to index
        %get3A_1311 = arith.index_cast %add3A_1308 : i32 to index
        %get3A_1312 = arith.constant 16 : index
        %get3A_1313 = tpu.vector_load %arg6[%get3A_1310, %get3A_1311, %get3A_1312] {strides = array<i32>} : memref<2x1600x32xf32, #tpu.memory_space<vmem>>, vector<16xf32>,
        %add3A_1314 = arith.addf %add3A_1250, %get3A_1313 : vector<16xf32>
        %add3A_1315 = arith.constant 7 : i32
        %add3A_1316 = arith.addi %add3A_1203, %add3A_1315 : i32
        %get3A_1317 = arith.constant 1 : i32
        %get3A_1318 = arith.index_cast %get3A_1317 : i32 to index
        %get3A_1319 = arith.index_cast %add3A_1316 : i32 to index
        %get3A_1320 = arith.constant 0 : index
        %get3A_1321 = tpu.vector_load %arg6[%get3A_1318, %get3A_1319, %get3A_1320] {strides = array<i32>} : memref<2x1600x32xf32, #tpu.memory_space<vmem>>, vector<16xf32>,
        %add3A_1322 = arith.addf %add3A_1258, %get3A_1321 : vector<16xf32>
        %add3A_1323 = arith.constant 7 : i32
        %add3A_1324 = arith.addi %add3A_1203, %add3A_1323 : i32
        %get3A_1325 = arith.constant 1 : i32
        %get3A_1326 = arith.index_cast %get3A_1325 : i32 to index
        %get3A_1327 = arith.index_cast %add3A_1324 : i32 to index
        %get3A_1328 = arith.constant 16 : index
        %get3A_1329 = tpu.vector_load %arg6[%get3A_1326, %get3A_1327, %get3A_1328] {strides = array<i32>} : memref<2x1600x32xf32, #tpu.memory_space<vmem>>, vector<16xf32>,
        %add3A_1330 = arith.addf %add3A_1266, %get3A_1329 : vector<16xf32>
        scf.yield %add3A_1274, %add3A_1282, %add3A_1290, %add3A_1298, %add3A_1306, %add3A_1314, %add3A_1322, %add3A_1330 : vector<16xf32>, vector<16xf32>, vector<16xf32>, vector<16xf32>, vector<16xf32>, vector<16xf32>, vector<16xf32>, vector<16xf32>
      }
      %scan3A_958 = arith.constant 25 : i32
      %add3A_959 = arith.addf %scan3A_957#0, %scan3A_957#2 : vector<16xf32>
      %add3A_960 = arith.addf %scan3A_957#4, %scan3A_957#6 : vector<16xf32>
      %add3A_961 = arith.addf %add3A_959, %add3A_960 : vector<16xf32>
      %add3A_962 = arith.addf %scan3A_957#1, %scan3A_957#3 : vector<16xf32>
      %add3A_963 = arith.addf %scan3A_957#5, %scan3A_957#7 : vector<16xf32>
      %add3A_964 = arith.addf %add3A_962, %add3A_963 : vector<16xf32>
      %mul3A_965 = arith.mulf %add3A_961, %broadcast_in_dim3A_950 : vector<16xf32>
      %mul3A_966 = arith.constant 8 : i32
      %mul3A_967 = arith.muli %add3A_726, %mul3A_966 : i32
      %add3A_968 = arith.constant 0 : i32
      %add3A_969 = arith.addi %mul3A_967, %add3A_968 : i32
      %swap3A_970 = arith.index_cast %add3A_969 : i32 to index
      %swap3A_971 = arith.constant 0 : index
      %swap3A_972 = tpu.vector_load %arg7[%swap3A_970, %swap3A_971] {strides = array<i32>} : memref<512x32xf32, #tpu.memory_space<vmem>>, vector<16xf32>,
      tpu.vector_store %arg7[%swap3A_970, %swap3A_971], %mul3A_965 {strides = array<i32>} : memref<512x32xf32, #tpu.memory_space<vmem>>, vector<16xf32>,
      %mul3A_973 = arith.mulf %add3A_964, %broadcast_in_dim3A_950 : vector<16xf32>
      %mul3A_974 = arith.constant 8 : i32
      %mul3A_975 = arith.muli %add3A_726, %mul3A_974 : i32
      %add3A_976 = arith.constant 0 : i32
      %add3A_977 = arith.addi %mul3A_975, %add3A_976 : i32
      %swap3A_978 = arith.index_cast %add3A_977 : i32 to index
      %swap3A_979 = arith.constant 16 : index
      %swap3A_980 = tpu.vector_load %arg7[%swap3A_978, %swap3A_979] {strides = array<i32>} : memref<512x32xf32, #tpu.memory_space<vmem>>, vector<16xf32>,
      tpu.vector_store %arg7[%swap3A_978, %swap3A_979], %mul3A_973 {strides = array<i32>} : memref<512x32xf32, #tpu.memory_space<vmem>>, vector<16xf32>,
      %broadcast_in_dim3A_981 = arith.constant 0.000000e+00 : f32
      %broadcast_in_dim3A_982 = vector.broadcast %broadcast_in_dim3A_981 : f32 to vector<16xf32>
      %scan3A_983 = arith.constant 0 : i32
      %scan3A_984 = arith.constant 25 : i32
      %scan3A_985 = arith.addi %scan3A_983, %scan3A_984 : i32
      %scan3A_986 = arith.constant 1 : i32
      %scan3A_987:8 = scf.for %scan3A_1191 = %scan3A_983 to %scan3A_985 step %scan3A_986 iter_args(%scan3A_1192 = %broadcast_in_dim3A_982, %scan3A_1193 = %broadcast_in_dim3A_982, %scan3A_1194 = %broadcast_in_dim3A_982, %scan3A_1195 = %broadcast_in_dim3A_982, %scan3A_1196 = %broadcast_in_dim3A_982, %scan3A_1197 = %broadcast_in_dim3A_982, %scan3A_1198 = %broadcast_in_dim3A_982, %scan3A_1199 = %broadcast_in_dim3A_982) -> (vector<16xf32>, vector<16xf32>, vector<16xf32>, vector<16xf32>, vector<16xf32>, vector<16xf32>, vector<16xf32>, vector<16xf32>)  : i32 {
        %mul3A_1200 = arith.constant 8 : i32
        %mul3A_1201 = arith.muli %scan3A_1191, %mul3A_1200 : i32
        %add3A_1202 = arith.constant 200 : i32
        %add3A_1203 = arith.addi %add3A_1202, %mul3A_1201 : i32
        %add3A_1204 = arith.constant 0 : i32
        %add3A_1205 = arith.addi %add3A_1203, %add3A_1204 : i32
        %get3A = arith.constant 1 : i32
        %get3A_1206 = arith.index_cast %get3A : i32 to index
        %get3A_1207 = arith.index_cast %add3A_1205 : i32 to index
        %get3A_1208 = arith.constant 0 : index
        %get3A_1209 = tpu.vector_load %arg6[%get3A_1206, %get3A_1207, %get3A_1208] {strides = array<i32>} : memref<2x1600x32xf32, #tpu.memory_space<vmem>>, vector<16xf32>,
        %add3A_1210 = arith.addf %scan3A_1192, %get3A_1209 : vector<16xf32>
        %add3A_1211 = arith.constant 0 : i32
        %add3A_1212 = arith.addi %add3A_1203, %add3A_1211 : i32
        %get3A_1213 = arith.constant 1 : i32
        %get3A_1214 = arith.index_cast %get3A_1213 : i32 to index
        %get3A_1215 = arith.index_cast %add3A_1212 : i32 to index
        %get3A_1216 = arith.constant 16 : index
        %get3A_1217 = tpu.vector_load %arg6[%get3A_1214, %get3A_1215, %get3A_1216] {strides = array<i32>} : memref<2x1600x32xf32, #tpu.memory_space<vmem>>, vector<16xf32>,
        %add3A_1218 = arith.addf %scan3A_1193, %get3A_1217 : vector<16xf32>
        %add3A_1219 = arith.constant 1 : i32
        %add3A_1220 = arith.addi %add3A_1203, %add3A_1219 : i32
        %get3A_1221 = arith.constant 1 : i32
        %get3A_1222 = arith.index_cast %get3A_1221 : i32 to index
        %get3A_1223 = arith.index_cast %add3A_1220 : i32 to index
        %get3A_1224 = arith.constant 0 : index
        %get3A_1225 = tpu.vector_load %arg6[%get3A_1222, %get3A_1223, %get3A_1224] {strides = array<i32>} : memref<2x1600x32xf32, #tpu.memory_space<vmem>>, vector<16xf32>,
        %add3A_1226 = arith.addf %scan3A_1194, %get3A_1225 : vector<16xf32>
        %add3A_1227 = arith.constant 1 : i32
        %add3A_1228 = arith.addi %add3A_1203, %add3A_1227 : i32
        %get3A_1229 = arith.constant 1 : i32
        %get3A_1230 = arith.index_cast %get3A_1229 : i32 to index
        %get3A_1231 = arith.index_cast %add3A_1228 : i32 to index
        %get3A_1232 = arith.constant 16 : index
        %get3A_1233 = tpu.vector_load %arg6[%get3A_1230, %get3A_1231, %get3A_1232] {strides = array<i32>} : memref<2x1600x32xf32, #tpu.memory_space<vmem>>, vector<16xf32>,
        %add3A_1234 = arith.addf %scan3A_1195, %get3A_1233 : vector<16xf32>
        %add3A_1235 = arith.constant 2 : i32
        %add3A_1236 = arith.addi %add3A_1203, %add3A_1235 : i32
        %get3A_1237 = arith.constant 1 : i32
        %get3A_1238 = arith.index_cast %get3A_1237 : i32 to index
        %get3A_1239 = arith.index_cast %add3A_1236 : i32 to index
        %get3A_1240 = arith.constant 0 : index
        %get3A_1241 = tpu.vector_load %arg6[%get3A_1238, %get3A_1239, %get3A_1240] {strides = array<i32>} : memref<2x1600x32xf32, #tpu.memory_space<vmem>>, vector<16xf32>,
        %add3A_1242 = arith.addf %scan3A_1196, %get3A_1241 : vector<16xf32>
        %add3A_1243 = arith.constant 2 : i32
        %add3A_1244 = arith.addi %add3A_1203, %add3A_1243 : i32
        %get3A_1245 = arith.constant 1 : i32
        %get3A_1246 = arith.index_cast %get3A_1245 : i32 to index
        %get3A_1247 = arith.index_cast %add3A_1244 : i32 to index
        %get3A_1248 = arith.constant 16 : index
        %get3A_1249 = tpu.vector_load %arg6[%get3A_1246, %get3A_1247, %get3A_1248] {strides = array<i32>} : memref<2x1600x32xf32, #tpu.memory_space<vmem>>, vector<16xf32>,
        %add3A_1250 = arith.addf %scan3A_1197, %get3A_1249 : vector<16xf32>
        %add3A_1251 = arith.constant 3 : i32
        %add3A_1252 = arith.addi %add3A_1203, %add3A_1251 : i32
        %get3A_1253 = arith.constant 1 : i32
        %get3A_1254 = arith.index_cast %get3A_1253 : i32 to index
        %get3A_1255 = arith.index_cast %add3A_1252 : i32 to index
        %get3A_1256 = arith.constant 0 : index
        %get3A_1257 = tpu.vector_load %arg6[%get3A_1254, %get3A_1255, %get3A_1256] {strides = array<i32>} : memref<2x1600x32xf32, #tpu.memory_space<vmem>>, vector<16xf32>,
        %add3A_1258 = arith.addf %scan3A_1198, %get3A_1257 : vector<16xf32>
        %add3A_1259 = arith.constant 3 : i32
        %add3A_1260 = arith.addi %add3A_1203, %add3A_1259 : i32
        %get3A_1261 = arith.constant 1 : i32
        %get3A_1262 = arith.index_cast %get3A_1261 : i32 to index
        %get3A_1263 = arith.index_cast %add3A_1260 : i32 to index
        %get3A_1264 = arith.constant 16 : index
        %get3A_1265 = tpu.vector_load %arg6[%get3A_1262, %get3A_1263, %get3A_1264] {strides = array<i32>} : memref<2x1600x32xf32, #tpu.memory_space<vmem>>, vector<16xf32>,
        %add3A_1266 = arith.addf %scan3A_1199, %get3A_1265 : vector<16xf32>
        %add3A_1267 = arith.constant 4 : i32
        %add3A_1268 = arith.addi %add3A_1203, %add3A_1267 : i32
        %get3A_1269 = arith.constant 1 : i32
        %get3A_1270 = arith.index_cast %get3A_1269 : i32 to index
        %get3A_1271 = arith.index_cast %add3A_1268 : i32 to index
        %get3A_1272 = arith.constant 0 : index
        %get3A_1273 = tpu.vector_load %arg6[%get3A_1270, %get3A_1271, %get3A_1272] {strides = array<i32>} : memref<2x1600x32xf32, #tpu.memory_space<vmem>>, vector<16xf32>,
        %add3A_1274 = arith.addf %add3A_1210, %get3A_1273 : vector<16xf32>
        %add3A_1275 = arith.constant 4 : i32
        %add3A_1276 = arith.addi %add3A_1203, %add3A_1275 : i32
        %get3A_1277 = arith.constant 1 : i32
        %get3A_1278 = arith.index_cast %get3A_1277 : i32 to index
        %get3A_1279 = arith.index_cast %add3A_1276 : i32 to index
        %get3A_1280 = arith.constant 16 : index
        %get3A_1281 = tpu.vector_load %arg6[%get3A_1278, %get3A_1279, %get3A_1280] {strides = array<i32>} : memref<2x1600x32xf32, #tpu.memory_space<vmem>>, vector<16xf32>,
        %add3A_1282 = arith.addf %add3A_1218, %get3A_1281 : vector<16xf32>
        %add3A_1283 = arith.constant 5 : i32
        %add3A_1284 = arith.addi %add3A_1203, %add3A_1283 : i32
        %get3A_1285 = arith.constant 1 : i32
        %get3A_1286 = arith.index_cast %get3A_1285 : i32 to index
        %get3A_1287 = arith.index_cast %add3A_1284 : i32 to index
        %get3A_1288 = arith.constant 0 : index
        %get3A_1289 = tpu.vector_load %arg6[%get3A_1286, %get3A_1287, %get3A_1288] {strides = array<i32>} : memref<2x1600x32xf32, #tpu.memory_space<vmem>>, vector<16xf32>,
        %add3A_1290 = arith.addf %add3A_1226, %get3A_1289 : vector<16xf32>
        %add3A_1291 = arith.constant 5 : i32
        %add3A_1292 = arith.addi %add3A_1203, %add3A_1291 : i32
        %get3A_1293 = arith.constant 1 : i32
        %get3A_1294 = arith.index_cast %get3A_1293 : i32 to index
        %get3A_1295 = arith.index_cast %add3A_1292 : i32 to index
        %get3A_1296 = arith.constant 16 : index
        %get3A_1297 = tpu.vector_load %arg6[%get3A_1294, %get3A_1295, %get3A_1296] {strides = array<i32>} : memref<2x1600x32xf32, #tpu.memory_space<vmem>>, vector<16xf32>,
        %add3A_1298 = arith.addf %add3A_1234, %get3A_1297 : vector<16xf32>
        %add3A_1299 = arith.constant 6 : i32
        %add3A_1300 = arith.addi %add3A_1203, %add3A_1299 : i32
        %get3A_1301 = arith.constant 1 : i32
        %get3A_1302 = arith.index_cast %get3A_1301 : i32 to index
        %get3A_1303 = arith.index_cast %add3A_1300 : i32 to index
        %get3A_1304 = arith.constant 0 : index
        %get3A_1305 = tpu.vector_load %arg6[%get3A_1302, %get3A_1303, %get3A_1304] {strides = array<i32>} : memref<2x1600x32xf32, #tpu.memory_space<vmem>>, vector<16xf32>,
        %add3A_1306 = arith.addf %add3A_1242, %get3A_1305 : vector<16xf32>
        %add3A_1307 = arith.constant 6 : i32
        %add3A_1308 = arith.addi %add3A_1203, %add3A_1307 : i32
        %get3A_1309 = arith.constant 1 : i32
        %get3A_1310 = arith.index_cast %get3A_1309 : i32 to index
        %get3A_1311 = arith.index_cast %add3A_1308 : i32 to index
        %get3A_1312 = arith.constant 16 : index
        %get3A_1313 = tpu.vector_load %arg6[%get3A_1310, %get3A_1311, %get3A_1312] {strides = array<i32>} : memref<2x1600x32xf32, #tpu.memory_space<vmem>>, vector<16xf32>,
        %add3A_1314 = arith.addf %add3A_1250, %get3A_1313 : vector<16xf32>
        %add3A_1315 = arith.constant 7 : i32
        %add3A_1316 = arith.addi %add3A_1203, %add3A_1315 : i32
        %get3A_1317 = arith.constant 1 : i32
        %get3A_1318 = arith.index_cast %get3A_1317 : i32 to index
        %get3A_1319 = arith.index_cast %add3A_1316 : i32 to index
        %get3A_1320 = arith.constant 0 : index
        %get3A_1321 = tpu.vector_load %arg6[%get3A_1318, %get3A_1319, %get3A_1320] {strides = array<i32>} : memref<2x1600x32xf32, #tpu.memory_space<vmem>>, vector<16xf32>,
        %add3A_1322 = arith.addf %add3A_1258, %get3A_1321 : vector<16xf32>
        %add3A_1323 = arith.constant 7 : i32
        %add3A_1324 = arith.addi %add3A_1203, %add3A_1323 : i32
        %get3A_1325 = arith.constant 1 : i32
        %get3A_1326 = arith.index_cast %get3A_1325 : i32 to index
        %get3A_1327 = arith.index_cast %add3A_1324 : i32 to index
        %get3A_1328 = arith.constant 16 : index
        %get3A_1329 = tpu.vector_load %arg6[%get3A_1326, %get3A_1327, %get3A_1328] {strides = array<i32>} : memref<2x1600x32xf32, #tpu.memory_space<vmem>>, vector<16xf32>,
        %add3A_1330 = arith.addf %add3A_1266, %get3A_1329 : vector<16xf32>
        scf.yield %add3A_1274, %add3A_1282, %add3A_1290, %add3A_1298, %add3A_1306, %add3A_1314, %add3A_1322, %add3A_1330 : vector<16xf32>, vector<16xf32>, vector<16xf32>, vector<16xf32>, vector<16xf32>, vector<16xf32>, vector<16xf32>, vector<16xf32>
      }
      %scan3A_988 = arith.constant 25 : i32
      %add3A_989 = arith.addf %scan3A_987#0, %scan3A_987#2 : vector<16xf32>
      %add3A_990 = arith.addf %scan3A_987#4, %scan3A_987#6 : vector<16xf32>
      %add3A_991 = arith.addf %add3A_989, %add3A_990 : vector<16xf32>
      %add3A_992 = arith.addf %scan3A_987#1, %scan3A_987#3 : vector<16xf32>
      %add3A_993 = arith.addf %scan3A_987#5, %scan3A_987#7 : vector<16xf32>
      %add3A_994 = arith.addf %add3A_992, %add3A_993 : vector<16xf32>
      %mul3A_995 = arith.mulf %add3A_991, %broadcast_in_dim3A_950 : vector<16xf32>
      %mul3A_996 = arith.constant 8 : i32
      %mul3A_997 = arith.muli %add3A_726, %mul3A_996 : i32
      %add3A_998 = arith.constant 1 : i32
      %add3A_999 = arith.addi %mul3A_997, %add3A_998 : i32
      %swap3A_1000 = arith.index_cast %add3A_999 : i32 to index
      %swap3A_1001 = arith.constant 0 : index
      %swap3A_1002 = tpu.vector_load %arg7[%swap3A_1000, %swap3A_1001] {strides = array<i32>} : memref<512x32xf32, #tpu.memory_space<vmem>>, vector<16xf32>,
      tpu.vector_store %arg7[%swap3A_1000, %swap3A_1001], %mul3A_995 {strides = array<i32>} : memref<512x32xf32, #tpu.memory_space<vmem>>, vector<16xf32>,
      %mul3A_1003 = arith.mulf %add3A_994, %broadcast_in_dim3A_950 : vector<16xf32>
      %mul3A_1004 = arith.constant 8 : i32
      %mul3A_1005 = arith.muli %add3A_726, %mul3A_1004 : i32
      %add3A_1006 = arith.constant 1 : i32
      %add3A_1007 = arith.addi %mul3A_1005, %add3A_1006 : i32
      %swap3A_1008 = arith.index_cast %add3A_1007 : i32 to index
      %swap3A_1009 = arith.constant 16 : index
      %swap3A_1010 = tpu.vector_load %arg7[%swap3A_1008, %swap3A_1009] {strides = array<i32>} : memref<512x32xf32, #tpu.memory_space<vmem>>, vector<16xf32>,
      tpu.vector_store %arg7[%swap3A_1008, %swap3A_1009], %mul3A_1003 {strides = array<i32>} : memref<512x32xf32, #tpu.memory_space<vmem>>, vector<16xf32>,
      %broadcast_in_dim3A_1011 = arith.constant 0.000000e+00 : f32
      %broadcast_in_dim3A_1012 = vector.broadcast %broadcast_in_dim3A_1011 : f32 to vector<16xf32>
      %scan3A_1013 = arith.constant 0 : i32
      %scan3A_1014 = arith.constant 25 : i32
      %scan3A_1015 = arith.addi %scan3A_1013, %scan3A_1014 : i32
      %scan3A_1016 = arith.constant 1 : i32
      %scan3A_1017:8 = scf.for %scan3A_1191 = %scan3A_1013 to %scan3A_1015 step %scan3A_1016 iter_args(%scan3A_1192 = %broadcast_in_dim3A_1012, %scan3A_1193 = %broadcast_in_dim3A_1012, %scan3A_1194 = %broadcast_in_dim3A_1012, %scan3A_1195 = %broadcast_in_dim3A_1012, %scan3A_1196 = %broadcast_in_dim3A_1012, %scan3A_1197 = %broadcast_in_dim3A_1012, %scan3A_1198 = %broadcast_in_dim3A_1012, %scan3A_1199 = %broadcast_in_dim3A_1012) -> (vector<16xf32>, vector<16xf32>, vector<16xf32>, vector<16xf32>, vector<16xf32>, vector<16xf32>, vector<16xf32>, vector<16xf32>)  : i32 {
        %mul3A_1200 = arith.constant 8 : i32
        %mul3A_1201 = arith.muli %scan3A_1191, %mul3A_1200 : i32
        %add3A_1202 = arith.constant 400 : i32
        %add3A_1203 = arith.addi %add3A_1202, %mul3A_1201 : i32
        %add3A_1204 = arith.constant 0 : i32
        %add3A_1205 = arith.addi %add3A_1203, %add3A_1204 : i32
        %get3A = arith.constant 1 : i32
        %get3A_1206 = arith.index_cast %get3A : i32 to index
        %get3A_1207 = arith.index_cast %add3A_1205 : i32 to index
        %get3A_1208 = arith.constant 0 : index
        %get3A_1209 = tpu.vector_load %arg6[%get3A_1206, %get3A_1207, %get3A_1208] {strides = array<i32>} : memref<2x1600x32xf32, #tpu.memory_space<vmem>>, vector<16xf32>,
        %add3A_1210 = arith.addf %scan3A_1192, %get3A_1209 : vector<16xf32>
        %add3A_1211 = arith.constant 0 : i32
        %add3A_1212 = arith.addi %add3A_1203, %add3A_1211 : i32
        %get3A_1213 = arith.constant 1 : i32
        %get3A_1214 = arith.index_cast %get3A_1213 : i32 to index
        %get3A_1215 = arith.index_cast %add3A_1212 : i32 to index
        %get3A_1216 = arith.constant 16 : index
        %get3A_1217 = tpu.vector_load %arg6[%get3A_1214, %get3A_1215, %get3A_1216] {strides = array<i32>} : memref<2x1600x32xf32, #tpu.memory_space<vmem>>, vector<16xf32>,
        %add3A_1218 = arith.addf %scan3A_1193, %get3A_1217 : vector<16xf32>
        %add3A_1219 = arith.constant 1 : i32
        %add3A_1220 = arith.addi %add3A_1203, %add3A_1219 : i32
        %get3A_1221 = arith.constant 1 : i32
        %get3A_1222 = arith.index_cast %get3A_1221 : i32 to index
        %get3A_1223 = arith.index_cast %add3A_1220 : i32 to index
        %get3A_1224 = arith.constant 0 : index
        %get3A_1225 = tpu.vector_load %arg6[%get3A_1222, %get3A_1223, %get3A_1224] {strides = array<i32>} : memref<2x1600x32xf32, #tpu.memory_space<vmem>>, vector<16xf32>,
        %add3A_1226 = arith.addf %scan3A_1194, %get3A_1225 : vector<16xf32>
        %add3A_1227 = arith.constant 1 : i32
        %add3A_1228 = arith.addi %add3A_1203, %add3A_1227 : i32
        %get3A_1229 = arith.constant 1 : i32
        %get3A_1230 = arith.index_cast %get3A_1229 : i32 to index
        %get3A_1231 = arith.index_cast %add3A_1228 : i32 to index
        %get3A_1232 = arith.constant 16 : index
        %get3A_1233 = tpu.vector_load %arg6[%get3A_1230, %get3A_1231, %get3A_1232] {strides = array<i32>} : memref<2x1600x32xf32, #tpu.memory_space<vmem>>, vector<16xf32>,
        %add3A_1234 = arith.addf %scan3A_1195, %get3A_1233 : vector<16xf32>
        %add3A_1235 = arith.constant 2 : i32
        %add3A_1236 = arith.addi %add3A_1203, %add3A_1235 : i32
        %get3A_1237 = arith.constant 1 : i32
        %get3A_1238 = arith.index_cast %get3A_1237 : i32 to index
        %get3A_1239 = arith.index_cast %add3A_1236 : i32 to index
        %get3A_1240 = arith.constant 0 : index
        %get3A_1241 = tpu.vector_load %arg6[%get3A_1238, %get3A_1239, %get3A_1240] {strides = array<i32>} : memref<2x1600x32xf32, #tpu.memory_space<vmem>>, vector<16xf32>,
        %add3A_1242 = arith.addf %scan3A_1196, %get3A_1241 : vector<16xf32>
        %add3A_1243 = arith.constant 2 : i32
        %add3A_1244 = arith.addi %add3A_1203, %add3A_1243 : i32
        %get3A_1245 = arith.constant 1 : i32
        %get3A_1246 = arith.index_cast %get3A_1245 : i32 to index
        %get3A_1247 = arith.index_cast %add3A_1244 : i32 to index
        %get3A_1248 = arith.constant 16 : index
        %get3A_1249 = tpu.vector_load %arg6[%get3A_1246, %get3A_1247, %get3A_1248] {strides = array<i32>} : memref<2x1600x32xf32, #tpu.memory_space<vmem>>, vector<16xf32>,
        %add3A_1250 = arith.addf %scan3A_1197, %get3A_1249 : vector<16xf32>
        %add3A_1251 = arith.constant 3 : i32
        %add3A_1252 = arith.addi %add3A_1203, %add3A_1251 : i32
        %get3A_1253 = arith.constant 1 : i32
        %get3A_1254 = arith.index_cast %get3A_1253 : i32 to index
        %get3A_1255 = arith.index_cast %add3A_1252 : i32 to index
        %get3A_1256 = arith.constant 0 : index
        %get3A_1257 = tpu.vector_load %arg6[%get3A_1254, %get3A_1255, %get3A_1256] {strides = array<i32>} : memref<2x1600x32xf32, #tpu.memory_space<vmem>>, vector<16xf32>,
        %add3A_1258 = arith.addf %scan3A_1198, %get3A_1257 : vector<16xf32>
        %add3A_1259 = arith.constant 3 : i32
        %add3A_1260 = arith.addi %add3A_1203, %add3A_1259 : i32
        %get3A_1261 = arith.constant 1 : i32
        %get3A_1262 = arith.index_cast %get3A_1261 : i32 to index
        %get3A_1263 = arith.index_cast %add3A_1260 : i32 to index
        %get3A_1264 = arith.constant 16 : index
        %get3A_1265 = tpu.vector_load %arg6[%get3A_1262, %get3A_1263, %get3A_1264] {strides = array<i32>} : memref<2x1600x32xf32, #tpu.memory_space<vmem>>, vector<16xf32>,
        %add3A_1266 = arith.addf %scan3A_1199, %get3A_1265 : vector<16xf32>
        %add3A_1267 = arith.constant 4 : i32
        %add3A_1268 = arith.addi %add3A_1203, %add3A_1267 : i32
        %get3A_1269 = arith.constant 1 : i32
        %get3A_1270 = arith.index_cast %get3A_1269 : i32 to index
        %get3A_1271 = arith.index_cast %add3A_1268 : i32 to index
        %get3A_1272 = arith.constant 0 : index
        %get3A_1273 = tpu.vector_load %arg6[%get3A_1270, %get3A_1271, %get3A_1272] {strides = array<i32>} : memref<2x1600x32xf32, #tpu.memory_space<vmem>>, vector<16xf32>,
        %add3A_1274 = arith.addf %add3A_1210, %get3A_1273 : vector<16xf32>
        %add3A_1275 = arith.constant 4 : i32
        %add3A_1276 = arith.addi %add3A_1203, %add3A_1275 : i32
        %get3A_1277 = arith.constant 1 : i32
        %get3A_1278 = arith.index_cast %get3A_1277 : i32 to index
        %get3A_1279 = arith.index_cast %add3A_1276 : i32 to index
        %get3A_1280 = arith.constant 16 : index
        %get3A_1281 = tpu.vector_load %arg6[%get3A_1278, %get3A_1279, %get3A_1280] {strides = array<i32>} : memref<2x1600x32xf32, #tpu.memory_space<vmem>>, vector<16xf32>,
        %add3A_1282 = arith.addf %add3A_1218, %get3A_1281 : vector<16xf32>
        %add3A_1283 = arith.constant 5 : i32
        %add3A_1284 = arith.addi %add3A_1203, %add3A_1283 : i32
        %get3A_1285 = arith.constant 1 : i32
        %get3A_1286 = arith.index_cast %get3A_1285 : i32 to index
        %get3A_1287 = arith.index_cast %add3A_1284 : i32 to index
        %get3A_1288 = arith.constant 0 : index
        %get3A_1289 = tpu.vector_load %arg6[%get3A_1286, %get3A_1287, %get3A_1288] {strides = array<i32>} : memref<2x1600x32xf32, #tpu.memory_space<vmem>>, vector<16xf32>,
        %add3A_1290 = arith.addf %add3A_1226, %get3A_1289 : vector<16xf32>
        %add3A_1291 = arith.constant 5 : i32
        %add3A_1292 = arith.addi %add3A_1203, %add3A_1291 : i32
        %get3A_1293 = arith.constant 1 : i32
        %get3A_1294 = arith.index_cast %get3A_1293 : i32 to index
        %get3A_1295 = arith.index_cast %add3A_1292 : i32 to index
        %get3A_1296 = arith.constant 16 : index
        %get3A_1297 = tpu.vector_load %arg6[%get3A_1294, %get3A_1295, %get3A_1296] {strides = array<i32>} : memref<2x1600x32xf32, #tpu.memory_space<vmem>>, vector<16xf32>,
        %add3A_1298 = arith.addf %add3A_1234, %get3A_1297 : vector<16xf32>
        %add3A_1299 = arith.constant 6 : i32
        %add3A_1300 = arith.addi %add3A_1203, %add3A_1299 : i32
        %get3A_1301 = arith.constant 1 : i32
        %get3A_1302 = arith.index_cast %get3A_1301 : i32 to index
        %get3A_1303 = arith.index_cast %add3A_1300 : i32 to index
        %get3A_1304 = arith.constant 0 : index
        %get3A_1305 = tpu.vector_load %arg6[%get3A_1302, %get3A_1303, %get3A_1304] {strides = array<i32>} : memref<2x1600x32xf32, #tpu.memory_space<vmem>>, vector<16xf32>,
        %add3A_1306 = arith.addf %add3A_1242, %get3A_1305 : vector<16xf32>
        %add3A_1307 = arith.constant 6 : i32
        %add3A_1308 = arith.addi %add3A_1203, %add3A_1307 : i32
        %get3A_1309 = arith.constant 1 : i32
        %get3A_1310 = arith.index_cast %get3A_1309 : i32 to index
        %get3A_1311 = arith.index_cast %add3A_1308 : i32 to index
        %get3A_1312 = arith.constant 16 : index
        %get3A_1313 = tpu.vector_load %arg6[%get3A_1310, %get3A_1311, %get3A_1312] {strides = array<i32>} : memref<2x1600x32xf32, #tpu.memory_space<vmem>>, vector<16xf32>,
        %add3A_1314 = arith.addf %add3A_1250, %get3A_1313 : vector<16xf32>
        %add3A_1315 = arith.constant 7 : i32
        %add3A_1316 = arith.addi %add3A_1203, %add3A_1315 : i32
        %get3A_1317 = arith.constant 1 : i32
        %get3A_1318 = arith.index_cast %get3A_1317 : i32 to index
        %get3A_1319 = arith.index_cast %add3A_1316 : i32 to index
        %get3A_1320 = arith.constant 0 : index
        %get3A_1321 = tpu.vector_load %arg6[%get3A_1318, %get3A_1319, %get3A_1320] {strides = array<i32>} : memref<2x1600x32xf32, #tpu.memory_space<vmem>>, vector<16xf32>,
        %add3A_1322 = arith.addf %add3A_1258, %get3A_1321 : vector<16xf32>
        %add3A_1323 = arith.constant 7 : i32
        %add3A_1324 = arith.addi %add3A_1203, %add3A_1323 : i32
        %get3A_1325 = arith.constant 1 : i32
        %get3A_1326 = arith.index_cast %get3A_1325 : i32 to index
        %get3A_1327 = arith.index_cast %add3A_1324 : i32 to index
        %get3A_1328 = arith.constant 16 : index
        %get3A_1329 = tpu.vector_load %arg6[%get3A_1326, %get3A_1327, %get3A_1328] {strides = array<i32>} : memref<2x1600x32xf32, #tpu.memory_space<vmem>>, vector<16xf32>,
        %add3A_1330 = arith.addf %add3A_1266, %get3A_1329 : vector<16xf32>
        scf.yield %add3A_1274, %add3A_1282, %add3A_1290, %add3A_1298, %add3A_1306, %add3A_1314, %add3A_1322, %add3A_1330 : vector<16xf32>, vector<16xf32>, vector<16xf32>, vector<16xf32>, vector<16xf32>, vector<16xf32>, vector<16xf32>, vector<16xf32>
      }
      %scan3A_1018 = arith.constant 25 : i32
      %add3A_1019 = arith.addf %scan3A_1017#0, %scan3A_1017#2 : vector<16xf32>
      %add3A_1020 = arith.addf %scan3A_1017#4, %scan3A_1017#6 : vector<16xf32>
      %add3A_1021 = arith.addf %add3A_1019, %add3A_1020 : vector<16xf32>
      %add3A_1022 = arith.addf %scan3A_1017#1, %scan3A_1017#3 : vector<16xf32>
      %add3A_1023 = arith.addf %scan3A_1017#5, %scan3A_1017#7 : vector<16xf32>
      %add3A_1024 = arith.addf %add3A_1022, %add3A_1023 : vector<16xf32>
      %mul3A_1025 = arith.mulf %add3A_1021, %broadcast_in_dim3A_950 : vector<16xf32>
      %mul3A_1026 = arith.constant 8 : i32
      %mul3A_1027 = arith.muli %add3A_726, %mul3A_1026 : i32
      %add3A_1028 = arith.constant 2 : i32
      %add3A_1029 = arith.addi %mul3A_1027, %add3A_1028 : i32
      %swap3A_1030 = arith.index_cast %add3A_1029 : i32 to index
      %swap3A_1031 = arith.constant 0 : index
      %swap3A_1032 = tpu.vector_load %arg7[%swap3A_1030, %swap3A_1031] {strides = array<i32>} : memref<512x32xf32, #tpu.memory_space<vmem>>, vector<16xf32>,
      tpu.vector_store %arg7[%swap3A_1030, %swap3A_1031], %mul3A_1025 {strides = array<i32>} : memref<512x32xf32, #tpu.memory_space<vmem>>, vector<16xf32>,
      %mul3A_1033 = arith.mulf %add3A_1024, %broadcast_in_dim3A_950 : vector<16xf32>
      %mul3A_1034 = arith.constant 8 : i32
      %mul3A_1035 = arith.muli %add3A_726, %mul3A_1034 : i32
      %add3A_1036 = arith.constant 2 : i32
      %add3A_1037 = arith.addi %mul3A_1035, %add3A_1036 : i32
      %swap3A_1038 = arith.index_cast %add3A_1037 : i32 to index
      %swap3A_1039 = arith.constant 16 : index
      %swap3A_1040 = tpu.vector_load %arg7[%swap3A_1038, %swap3A_1039] {strides = array<i32>} : memref<512x32xf32, #tpu.memory_space<vmem>>, vector<16xf32>,
      tpu.vector_store %arg7[%swap3A_1038, %swap3A_1039], %mul3A_1033 {strides = array<i32>} : memref<512x32xf32, #tpu.memory_space<vmem>>, vector<16xf32>,
      %broadcast_in_dim3A_1041 = arith.constant 0.000000e+00 : f32
      %broadcast_in_dim3A_1042 = vector.broadcast %broadcast_in_dim3A_1041 : f32 to vector<16xf32>
      %scan3A_1043 = arith.constant 0 : i32
      %scan3A_1044 = arith.constant 25 : i32
      %scan3A_1045 = arith.addi %scan3A_1043, %scan3A_1044 : i32
      %scan3A_1046 = arith.constant 1 : i32
      %scan3A_1047:8 = scf.for %scan3A_1191 = %scan3A_1043 to %scan3A_1045 step %scan3A_1046 iter_args(%scan3A_1192 = %broadcast_in_dim3A_1042, %scan3A_1193 = %broadcast_in_dim3A_1042, %scan3A_1194 = %broadcast_in_dim3A_1042, %scan3A_1195 = %broadcast_in_dim3A_1042, %scan3A_1196 = %broadcast_in_dim3A_1042, %scan3A_1197 = %broadcast_in_dim3A_1042, %scan3A_1198 = %broadcast_in_dim3A_1042, %scan3A_1199 = %broadcast_in_dim3A_1042) -> (vector<16xf32>, vector<16xf32>, vector<16xf32>, vector<16xf32>, vector<16xf32>, vector<16xf32>, vector<16xf32>, vector<16xf32>)  : i32 {
        %mul3A_1200 = arith.constant 8 : i32
        %mul3A_1201 = arith.muli %scan3A_1191, %mul3A_1200 : i32
        %add3A_1202 = arith.constant 600 : i32
        %add3A_1203 = arith.addi %add3A_1202, %mul3A_1201 : i32
        %add3A_1204 = arith.constant 0 : i32
        %add3A_1205 = arith.addi %add3A_1203, %add3A_1204 : i32
        %get3A = arith.constant 1 : i32
        %get3A_1206 = arith.index_cast %get3A : i32 to index
        %get3A_1207 = arith.index_cast %add3A_1205 : i32 to index
        %get3A_1208 = arith.constant 0 : index
        %get3A_1209 = tpu.vector_load %arg6[%get3A_1206, %get3A_1207, %get3A_1208] {strides = array<i32>} : memref<2x1600x32xf32, #tpu.memory_space<vmem>>, vector<16xf32>,
        %add3A_1210 = arith.addf %scan3A_1192, %get3A_1209 : vector<16xf32>
        %add3A_1211 = arith.constant 0 : i32
        %add3A_1212 = arith.addi %add3A_1203, %add3A_1211 : i32
        %get3A_1213 = arith.constant 1 : i32
        %get3A_1214 = arith.index_cast %get3A_1213 : i32 to index
        %get3A_1215 = arith.index_cast %add3A_1212 : i32 to index
        %get3A_1216 = arith.constant 16 : index
        %get3A_1217 = tpu.vector_load %arg6[%get3A_1214, %get3A_1215, %get3A_1216] {strides = array<i32>} : memref<2x1600x32xf32, #tpu.memory_space<vmem>>, vector<16xf32>,
        %add3A_1218 = arith.addf %scan3A_1193, %get3A_1217 : vector<16xf32>
        %add3A_1219 = arith.constant 1 : i32
        %add3A_1220 = arith.addi %add3A_1203, %add3A_1219 : i32
        %get3A_1221 = arith.constant 1 : i32
        %get3A_1222 = arith.index_cast %get3A_1221 : i32 to index
        %get3A_1223 = arith.index_cast %add3A_1220 : i32 to index
        %get3A_1224 = arith.constant 0 : index
        %get3A_1225 = tpu.vector_load %arg6[%get3A_1222, %get3A_1223, %get3A_1224] {strides = array<i32>} : memref<2x1600x32xf32, #tpu.memory_space<vmem>>, vector<16xf32>,
        %add3A_1226 = arith.addf %scan3A_1194, %get3A_1225 : vector<16xf32>
        %add3A_1227 = arith.constant 1 : i32
        %add3A_1228 = arith.addi %add3A_1203, %add3A_1227 : i32
        %get3A_1229 = arith.constant 1 : i32
        %get3A_1230 = arith.index_cast %get3A_1229 : i32 to index
        %get3A_1231 = arith.index_cast %add3A_1228 : i32 to index
        %get3A_1232 = arith.constant 16 : index
        %get3A_1233 = tpu.vector_load %arg6[%get3A_1230, %get3A_1231, %get3A_1232] {strides = array<i32>} : memref<2x1600x32xf32, #tpu.memory_space<vmem>>, vector<16xf32>,
        %add3A_1234 = arith.addf %scan3A_1195, %get3A_1233 : vector<16xf32>
        %add3A_1235 = arith.constant 2 : i32
        %add3A_1236 = arith.addi %add3A_1203, %add3A_1235 : i32
        %get3A_1237 = arith.constant 1 : i32
        %get3A_1238 = arith.index_cast %get3A_1237 : i32 to index
        %get3A_1239 = arith.index_cast %add3A_1236 : i32 to index
        %get3A_1240 = arith.constant 0 : index
        %get3A_1241 = tpu.vector_load %arg6[%get3A_1238, %get3A_1239, %get3A_1240] {strides = array<i32>} : memref<2x1600x32xf32, #tpu.memory_space<vmem>>, vector<16xf32>,
        %add3A_1242 = arith.addf %scan3A_1196, %get3A_1241 : vector<16xf32>
        %add3A_1243 = arith.constant 2 : i32
        %add3A_1244 = arith.addi %add3A_1203, %add3A_1243 : i32
        %get3A_1245 = arith.constant 1 : i32
        %get3A_1246 = arith.index_cast %get3A_1245 : i32 to index
        %get3A_1247 = arith.index_cast %add3A_1244 : i32 to index
        %get3A_1248 = arith.constant 16 : index
        %get3A_1249 = tpu.vector_load %arg6[%get3A_1246, %get3A_1247, %get3A_1248] {strides = array<i32>} : memref<2x1600x32xf32, #tpu.memory_space<vmem>>, vector<16xf32>,
        %add3A_1250 = arith.addf %scan3A_1197, %get3A_1249 : vector<16xf32>
        %add3A_1251 = arith.constant 3 : i32
        %add3A_1252 = arith.addi %add3A_1203, %add3A_1251 : i32
        %get3A_1253 = arith.constant 1 : i32
        %get3A_1254 = arith.index_cast %get3A_1253 : i32 to index
        %get3A_1255 = arith.index_cast %add3A_1252 : i32 to index
        %get3A_1256 = arith.constant 0 : index
        %get3A_1257 = tpu.vector_load %arg6[%get3A_1254, %get3A_1255, %get3A_1256] {strides = array<i32>} : memref<2x1600x32xf32, #tpu.memory_space<vmem>>, vector<16xf32>,
        %add3A_1258 = arith.addf %scan3A_1198, %get3A_1257 : vector<16xf32>
        %add3A_1259 = arith.constant 3 : i32
        %add3A_1260 = arith.addi %add3A_1203, %add3A_1259 : i32
        %get3A_1261 = arith.constant 1 : i32
        %get3A_1262 = arith.index_cast %get3A_1261 : i32 to index
        %get3A_1263 = arith.index_cast %add3A_1260 : i32 to index
        %get3A_1264 = arith.constant 16 : index
        %get3A_1265 = tpu.vector_load %arg6[%get3A_1262, %get3A_1263, %get3A_1264] {strides = array<i32>} : memref<2x1600x32xf32, #tpu.memory_space<vmem>>, vector<16xf32>,
        %add3A_1266 = arith.addf %scan3A_1199, %get3A_1265 : vector<16xf32>
        %add3A_1267 = arith.constant 4 : i32
        %add3A_1268 = arith.addi %add3A_1203, %add3A_1267 : i32
        %get3A_1269 = arith.constant 1 : i32
        %get3A_1270 = arith.index_cast %get3A_1269 : i32 to index
        %get3A_1271 = arith.index_cast %add3A_1268 : i32 to index
        %get3A_1272 = arith.constant 0 : index
        %get3A_1273 = tpu.vector_load %arg6[%get3A_1270, %get3A_1271, %get3A_1272] {strides = array<i32>} : memref<2x1600x32xf32, #tpu.memory_space<vmem>>, vector<16xf32>,
        %add3A_1274 = arith.addf %add3A_1210, %get3A_1273 : vector<16xf32>
        %add3A_1275 = arith.constant 4 : i32
        %add3A_1276 = arith.addi %add3A_1203, %add3A_1275 : i32
        %get3A_1277 = arith.constant 1 : i32
        %get3A_1278 = arith.index_cast %get3A_1277 : i32 to index
        %get3A_1279 = arith.index_cast %add3A_1276 : i32 to index
        %get3A_1280 = arith.constant 16 : index
        %get3A_1281 = tpu.vector_load %arg6[%get3A_1278, %get3A_1279, %get3A_1280] {strides = array<i32>} : memref<2x1600x32xf32, #tpu.memory_space<vmem>>, vector<16xf32>,
        %add3A_1282 = arith.addf %add3A_1218, %get3A_1281 : vector<16xf32>
        %add3A_1283 = arith.constant 5 : i32
        %add3A_1284 = arith.addi %add3A_1203, %add3A_1283 : i32
        %get3A_1285 = arith.constant 1 : i32
        %get3A_1286 = arith.index_cast %get3A_1285 : i32 to index
        %get3A_1287 = arith.index_cast %add3A_1284 : i32 to index
        %get3A_1288 = arith.constant 0 : index
        %get3A_1289 = tpu.vector_load %arg6[%get3A_1286, %get3A_1287, %get3A_1288] {strides = array<i32>} : memref<2x1600x32xf32, #tpu.memory_space<vmem>>, vector<16xf32>,
        %add3A_1290 = arith.addf %add3A_1226, %get3A_1289 : vector<16xf32>
        %add3A_1291 = arith.constant 5 : i32
        %add3A_1292 = arith.addi %add3A_1203, %add3A_1291 : i32
        %get3A_1293 = arith.constant 1 : i32
        %get3A_1294 = arith.index_cast %get3A_1293 : i32 to index
        %get3A_1295 = arith.index_cast %add3A_1292 : i32 to index
        %get3A_1296 = arith.constant 16 : index
        %get3A_1297 = tpu.vector_load %arg6[%get3A_1294, %get3A_1295, %get3A_1296] {strides = array<i32>} : memref<2x1600x32xf32, #tpu.memory_space<vmem>>, vector<16xf32>,
        %add3A_1298 = arith.addf %add3A_1234, %get3A_1297 : vector<16xf32>
        %add3A_1299 = arith.constant 6 : i32
        %add3A_1300 = arith.addi %add3A_1203, %add3A_1299 : i32
        %get3A_1301 = arith.constant 1 : i32
        %get3A_1302 = arith.index_cast %get3A_1301 : i32 to index
        %get3A_1303 = arith.index_cast %add3A_1300 : i32 to index
        %get3A_1304 = arith.constant 0 : index
        %get3A_1305 = tpu.vector_load %arg6[%get3A_1302, %get3A_1303, %get3A_1304] {strides = array<i32>} : memref<2x1600x32xf32, #tpu.memory_space<vmem>>, vector<16xf32>,
        %add3A_1306 = arith.addf %add3A_1242, %get3A_1305 : vector<16xf32>
        %add3A_1307 = arith.constant 6 : i32
        %add3A_1308 = arith.addi %add3A_1203, %add3A_1307 : i32
        %get3A_1309 = arith.constant 1 : i32
        %get3A_1310 = arith.index_cast %get3A_1309 : i32 to index
        %get3A_1311 = arith.index_cast %add3A_1308 : i32 to index
        %get3A_1312 = arith.constant 16 : index
        %get3A_1313 = tpu.vector_load %arg6[%get3A_1310, %get3A_1311, %get3A_1312] {strides = array<i32>} : memref<2x1600x32xf32, #tpu.memory_space<vmem>>, vector<16xf32>,
        %add3A_1314 = arith.addf %add3A_1250, %get3A_1313 : vector<16xf32>
        %add3A_1315 = arith.constant 7 : i32
        %add3A_1316 = arith.addi %add3A_1203, %add3A_1315 : i32
        %get3A_1317 = arith.constant 1 : i32
        %get3A_1318 = arith.index_cast %get3A_1317 : i32 to index
        %get3A_1319 = arith.index_cast %add3A_1316 : i32 to index
        %get3A_1320 = arith.constant 0 : index
        %get3A_1321 = tpu.vector_load %arg6[%get3A_1318, %get3A_1319, %get3A_1320] {strides = array<i32>} : memref<2x1600x32xf32, #tpu.memory_space<vmem>>, vector<16xf32>,
        %add3A_1322 = arith.addf %add3A_1258, %get3A_1321 : vector<16xf32>
        %add3A_1323 = arith.constant 7 : i32
        %add3A_1324 = arith.addi %add3A_1203, %add3A_1323 : i32
        %get3A_1325 = arith.constant 1 : i32
        %get3A_1326 = arith.index_cast %get3A_1325 : i32 to index
        %get3A_1327 = arith.index_cast %add3A_1324 : i32 to index
        %get3A_1328 = arith.constant 16 : index
        %get3A_1329 = tpu.vector_load %arg6[%get3A_1326, %get3A_1327, %get3A_1328] {strides = array<i32>} : memref<2x1600x32xf32, #tpu.memory_space<vmem>>, vector<16xf32>,
        %add3A_1330 = arith.addf %add3A_1266, %get3A_1329 : vector<16xf32>
        scf.yield %add3A_1274, %add3A_1282, %add3A_1290, %add3A_1298, %add3A_1306, %add3A_1314, %add3A_1322, %add3A_1330 : vector<16xf32>, vector<16xf32>, vector<16xf32>, vector<16xf32>, vector<16xf32>, vector<16xf32>, vector<16xf32>, vector<16xf32>
      }
      %scan3A_1048 = arith.constant 25 : i32
      %add3A_1049 = arith.addf %scan3A_1047#0, %scan3A_1047#2 : vector<16xf32>
      %add3A_1050 = arith.addf %scan3A_1047#4, %scan3A_1047#6 : vector<16xf32>
      %add3A_1051 = arith.addf %add3A_1049, %add3A_1050 : vector<16xf32>
      %add3A_1052 = arith.addf %scan3A_1047#1, %scan3A_1047#3 : vector<16xf32>
      %add3A_1053 = arith.addf %scan3A_1047#5, %scan3A_1047#7 : vector<16xf32>
      %add3A_1054 = arith.addf %add3A_1052, %add3A_1053 : vector<16xf32>
      %mul3A_1055 = arith.mulf %add3A_1051, %broadcast_in_dim3A_950 : vector<16xf32>
      %mul3A_1056 = arith.constant 8 : i32
      %mul3A_1057 = arith.muli %add3A_726, %mul3A_1056 : i32
      %add3A_1058 = arith.constant 3 : i32
      %add3A_1059 = arith.addi %mul3A_1057, %add3A_1058 : i32
      %swap3A_1060 = arith.index_cast %add3A_1059 : i32 to index
      %swap3A_1061 = arith.constant 0 : index
      %swap3A_1062 = tpu.vector_load %arg7[%swap3A_1060, %swap3A_1061] {strides = array<i32>} : memref<512x32xf32, #tpu.memory_space<vmem>>, vector<16xf32>,
      tpu.vector_store %arg7[%swap3A_1060, %swap3A_1061], %mul3A_1055 {strides = array<i32>} : memref<512x32xf32, #tpu.memory_space<vmem>>, vector<16xf32>,
      %mul3A_1063 = arith.mulf %add3A_1054, %broadcast_in_dim3A_950 : vector<16xf32>
      %mul3A_1064 = arith.constant 8 : i32
      %mul3A_1065 = arith.muli %add3A_726, %mul3A_1064 : i32
      %add3A_1066 = arith.constant 3 : i32
      %add3A_1067 = arith.addi %mul3A_1065, %add3A_1066 : i32
      %swap3A_1068 = arith.index_cast %add3A_1067 : i32 to index
      %swap3A_1069 = arith.constant 16 : index
      %swap3A_1070 = tpu.vector_load %arg7[%swap3A_1068, %swap3A_1069] {strides = array<i32>} : memref<512x32xf32, #tpu.memory_space<vmem>>, vector<16xf32>,
      tpu.vector_store %arg7[%swap3A_1068, %swap3A_1069], %mul3A_1063 {strides = array<i32>} : memref<512x32xf32, #tpu.memory_space<vmem>>, vector<16xf32>,
      %broadcast_in_dim3A_1071 = arith.constant 0.000000e+00 : f32
      %broadcast_in_dim3A_1072 = vector.broadcast %broadcast_in_dim3A_1071 : f32 to vector<16xf32>
      %scan3A_1073 = arith.constant 0 : i32
      %scan3A_1074 = arith.constant 25 : i32
      %scan3A_1075 = arith.addi %scan3A_1073, %scan3A_1074 : i32
      %scan3A_1076 = arith.constant 1 : i32
      %scan3A_1077:8 = scf.for %scan3A_1191 = %scan3A_1073 to %scan3A_1075 step %scan3A_1076 iter_args(%scan3A_1192 = %broadcast_in_dim3A_1072, %scan3A_1193 = %broadcast_in_dim3A_1072, %scan3A_1194 = %broadcast_in_dim3A_1072, %scan3A_1195 = %broadcast_in_dim3A_1072, %scan3A_1196 = %broadcast_in_dim3A_1072, %scan3A_1197 = %broadcast_in_dim3A_1072, %scan3A_1198 = %broadcast_in_dim3A_1072, %scan3A_1199 = %broadcast_in_dim3A_1072) -> (vector<16xf32>, vector<16xf32>, vector<16xf32>, vector<16xf32>, vector<16xf32>, vector<16xf32>, vector<16xf32>, vector<16xf32>)  : i32 {
        %mul3A_1200 = arith.constant 8 : i32
        %mul3A_1201 = arith.muli %scan3A_1191, %mul3A_1200 : i32
        %add3A_1202 = arith.constant 800 : i32
        %add3A_1203 = arith.addi %add3A_1202, %mul3A_1201 : i32
        %add3A_1204 = arith.constant 0 : i32
        %add3A_1205 = arith.addi %add3A_1203, %add3A_1204 : i32
        %get3A = arith.constant 1 : i32
        %get3A_1206 = arith.index_cast %get3A : i32 to index
        %get3A_1207 = arith.index_cast %add3A_1205 : i32 to index
        %get3A_1208 = arith.constant 0 : index
        %get3A_1209 = tpu.vector_load %arg6[%get3A_1206, %get3A_1207, %get3A_1208] {strides = array<i32>} : memref<2x1600x32xf32, #tpu.memory_space<vmem>>, vector<16xf32>,
        %add3A_1210 = arith.addf %scan3A_1192, %get3A_1209 : vector<16xf32>
        %add3A_1211 = arith.constant 0 : i32
        %add3A_1212 = arith.addi %add3A_1203, %add3A_1211 : i32
        %get3A_1213 = arith.constant 1 : i32
        %get3A_1214 = arith.index_cast %get3A_1213 : i32 to index
        %get3A_1215 = arith.index_cast %add3A_1212 : i32 to index
        %get3A_1216 = arith.constant 16 : index
        %get3A_1217 = tpu.vector_load %arg6[%get3A_1214, %get3A_1215, %get3A_1216] {strides = array<i32>} : memref<2x1600x32xf32, #tpu.memory_space<vmem>>, vector<16xf32>,
        %add3A_1218 = arith.addf %scan3A_1193, %get3A_1217 : vector<16xf32>
        %add3A_1219 = arith.constant 1 : i32
        %add3A_1220 = arith.addi %add3A_1203, %add3A_1219 : i32
        %get3A_1221 = arith.constant 1 : i32
        %get3A_1222 = arith.index_cast %get3A_1221 : i32 to index
        %get3A_1223 = arith.index_cast %add3A_1220 : i32 to index
        %get3A_1224 = arith.constant 0 : index
        %get3A_1225 = tpu.vector_load %arg6[%get3A_1222, %get3A_1223, %get3A_1224] {strides = array<i32>} : memref<2x1600x32xf32, #tpu.memory_space<vmem>>, vector<16xf32>,
        %add3A_1226 = arith.addf %scan3A_1194, %get3A_1225 : vector<16xf32>
        %add3A_1227 = arith.constant 1 : i32
        %add3A_1228 = arith.addi %add3A_1203, %add3A_1227 : i32
        %get3A_1229 = arith.constant 1 : i32
        %get3A_1230 = arith.index_cast %get3A_1229 : i32 to index
        %get3A_1231 = arith.index_cast %add3A_1228 : i32 to index
        %get3A_1232 = arith.constant 16 : index
        %get3A_1233 = tpu.vector_load %arg6[%get3A_1230, %get3A_1231, %get3A_1232] {strides = array<i32>} : memref<2x1600x32xf32, #tpu.memory_space<vmem>>, vector<16xf32>,
        %add3A_1234 = arith.addf %scan3A_1195, %get3A_1233 : vector<16xf32>
        %add3A_1235 = arith.constant 2 : i32
        %add3A_1236 = arith.addi %add3A_1203, %add3A_1235 : i32
        %get3A_1237 = arith.constant 1 : i32
        %get3A_1238 = arith.index_cast %get3A_1237 : i32 to index
        %get3A_1239 = arith.index_cast %add3A_1236 : i32 to index
        %get3A_1240 = arith.constant 0 : index
        %get3A_1241 = tpu.vector_load %arg6[%get3A_1238, %get3A_1239, %get3A_1240] {strides = array<i32>} : memref<2x1600x32xf32, #tpu.memory_space<vmem>>, vector<16xf32>,
        %add3A_1242 = arith.addf %scan3A_1196, %get3A_1241 : vector<16xf32>
        %add3A_1243 = arith.constant 2 : i32
        %add3A_1244 = arith.addi %add3A_1203, %add3A_1243 : i32
        %get3A_1245 = arith.constant 1 : i32
        %get3A_1246 = arith.index_cast %get3A_1245 : i32 to index
        %get3A_1247 = arith.index_cast %add3A_1244 : i32 to index
        %get3A_1248 = arith.constant 16 : index
        %get3A_1249 = tpu.vector_load %arg6[%get3A_1246, %get3A_1247, %get3A_1248] {strides = array<i32>} : memref<2x1600x32xf32, #tpu.memory_space<vmem>>, vector<16xf32>,
        %add3A_1250 = arith.addf %scan3A_1197, %get3A_1249 : vector<16xf32>
        %add3A_1251 = arith.constant 3 : i32
        %add3A_1252 = arith.addi %add3A_1203, %add3A_1251 : i32
        %get3A_1253 = arith.constant 1 : i32
        %get3A_1254 = arith.index_cast %get3A_1253 : i32 to index
        %get3A_1255 = arith.index_cast %add3A_1252 : i32 to index
        %get3A_1256 = arith.constant 0 : index
        %get3A_1257 = tpu.vector_load %arg6[%get3A_1254, %get3A_1255, %get3A_1256] {strides = array<i32>} : memref<2x1600x32xf32, #tpu.memory_space<vmem>>, vector<16xf32>,
        %add3A_1258 = arith.addf %scan3A_1198, %get3A_1257 : vector<16xf32>
        %add3A_1259 = arith.constant 3 : i32
        %add3A_1260 = arith.addi %add3A_1203, %add3A_1259 : i32
        %get3A_1261 = arith.constant 1 : i32
        %get3A_1262 = arith.index_cast %get3A_1261 : i32 to index
        %get3A_1263 = arith.index_cast %add3A_1260 : i32 to index
        %get3A_1264 = arith.constant 16 : index
        %get3A_1265 = tpu.vector_load %arg6[%get3A_1262, %get3A_1263, %get3A_1264] {strides = array<i32>} : memref<2x1600x32xf32, #tpu.memory_space<vmem>>, vector<16xf32>,
        %add3A_1266 = arith.addf %scan3A_1199, %get3A_1265 : vector<16xf32>
        %add3A_1267 = arith.constant 4 : i32
        %add3A_1268 = arith.addi %add3A_1203, %add3A_1267 : i32
        %get3A_1269 = arith.constant 1 : i32
        %get3A_1270 = arith.index_cast %get3A_1269 : i32 to index
        %get3A_1271 = arith.index_cast %add3A_1268 : i32 to index
        %get3A_1272 = arith.constant 0 : index
        %get3A_1273 = tpu.vector_load %arg6[%get3A_1270, %get3A_1271, %get3A_1272] {strides = array<i32>} : memref<2x1600x32xf32, #tpu.memory_space<vmem>>, vector<16xf32>,
        %add3A_1274 = arith.addf %add3A_1210, %get3A_1273 : vector<16xf32>
        %add3A_1275 = arith.constant 4 : i32
        %add3A_1276 = arith.addi %add3A_1203, %add3A_1275 : i32
        %get3A_1277 = arith.constant 1 : i32
        %get3A_1278 = arith.index_cast %get3A_1277 : i32 to index
        %get3A_1279 = arith.index_cast %add3A_1276 : i32 to index
        %get3A_1280 = arith.constant 16 : index
        %get3A_1281 = tpu.vector_load %arg6[%get3A_1278, %get3A_1279, %get3A_1280] {strides = array<i32>} : memref<2x1600x32xf32, #tpu.memory_space<vmem>>, vector<16xf32>,
        %add3A_1282 = arith.addf %add3A_1218, %get3A_1281 : vector<16xf32>
        %add3A_1283 = arith.constant 5 : i32
        %add3A_1284 = arith.addi %add3A_1203, %add3A_1283 : i32
        %get3A_1285 = arith.constant 1 : i32
        %get3A_1286 = arith.index_cast %get3A_1285 : i32 to index
        %get3A_1287 = arith.index_cast %add3A_1284 : i32 to index
        %get3A_1288 = arith.constant 0 : index
        %get3A_1289 = tpu.vector_load %arg6[%get3A_1286, %get3A_1287, %get3A_1288] {strides = array<i32>} : memref<2x1600x32xf32, #tpu.memory_space<vmem>>, vector<16xf32>,
        %add3A_1290 = arith.addf %add3A_1226, %get3A_1289 : vector<16xf32>
        %add3A_1291 = arith.constant 5 : i32
        %add3A_1292 = arith.addi %add3A_1203, %add3A_1291 : i32
        %get3A_1293 = arith.constant 1 : i32
        %get3A_1294 = arith.index_cast %get3A_1293 : i32 to index
        %get3A_1295 = arith.index_cast %add3A_1292 : i32 to index
        %get3A_1296 = arith.constant 16 : index
        %get3A_1297 = tpu.vector_load %arg6[%get3A_1294, %get3A_1295, %get3A_1296] {strides = array<i32>} : memref<2x1600x32xf32, #tpu.memory_space<vmem>>, vector<16xf32>,
        %add3A_1298 = arith.addf %add3A_1234, %get3A_1297 : vector<16xf32>
        %add3A_1299 = arith.constant 6 : i32
        %add3A_1300 = arith.addi %add3A_1203, %add3A_1299 : i32
        %get3A_1301 = arith.constant 1 : i32
        %get3A_1302 = arith.index_cast %get3A_1301 : i32 to index
        %get3A_1303 = arith.index_cast %add3A_1300 : i32 to index
        %get3A_1304 = arith.constant 0 : index
        %get3A_1305 = tpu.vector_load %arg6[%get3A_1302, %get3A_1303, %get3A_1304] {strides = array<i32>} : memref<2x1600x32xf32, #tpu.memory_space<vmem>>, vector<16xf32>,
        %add3A_1306 = arith.addf %add3A_1242, %get3A_1305 : vector<16xf32>
        %add3A_1307 = arith.constant 6 : i32
        %add3A_1308 = arith.addi %add3A_1203, %add3A_1307 : i32
        %get3A_1309 = arith.constant 1 : i32
        %get3A_1310 = arith.index_cast %get3A_1309 : i32 to index
        %get3A_1311 = arith.index_cast %add3A_1308 : i32 to index
        %get3A_1312 = arith.constant 16 : index
        %get3A_1313 = tpu.vector_load %arg6[%get3A_1310, %get3A_1311, %get3A_1312] {strides = array<i32>} : memref<2x1600x32xf32, #tpu.memory_space<vmem>>, vector<16xf32>,
        %add3A_1314 = arith.addf %add3A_1250, %get3A_1313 : vector<16xf32>
        %add3A_1315 = arith.constant 7 : i32
        %add3A_1316 = arith.addi %add3A_1203, %add3A_1315 : i32
        %get3A_1317 = arith.constant 1 : i32
        %get3A_1318 = arith.index_cast %get3A_1317 : i32 to index
        %get3A_1319 = arith.index_cast %add3A_1316 : i32 to index
        %get3A_1320 = arith.constant 0 : index
        %get3A_1321 = tpu.vector_load %arg6[%get3A_1318, %get3A_1319, %get3A_1320] {strides = array<i32>} : memref<2x1600x32xf32, #tpu.memory_space<vmem>>, vector<16xf32>,
        %add3A_1322 = arith.addf %add3A_1258, %get3A_1321 : vector<16xf32>
        %add3A_1323 = arith.constant 7 : i32
        %add3A_1324 = arith.addi %add3A_1203, %add3A_1323 : i32
        %get3A_1325 = arith.constant 1 : i32
        %get3A_1326 = arith.index_cast %get3A_1325 : i32 to index
        %get3A_1327 = arith.index_cast %add3A_1324 : i32 to index
        %get3A_1328 = arith.constant 16 : index
        %get3A_1329 = tpu.vector_load %arg6[%get3A_1326, %get3A_1327, %get3A_1328] {strides = array<i32>} : memref<2x1600x32xf32, #tpu.memory_space<vmem>>, vector<16xf32>,
        %add3A_1330 = arith.addf %add3A_1266, %get3A_1329 : vector<16xf32>
        scf.yield %add3A_1274, %add3A_1282, %add3A_1290, %add3A_1298, %add3A_1306, %add3A_1314, %add3A_1322, %add3A_1330 : vector<16xf32>, vector<16xf32>, vector<16xf32>, vector<16xf32>, vector<16xf32>, vector<16xf32>, vector<16xf32>, vector<16xf32>
      }
      %scan3A_1078 = arith.constant 25 : i32
      %add3A_1079 = arith.addf %scan3A_1077#0, %scan3A_1077#2 : vector<16xf32>
      %add3A_1080 = arith.addf %scan3A_1077#4, %scan3A_1077#6 : vector<16xf32>
      %add3A_1081 = arith.addf %add3A_1079, %add3A_1080 : vector<16xf32>
      %add3A_1082 = arith.addf %scan3A_1077#1, %scan3A_1077#3 : vector<16xf32>
      %add3A_1083 = arith.addf %scan3A_1077#5, %scan3A_1077#7 : vector<16xf32>
      %add3A_1084 = arith.addf %add3A_1082, %add3A_1083 : vector<16xf32>
      %mul3A_1085 = arith.mulf %add3A_1081, %broadcast_in_dim3A_950 : vector<16xf32>
      %mul3A_1086 = arith.constant 8 : i32
      %mul3A_1087 = arith.muli %add3A_726, %mul3A_1086 : i32
      %add3A_1088 = arith.constant 4 : i32
      %add3A_1089 = arith.addi %mul3A_1087, %add3A_1088 : i32
      %swap3A_1090 = arith.index_cast %add3A_1089 : i32 to index
      %swap3A_1091 = arith.constant 0 : index
      %swap3A_1092 = tpu.vector_load %arg7[%swap3A_1090, %swap3A_1091] {strides = array<i32>} : memref<512x32xf32, #tpu.memory_space<vmem>>, vector<16xf32>,
      tpu.vector_store %arg7[%swap3A_1090, %swap3A_1091], %mul3A_1085 {strides = array<i32>} : memref<512x32xf32, #tpu.memory_space<vmem>>, vector<16xf32>,
      %mul3A_1093 = arith.mulf %add3A_1084, %broadcast_in_dim3A_950 : vector<16xf32>
      %mul3A_1094 = arith.constant 8 : i32
      %mul3A_1095 = arith.muli %add3A_726, %mul3A_1094 : i32
      %add3A_1096 = arith.constant 4 : i32
      %add3A_1097 = arith.addi %mul3A_1095, %add3A_1096 : i32
      %swap3A_1098 = arith.index_cast %add3A_1097 : i32 to index
      %swap3A_1099 = arith.constant 16 : index
      %swap3A_1100 = tpu.vector_load %arg7[%swap3A_1098, %swap3A_1099] {strides = array<i32>} : memref<512x32xf32, #tpu.memory_space<vmem>>, vector<16xf32>,
      tpu.vector_store %arg7[%swap3A_1098, %swap3A_1099], %mul3A_1093 {strides = array<i32>} : memref<512x32xf32, #tpu.memory_space<vmem>>, vector<16xf32>,
      %broadcast_in_dim3A_1101 = arith.constant 0.000000e+00 : f32
      %broadcast_in_dim3A_1102 = vector.broadcast %broadcast_in_dim3A_1101 : f32 to vector<16xf32>
      %scan3A_1103 = arith.constant 0 : i32
      %scan3A_1104 = arith.constant 25 : i32
      %scan3A_1105 = arith.addi %scan3A_1103, %scan3A_1104 : i32
      %scan3A_1106 = arith.constant 1 : i32
      %scan3A_1107:8 = scf.for %scan3A_1191 = %scan3A_1103 to %scan3A_1105 step %scan3A_1106 iter_args(%scan3A_1192 = %broadcast_in_dim3A_1102, %scan3A_1193 = %broadcast_in_dim3A_1102, %scan3A_1194 = %broadcast_in_dim3A_1102, %scan3A_1195 = %broadcast_in_dim3A_1102, %scan3A_1196 = %broadcast_in_dim3A_1102, %scan3A_1197 = %broadcast_in_dim3A_1102, %scan3A_1198 = %broadcast_in_dim3A_1102, %scan3A_1199 = %broadcast_in_dim3A_1102) -> (vector<16xf32>, vector<16xf32>, vector<16xf32>, vector<16xf32>, vector<16xf32>, vector<16xf32>, vector<16xf32>, vector<16xf32>)  : i32 {
        %mul3A_1200 = arith.constant 8 : i32
        %mul3A_1201 = arith.muli %scan3A_1191, %mul3A_1200 : i32
        %add3A_1202 = arith.constant 1000 : i32
        %add3A_1203 = arith.addi %add3A_1202, %mul3A_1201 : i32
        %add3A_1204 = arith.constant 0 : i32
        %add3A_1205 = arith.addi %add3A_1203, %add3A_1204 : i32
        %get3A = arith.constant 1 : i32
        %get3A_1206 = arith.index_cast %get3A : i32 to index
        %get3A_1207 = arith.index_cast %add3A_1205 : i32 to index
        %get3A_1208 = arith.constant 0 : index
        %get3A_1209 = tpu.vector_load %arg6[%get3A_1206, %get3A_1207, %get3A_1208] {strides = array<i32>} : memref<2x1600x32xf32, #tpu.memory_space<vmem>>, vector<16xf32>,
        %add3A_1210 = arith.addf %scan3A_1192, %get3A_1209 : vector<16xf32>
        %add3A_1211 = arith.constant 0 : i32
        %add3A_1212 = arith.addi %add3A_1203, %add3A_1211 : i32
        %get3A_1213 = arith.constant 1 : i32
        %get3A_1214 = arith.index_cast %get3A_1213 : i32 to index
        %get3A_1215 = arith.index_cast %add3A_1212 : i32 to index
        %get3A_1216 = arith.constant 16 : index
        %get3A_1217 = tpu.vector_load %arg6[%get3A_1214, %get3A_1215, %get3A_1216] {strides = array<i32>} : memref<2x1600x32xf32, #tpu.memory_space<vmem>>, vector<16xf32>,
        %add3A_1218 = arith.addf %scan3A_1193, %get3A_1217 : vector<16xf32>
        %add3A_1219 = arith.constant 1 : i32
        %add3A_1220 = arith.addi %add3A_1203, %add3A_1219 : i32
        %get3A_1221 = arith.constant 1 : i32
        %get3A_1222 = arith.index_cast %get3A_1221 : i32 to index
        %get3A_1223 = arith.index_cast %add3A_1220 : i32 to index
        %get3A_1224 = arith.constant 0 : index
        %get3A_1225 = tpu.vector_load %arg6[%get3A_1222, %get3A_1223, %get3A_1224] {strides = array<i32>} : memref<2x1600x32xf32, #tpu.memory_space<vmem>>, vector<16xf32>,
        %add3A_1226 = arith.addf %scan3A_1194, %get3A_1225 : vector<16xf32>
        %add3A_1227 = arith.constant 1 : i32
        %add3A_1228 = arith.addi %add3A_1203, %add3A_1227 : i32
        %get3A_1229 = arith.constant 1 : i32
        %get3A_1230 = arith.index_cast %get3A_1229 : i32 to index
        %get3A_1231 = arith.index_cast %add3A_1228 : i32 to index
        %get3A_1232 = arith.constant 16 : index
        %get3A_1233 = tpu.vector_load %arg6[%get3A_1230, %get3A_1231, %get3A_1232] {strides = array<i32>} : memref<2x1600x32xf32, #tpu.memory_space<vmem>>, vector<16xf32>,
        %add3A_1234 = arith.addf %scan3A_1195, %get3A_1233 : vector<16xf32>
        %add3A_1235 = arith.constant 2 : i32
        %add3A_1236 = arith.addi %add3A_1203, %add3A_1235 : i32
        %get3A_1237 = arith.constant 1 : i32
        %get3A_1238 = arith.index_cast %get3A_1237 : i32 to index
        %get3A_1239 = arith.index_cast %add3A_1236 : i32 to index
        %get3A_1240 = arith.constant 0 : index
        %get3A_1241 = tpu.vector_load %arg6[%get3A_1238, %get3A_1239, %get3A_1240] {strides = array<i32>} : memref<2x1600x32xf32, #tpu.memory_space<vmem>>, vector<16xf32>,
        %add3A_1242 = arith.addf %scan3A_1196, %get3A_1241 : vector<16xf32>
        %add3A_1243 = arith.constant 2 : i32
        %add3A_1244 = arith.addi %add3A_1203, %add3A_1243 : i32
        %get3A_1245 = arith.constant 1 : i32
        %get3A_1246 = arith.index_cast %get3A_1245 : i32 to index
        %get3A_1247 = arith.index_cast %add3A_1244 : i32 to index
        %get3A_1248 = arith.constant 16 : index
        %get3A_1249 = tpu.vector_load %arg6[%get3A_1246, %get3A_1247, %get3A_1248] {strides = array<i32>} : memref<2x1600x32xf32, #tpu.memory_space<vmem>>, vector<16xf32>,
        %add3A_1250 = arith.addf %scan3A_1197, %get3A_1249 : vector<16xf32>
        %add3A_1251 = arith.constant 3 : i32
        %add3A_1252 = arith.addi %add3A_1203, %add3A_1251 : i32
        %get3A_1253 = arith.constant 1 : i32
        %get3A_1254 = arith.index_cast %get3A_1253 : i32 to index
        %get3A_1255 = arith.index_cast %add3A_1252 : i32 to index
        %get3A_1256 = arith.constant 0 : index
        %get3A_1257 = tpu.vector_load %arg6[%get3A_1254, %get3A_1255, %get3A_1256] {strides = array<i32>} : memref<2x1600x32xf32, #tpu.memory_space<vmem>>, vector<16xf32>,
        %add3A_1258 = arith.addf %scan3A_1198, %get3A_1257 : vector<16xf32>
        %add3A_1259 = arith.constant 3 : i32
        %add3A_1260 = arith.addi %add3A_1203, %add3A_1259 : i32
        %get3A_1261 = arith.constant 1 : i32
        %get3A_1262 = arith.index_cast %get3A_1261 : i32 to index
        %get3A_1263 = arith.index_cast %add3A_1260 : i32 to index
        %get3A_1264 = arith.constant 16 : index
        %get3A_1265 = tpu.vector_load %arg6[%get3A_1262, %get3A_1263, %get3A_1264] {strides = array<i32>} : memref<2x1600x32xf32, #tpu.memory_space<vmem>>, vector<16xf32>,
        %add3A_1266 = arith.addf %scan3A_1199, %get3A_1265 : vector<16xf32>
        %add3A_1267 = arith.constant 4 : i32
        %add3A_1268 = arith.addi %add3A_1203, %add3A_1267 : i32
        %get3A_1269 = arith.constant 1 : i32
        %get3A_1270 = arith.index_cast %get3A_1269 : i32 to index
        %get3A_1271 = arith.index_cast %add3A_1268 : i32 to index
        %get3A_1272 = arith.constant 0 : index
        %get3A_1273 = tpu.vector_load %arg6[%get3A_1270, %get3A_1271, %get3A_1272] {strides = array<i32>} : memref<2x1600x32xf32, #tpu.memory_space<vmem>>, vector<16xf32>,
        %add3A_1274 = arith.addf %add3A_1210, %get3A_1273 : vector<16xf32>
        %add3A_1275 = arith.constant 4 : i32
        %add3A_1276 = arith.addi %add3A_1203, %add3A_1275 : i32
        %get3A_1277 = arith.constant 1 : i32
        %get3A_1278 = arith.index_cast %get3A_1277 : i32 to index
        %get3A_1279 = arith.index_cast %add3A_1276 : i32 to index
        %get3A_1280 = arith.constant 16 : index
        %get3A_1281 = tpu.vector_load %arg6[%get3A_1278, %get3A_1279, %get3A_1280] {strides = array<i32>} : memref<2x1600x32xf32, #tpu.memory_space<vmem>>, vector<16xf32>,
        %add3A_1282 = arith.addf %add3A_1218, %get3A_1281 : vector<16xf32>
        %add3A_1283 = arith.constant 5 : i32
        %add3A_1284 = arith.addi %add3A_1203, %add3A_1283 : i32
        %get3A_1285 = arith.constant 1 : i32
        %get3A_1286 = arith.index_cast %get3A_1285 : i32 to index
        %get3A_1287 = arith.index_cast %add3A_1284 : i32 to index
        %get3A_1288 = arith.constant 0 : index
        %get3A_1289 = tpu.vector_load %arg6[%get3A_1286, %get3A_1287, %get3A_1288] {strides = array<i32>} : memref<2x1600x32xf32, #tpu.memory_space<vmem>>, vector<16xf32>,
        %add3A_1290 = arith.addf %add3A_1226, %get3A_1289 : vector<16xf32>
        %add3A_1291 = arith.constant 5 : i32
        %add3A_1292 = arith.addi %add3A_1203, %add3A_1291 : i32
        %get3A_1293 = arith.constant 1 : i32
        %get3A_1294 = arith.index_cast %get3A_1293 : i32 to index
        %get3A_1295 = arith.index_cast %add3A_1292 : i32 to index
        %get3A_1296 = arith.constant 16 : index
        %get3A_1297 = tpu.vector_load %arg6[%get3A_1294, %get3A_1295, %get3A_1296] {strides = array<i32>} : memref<2x1600x32xf32, #tpu.memory_space<vmem>>, vector<16xf32>,
        %add3A_1298 = arith.addf %add3A_1234, %get3A_1297 : vector<16xf32>
        %add3A_1299 = arith.constant 6 : i32
        %add3A_1300 = arith.addi %add3A_1203, %add3A_1299 : i32
        %get3A_1301 = arith.constant 1 : i32
        %get3A_1302 = arith.index_cast %get3A_1301 : i32 to index
        %get3A_1303 = arith.index_cast %add3A_1300 : i32 to index
        %get3A_1304 = arith.constant 0 : index
        %get3A_1305 = tpu.vector_load %arg6[%get3A_1302, %get3A_1303, %get3A_1304] {strides = array<i32>} : memref<2x1600x32xf32, #tpu.memory_space<vmem>>, vector<16xf32>,
        %add3A_1306 = arith.addf %add3A_1242, %get3A_1305 : vector<16xf32>
        %add3A_1307 = arith.constant 6 : i32
        %add3A_1308 = arith.addi %add3A_1203, %add3A_1307 : i32
        %get3A_1309 = arith.constant 1 : i32
        %get3A_1310 = arith.index_cast %get3A_1309 : i32 to index
        %get3A_1311 = arith.index_cast %add3A_1308 : i32 to index
        %get3A_1312 = arith.constant 16 : index
        %get3A_1313 = tpu.vector_load %arg6[%get3A_1310, %get3A_1311, %get3A_1312] {strides = array<i32>} : memref<2x1600x32xf32, #tpu.memory_space<vmem>>, vector<16xf32>,
        %add3A_1314 = arith.addf %add3A_1250, %get3A_1313 : vector<16xf32>
        %add3A_1315 = arith.constant 7 : i32
        %add3A_1316 = arith.addi %add3A_1203, %add3A_1315 : i32
        %get3A_1317 = arith.constant 1 : i32
        %get3A_1318 = arith.index_cast %get3A_1317 : i32 to index
        %get3A_1319 = arith.index_cast %add3A_1316 : i32 to index
        %get3A_1320 = arith.constant 0 : index
        %get3A_1321 = tpu.vector_load %arg6[%get3A_1318, %get3A_1319, %get3A_1320] {strides = array<i32>} : memref<2x1600x32xf32, #tpu.memory_space<vmem>>, vector<16xf32>,
        %add3A_1322 = arith.addf %add3A_1258, %get3A_1321 : vector<16xf32>
        %add3A_1323 = arith.constant 7 : i32
        %add3A_1324 = arith.addi %add3A_1203, %add3A_1323 : i32
        %get3A_1325 = arith.constant 1 : i32
        %get3A_1326 = arith.index_cast %get3A_1325 : i32 to index
        %get3A_1327 = arith.index_cast %add3A_1324 : i32 to index
        %get3A_1328 = arith.constant 16 : index
        %get3A_1329 = tpu.vector_load %arg6[%get3A_1326, %get3A_1327, %get3A_1328] {strides = array<i32>} : memref<2x1600x32xf32, #tpu.memory_space<vmem>>, vector<16xf32>,
        %add3A_1330 = arith.addf %add3A_1266, %get3A_1329 : vector<16xf32>
        scf.yield %add3A_1274, %add3A_1282, %add3A_1290, %add3A_1298, %add3A_1306, %add3A_1314, %add3A_1322, %add3A_1330 : vector<16xf32>, vector<16xf32>, vector<16xf32>, vector<16xf32>, vector<16xf32>, vector<16xf32>, vector<16xf32>, vector<16xf32>
      }
      %scan3A_1108 = arith.constant 25 : i32
      %add3A_1109 = arith.addf %scan3A_1107#0, %scan3A_1107#2 : vector<16xf32>
      %add3A_1110 = arith.addf %scan3A_1107#4, %scan3A_1107#6 : vector<16xf32>
      %add3A_1111 = arith.addf %add3A_1109, %add3A_1110 : vector<16xf32>
      %add3A_1112 = arith.addf %scan3A_1107#1, %scan3A_1107#3 : vector<16xf32>
      %add3A_1113 = arith.addf %scan3A_1107#5, %scan3A_1107#7 : vector<16xf32>
      %add3A_1114 = arith.addf %add3A_1112, %add3A_1113 : vector<16xf32>
      %mul3A_1115 = arith.mulf %add3A_1111, %broadcast_in_dim3A_950 : vector<16xf32>
      %mul3A_1116 = arith.constant 8 : i32
      %mul3A_1117 = arith.muli %add3A_726, %mul3A_1116 : i32
      %add3A_1118 = arith.constant 5 : i32
      %add3A_1119 = arith.addi %mul3A_1117, %add3A_1118 : i32
      %swap3A_1120 = arith.index_cast %add3A_1119 : i32 to index
      %swap3A_1121 = arith.constant 0 : index
      %swap3A_1122 = tpu.vector_load %arg7[%swap3A_1120, %swap3A_1121] {strides = array<i32>} : memref<512x32xf32, #tpu.memory_space<vmem>>, vector<16xf32>,
      tpu.vector_store %arg7[%swap3A_1120, %swap3A_1121], %mul3A_1115 {strides = array<i32>} : memref<512x32xf32, #tpu.memory_space<vmem>>, vector<16xf32>,
      %mul3A_1123 = arith.mulf %add3A_1114, %broadcast_in_dim3A_950 : vector<16xf32>
      %mul3A_1124 = arith.constant 8 : i32
      %mul3A_1125 = arith.muli %add3A_726, %mul3A_1124 : i32
      %add3A_1126 = arith.constant 5 : i32
      %add3A_1127 = arith.addi %mul3A_1125, %add3A_1126 : i32
      %swap3A_1128 = arith.index_cast %add3A_1127 : i32 to index
      %swap3A_1129 = arith.constant 16 : index
      %swap3A_1130 = tpu.vector_load %arg7[%swap3A_1128, %swap3A_1129] {strides = array<i32>} : memref<512x32xf32, #tpu.memory_space<vmem>>, vector<16xf32>,
      tpu.vector_store %arg7[%swap3A_1128, %swap3A_1129], %mul3A_1123 {strides = array<i32>} : memref<512x32xf32, #tpu.memory_space<vmem>>, vector<16xf32>,
      %broadcast_in_dim3A_1131 = arith.constant 0.000000e+00 : f32
      %broadcast_in_dim3A_1132 = vector.broadcast %broadcast_in_dim3A_1131 : f32 to vector<16xf32>
      %scan3A_1133 = arith.constant 0 : i32
      %scan3A_1134 = arith.constant 25 : i32
      %scan3A_1135 = arith.addi %scan3A_1133, %scan3A_1134 : i32
      %scan3A_1136 = arith.constant 1 : i32
      %scan3A_1137:8 = scf.for %scan3A_1191 = %scan3A_1133 to %scan3A_1135 step %scan3A_1136 iter_args(%scan3A_1192 = %broadcast_in_dim3A_1132, %scan3A_1193 = %broadcast_in_dim3A_1132, %scan3A_1194 = %broadcast_in_dim3A_1132, %scan3A_1195 = %broadcast_in_dim3A_1132, %scan3A_1196 = %broadcast_in_dim3A_1132, %scan3A_1197 = %broadcast_in_dim3A_1132, %scan3A_1198 = %broadcast_in_dim3A_1132, %scan3A_1199 = %broadcast_in_dim3A_1132) -> (vector<16xf32>, vector<16xf32>, vector<16xf32>, vector<16xf32>, vector<16xf32>, vector<16xf32>, vector<16xf32>, vector<16xf32>)  : i32 {
        %mul3A_1200 = arith.constant 8 : i32
        %mul3A_1201 = arith.muli %scan3A_1191, %mul3A_1200 : i32
        %add3A_1202 = arith.constant 1200 : i32
        %add3A_1203 = arith.addi %add3A_1202, %mul3A_1201 : i32
        %add3A_1204 = arith.constant 0 : i32
        %add3A_1205 = arith.addi %add3A_1203, %add3A_1204 : i32
        %get3A = arith.constant 1 : i32
        %get3A_1206 = arith.index_cast %get3A : i32 to index
        %get3A_1207 = arith.index_cast %add3A_1205 : i32 to index
        %get3A_1208 = arith.constant 0 : index
        %get3A_1209 = tpu.vector_load %arg6[%get3A_1206, %get3A_1207, %get3A_1208] {strides = array<i32>} : memref<2x1600x32xf32, #tpu.memory_space<vmem>>, vector<16xf32>,
        %add3A_1210 = arith.addf %scan3A_1192, %get3A_1209 : vector<16xf32>
        %add3A_1211 = arith.constant 0 : i32
        %add3A_1212 = arith.addi %add3A_1203, %add3A_1211 : i32
        %get3A_1213 = arith.constant 1 : i32
        %get3A_1214 = arith.index_cast %get3A_1213 : i32 to index
        %get3A_1215 = arith.index_cast %add3A_1212 : i32 to index
        %get3A_1216 = arith.constant 16 : index
        %get3A_1217 = tpu.vector_load %arg6[%get3A_1214, %get3A_1215, %get3A_1216] {strides = array<i32>} : memref<2x1600x32xf32, #tpu.memory_space<vmem>>, vector<16xf32>,
        %add3A_1218 = arith.addf %scan3A_1193, %get3A_1217 : vector<16xf32>
        %add3A_1219 = arith.constant 1 : i32
        %add3A_1220 = arith.addi %add3A_1203, %add3A_1219 : i32
        %get3A_1221 = arith.constant 1 : i32
        %get3A_1222 = arith.index_cast %get3A_1221 : i32 to index
        %get3A_1223 = arith.index_cast %add3A_1220 : i32 to index
        %get3A_1224 = arith.constant 0 : index
        %get3A_1225 = tpu.vector_load %arg6[%get3A_1222, %get3A_1223, %get3A_1224] {strides = array<i32>} : memref<2x1600x32xf32, #tpu.memory_space<vmem>>, vector<16xf32>,
        %add3A_1226 = arith.addf %scan3A_1194, %get3A_1225 : vector<16xf32>
        %add3A_1227 = arith.constant 1 : i32
        %add3A_1228 = arith.addi %add3A_1203, %add3A_1227 : i32
        %get3A_1229 = arith.constant 1 : i32
        %get3A_1230 = arith.index_cast %get3A_1229 : i32 to index
        %get3A_1231 = arith.index_cast %add3A_1228 : i32 to index
        %get3A_1232 = arith.constant 16 : index
        %get3A_1233 = tpu.vector_load %arg6[%get3A_1230, %get3A_1231, %get3A_1232] {strides = array<i32>} : memref<2x1600x32xf32, #tpu.memory_space<vmem>>, vector<16xf32>,
        %add3A_1234 = arith.addf %scan3A_1195, %get3A_1233 : vector<16xf32>
        %add3A_1235 = arith.constant 2 : i32
        %add3A_1236 = arith.addi %add3A_1203, %add3A_1235 : i32
        %get3A_1237 = arith.constant 1 : i32
        %get3A_1238 = arith.index_cast %get3A_1237 : i32 to index
        %get3A_1239 = arith.index_cast %add3A_1236 : i32 to index
        %get3A_1240 = arith.constant 0 : index
        %get3A_1241 = tpu.vector_load %arg6[%get3A_1238, %get3A_1239, %get3A_1240] {strides = array<i32>} : memref<2x1600x32xf32, #tpu.memory_space<vmem>>, vector<16xf32>,
        %add3A_1242 = arith.addf %scan3A_1196, %get3A_1241 : vector<16xf32>
        %add3A_1243 = arith.constant 2 : i32
        %add3A_1244 = arith.addi %add3A_1203, %add3A_1243 : i32
        %get3A_1245 = arith.constant 1 : i32
        %get3A_1246 = arith.index_cast %get3A_1245 : i32 to index
        %get3A_1247 = arith.index_cast %add3A_1244 : i32 to index
        %get3A_1248 = arith.constant 16 : index
        %get3A_1249 = tpu.vector_load %arg6[%get3A_1246, %get3A_1247, %get3A_1248] {strides = array<i32>} : memref<2x1600x32xf32, #tpu.memory_space<vmem>>, vector<16xf32>,
        %add3A_1250 = arith.addf %scan3A_1197, %get3A_1249 : vector<16xf32>
        %add3A_1251 = arith.constant 3 : i32
        %add3A_1252 = arith.addi %add3A_1203, %add3A_1251 : i32
        %get3A_1253 = arith.constant 1 : i32
        %get3A_1254 = arith.index_cast %get3A_1253 : i32 to index
        %get3A_1255 = arith.index_cast %add3A_1252 : i32 to index
        %get3A_1256 = arith.constant 0 : index
        %get3A_1257 = tpu.vector_load %arg6[%get3A_1254, %get3A_1255, %get3A_1256] {strides = array<i32>} : memref<2x1600x32xf32, #tpu.memory_space<vmem>>, vector<16xf32>,
        %add3A_1258 = arith.addf %scan3A_1198, %get3A_1257 : vector<16xf32>
        %add3A_1259 = arith.constant 3 : i32
        %add3A_1260 = arith.addi %add3A_1203, %add3A_1259 : i32
        %get3A_1261 = arith.constant 1 : i32
        %get3A_1262 = arith.index_cast %get3A_1261 : i32 to index
        %get3A_1263 = arith.index_cast %add3A_1260 : i32 to index
        %get3A_1264 = arith.constant 16 : index
        %get3A_1265 = tpu.vector_load %arg6[%get3A_1262, %get3A_1263, %get3A_1264] {strides = array<i32>} : memref<2x1600x32xf32, #tpu.memory_space<vmem>>, vector<16xf32>,
        %add3A_1266 = arith.addf %scan3A_1199, %get3A_1265 : vector<16xf32>
        %add3A_1267 = arith.constant 4 : i32
        %add3A_1268 = arith.addi %add3A_1203, %add3A_1267 : i32
        %get3A_1269 = arith.constant 1 : i32
        %get3A_1270 = arith.index_cast %get3A_1269 : i32 to index
        %get3A_1271 = arith.index_cast %add3A_1268 : i32 to index
        %get3A_1272 = arith.constant 0 : index
        %get3A_1273 = tpu.vector_load %arg6[%get3A_1270, %get3A_1271, %get3A_1272] {strides = array<i32>} : memref<2x1600x32xf32, #tpu.memory_space<vmem>>, vector<16xf32>,
        %add3A_1274 = arith.addf %add3A_1210, %get3A_1273 : vector<16xf32>
        %add3A_1275 = arith.constant 4 : i32
        %add3A_1276 = arith.addi %add3A_1203, %add3A_1275 : i32
        %get3A_1277 = arith.constant 1 : i32
        %get3A_1278 = arith.index_cast %get3A_1277 : i32 to index
        %get3A_1279 = arith.index_cast %add3A_1276 : i32 to index
        %get3A_1280 = arith.constant 16 : index
        %get3A_1281 = tpu.vector_load %arg6[%get3A_1278, %get3A_1279, %get3A_1280] {strides = array<i32>} : memref<2x1600x32xf32, #tpu.memory_space<vmem>>, vector<16xf32>,
        %add3A_1282 = arith.addf %add3A_1218, %get3A_1281 : vector<16xf32>
        %add3A_1283 = arith.constant 5 : i32
        %add3A_1284 = arith.addi %add3A_1203, %add3A_1283 : i32
        %get3A_1285 = arith.constant 1 : i32
        %get3A_1286 = arith.index_cast %get3A_1285 : i32 to index
        %get3A_1287 = arith.index_cast %add3A_1284 : i32 to index
        %get3A_1288 = arith.constant 0 : index
        %get3A_1289 = tpu.vector_load %arg6[%get3A_1286, %get3A_1287, %get3A_1288] {strides = array<i32>} : memref<2x1600x32xf32, #tpu.memory_space<vmem>>, vector<16xf32>,
        %add3A_1290 = arith.addf %add3A_1226, %get3A_1289 : vector<16xf32>
        %add3A_1291 = arith.constant 5 : i32
        %add3A_1292 = arith.addi %add3A_1203, %add3A_1291 : i32
        %get3A_1293 = arith.constant 1 : i32
        %get3A_1294 = arith.index_cast %get3A_1293 : i32 to index
        %get3A_1295 = arith.index_cast %add3A_1292 : i32 to index
        %get3A_1296 = arith.constant 16 : index
        %get3A_1297 = tpu.vector_load %arg6[%get3A_1294, %get3A_1295, %get3A_1296] {strides = array<i32>} : memref<2x1600x32xf32, #tpu.memory_space<vmem>>, vector<16xf32>,
        %add3A_1298 = arith.addf %add3A_1234, %get3A_1297 : vector<16xf32>
        %add3A_1299 = arith.constant 6 : i32
        %add3A_1300 = arith.addi %add3A_1203, %add3A_1299 : i32
        %get3A_1301 = arith.constant 1 : i32
        %get3A_1302 = arith.index_cast %get3A_1301 : i32 to index
        %get3A_1303 = arith.index_cast %add3A_1300 : i32 to index
        %get3A_1304 = arith.constant 0 : index
        %get3A_1305 = tpu.vector_load %arg6[%get3A_1302, %get3A_1303, %get3A_1304] {strides = array<i32>} : memref<2x1600x32xf32, #tpu.memory_space<vmem>>, vector<16xf32>,
        %add3A_1306 = arith.addf %add3A_1242, %get3A_1305 : vector<16xf32>
        %add3A_1307 = arith.constant 6 : i32
        %add3A_1308 = arith.addi %add3A_1203, %add3A_1307 : i32
        %get3A_1309 = arith.constant 1 : i32
        %get3A_1310 = arith.index_cast %get3A_1309 : i32 to index
        %get3A_1311 = arith.index_cast %add3A_1308 : i32 to index
        %get3A_1312 = arith.constant 16 : index
        %get3A_1313 = tpu.vector_load %arg6[%get3A_1310, %get3A_1311, %get3A_1312] {strides = array<i32>} : memref<2x1600x32xf32, #tpu.memory_space<vmem>>, vector<16xf32>,
        %add3A_1314 = arith.addf %add3A_1250, %get3A_1313 : vector<16xf32>
        %add3A_1315 = arith.constant 7 : i32
        %add3A_1316 = arith.addi %add3A_1203, %add3A_1315 : i32
        %get3A_1317 = arith.constant 1 : i32
        %get3A_1318 = arith.index_cast %get3A_1317 : i32 to index
        %get3A_1319 = arith.index_cast %add3A_1316 : i32 to index
        %get3A_1320 = arith.constant 0 : index
        %get3A_1321 = tpu.vector_load %arg6[%get3A_1318, %get3A_1319, %get3A_1320] {strides = array<i32>} : memref<2x1600x32xf32, #tpu.memory_space<vmem>>, vector<16xf32>,
        %add3A_1322 = arith.addf %add3A_1258, %get3A_1321 : vector<16xf32>
        %add3A_1323 = arith.constant 7 : i32
        %add3A_1324 = arith.addi %add3A_1203, %add3A_1323 : i32
        %get3A_1325 = arith.constant 1 : i32
        %get3A_1326 = arith.index_cast %get3A_1325 : i32 to index
        %get3A_1327 = arith.index_cast %add3A_1324 : i32 to index
        %get3A_1328 = arith.constant 16 : index
        %get3A_1329 = tpu.vector_load %arg6[%get3A_1326, %get3A_1327, %get3A_1328] {strides = array<i32>} : memref<2x1600x32xf32, #tpu.memory_space<vmem>>, vector<16xf32>,
        %add3A_1330 = arith.addf %add3A_1266, %get3A_1329 : vector<16xf32>
        scf.yield %add3A_1274, %add3A_1282, %add3A_1290, %add3A_1298, %add3A_1306, %add3A_1314, %add3A_1322, %add3A_1330 : vector<16xf32>, vector<16xf32>, vector<16xf32>, vector<16xf32>, vector<16xf32>, vector<16xf32>, vector<16xf32>, vector<16xf32>
      }
      %scan3A_1138 = arith.constant 25 : i32
      %add3A_1139 = arith.addf %scan3A_1137#0, %scan3A_1137#2 : vector<16xf32>
      %add3A_1140 = arith.addf %scan3A_1137#4, %scan3A_1137#6 : vector<16xf32>
      %add3A_1141 = arith.addf %add3A_1139, %add3A_1140 : vector<16xf32>
      %add3A_1142 = arith.addf %scan3A_1137#1, %scan3A_1137#3 : vector<16xf32>
      %add3A_1143 = arith.addf %scan3A_1137#5, %scan3A_1137#7 : vector<16xf32>
      %add3A_1144 = arith.addf %add3A_1142, %add3A_1143 : vector<16xf32>
      %mul3A_1145 = arith.mulf %add3A_1141, %broadcast_in_dim3A_950 : vector<16xf32>
      %mul3A_1146 = arith.constant 8 : i32
      %mul3A_1147 = arith.muli %add3A_726, %mul3A_1146 : i32
      %add3A_1148 = arith.constant 6 : i32
      %add3A_1149 = arith.addi %mul3A_1147, %add3A_1148 : i32
      %swap3A_1150 = arith.index_cast %add3A_1149 : i32 to index
      %swap3A_1151 = arith.constant 0 : index
      %swap3A_1152 = tpu.vector_load %arg7[%swap3A_1150, %swap3A_1151] {strides = array<i32>} : memref<512x32xf32, #tpu.memory_space<vmem>>, vector<16xf32>,
      tpu.vector_store %arg7[%swap3A_1150, %swap3A_1151], %mul3A_1145 {strides = array<i32>} : memref<512x32xf32, #tpu.memory_space<vmem>>, vector<16xf32>,
      %mul3A_1153 = arith.mulf %add3A_1144, %broadcast_in_dim3A_950 : vector<16xf32>
      %mul3A_1154 = arith.constant 8 : i32
      %mul3A_1155 = arith.muli %add3A_726, %mul3A_1154 : i32
      %add3A_1156 = arith.constant 6 : i32
      %add3A_1157 = arith.addi %mul3A_1155, %add3A_1156 : i32
      %swap3A_1158 = arith.index_cast %add3A_1157 : i32 to index
      %swap3A_1159 = arith.constant 16 : index
      %swap3A_1160 = tpu.vector_load %arg7[%swap3A_1158, %swap3A_1159] {strides = array<i32>} : memref<512x32xf32, #tpu.memory_space<vmem>>, vector<16xf32>,
      tpu.vector_store %arg7[%swap3A_1158, %swap3A_1159], %mul3A_1153 {strides = array<i32>} : memref<512x32xf32, #tpu.memory_space<vmem>>, vector<16xf32>,
      %broadcast_in_dim3A_1161 = arith.constant 0.000000e+00 : f32
      %broadcast_in_dim3A_1162 = vector.broadcast %broadcast_in_dim3A_1161 : f32 to vector<16xf32>
      %scan3A_1163 = arith.constant 0 : i32
      %scan3A_1164 = arith.constant 25 : i32
      %scan3A_1165 = arith.addi %scan3A_1163, %scan3A_1164 : i32
      %scan3A_1166 = arith.constant 1 : i32
      %scan3A_1167:8 = scf.for %scan3A_1191 = %scan3A_1163 to %scan3A_1165 step %scan3A_1166 iter_args(%scan3A_1192 = %broadcast_in_dim3A_1162, %scan3A_1193 = %broadcast_in_dim3A_1162, %scan3A_1194 = %broadcast_in_dim3A_1162, %scan3A_1195 = %broadcast_in_dim3A_1162, %scan3A_1196 = %broadcast_in_dim3A_1162, %scan3A_1197 = %broadcast_in_dim3A_1162, %scan3A_1198 = %broadcast_in_dim3A_1162, %scan3A_1199 = %broadcast_in_dim3A_1162) -> (vector<16xf32>, vector<16xf32>, vector<16xf32>, vector<16xf32>, vector<16xf32>, vector<16xf32>, vector<16xf32>, vector<16xf32>)  : i32 {
        %mul3A_1200 = arith.constant 8 : i32
        %mul3A_1201 = arith.muli %scan3A_1191, %mul3A_1200 : i32
        %add3A_1202 = arith.constant 1400 : i32
        %add3A_1203 = arith.addi %add3A_1202, %mul3A_1201 : i32
        %add3A_1204 = arith.constant 0 : i32
        %add3A_1205 = arith.addi %add3A_1203, %add3A_1204 : i32
        %get3A = arith.constant 1 : i32
        %get3A_1206 = arith.index_cast %get3A : i32 to index
        %get3A_1207 = arith.index_cast %add3A_1205 : i32 to index
        %get3A_1208 = arith.constant 0 : index
        %get3A_1209 = tpu.vector_load %arg6[%get3A_1206, %get3A_1207, %get3A_1208] {strides = array<i32>} : memref<2x1600x32xf32, #tpu.memory_space<vmem>>, vector<16xf32>,
        %add3A_1210 = arith.addf %scan3A_1192, %get3A_1209 : vector<16xf32>
        %add3A_1211 = arith.constant 0 : i32
        %add3A_1212 = arith.addi %add3A_1203, %add3A_1211 : i32
        %get3A_1213 = arith.constant 1 : i32
        %get3A_1214 = arith.index_cast %get3A_1213 : i32 to index
        %get3A_1215 = arith.index_cast %add3A_1212 : i32 to index
        %get3A_1216 = arith.constant 16 : index
        %get3A_1217 = tpu.vector_load %arg6[%get3A_1214, %get3A_1215, %get3A_1216] {strides = array<i32>} : memref<2x1600x32xf32, #tpu.memory_space<vmem>>, vector<16xf32>,
        %add3A_1218 = arith.addf %scan3A_1193, %get3A_1217 : vector<16xf32>
        %add3A_1219 = arith.constant 1 : i32
        %add3A_1220 = arith.addi %add3A_1203, %add3A_1219 : i32
        %get3A_1221 = arith.constant 1 : i32
        %get3A_1222 = arith.index_cast %get3A_1221 : i32 to index
        %get3A_1223 = arith.index_cast %add3A_1220 : i32 to index
        %get3A_1224 = arith.constant 0 : index
        %get3A_1225 = tpu.vector_load %arg6[%get3A_1222, %get3A_1223, %get3A_1224] {strides = array<i32>} : memref<2x1600x32xf32, #tpu.memory_space<vmem>>, vector<16xf32>,
        %add3A_1226 = arith.addf %scan3A_1194, %get3A_1225 : vector<16xf32>
        %add3A_1227 = arith.constant 1 : i32
        %add3A_1228 = arith.addi %add3A_1203, %add3A_1227 : i32
        %get3A_1229 = arith.constant 1 : i32
        %get3A_1230 = arith.index_cast %get3A_1229 : i32 to index
        %get3A_1231 = arith.index_cast %add3A_1228 : i32 to index
        %get3A_1232 = arith.constant 16 : index
        %get3A_1233 = tpu.vector_load %arg6[%get3A_1230, %get3A_1231, %get3A_1232] {strides = array<i32>} : memref<2x1600x32xf32, #tpu.memory_space<vmem>>, vector<16xf32>,
        %add3A_1234 = arith.addf %scan3A_1195, %get3A_1233 : vector<16xf32>
        %add3A_1235 = arith.constant 2 : i32
        %add3A_1236 = arith.addi %add3A_1203, %add3A_1235 : i32
        %get3A_1237 = arith.constant 1 : i32
        %get3A_1238 = arith.index_cast %get3A_1237 : i32 to index
        %get3A_1239 = arith.index_cast %add3A_1236 : i32 to index
        %get3A_1240 = arith.constant 0 : index
        %get3A_1241 = tpu.vector_load %arg6[%get3A_1238, %get3A_1239, %get3A_1240] {strides = array<i32>} : memref<2x1600x32xf32, #tpu.memory_space<vmem>>, vector<16xf32>,
        %add3A_1242 = arith.addf %scan3A_1196, %get3A_1241 : vector<16xf32>
        %add3A_1243 = arith.constant 2 : i32
        %add3A_1244 = arith.addi %add3A_1203, %add3A_1243 : i32
        %get3A_1245 = arith.constant 1 : i32
        %get3A_1246 = arith.index_cast %get3A_1245 : i32 to index
        %get3A_1247 = arith.index_cast %add3A_1244 : i32 to index
        %get3A_1248 = arith.constant 16 : index
        %get3A_1249 = tpu.vector_load %arg6[%get3A_1246, %get3A_1247, %get3A_1248] {strides = array<i32>} : memref<2x1600x32xf32, #tpu.memory_space<vmem>>, vector<16xf32>,
        %add3A_1250 = arith.addf %scan3A_1197, %get3A_1249 : vector<16xf32>
        %add3A_1251 = arith.constant 3 : i32
        %add3A_1252 = arith.addi %add3A_1203, %add3A_1251 : i32
        %get3A_1253 = arith.constant 1 : i32
        %get3A_1254 = arith.index_cast %get3A_1253 : i32 to index
        %get3A_1255 = arith.index_cast %add3A_1252 : i32 to index
        %get3A_1256 = arith.constant 0 : index
        %get3A_1257 = tpu.vector_load %arg6[%get3A_1254, %get3A_1255, %get3A_1256] {strides = array<i32>} : memref<2x1600x32xf32, #tpu.memory_space<vmem>>, vector<16xf32>,
        %add3A_1258 = arith.addf %scan3A_1198, %get3A_1257 : vector<16xf32>
        %add3A_1259 = arith.constant 3 : i32
        %add3A_1260 = arith.addi %add3A_1203, %add3A_1259 : i32
        %get3A_1261 = arith.constant 1 : i32
        %get3A_1262 = arith.index_cast %get3A_1261 : i32 to index
        %get3A_1263 = arith.index_cast %add3A_1260 : i32 to index
        %get3A_1264 = arith.constant 16 : index
        %get3A_1265 = tpu.vector_load %arg6[%get3A_1262, %get3A_1263, %get3A_1264] {strides = array<i32>} : memref<2x1600x32xf32, #tpu.memory_space<vmem>>, vector<16xf32>,
        %add3A_1266 = arith.addf %scan3A_1199, %get3A_1265 : vector<16xf32>
        %add3A_1267 = arith.constant 4 : i32
        %add3A_1268 = arith.addi %add3A_1203, %add3A_1267 : i32
        %get3A_1269 = arith.constant 1 : i32
        %get3A_1270 = arith.index_cast %get3A_1269 : i32 to index
        %get3A_1271 = arith.index_cast %add3A_1268 : i32 to index
        %get3A_1272 = arith.constant 0 : index
        %get3A_1273 = tpu.vector_load %arg6[%get3A_1270, %get3A_1271, %get3A_1272] {strides = array<i32>} : memref<2x1600x32xf32, #tpu.memory_space<vmem>>, vector<16xf32>,
        %add3A_1274 = arith.addf %add3A_1210, %get3A_1273 : vector<16xf32>
        %add3A_1275 = arith.constant 4 : i32
        %add3A_1276 = arith.addi %add3A_1203, %add3A_1275 : i32
        %get3A_1277 = arith.constant 1 : i32
        %get3A_1278 = arith.index_cast %get3A_1277 : i32 to index
        %get3A_1279 = arith.index_cast %add3A_1276 : i32 to index
        %get3A_1280 = arith.constant 16 : index
        %get3A_1281 = tpu.vector_load %arg6[%get3A_1278, %get3A_1279, %get3A_1280] {strides = array<i32>} : memref<2x1600x32xf32, #tpu.memory_space<vmem>>, vector<16xf32>,
        %add3A_1282 = arith.addf %add3A_1218, %get3A_1281 : vector<16xf32>
        %add3A_1283 = arith.constant 5 : i32
        %add3A_1284 = arith.addi %add3A_1203, %add3A_1283 : i32
        %get3A_1285 = arith.constant 1 : i32
        %get3A_1286 = arith.index_cast %get3A_1285 : i32 to index
        %get3A_1287 = arith.index_cast %add3A_1284 : i32 to index
        %get3A_1288 = arith.constant 0 : index
        %get3A_1289 = tpu.vector_load %arg6[%get3A_1286, %get3A_1287, %get3A_1288] {strides = array<i32>} : memref<2x1600x32xf32, #tpu.memory_space<vmem>>, vector<16xf32>,
        %add3A_1290 = arith.addf %add3A_1226, %get3A_1289 : vector<16xf32>
        %add3A_1291 = arith.constant 5 : i32
        %add3A_1292 = arith.addi %add3A_1203, %add3A_1291 : i32
        %get3A_1293 = arith.constant 1 : i32
        %get3A_1294 = arith.index_cast %get3A_1293 : i32 to index
        %get3A_1295 = arith.index_cast %add3A_1292 : i32 to index
        %get3A_1296 = arith.constant 16 : index
        %get3A_1297 = tpu.vector_load %arg6[%get3A_1294, %get3A_1295, %get3A_1296] {strides = array<i32>} : memref<2x1600x32xf32, #tpu.memory_space<vmem>>, vector<16xf32>,
        %add3A_1298 = arith.addf %add3A_1234, %get3A_1297 : vector<16xf32>
        %add3A_1299 = arith.constant 6 : i32
        %add3A_1300 = arith.addi %add3A_1203, %add3A_1299 : i32
        %get3A_1301 = arith.constant 1 : i32
        %get3A_1302 = arith.index_cast %get3A_1301 : i32 to index
        %get3A_1303 = arith.index_cast %add3A_1300 : i32 to index
        %get3A_1304 = arith.constant 0 : index
        %get3A_1305 = tpu.vector_load %arg6[%get3A_1302, %get3A_1303, %get3A_1304] {strides = array<i32>} : memref<2x1600x32xf32, #tpu.memory_space<vmem>>, vector<16xf32>,
        %add3A_1306 = arith.addf %add3A_1242, %get3A_1305 : vector<16xf32>
        %add3A_1307 = arith.constant 6 : i32
        %add3A_1308 = arith.addi %add3A_1203, %add3A_1307 : i32
        %get3A_1309 = arith.constant 1 : i32
        %get3A_1310 = arith.index_cast %get3A_1309 : i32 to index
        %get3A_1311 = arith.index_cast %add3A_1308 : i32 to index
        %get3A_1312 = arith.constant 16 : index
        %get3A_1313 = tpu.vector_load %arg6[%get3A_1310, %get3A_1311, %get3A_1312] {strides = array<i32>} : memref<2x1600x32xf32, #tpu.memory_space<vmem>>, vector<16xf32>,
        %add3A_1314 = arith.addf %add3A_1250, %get3A_1313 : vector<16xf32>
        %add3A_1315 = arith.constant 7 : i32
        %add3A_1316 = arith.addi %add3A_1203, %add3A_1315 : i32
        %get3A_1317 = arith.constant 1 : i32
        %get3A_1318 = arith.index_cast %get3A_1317 : i32 to index
        %get3A_1319 = arith.index_cast %add3A_1316 : i32 to index
        %get3A_1320 = arith.constant 0 : index
        %get3A_1321 = tpu.vector_load %arg6[%get3A_1318, %get3A_1319, %get3A_1320] {strides = array<i32>} : memref<2x1600x32xf32, #tpu.memory_space<vmem>>, vector<16xf32>,
        %add3A_1322 = arith.addf %add3A_1258, %get3A_1321 : vector<16xf32>
        %add3A_1323 = arith.constant 7 : i32
        %add3A_1324 = arith.addi %add3A_1203, %add3A_1323 : i32
        %get3A_1325 = arith.constant 1 : i32
        %get3A_1326 = arith.index_cast %get3A_1325 : i32 to index
        %get3A_1327 = arith.index_cast %add3A_1324 : i32 to index
        %get3A_1328 = arith.constant 16 : index
        %get3A_1329 = tpu.vector_load %arg6[%get3A_1326, %get3A_1327, %get3A_1328] {strides = array<i32>} : memref<2x1600x32xf32, #tpu.memory_space<vmem>>, vector<16xf32>,
        %add3A_1330 = arith.addf %add3A_1266, %get3A_1329 : vector<16xf32>
        scf.yield %add3A_1274, %add3A_1282, %add3A_1290, %add3A_1298, %add3A_1306, %add3A_1314, %add3A_1322, %add3A_1330 : vector<16xf32>, vector<16xf32>, vector<16xf32>, vector<16xf32>, vector<16xf32>, vector<16xf32>, vector<16xf32>, vector<16xf32>
      }
      %scan3A_1168 = arith.constant 25 : i32
      %add3A_1169 = arith.addf %scan3A_1167#0, %scan3A_1167#2 : vector<16xf32>
      %add3A_1170 = arith.addf %scan3A_1167#4, %scan3A_1167#6 : vector<16xf32>
      %add3A_1171 = arith.addf %add3A_1169, %add3A_1170 : vector<16xf32>
      %add3A_1172 = arith.addf %scan3A_1167#1, %scan3A_1167#3 : vector<16xf32>
      %add3A_1173 = arith.addf %scan3A_1167#5, %scan3A_1167#7 : vector<16xf32>
      %add3A_1174 = arith.addf %add3A_1172, %add3A_1173 : vector<16xf32>
      %mul3A_1175 = arith.mulf %add3A_1171, %broadcast_in_dim3A_950 : vector<16xf32>
      %mul3A_1176 = arith.constant 8 : i32
      %mul3A_1177 = arith.muli %add3A_726, %mul3A_1176 : i32
      %add3A_1178 = arith.constant 7 : i32
      %add3A_1179 = arith.addi %mul3A_1177, %add3A_1178 : i32
      %swap3A_1180 = arith.index_cast %add3A_1179 : i32 to index
      %swap3A_1181 = arith.constant 0 : index
      %swap3A_1182 = tpu.vector_load %arg7[%swap3A_1180, %swap3A_1181] {strides = array<i32>} : memref<512x32xf32, #tpu.memory_space<vmem>>, vector<16xf32>,
      tpu.vector_store %arg7[%swap3A_1180, %swap3A_1181], %mul3A_1175 {strides = array<i32>} : memref<512x32xf32, #tpu.memory_space<vmem>>, vector<16xf32>,
      %mul3A_1183 = arith.mulf %add3A_1174, %broadcast_in_dim3A_950 : vector<16xf32>
      %mul3A_1184 = arith.constant 8 : i32
      %mul3A_1185 = arith.muli %add3A_726, %mul3A_1184 : i32
      %add3A_1186 = arith.constant 7 : i32
      %add3A_1187 = arith.addi %mul3A_1185, %add3A_1186 : i32
      %swap3A_1188 = arith.index_cast %add3A_1187 : i32 to index
      %swap3A_1189 = arith.constant 16 : index
      %swap3A_1190 = tpu.vector_load %arg7[%swap3A_1188, %swap3A_1189] {strides = array<i32>} : memref<512x32xf32, #tpu.memory_space<vmem>>, vector<16xf32>,
      tpu.vector_store %arg7[%swap3A_1188, %swap3A_1189], %mul3A_1183 {strides = array<i32>} : memref<512x32xf32, #tpu.memory_space<vmem>>, vector<16xf32>,
    }
    %scan3A_256 = arith.constant 32 : i32
    %mul3A_257 = arith.constant 512 : i32
    %mul3A_258 = arith.muli %add3A, %mul3A_257 : i32
    "tpu.region"() ({
      %run_scoped3A = tpu.sem_alloc : memref<!tpu.dma_semaphore, #tpu.memory_space<semaphore_mem>>
      %dma_start3A_259 = arith.constant 0 : i32
      %dma_start3A_260 = tpu.memref_slice %arg4[%mul3A_258, %dma_start3A_259] : memref<16384x32xf32, #tpu.memory_space<hbm>> -> memref<512x32xf32, #tpu.memory_space<hbm>>
      %dma_start3A_261 = arith.constant 0 : i32
      %dma_start3A_262 = tpu.memref_slice %arg4[%mul3A_258, %dma_start3A_261] : memref<16384x32xf32, #tpu.memory_space<hbm>> -> memref<512x32xf32, #tpu.memory_space<hbm>>
      tpu.enqueue_dma source(%arg7 : memref<512x32xf32, #tpu.memory_space<vmem>>) target(%dma_start3A_262 : memref<512x32xf32, #tpu.memory_space<hbm>>) target_semaphore(%run_scoped3A : memref<!tpu.dma_semaphore, #tpu.memory_space<semaphore_mem>>)
      %dma_wait3A_263 = arith.constant 0 : i32
      %dma_wait3A_264 = tpu.memref_slice %arg4[%mul3A_258, %dma_wait3A_263] : memref<16384x32xf32, #tpu.memory_space<hbm>> -> memref<512x32xf32, #tpu.memory_space<hbm>>
      %dma_wait3A_265 = arith.constant 0 : i32
      %dma_wait3A_266 = tpu.memref_slice %arg4[%mul3A_258, %dma_wait3A_265] : memref<16384x32xf32, #tpu.memory_space<hbm>> -> memref<512x32xf32, #tpu.memory_space<hbm>>
      tpu.wait_dma2 semaphore(%run_scoped3A : memref<!tpu.dma_semaphore, #tpu.memory_space<semaphore_mem>>) src(%arg7 : memref<512x32xf32, #tpu.memory_space<vmem>>) dst(%dma_wait3A_266 : memref<512x32xf32, #tpu.memory_space<hbm>>)
      tpu.yield
    }) : () -> ()
    return
  }
}

module attributes {stable_mosaic.version = 14 : i64} {
  func.func @body(%arg0: i32, %arg1: memref<32x8192xf32, #tpu.memory_space<vmem>>, %arg2: memref<2048x128xf32, #tpu.memory_space<vmem>>) attributes {dimension_semantics = [#tpu.dimension_semantics<arbitrary>], iteration_bounds = array<i64: 123>, scalar_prefetch = 0 : i64, scratch_operands = 0 : i64, tpu.core_type = #tpu.core_type<tc>, window_params = [{transform_indices = @transform_0, window_bounds = array<i64: 32, 8192>}, {transform_indices = @transform_1, window_bounds = array<i64: 2048, 128>}]} {
    %get3A = arith.constant 0 : index
    %get3A_0 = arith.constant 0 : index
    %get3A_1 = vector.load %arg1[%get3A, %get3A_0] : memref<32x8192xf32, #tpu.memory_space<vmem>>, vector<32x8192xf32>
    %iota3A = tpu.iota {dimensions = array<i32: 0>} : vector<32x32xi32>
    %iota3A_2 = tpu.iota {dimensions = array<i32: 1>} : vector<32x32xi32>
    %add3A = arith.constant 0 : i32
    %add3A_3 = vector.broadcast %add3A : i32 to vector<32x32xi32>
    %add3A_4 = arith.addi %iota3A, %add3A_3 : vector<32x32xi32>
    %eq3A = arith.cmpi eq, %add3A_4, %iota3A_2 : vector<32x32xi32>
    %convert_element_type3A = arith.extui %eq3A : vector<32x32xi1> to vector<32x32xi32>
    %convert_element_type3A_5 = arith.sitofp %convert_element_type3A : vector<32x32xi32> to vector<32x32xf32>
    %dot_general3A = arith.constant dense<0.000000e+00> : vector<8192x32xf32>
    %dot_general3A_6 = tpu.matmul %get3A_1, %convert_element_type3A_5, %dot_general3A {dimension_numbers = #tpu.dot_dimension_numbers<[0], [0], [1], [1], [0, 1, 1, 1], [], []>, transpose_lhs_hint = false} : vector<32x8192xf32>, vector<32x32xf32>, vector<8192x32xf32> -> vector<8192x32xf32>
    %slice3A = vector.extract_strided_slice %dot_general3A_6 {offsets = [0, 0], sizes = [2048, 32], strides = [1, 1]} : vector<8192x32xf32> to vector<2048x32xf32>
    %slice3A_7 = vector.extract_strided_slice %dot_general3A_6 {offsets = [2048, 0], sizes = [2048, 32], strides = [1, 1]} : vector<8192x32xf32> to vector<2048x32xf32>
    %slice3A_8 = vector.extract_strided_slice %dot_general3A_6 {offsets = [4096, 0], sizes = [2048, 32], strides = [1, 1]} : vector<8192x32xf32> to vector<2048x32xf32>
    %slice3A_9 = vector.extract_strided_slice %dot_general3A_6 {offsets = [6144, 0], sizes = [2048, 32], strides = [1, 1]} : vector<8192x32xf32> to vector<2048x32xf32>
    %concatenate3A = tpu.concatenate %slice3A, %slice3A_7, %slice3A_8, %slice3A_9 in 1 : vector<2048x32xf32>, vector<2048x32xf32>, vector<2048x32xf32>, vector<2048x32xf32> -> vector<2048x128xf32>
    %swap3A = arith.constant 0 : index
    %swap3A_10 = arith.constant 0 : index
    %swap3A_11 = vector.load %arg2[%swap3A, %swap3A_10] : memref<2048x128xf32, #tpu.memory_space<vmem>>, vector<2048x128xf32>
    tpu.vector_store %arg2[%swap3A, %swap3A_10], %concatenate3A {strides = array<i32>} : memref<2048x128xf32, #tpu.memory_space<vmem>>, vector<2048x128xf32>,
    return
  }
  func.func @transform_0(%arg0: i32) -> (i32, i32) {
    %c0_i32 = arith.constant 0 : i32
    %c0_i32_0 = arith.constant 0 : i32
    return %c0_i32, %arg0 : i32, i32
  }
  func.func @transform_1(%arg0: i32) -> (i32, i32) {
    %c0_i32 = arith.constant 0 : i32
    %c0_i32_0 = arith.constant 0 : i32
    return %arg0, %c0_i32 : i32, i32
  }
}

module attributes {stable_mosaic.version = 14 : i64} {
  func.func @body(%arg0: i32, %arg1: memref<2048x32xf32, #tpu.memory_space<vmem>>, %arg2: memref<32x64xf32, #tpu.memory_space<vmem>>, %arg3: memref<1x64xf32, #tpu.memory_space<vmem>>, %arg4: memref<64x8xf32, #tpu.memory_space<vmem>>, %arg5: memref<1x8xf32, #tpu.memory_space<vmem>>, %arg6: memref<2048x8xf32, #tpu.memory_space<vmem>>) attributes {dimension_semantics = [#tpu.dimension_semantics<arbitrary>], iteration_bounds = array<i64: 8>, scalar_prefetch = 0 : i64, scratch_operands = 0 : i64, tpu.core_type = #tpu.core_type<tc>, window_params = [{transform_indices = @transform_0, window_bounds = array<i64: 2048, 32>}, {pipeline_mode = #tpu.pipeline_mode<synchronous>, transform_indices = @transform_1, window_bounds = array<i64: 32, 64>}, {pipeline_mode = #tpu.pipeline_mode<synchronous>, transform_indices = @transform_2, window_bounds = array<i64: 1, 64>}, {pipeline_mode = #tpu.pipeline_mode<synchronous>, transform_indices = @transform_3, window_bounds = array<i64: 64, 8>}, {pipeline_mode = #tpu.pipeline_mode<synchronous>, transform_indices = @transform_4, window_bounds = array<i64: 1, 8>}, {transform_indices = @transform_5, window_bounds = array<i64: 2048, 8>}]} {
    %get3A = arith.constant 0 : index
    %get3A_0 = arith.constant 0 : index
    %get3A_1 = vector.load %arg1[%get3A, %get3A_0] : memref<2048x32xf32, #tpu.memory_space<vmem>>, vector<2048x32xf32>
    %get3A_2 = arith.constant 0 : index
    %get3A_3 = arith.constant 0 : index
    %get3A_4 = vector.load %arg2[%get3A_2, %get3A_3] : memref<32x64xf32, #tpu.memory_space<vmem>>, vector<32x64xf32>
    %dot_general3A = arith.constant dense<0.000000e+00> : vector<2048x64xf32>
    %dot_general3A_5 = tpu.matmul %get3A_1, %get3A_4, %dot_general3A {dimension_numbers = #tpu.dot_dimension_numbers<[1], [0], [0], [1], [0, 0, 1, 1], [], []>, transpose_lhs_hint = false} : vector<2048x32xf32>, vector<32x64xf32>, vector<2048x64xf32> -> vector<2048x64xf32>
    %get3A_6 = arith.constant 0 : index
    %get3A_7 = arith.constant 0 : index
    %get3A_8 = vector.load %arg3[%get3A_6, %get3A_7] : memref<1x64xf32, #tpu.memory_space<vmem>>, vector<1x64xf32>
    %add3A = vector.broadcast %get3A_8 : vector<1x64xf32> to vector<2048x64xf32>
    %add3A_9 = arith.addf %dot_general3A_5, %add3A : vector<2048x64xf32>
    %max3A = arith.constant 0.000000e+00 : f32
    %max3A_10 = vector.broadcast %max3A : f32 to vector<2048x64xf32>
    %max3A_11 = arith.maximumf %add3A_9, %max3A_10 : vector<2048x64xf32>
    %get3A_12 = arith.constant 0 : index
    %get3A_13 = arith.constant 0 : index
    %get3A_14 = vector.load %arg4[%get3A_12, %get3A_13] : memref<64x8xf32, #tpu.memory_space<vmem>>, vector<64x8xf32>
    %dot_general3A_15 = arith.constant dense<0.000000e+00> : vector<2048x8xf32>
    %dot_general3A_16 = tpu.matmul %max3A_11, %get3A_14, %dot_general3A_15 {dimension_numbers = #tpu.dot_dimension_numbers<[1], [0], [0], [1], [0, 0, 1, 1], [], []>, transpose_lhs_hint = false} : vector<2048x64xf32>, vector<64x8xf32>, vector<2048x8xf32> -> vector<2048x8xf32>
    %get3A_17 = arith.constant 0 : index
    %get3A_18 = arith.constant 0 : index
    %get3A_19 = vector.load %arg5[%get3A_17, %get3A_18] : memref<1x8xf32, #tpu.memory_space<vmem>>, vector<1x8xf32>
    %add3A_20 = vector.broadcast %get3A_19 : vector<1x8xf32> to vector<2048x8xf32>
    %add3A_21 = arith.addf %dot_general3A_16, %add3A_20 : vector<2048x8xf32>
    %swap3A = arith.constant 0 : index
    %swap3A_22 = arith.constant 0 : index
    %swap3A_23 = vector.load %arg6[%swap3A, %swap3A_22] : memref<2048x8xf32, #tpu.memory_space<vmem>>, vector<2048x8xf32>
    tpu.vector_store %arg6[%swap3A, %swap3A_22], %add3A_21 {strides = array<i32>} : memref<2048x8xf32, #tpu.memory_space<vmem>>, vector<2048x8xf32>,
    return
  }
  func.func @transform_0(%arg0: i32) -> (i32, i32) {
    %c0_i32 = arith.constant 0 : i32
    %c0_i32_0 = arith.constant 0 : i32
    return %arg0, %c0_i32 : i32, i32
  }
  func.func @transform_1(%arg0: i32) -> (i32, i32) {
    %c0_i32 = arith.constant 0 : i32
    %c0_i32_0 = arith.constant 0 : i32
    %c0_i32_1 = arith.constant 0 : i32
    return %c0_i32, %c0_i32_0 : i32, i32
  }
  func.func @transform_2(%arg0: i32) -> (i32, i32) {
    %c0_i32 = arith.constant 0 : i32
    %c0_i32_0 = arith.constant 0 : i32
    %c0_i32_1 = arith.constant 0 : i32
    return %c0_i32, %c0_i32_0 : i32, i32
  }
  func.func @transform_3(%arg0: i32) -> (i32, i32) {
    %c0_i32 = arith.constant 0 : i32
    %c0_i32_0 = arith.constant 0 : i32
    %c0_i32_1 = arith.constant 0 : i32
    return %c0_i32, %c0_i32_0 : i32, i32
  }
  func.func @transform_4(%arg0: i32) -> (i32, i32) {
    %c0_i32 = arith.constant 0 : i32
    %c0_i32_0 = arith.constant 0 : i32
    %c0_i32_1 = arith.constant 0 : i32
    return %c0_i32, %c0_i32_0 : i32, i32
  }
  func.func @transform_5(%arg0: i32) -> (i32, i32) {
    %c0_i32 = arith.constant 0 : i32
    %c0_i32_0 = arith.constant 0 : i32
    return %arg0, %c0_i32 : i32, i32
  }
}

</mosaic_0001>

<sc_bundles>
// kernel: kernel.5.cloned.1.call-start
scs
__scs_entry_jumppad:
0x0: {  	(pc) =	sbr.rel $0x88, $3  }
0x1: {  	(tag) =	ssettag $0x0;
	lr =	simm.s32 $0x1  }
0x2: {  	[smem:$0x3F99] =	sst lr;
	_ =	strace $0xD0000000  }
0x3: {  	_ = 	snop  }
0x4: {  	_ = 	snop  }
0x5: {  	_ = 	snop  }
0x6: {  	_ = 	snop  }
0x7: {  	_ = 	snop  }
__scs_overlays_trampoline_lowered:
0x8: {  	[smem:$0x3FA8] =	sst s0  }
0x9: {  	[smem:$0x3FA9] =	sst s1  }
0xa: {  	[smem:$0x3FAA] =	sst s2  }
0xb: {  	[smem:$0x3FAB] =	sst s3  }
0xc: {  	[smem:$0x3FAC] =	sst s4  }
0xd: {  	[smem:$0x3FAD] =	sst s5  }
0xe: {  	[smem:$0x3FAE] =	sst s6  }
0xf: {  	[smem:$0x3FAF] =	sst s7  }
0x10: {  	[smem:$0x3FB0] =	sst s8  }
0x11: {  	[smem:$0x3FB1] =	sst s9;
	s0 =	simm.s32 @!p0 $0x0  }
0x12: {  	s1 =	sld [smem:$0x3F97];
	s0 =	simm.s32 @p0 $0x1  }
0x13: {  	[smem:$0x3FB2] =	sst s0;
	s0 =	simm.s32 @!p1 $0x0  }
0x14: {  	s2 =	sld [smem:$0x3F96];
	s0 =	simm.s32 @p1 $0x1  }
0x15: {  	[smem:$0x3FB3] =	sst s0;
	s0 =	simm.s32 @!p2 $0x0  }
0x16: {  	s3 =	sld [smem:$0x3FDB];
	s0 =	simm.s32 @p2 $0x1  }
0x17: {  	s4 =	simm.s32 $0x1BF5;
	[smem:$0x3FB5] =	sst s0  }
0x18: {  	s0 =	sld [smem:$0x3F98];
	_ =	swait.ge [sflag:s4], $0x0  }
0x19: {  	s7 =	sld [smem:$0x3F99]  }
0x1a: {  	s8 =	sadd.s32 $0xFFFFE003, lr  }
0x1b: {  	s9 =	sadd.s32 $0xFFFFFEF7, lr;
	s5 =	simm.s32 $0xFFFFFFFF;
	p2 =	slt.u32 s8, $0xFFFFF086  }
0x1c: {  	p1 =	slt.u32 s9, $0xF7A;
	s5 =	simm.s32 @!p2 $0x0  }
0x1d: {  	s5 =	simm.s32 @p1 $0x1;
	p0 =	seq.s32 s7, s2  }
0x1e: {  	s7 =	smul.u32 @!p0 $0xF7A, s2;
	p2 =	seq.s32 @!p0 s5, $0x0  }
0x1f: {  	s9 =	smul.u32 $0xF7A, s1;
	s8 =	simm.s32 @!p0 $0x1BF5;
	p2 =	por !p2, p0  }
0x20: {  	[sflag:s8] =	ssyncset.s32 @!p0 $0xFFFFF086;
	s6 =	sadd.s32 @!p0 s3, s7;
	s7 =	simm.s32 @!p0 $0x108  }
0x21: {  	s3 =	sadd.s32 s3, s9;
	s6 =	sadd.s32 @!p0 $0x88, s6;
	s7 =	simm.s32 @p2 $0x1082  }
0x22: {  	[simem:s7], [sflag:s8] =	dma.local @!p0 [hbm:s6], $0xF7A  }
0x23: {  	s9 =	sor.u32 $0xD0000000, s2;
	s6 =	simm.s32 $0x108;
	_ =	swait.ge @!p0 [sflag:s8], $0x0  }
0x24: {  	s3 =	sadd.s32 $0x88, s3;
	s6 =	simm.s32 @!p1 $0x1082;
	[sflag:s4] =	ssyncset.s32 $0xFFFFF086  }
0x25: {  	[simem:s6], [sflag:s4] =	dma.local [hbm:s3], $0xF7A  }
0x26: {  	[smem:$0x3F99] =	sst s1;
	(tag) =	ssettag s2;
	_ =	strace s9  }
0x27: {  	s1 =	sld [smem:$0x3FA9]  }
0x28: {  	s2 =	sld [smem:$0x3FAA]  }
0x29: {  	s4 =	sld [smem:$0x3FAC]  }
0x2a: {  	p0 =	seq.s32 s5, $0x0;
	s5 =	sld [smem:$0x3FAD]  }
0x2b: {  	s6 =	sld [smem:$0x3FAE]  }
0x2c: {  	s7 =	sld [smem:$0x3FAF]  }
0x2d: {  	s3 =	simm.s32 $0x108;
	s8 =	sld [smem:$0x3FB0]  }
0x2e: {  	s3 =	simm.s32 @!p0 $0x1082;
	s9 =	sld [smem:$0x3FB1]  }
0x2f: {  	lr =	sadd.s32 s0, s3;
	s0 =	sld [smem:$0x3FA8]  }
0x30: {  	s3 =	sld [smem:$0x3FAB]  }
0x31: {  	[smem:$0x3FB4] =	sst s10  }
0x32: {  	s10 =	sld [smem:$0x3FB2];
	_ =	sdelay $0x3  }
0x33: {  	p0 =	seq.s32 s10, $0x1;
	s10 =	sld [smem:$0x3FB4];
	_ =	sdelay $0x3  }
0x34: {  	[smem:$0x3FB4] =	sst s10  }
0x35: {  	s10 =	sld [smem:$0x3FB3];
	_ =	sdelay $0x3  }
0x36: {  	p1 =	seq.s32 s10, $0x1;
	s10 =	sld [smem:$0x3FB4];
	_ =	sdelay $0x3  }
0x37: {  	[smem:$0x3FB4] =	sst s10  }
0x38: {  	s10 =	sld [smem:$0x3FB5]  }
0x39: {  	_ = 	snop;
	(pc) =	sbr.ind lr, $3  }
0x3a: {  	_ = 	snop  }
0x3b: {  	_ = 	snop  }
0x3c: {  	p2 =	seq.s32 s10, $0x1;
	s10 =	sld [smem:$0x3FB4]  }
0x3d: {  	_ =	shalt  }
0x3e: {  	_ =	shalt  }
0x3f: {  	_ =	shalt  }
0x40: {  	_ =	shalt  }
0x41: {  	_ =	shalt  }
0x42: {  	_ =	shalt  }
0x43: {  	_ =	shalt  }
0x44: {  	_ =	shalt  }
0x45: {  	_ =	shalt  }
0x46: {  	_ =	shalt  }
0x47: {  	_ =	shalt  }
0x48: {  	_ =	shalt  }
0x49: {  	_ =	shalt  }
0x4a: {  	_ =	shalt  }
0x4b: {  	_ =	shalt  }
0x4c: {  	_ =	shalt  }
0x4d: {  	_ =	shalt  }
0x4e: {  	_ =	shalt  }
0x4f: {  	_ =	shalt  }
0x50: {  	_ =	shalt  }
0x51: {  	_ =	shalt  }
0x52: {  	_ =	shalt  }
0x53: {  	_ =	shalt  }
0x54: {  	_ =	shalt  }
0x55: {  	_ =	shalt  }
0x56: {  	_ =	shalt  }
0x57: {  	_ =	shalt  }
0x58: {  	_ =	shalt  }
0x59: {  	_ =	shalt  }
0x5a: {  	_ =	shalt  }
0x5b: {  	_ =	shalt  }
0x5c: {  	_ =	shalt  }
0x5d: {  	_ =	shalt  }
0x5e: {  	_ =	shalt  }
0x5f: {  	_ =	shalt  }
0x60: {  	_ =	shalt  }
0x61: {  	_ =	shalt  }
0x62: {  	_ =	shalt  }
0x63: {  	_ =	shalt  }
0x64: {  	_ =	shalt  }
0x65: {  	_ =	shalt  }
0x66: {  	_ =	shalt  }
0x67: {  	_ =	shalt  }
0x68: {  	_ =	shalt  }
0x69: {  	_ =	shalt  }
0x6a: {  	_ =	shalt  }
0x6b: {  	_ =	shalt  }
0x6c: {  	_ =	shalt  }
0x6d: {  	_ =	shalt  }
0x6e: {  	_ =	shalt  }
0x6f: {  	_ =	shalt  }
0x70: {  	_ =	shalt  }
0x71: {  	_ =	shalt  }
0x72: {  	_ =	shalt  }
0x73: {  	_ =	shalt  }
0x74: {  	_ =	shalt  }
0x75: {  	_ =	shalt  }
0x76: {  	_ =	shalt  }
0x77: {  	_ =	shalt  }
0x78: {  	_ =	shalt  }
0x79: {  	_ =	shalt  }
0x7a: {  	_ =	shalt  }
0x7b: {  	_ =	shalt  }
0x7c: {  	_ =	shalt  }
0x7d: {  	_ =	shalt  }
0x7e: {  	_ =	shalt  }
0x7f: {  	_ =	shalt  }
0x80: {  	_ =	shalt  }
0x81: {  	_ =	shalt  }
0x82: {  	_ =	shalt  }
0x83: {  	_ =	shalt  }
0x84: {  	_ =	shalt  }
0x85: {  	_ =	shalt  }
0x86: {  	_ =	shalt  }
0x87: {  	_ =	shalt  }
.Lfunc_end0:
.L_simem_size_0:
called_computation_lowered:
.L_overlay_start_0:
0x88: {  	s2 =	sld [smem:$0x3FD9]  }
0x89: {  	s3 =	sld [smem:$0x3FFE];
	_ =	sdelay $0x1  }
0x8a: {  	s1 =	srdreg.scid  }
0x8b: {  	s0 =	sand.u32 $0x1, s1  }
0x8c: {  	s16 =	sshll.u32 s0, $0xA;
	s2 =	sadd.s32 s3, s2  }
0x8d: {  	s2 =	sadd.s32 s2, s16  }
0x8e: {  	[smem:$0x3FC0] =	sst s2  }
0x8f: {  	_ = 	snop  }
0x90: {  	(tm) =	ssettm $0x1  }
0x91: {  	s17 =	sld [smem:$0x3FFB];
	_ =	sdelay $0x3  }
0x92: {  	_ =	strace s17  }
0x93: {  	s2 =	sld [smem:$0x3FFC];
	_ =	sdelay $0x3  }
0x94: {  	_ =	strace s2  }
0x95: {  	s2 =	sld [smem:$0x3FFD];
	_ =	sdelay $0x3  }
0x96: {  	_ =	strace s2  }
0x97: {  	_ =	strace $0x8FFFFFFF  }
0x98: {  	s18 =	sld [smem:$0x3FDB];
	_ =	sdelay $0x1  }
0x99: {  	s19 =	simm.s32 $_scs_section_size  }
0x9a: {  	s4 =	simm.s32 $_size__tile_overlayer_lowered;
	s5 =	simm.s32 $_tile_overlayer_lowered  }
0x9b: {  	s22 =	simm.s32 $0x1BFF;
	s21 =	sshll.u32 s5, $0x1;
	s2 =	sadd.s32 s19, s18  }
0x9c: {  	s6 =	simm.s32 $0x0;
	s20 =	sshll.u32 s4, $0x1;
	s4 =	sadd.s32 s21, s2  }
0x9d: {  	[timem:s6], [sflag:s22] =	dma.local [hbm:s4], s20  }
0x9e: {  	_ =	swait.ge [sflag:s22], s20  }
0x9f: {  	s3 =	ssub.s32 $0x0, s20;
	[sflag:s22] =	ssyncset.done $0x0  }
0xa0: {  	[sflag:s22] =	ssyncadd.s32 s3;
	_ =	sdelay $0x1  }
0xa1: {  	s23 =	simm.s32 $0x1B8B  }
0xa2: {  	_ =	swait.ge [sflag:s23], $0x1  }
0xa3: {  	[sflag:s23] =	ssyncset.done $0x0  }
0xa4: {  	s25 =	simm.s32 $0x1B8E;
	s24 =	sld [smem:$0x3FFE];
	[sflag:s23] =	ssyncadd.s32 $0xFFFFFFFF  }
0xa5: {  	s26 =	simm.s32 $execute0_lowered;
	[smem:$0x3FD2] =	sst s25  }
0xa6: {  	s4 =	sshll.u32 s26, $0x1;
	_ =	strace $0x80000046;
	[dreg:$0x1] =	wrdreg $0xFFFFFFFF  }
0xa7: {  	s28 =	simm.s32 $_size_execute0_lowered;
	s2 =	sadd.s32 s2, s4;
	[dreg:$0x0] =	wrdreg $0x0  }
0xa8: {  	s4 =	sshll.u32 s28, $0x1;
	[dreg:$0x2] =	wrdreg s2  }
0xa9: {  	[dreg:$0x3] =	wrdreg s4  }
0xaa: {  	[dreg:$0x4] =	wrdreg $0xC0  }
0xab: {  	_ =	task [dreg:s6], $0x5FFFF  }
0xac: {  	[dreg:$0x1] =	wrdreg $0xFFFFFFFF  }
0xad: {  	[dreg:$0x0] =	wrdreg $0x60  }
0xae: {  	[dreg:$0x2] =	wrdreg s24  }
0xaf: {  	[dreg:$0x3] =	wrdreg $0x9  }
0xb0: {  	_ =	task.clear_ibuf [dreg:s6], $0x4FFFF;
	_ =	strace $0x90000046  }
0xb1: {  	s29 =	simm.s32 $0x9;
	_ =	strace $0x80000048  }
0xb2: {  	_ =	swait.ge [sflag:s29], $0x1  }
0xb3: {  	[sflag:s29] =	ssyncadd.s32 $0xFFFFFFFF  }
0xb4: {  	_ =	strace $0x90000048  }
0xb5: {  	_ =	sfence  }
0xb6: {  	s30 =	sld [smem:$0x0];
	_ =	sdelay $0x2  }
0xb7: {  	s31 =	sshll.u32 s1, $0xD;
	s1 =	sshrl.u32 s1, $0x2  }
0xb8: {  	s3 =	sand.u32 $0x4000, s31;
	s1 =	sadd.s32 s1, s30  }
0xb9: {  	s0 =	sor.u32 s3, s0;
	s1 =	sshll.u32 s1, $0x11  }
0xba: {  	s0 =	sor.u32 s1, s0  }
0xbb: {  	s0 =	sadd.s32 $0x8F2B, s0  }
0xbc: {  	[sflag:s0] =	ssyncadd.remote.s32 $0x1  }
0xbd: {  	_ =	sfence.sel $0xFFFF  }
0xbe: {  	[dreg:$0x0] =	wrdreg $0xFFFFFFFF;
	(pc) =	sbr.abs _section_cstart, $3  }
0xbf: {  	[dreg:$0x1] =	wrdreg $0xFFFFFFFF  }
0xc0: {  	_ =	task.clear_ibuf [dreg:s6], $0x2FFFF;
	_ =	strace $0x9FFFFFFF  }
0xc1: {  	(tm) =	ssettm $0x7FFFFFFF  }
tec
execute0_lowered:
.L_overlay_start_1:
0x0: {  	(tag) =	ssettag $0x1  }
0x1: {  	s0 =	rddreg [dreg:$0x0]  }
0x2: {  	s1 =	srdreg.scid;
	s2 =	stileid.u32;
	s15 =	simm.s32 $0x0  }
0x3: {  	s12 =	simm.s32 $0x64;
	s24 =	simm.s32 $0x680;
	s22 =	simm.s32 $0x13900  }
0x4: {  	s23 =	simm.s32 $0xA28;
	s9 =	simm.s32 $0xA90;
	s10 =	simm.s32 $0x15200  }
0x5: {  	s11 =	simm.s32 $0x15E80;
	s28 =	simm.s32 $0xBC8;
	s29 =	simm.s32 $0x17780  }
0x6: {  	s30 =	simm.s32 $0xC30;
	s31 =	simm.s32 $0x18400;
	s13 =	simm.s32 $0x3  }
0x7: {  	s14 =	simm.s32 $0x4;
	s18 =	simm.s32 $0x0;
	s1 =	sand.u32 $0x1, s1  }
0x8: {  	s2 =	sshll.u32 s2, $0x1;
	[smem:$0x7FF] =	sst s15;
	s3 =	sadd.s32 $0x1000, s0  }
0x9: {  	s4 =	sadd.s32 $0x69000, s0;
	s2 =	sor.u32 s1, s2;
	_ =	strace $0x80000047  }
0xa: {  	s1 =	ssub.s32 $0x2, s1;
	s5 =	smul.u32 $0x3400, s2;
	s6 =	sshll.u32 s2, $0xB  }
0xb: {  	s25 =	sshrl.u32 s1, $0x1;
	s2 =	sshll.u32 s2, $0xA;
	s0 =	sadd.s32 s6, s0  }
0xc: {  	s1 =	ssub.s32 s1, s25;
	s7 =	sor.u32 $0x20, s2;
	s8 =	sor.u32 $0x30, s2  }
0xd: {  	s25 =	simm.s32 $0x2;
	s6 =	simm.s32 $0x14580;
	s5 =	sadd.s32 s3, s5  }
0xe: {  	s2 =	simm.s32 $0xB60;
	s0 =	sadd.s32 $0x441000, s0;
	[dreg:$0x2] =	wrdreg s5  }
0xf: {  	s26 =	smax.u32 s1, $0x1;
	s1 =	simm.s32 $0x19080;
	[dreg:$0x4] =	wrdreg s0  }
0x10: {  	s5 =	sadd.s32 $0xD0, s5;
	[dreg:$0x5] =	wrdreg s26;
	s26 =	simm.s32 $0x16B00  }
0x11: {  	s0 =	simm.s32 $0xC98;
	[dreg:$0x3] =	wrdreg s5;
	s5 =	simm.s32 $0xAF8  }
.LBB2_1:
0x12: {  	[dreg:$0x6] =	wrdreg s18  }
0x13: {  	s16 =	rddreg [dreg:$0x2];
	s19 =	simm.s32 $0x1  }
0x14: {  	[tilespmem:s15], [sflag:$0x1] =	stream.linear.gather [hbm4b:s16+s15], $0x680, $0x38;
	[tilespmem:$0x1DD00] =	vst v63  }
0x15: {  	_ =	swait.ge [sflag:s19], $0x680  }
0x16: {  	[sflag:s19] =	ssyncset.done $0x0  }
0x17: {  	s20 =	simm.s32 $0xD00;
	[sflag:s19] =	ssyncadd.s32 $0xFFFFF980  }
0x18: {  	[tilespmem:s20], [sflag:$0x3] =	stream.indirect.gather [hbm4b:s4+s12], $0x20, s15, s12, $0xb8;
	[tilespmem:$0x1DD00] =	vst v63  }
0x19: {  	s21 =	simm.s32 $0x68;
	s17 =	simm.s32 $0x1980  }
0x1a: {  	[tilespmem:s17], [sflag:$0x3] =	stream.indirect.gather [hbm4b:s4+s12], $0x20, s21, s12, $0xb8;
	[tilespmem:$0x1DD00] =	vst v63  }
0x1b: {  	s18 =	simm.s32 $0xD0;
	s19 =	simm.s32 $0x2600  }
0x1c: {  	[tilespmem:s19], [sflag:$0x3] =	stream.indirect.gather [hbm4b:s4+s12], $0x20, s18, s12, $0xb8;
	[tilespmem:$0x1DD00] =	vst v63  }
0x1d: {  	s20 =	simm.s32 $0x138;
	s21 =	simm.s32 $0x3280  }
0x1e: {  	[tilespmem:s21], [sflag:$0x3] =	stream.indirect.gather [hbm4b:s4+s12], $0x20, s20, s12, $0xb8;
	[tilespmem:$0x1DD00] =	vst v63  }
0x1f: {  	s18 =	simm.s32 $0x1A0;
	s19 =	simm.s32 $0x3F00  }
0x20: {  	[tilespmem:s19], [sflag:$0x3] =	stream.indirect.gather [hbm4b:s4+s12], $0x20, s18, s12, $0xb8;
	[tilespmem:$0x1DD00] =	vst v63  }
0x21: {  	s20 =	simm.s32 $0x208;
	s21 =	simm.s32 $0x4B80  }
0x22: {  	[tilespmem:s21], [sflag:$0x3] =	stream.indirect.gather [hbm4b:s4+s12], $0x20, s20, s12, $0xb8;
	[tilespmem:$0x1DD00] =	vst v63  }
0x23: {  	s18 =	simm.s32 $0x270;
	s19 =	simm.s32 $0x5800  }
0x24: {  	[tilespmem:s19], [sflag:$0x3] =	stream.indirect.gather [hbm4b:s4+s12], $0x20, s18, s12, $0xb8;
	[tilespmem:$0x1DD00] =	vst v63  }
0x25: {  	s20 =	simm.s32 $0x2D8;
	s21 =	simm.s32 $0x6480  }
0x26: {  	[tilespmem:s21], [sflag:$0x3] =	stream.indirect.gather [hbm4b:s4+s12], $0x20, s20, s12, $0xb8;
	[tilespmem:$0x1DD00] =	vst v63  }
0x27: {  	s18 =	simm.s32 $0x340;
	s19 =	simm.s32 $0x7100  }
0x28: {  	[tilespmem:s19], [sflag:$0x3] =	stream.indirect.gather [hbm4b:s4+s12], $0x20, s18, s12, $0xb8;
	[tilespmem:$0x1DD00] =	vst v63  }
0x29: {  	s20 =	simm.s32 $0x3A8;
	s21 =	simm.s32 $0x7D80  }
0x2a: {  	[tilespmem:s21], [sflag:$0x3] =	stream.indirect.gather [hbm4b:s4+s12], $0x20, s20, s12, $0xb8;
	[tilespmem:$0x1DD00] =	vst v63  }
0x2b: {  	s18 =	simm.s32 $0x410;
	s19 =	simm.s32 $0x8A00  }
0x2c: {  	[tilespmem:s19], [sflag:$0x3] =	stream.indirect.gather [hbm4b:s4+s12], $0x20, s18, s12, $0xb8;
	[tilespmem:$0x1DD00] =	vst v63  }
0x2d: {  	s20 =	simm.s32 $0x478;
	s21 =	simm.s32 $0x9680  }
0x2e: {  	[tilespmem:s21], [sflag:$0x3] =	stream.indirect.gather [hbm4b:s4+s12], $0x20, s20, s12, $0xb8;
	[tilespmem:$0x1DD00] =	vst v63  }
0x2f: {  	s18 =	simm.s32 $0x4E0;
	s19 =	simm.s32 $0xA300  }
0x30: {  	[tilespmem:s19], [sflag:$0x3] =	stream.indirect.gather [hbm4b:s4+s12], $0x20, s18, s12, $0xb8;
	[tilespmem:$0x1DD00] =	vst v63  }
0x31: {  	s20 =	simm.s32 $0x548;
	s21 =	simm.s32 $0xAF80  }
0x32: {  	[tilespmem:s21], [sflag:$0x3] =	stream.indirect.gather [hbm4b:s4+s12], $0x20, s20, s12, $0xb8;
	[tilespmem:$0x1DD00] =	vst v63  }
0x33: {  	s17 =	simm.s32 $0x5B0;
	s18 =	simm.s32 $0xBC00  }
0x34: {  	[tilespmem:s18], [sflag:$0x3] =	stream.indirect.gather [hbm4b:s4+s12], $0x20, s17, s12, $0xb8;
	[tilespmem:$0x1DD00] =	vst v63  }
0x35: {  	s19 =	simm.s32 $0x618;
	s20 =	simm.s32 $0xC880  }
0x36: {  	[tilespmem:s20], [sflag:$0x3] =	stream.indirect.gather [hbm4b:s4+s12], $0x20, s19, s12, $0xb8;
	[tilespmem:$0x1DD00] =	vst v63  }
0x37: {  	s21 =	rddreg [dreg:$0x3]  }
0x38: {  	[tilespmem:s24], [sflag:$0x2] =	stream.linear.gather [hbm4b:s21+s15], $0x680, $0x38;
	[tilespmem:$0x1DD00] =	vst v63  }
0x39: {  	s15 =	simm.s32 $0x0  }
.LBB2_2:
0x3a: {  	_ =	swait.ge [sflag:s25], $0x680  }
0x3b: {  	[sflag:s25] =	ssyncset.done $0x0  }
0x3c: {  	s16 =	simm.s32 $0xD500;
	[sflag:s25] =	ssyncadd.s32 $0xFFFFF980  }
0x3d: {  	[tilespmem:s16], [sflag:$0x4] =	stream.indirect.gather [hbm4b:s4+s12], $0x20, s24, s12, $0xb8;
	[tilespmem:$0x1DD00] =	vst v63  }
0x3e: {  	s21 =	simm.s32 $0x6E8;
	s17 =	simm.s32 $0xE180  }
0x3f: {  	[tilespmem:s17], [sflag:$0x4] =	stream.indirect.gather [hbm4b:s4+s12], $0x20, s21, s12, $0xb8;
	[tilespmem:$0x1DD00] =	vst v63  }
0x40: {  	s18 =	simm.s32 $0x750;
	s19 =	simm.s32 $0xEE00  }
0x41: {  	[tilespmem:s19], [sflag:$0x4] =	stream.indirect.gather [hbm4b:s4+s12], $0x20, s18, s12, $0xb8;
	[tilespmem:$0x1DD00] =	vst v63  }
0x42: {  	s20 =	simm.s32 $0x7B8;
	s21 =	simm.s32 $0xFA80  }
0x43: {  	[tilespmem:s21], [sflag:$0x4] =	stream.indirect.gather [hbm4b:s4+s12], $0x20, s20, s12, $0xb8;
	[tilespmem:$0x1DD00] =	vst v63  }
0x44: {  	s18 =	simm.s32 $0x820;
	s19 =	simm.s32 $0x10700  }
0x45: {  	[tilespmem:s19], [sflag:$0x4] =	stream.indirect.gather [hbm4b:s4+s12], $0x20, s18, s12, $0xb8;
	[tilespmem:$0x1DD00] =	vst v63  }
0x46: {  	s20 =	simm.s32 $0x888;
	s21 =	simm.s32 $0x11380  }
0x47: {  	[tilespmem:s21], [sflag:$0x4] =	stream.indirect.gather [hbm4b:s4+s12], $0x20, s20, s12, $0xb8;
	[tilespmem:$0x1DD00] =	vst v63  }
0x48: {  	s17 =	simm.s32 $0x8F0;
	s18 =	simm.s32 $0x12000  }
0x49: {  	[tilespmem:s18], [sflag:$0x4] =	stream.indirect.gather [hbm4b:s4+s12], $0x20, s17, s12, $0xb8;
	[tilespmem:$0x1DD00] =	vst v63  }
0x4a: {  	s19 =	simm.s32 $0x958;
	s20 =	simm.s32 $0x12C80  }
0x4b: {  	[tilespmem:s20], [sflag:$0x4] =	stream.indirect.gather [hbm4b:s4+s12], $0x20, s19, s12, $0xb8;
	[tilespmem:$0x1DD00] =	vst v63  }
0x4c: {  	s21 =	simm.s32 $0x9C0  }
0x4d: {  	[tilespmem:s22], [sflag:$0x4] =	stream.indirect.gather [hbm4b:s4+s12], $0x20, s21, s12, $0xb8;
	[tilespmem:$0x1DD00] =	vst v63  }
0x4e: {  	_ = 	snop  }
0x4f: {  	[tilespmem:s6], [sflag:$0x4] =	stream.indirect.gather [hbm4b:s4+s12], $0x20, s23, s12, $0xb8;
	[tilespmem:$0x1DD00] =	vst v63  }
0x50: {  	_ = 	snop  }
0x51: {  	[tilespmem:s10], [sflag:$0x4] =	stream.indirect.gather [hbm4b:s4+s12], $0x20, s9, s12, $0xb8;
	[tilespmem:$0x1DD00] =	vst v63  }
0x52: {  	_ = 	snop  }
0x53: {  	[tilespmem:s11], [sflag:$0x4] =	stream.indirect.gather [hbm4b:s4+s12], $0x20, s5, s12, $0xb8;
	[tilespmem:$0x1DD00] =	vst v63  }
0x54: {  	_ = 	snop  }
0x55: {  	[tilespmem:s26], [sflag:$0x4] =	stream.indirect.gather [hbm4b:s4+s12], $0x20, s2, s12, $0xb8;
	[tilespmem:$0x1DD00] =	vst v63  }
0x56: {  	_ = 	snop  }
0x57: {  	[tilespmem:s29], [sflag:$0x4] =	stream.indirect.gather [hbm4b:s4+s12], $0x20, s28, s12, $0xb8;
	[tilespmem:$0x1DD00] =	vst v63  }
0x58: {  	_ = 	snop  }
0x59: {  	[tilespmem:s31], [sflag:$0x4] =	stream.indirect.gather [hbm4b:s4+s12], $0x20, s30, s12, $0xb8;
	[tilespmem:$0x1DD00] =	vst v63  }
0x5a: {  	_ = 	snop  }
0x5b: {  	[tilespmem:s1], [sflag:$0x4] =	stream.indirect.gather [hbm4b:s4+s12], $0x20, s0, s12, $0xb8;
	[tilespmem:$0x1DD00] =	vst v63  }
0x5c: {  	_ =	swait.ge [sflag:s13], $0xC80  }
0x5d: {  	[sflag:s13] =	ssyncset.done $0x0  }
0x5e: {  	[sflag:s13] =	ssyncadd.s32 $0xFFFFF380  }
0x5f: {  	_ =	swait.ge [sflag:s13], $0xC80  }
0x60: {  	[sflag:s13] =	ssyncset.done $0x0  }
0x61: {  	[sflag:s13] =	ssyncadd.s32 $0xFFFFF380  }
0x62: {  	_ =	swait.ge [sflag:s13], $0xC80  }
0x63: {  	[sflag:s13] =	ssyncset.done $0x0  }
0x64: {  	[sflag:s13] =	ssyncadd.s32 $0xFFFFF380  }
0x65: {  	_ =	swait.ge [sflag:s13], $0xC80  }
0x66: {  	[sflag:s13] =	ssyncset.done $0x0  }
0x67: {  	[sflag:s13] =	ssyncadd.s32 $0xFFFFF380  }
0x68: {  	_ =	swait.ge [sflag:s13], $0xC80  }
0x69: {  	[sflag:s13] =	ssyncset.done $0x0  }
0x6a: {  	[sflag:s13] =	ssyncadd.s32 $0xFFFFF380  }
0x6b: {  	_ =	swait.ge [sflag:s13], $0xC80  }
0x6c: {  	[sflag:s13] =	ssyncset.done $0x0  }
0x6d: {  	[sflag:s13] =	ssyncadd.s32 $0xFFFFF380  }
0x6e: {  	_ =	swait.ge [sflag:s13], $0xC80  }
0x6f: {  	[sflag:s13] =	ssyncset.done $0x0  }
0x70: {  	[sflag:s13] =	ssyncadd.s32 $0xFFFFF380  }
0x71: {  	_ =	swait.ge [sflag:s13], $0xC80  }
0x72: {  	[sflag:s13] =	ssyncset.done $0x0  }
0x73: {  	[sflag:s13] =	ssyncadd.s32 $0xFFFFF380  }
0x74: {  	_ =	swait.ge [sflag:s13], $0xC80  }
0x75: {  	[sflag:s13] =	ssyncset.done $0x0  }
0x76: {  	[sflag:s13] =	ssyncadd.s32 $0xFFFFF380  }
0x77: {  	_ =	swait.ge [sflag:s13], $0xC80  }
0x78: {  	[sflag:s13] =	ssyncset.done $0x0  }
0x79: {  	[sflag:s13] =	ssyncadd.s32 $0xFFFFF380  }
0x7a: {  	_ =	swait.ge [sflag:s13], $0xC80  }
0x7b: {  	[sflag:s13] =	ssyncset.done $0x0  }
0x7c: {  	[sflag:s13] =	ssyncadd.s32 $0xFFFFF380  }
0x7d: {  	_ =	swait.ge [sflag:s13], $0xC80  }
0x7e: {  	[sflag:s13] =	ssyncset.done $0x0  }
0x7f: {  	[sflag:s13] =	ssyncadd.s32 $0xFFFFF380  }
0x80: {  	_ =	swait.ge [sflag:s13], $0xC80  }
0x81: {  	[sflag:s13] =	ssyncset.done $0x0  }
0x82: {  	[sflag:s13] =	ssyncadd.s32 $0xFFFFF380  }
0x83: {  	_ =	swait.ge [sflag:s13], $0xC80  }
0x84: {  	[sflag:s13] =	ssyncset.done $0x0  }
0x85: {  	[sflag:s13] =	ssyncadd.s32 $0xFFFFF380  }
0x86: {  	p0 =	seq.s32 s15, $0x1F;
	_ =	swait.ge [sflag:s13], $0xC80  }
0x87: {  	s17 =	sshll.u32 @!p0 s15, $0x5;
	[sflag:s13] =	ssyncset.done $0x0  }
0x88: {  	s16 =	sadd.s32 @!p0 s17, s7;
	[sflag:s13] =	ssyncadd.s32 $0xFFFFF380  }
0x89: {  	s16 =	smul.u32 @!p0 $0xD, s16;
	_ =	swait.ge [sflag:s13], $0xC80  }
0x8a: {  	[sflag:s13] =	ssyncset.done $0x0  }
0x8b: {  	s18 =	simm.s32 @!p0 $0x0;
	s16 =	sadd.s32 @!p0 s3, s16;
	[sflag:s13] =	ssyncadd.s32 $0xFFFFF380  }
0x8c: {  	[tilespmem:s18], [sflag:$0x1] =	stream.linear.gather @!p0 [hbm4b:s16+s18], $0x680, $0x38;
	[tilespmem:$0x1DD00] =	vst v63  }
0x8d: {  	s16 =	simm.s32 $0x0  }
0x8e: {  	v2 =	vld [tilespmem:s16+$0xD80]  }
0x8f: {  	v4 =	vld [tilespmem:s16+$0xD90]  }
0x90: {  	v3 =	vld [tilespmem:s16+$0xDA0]  }
0x91: {  	v5 =	vld [tilespmem:s16+$0xDB0]  }
0x92: {  	v0 =	vld [tilespmem:s16+$0xDC0]  }
0x93: {  	v1 =	vld [tilespmem:s16+$0xDD0]  }
0x94: {  	v18 =	vld [tilespmem:s16+$0xD00]  }
0x95: {  	v20 =	vld [tilespmem:s16+$0xD10]  }
0x96: {  	v17 =	vld [tilespmem:s16+$0xD20]  }
0x97: {  	v19 =	vld [tilespmem:s16+$0xD30]  }
0x98: {  	v10 =	vimm.f32 $0.0e+00;
	v11 =	vimm.f32 $0.0e+00;
	v14 =	vld [tilespmem:s16+$0xD40]  }
0x99: {  	v12 =	vimm.f32 $0.0e+00;
	v13 =	vimm.f32 $0.0e+00;
	v6 =	vimm.f32 $0.0e+00;
	v15 =	vld [tilespmem:s16+$0xD50]  }
0x9a: {  	v7 =	vimm.f32 $0.0e+00;
	v9 =	vimm.f32 $0.0e+00;
	v8 =	vimm.f32 $0.0e+00;
	s18 =	simm.s32 $0x400;
	v16 =	vld [tilespmem:s16+$0xD60]  }
.LBB2_3:
0x9b: {  	p1 =	sne.s32 s18, $0x6000;
	v10 =	vadd.f32 v18, v10;
	v11 =	vadd.f32 v20, v11;
	v18 =	vld [tilespmem:s16+$0xD70]  }
0x9c: {  	v12 =	vadd.f32 v17, v12;
	v13 =	vadd.f32 v19, v13;
	v17 =	vld [tilespmem:s16+$0xDE0]  }
0x9d: {  	v10 =	vadd.f32 v2, v10;
	v11 =	vadd.f32 v4, v11;
	v19 =	vld [tilespmem:s16+$0xDF0];
	s16 =	sshra.s32 s18, $0x2  }
0x9e: {  	v12 =	vadd.f32 v3, v12;
	v2 =	vld [tilespmem:s16+$0xD80];
	v13 =	vadd.f32 v5, v13  }
0x9f: {  	v6 =	vadd.f32 v14, v6;
	v7 =	vadd.f32 v15, v7;
	v4 =	vld [tilespmem:s16+$0xD90]  }
0xa0: {  	v9 =	vadd.f32 v16, v9;
	v3 =	vld [tilespmem:s16+$0xDA0];
	v8 =	vadd.f32 v18, v8  }
0xa1: {  	v6 =	vadd.f32 v0, v6;
	v7 =	vadd.f32 v1, v7;
	v5 =	vld [tilespmem:s16+$0xDB0]  }
0xa2: {  	v9 =	vadd.f32 v17, v9;
	v0 =	vld [tilespmem:s16+$0xDC0];
	v8 =	vadd.f32 v19, v8  }
0xa3: {  	v1 =	vld [tilespmem:s16+$0xDD0]  }
0xa4: {  	v18 =	vld [tilespmem:s16+$0xD00]  }
0xa5: {  	v20 =	vld [tilespmem:s16+$0xD10]  }
.Ltmp0:
0xa6: {  	v17 =	vld [tilespmem:s16+$0xD20];
	(pc) =	sbr.rel @p1 .LBB2_3-.Ltmp0, $4  }
0xa7: {  	v19 =	vld [tilespmem:s16+$0xD30]  }
0xa8: {  	v14 =	vld [tilespmem:s16+$0xD40]  }
0xa9: {  	v15 =	vld [tilespmem:s16+$0xD50]  }
0xaa: {  	s18 =	sadd.s32 $0x400, s18;
	v16 =	vld [tilespmem:s16+$0xD60]  }
0xab: {  	v10 =	vadd.f32 v18, v10;
	v11 =	vadd.f32 v20, v11;
	v18 =	vld [tilespmem:s16+$0xD70]  }
0xac: {  	v12 =	vadd.f32 v17, v12;
	v17 =	vld [tilespmem:s16+$0xDE0];
	v13 =	vadd.f32 v19, v13  }
0xad: {  	v2 =	vadd.f32 v2, v10;
	v4 =	vadd.f32 v4, v11;
	v10 =	vld [tilespmem:s16+$0xDF0]  }
0xae: {  	v3 =	vadd.f32 v3, v12;
	v6 =	vadd.f32 v14, v6  }
0xaf: {  	v5 =	vadd.f32 v5, v13;
	v9 =	vadd.f32 v16, v9  }
0xb0: {  	v7 =	vadd.f32 v15, v7;
	v8 =	vadd.f32 v18, v8  }
0xb1: {  	v0 =	vadd.f32 v0, v6;
	v6 =	vadd.f32 v17, v9  }
0xb2: {  	v1 =	vadd.f32 v1, v7;
	v7 =	vadd.f32 v10, v8  }
0xb3: {  	v2 =	vadd.f32 v3, v2;
	v0 =	vadd.f32 v6, v0  }
0xb4: {  	v3 =	vadd.f32 v5, v4;
	v1 =	vadd.f32 v7, v1  }
0xb5: {  	v0 =	vadd.f32 v0, v2  }
0xb6: {  	v1 =	vadd.f32 v1, v3  }
0xb7: {  	s21 =	sshll.u32 s15, $0x9;
	v0 =	vmul.f32 $4.999999890e-03, v0  }
0xb8: {  	s16 =	sand.u32 $0x3FFFFE00, s21;
	v1 =	vmul.f32 $4.999999890e-03, v1  }
0xb9: {  	[tilespmem:s16+$0x19D00] =	vst v0  }
0xba: {  	s18 =	simm.s32 $0x0;
	[tilespmem:s16+$0x19D10] =	vst v1  }
0xbb: {  	v2 =	vld [tilespmem:s18+$0x2680]  }
0xbc: {  	v4 =	vld [tilespmem:s18+$0x2690]  }
0xbd: {  	v3 =	vld [tilespmem:s18+$0x26A0]  }
0xbe: {  	v5 =	vld [tilespmem:s18+$0x26B0]  }
0xbf: {  	v0 =	vld [tilespmem:s18+$0x26C0]  }
0xc0: {  	v1 =	vld [tilespmem:s18+$0x26D0]  }
0xc1: {  	v18 =	vld [tilespmem:s18+$0x2600]  }
0xc2: {  	v20 =	vld [tilespmem:s18+$0x2610]  }
0xc3: {  	v17 =	vld [tilespmem:s18+$0x2620]  }
0xc4: {  	v19 =	vld [tilespmem:s18+$0x2630]  }
0xc5: {  	v11 =	vimm.f32 $0.0e+00;
	v12 =	vimm.f32 $0.0e+00;
	v14 =	vld [tilespmem:s18+$0x2640]  }
0xc6: {  	v13 =	vimm.f32 $0.0e+00;
	v9 =	vimm.f32 $0.0e+00;
	v10 =	vimm.f32 $0.0e+00;
	v15 =	vld [tilespmem:s18+$0x2650]  }
0xc7: {  	s19 =	simm.s32 $0x400;
	v8 =	vimm.f32 $0.0e+00;
	v6 =	vimm.f32 $0.0e+00;
	v7 =	vimm.f32 $0.0e+00;
	v16 =	vld [tilespmem:s18+$0x2660]  }
.LBB2_5:
0xc8: {  	p1 =	sne.s32 s19, $0x6000;
	v10 =	vadd.f32 v18, v10;
	v11 =	vadd.f32 v20, v11;
	v18 =	vld [tilespmem:s18+$0x2670]  }
0xc9: {  	v12 =	vadd.f32 v17, v12;
	v13 =	vadd.f32 v19, v13;
	v17 =	vld [tilespmem:s18+$0x26E0]  }
0xca: {  	v10 =	vadd.f32 v2, v10;
	v11 =	vadd.f32 v4, v11;
	v19 =	vld [tilespmem:s18+$0x26F0];
	s18 =	sshra.s32 s19, $0x2  }
0xcb: {  	v12 =	vadd.f32 v3, v12;
	v2 =	vld [tilespmem:s18+$0x2680];
	v13 =	vadd.f32 v5, v13  }
0xcc: {  	v6 =	vadd.f32 v14, v6;
	v7 =	vadd.f32 v15, v7;
	v4 =	vld [tilespmem:s18+$0x2690]  }
0xcd: {  	v9 =	vadd.f32 v16, v9;
	v3 =	vld [tilespmem:s18+$0x26A0];
	v8 =	vadd.f32 v18, v8  }
0xce: {  	v6 =	vadd.f32 v0, v6;
	v7 =	vadd.f32 v1, v7;
	v5 =	vld [tilespmem:s18+$0x26B0]  }
0xcf: {  	v9 =	vadd.f32 v17, v9;
	v0 =	vld [tilespmem:s18+$0x26C0];
	v8 =	vadd.f32 v19, v8  }
0xd0: {  	v1 =	vld [tilespmem:s18+$0x26D0]  }
0xd1: {  	v18 =	vld [tilespmem:s18+$0x2600]  }
0xd2: {  	v20 =	vld [tilespmem:s18+$0x2610]  }
.Ltmp1:
0xd3: {  	v17 =	vld [tilespmem:s18+$0x2620];
	(pc) =	sbr.rel @p1 .LBB2_5-.Ltmp1, $4  }
0xd4: {  	v19 =	vld [tilespmem:s18+$0x2630]  }
0xd5: {  	v14 =	vld [tilespmem:s18+$0x2640]  }
0xd6: {  	v15 =	vld [tilespmem:s18+$0x2650]  }
0xd7: {  	s19 =	sadd.s32 $0x400, s19;
	v16 =	vld [tilespmem:s18+$0x2660]  }
0xd8: {  	v10 =	vadd.f32 v18, v10;
	v11 =	vadd.f32 v20, v11;
	v18 =	vld [tilespmem:s18+$0x2670]  }
0xd9: {  	v12 =	vadd.f32 v17, v12;
	v17 =	vld [tilespmem:s18+$0x26E0];
	v13 =	vadd.f32 v19, v13  }
0xda: {  	v2 =	vadd.f32 v2, v10;
	v4 =	vadd.f32 v4, v11;
	v10 =	vld [tilespmem:s18+$0x26F0]  }
0xdb: {  	v3 =	vadd.f32 v3, v12;
	v6 =	vadd.f32 v14, v6  }
0xdc: {  	v5 =	vadd.f32 v5, v13;
	v9 =	vadd.f32 v16, v9  }
0xdd: {  	v7 =	vadd.f32 v15, v7;
	v8 =	vadd.f32 v18, v8  }
0xde: {  	v0 =	vadd.f32 v0, v6;
	v6 =	vadd.f32 v17, v9  }
0xdf: {  	v1 =	vadd.f32 v1, v7;
	v7 =	vadd.f32 v10, v8  }
0xe0: {  	v2 =	vadd.f32 v3, v2;
	v0 =	vadd.f32 v6, v0  }
0xe1: {  	v3 =	vadd.f32 v5, v4;
	v1 =	vadd.f32 v7, v1  }
0xe2: {  	v0 =	vadd.f32 v0, v2  }
0xe3: {  	v1 =	vadd.f32 v1, v3  }
0xe4: {  	v0 =	vmul.f32 $4.999999890e-03, v0  }
0xe5: {  	v1 =	vmul.f32 $4.999999890e-03, v1  }
0xe6: {  	[tilespmem:s16+$0x19D20] =	vst v0  }
0xe7: {  	s18 =	simm.s32 $0x0;
	[tilespmem:s16+$0x19D30] =	vst v1  }
0xe8: {  	v2 =	vld [tilespmem:s18+$0x3F80]  }
0xe9: {  	v4 =	vld [tilespmem:s18+$0x3F90]  }
0xea: {  	v3 =	vld [tilespmem:s18+$0x3FA0]  }
0xeb: {  	v5 =	vld [tilespmem:s18+$0x3FB0]  }
0xec: {  	v0 =	vld [tilespmem:s18+$0x3FC0]  }
0xed: {  	v1 =	vld [tilespmem:s18+$0x3FD0]  }
0xee: {  	v18 =	vld [tilespmem:s18+$0x3F00]  }
0xef: {  	v20 =	vld [tilespmem:s18+$0x3F10]  }
0xf0: {  	v17 =	vld [tilespmem:s18+$0x3F20]  }
0xf1: {  	v19 =	vld [tilespmem:s18+$0x3F30]  }
0xf2: {  	v11 =	vimm.f32 $0.0e+00;
	v12 =	vimm.f32 $0.0e+00;
	v14 =	vld [tilespmem:s18+$0x3F40]  }
0xf3: {  	v13 =	vimm.f32 $0.0e+00;
	v9 =	vimm.f32 $0.0e+00;
	v10 =	vimm.f32 $0.0e+00;
	v15 =	vld [tilespmem:s18+$0x3F50]  }
0xf4: {  	s19 =	simm.s32 $0x400;
	v8 =	vimm.f32 $0.0e+00;
	v6 =	vimm.f32 $0.0e+00;
	v7 =	vimm.f32 $0.0e+00;
	v16 =	vld [tilespmem:s18+$0x3F60]  }
.LBB2_7:
0xf5: {  	p1 =	sne.s32 s19, $0x6000;
	v10 =	vadd.f32 v18, v10;
	v11 =	vadd.f32 v20, v11;
	v18 =	vld [tilespmem:s18+$0x3F70]  }
0xf6: {  	v12 =	vadd.f32 v17, v12;
	v13 =	vadd.f32 v19, v13;
	v17 =	vld [tilespmem:s18+$0x3FE0]  }
0xf7: {  	v10 =	vadd.f32 v2, v10;
	v11 =	vadd.f32 v4, v11;
	v19 =	vld [tilespmem:s18+$0x3FF0];
	s18 =	sshra.s32 s19, $0x2  }
0xf8: {  	v12 =	vadd.f32 v3, v12;
	v2 =	vld [tilespmem:s18+$0x3F80];
	v13 =	vadd.f32 v5, v13  }
0xf9: {  	v6 =	vadd.f32 v14, v6;
	v7 =	vadd.f32 v15, v7;
	v4 =	vld [tilespmem:s18+$0x3F90]  }
0xfa: {  	v9 =	vadd.f32 v16, v9;
	v3 =	vld [tilespmem:s18+$0x3FA0];
	v8 =	vadd.f32 v18, v8  }
0xfb: {  	v6 =	vadd.f32 v0, v6;
	v7 =	vadd.f32 v1, v7;
	v5 =	vld [tilespmem:s18+$0x3FB0]  }
0xfc: {  	v9 =	vadd.f32 v17, v9;
	v0 =	vld [tilespmem:s18+$0x3FC0];
	v8 =	vadd.f32 v19, v8  }
0xfd: {  	v1 =	vld [tilespmem:s18+$0x3FD0]  }
0xfe: {  	v18 =	vld [tilespmem:s18+$0x3F00]  }
0xff: {  	v20 =	vld [tilespmem:s18+$0x3F10]  }
.Ltmp2:
0x100: {  	v17 =	vld [tilespmem:s18+$0x3F20];
	(pc) =	sbr.rel @p1 .LBB2_7-.Ltmp2, $4  }
0x101: {  	v19 =	vld [tilespmem:s18+$0x3F30]  }
0x102: {  	v14 =	vld [tilespmem:s18+$0x3F40]  }
0x103: {  	v15 =	vld [tilespmem:s18+$0x3F50]  }
0x104: {  	s19 =	sadd.s32 $0x400, s19;
	v16 =	vld [tilespmem:s18+$0x3F60]  }
0x105: {  	v10 =	vadd.f32 v18, v10;
	v11 =	vadd.f32 v20, v11;
	v18 =	vld [tilespmem:s18+$0x3F70]  }
0x106: {  	v12 =	vadd.f32 v17, v12;
	v17 =	vld [tilespmem:s18+$0x3FE0];
	v13 =	vadd.f32 v19, v13  }
0x107: {  	v2 =	vadd.f32 v2, v10;
	v4 =	vadd.f32 v4, v11;
	v10 =	vld [tilespmem:s18+$0x3FF0]  }
0x108: {  	v3 =	vadd.f32 v3, v12;
	v6 =	vadd.f32 v14, v6  }
0x109: {  	v5 =	vadd.f32 v5, v13;
	v9 =	vadd.f32 v16, v9  }
0x10a: {  	v7 =	vadd.f32 v15, v7;
	v8 =	vadd.f32 v18, v8  }
0x10b: {  	v0 =	vadd.f32 v0, v6;
	v6 =	vadd.f32 v17, v9  }
0x10c: {  	v1 =	vadd.f32 v1, v7;
	v7 =	vadd.f32 v10, v8  }
0x10d: {  	v2 =	vadd.f32 v3, v2;
	v0 =	vadd.f32 v6, v0  }
0x10e: {  	v3 =	vadd.f32 v5, v4;
	v1 =	vadd.f32 v7, v1  }
0x10f: {  	v0 =	vadd.f32 v0, v2  }
0x110: {  	v1 =	vadd.f32 v1, v3  }
0x111: {  	v0 =	vmul.f32 $4.999999890e-03, v0  }
0x112: {  	v1 =	vmul.f32 $4.999999890e-03, v1  }
0x113: {  	[tilespmem:s16+$0x19D40] =	vst v0  }
0x114: {  	s18 =	simm.s32 $0x0;
	[tilespmem:s16+$0x19D50] =	vst v1  }
0x115: {  	v2 =	vld [tilespmem:s18+$0x5880]  }
0x116: {  	v4 =	vld [tilespmem:s18+$0x5890]  }
0x117: {  	v3 =	vld [tilespmem:s18+$0x58A0]  }
0x118: {  	v5 =	vld [tilespmem:s18+$0x58B0]  }
0x119: {  	v0 =	vld [tilespmem:s18+$0x58C0]  }
0x11a: {  	v1 =	vld [tilespmem:s18+$0x58D0]  }
0x11b: {  	v18 =	vld [tilespmem:s18+$0x5800]  }
0x11c: {  	v20 =	vld [tilespmem:s18+$0x5810]  }
0x11d: {  	v17 =	vld [tilespmem:s18+$0x5820]  }
0x11e: {  	v19 =	vld [tilespmem:s18+$0x5830]  }
0x11f: {  	v11 =	vimm.f32 $0.0e+00;
	v12 =	vimm.f32 $0.0e+00;
	v14 =	vld [tilespmem:s18+$0x5840]  }
0x120: {  	v13 =	vimm.f32 $0.0e+00;
	v9 =	vimm.f32 $0.0e+00;
	v10 =	vimm.f32 $0.0e+00;
	v15 =	vld [tilespmem:s18+$0x5850]  }
0x121: {  	s19 =	simm.s32 $0x400;
	v8 =	vimm.f32 $0.0e+00;
	v6 =	vimm.f32 $0.0e+00;
	v7 =	vimm.f32 $0.0e+00;
	v16 =	vld [tilespmem:s18+$0x5860]  }
.LBB2_9:
0x122: {  	p1 =	sne.s32 s19, $0x6000;
	v10 =	vadd.f32 v18, v10;
	v11 =	vadd.f32 v20, v11;
	v18 =	vld [tilespmem:s18+$0x5870]  }
0x123: {  	v12 =	vadd.f32 v17, v12;
	v13 =	vadd.f32 v19, v13;
	v17 =	vld [tilespmem:s18+$0x58E0]  }
0x124: {  	v10 =	vadd.f32 v2, v10;
	v11 =	vadd.f32 v4, v11;
	v19 =	vld [tilespmem:s18+$0x58F0];
	s18 =	sshra.s32 s19, $0x2  }
0x125: {  	v12 =	vadd.f32 v3, v12;
	v2 =	vld [tilespmem:s18+$0x5880];
	v13 =	vadd.f32 v5, v13  }
0x126: {  	v6 =	vadd.f32 v14, v6;
	v7 =	vadd.f32 v15, v7;
	v4 =	vld [tilespmem:s18+$0x5890]  }
0x127: {  	v9 =	vadd.f32 v16, v9;
	v3 =	vld [tilespmem:s18+$0x58A0];
	v8 =	vadd.f32 v18, v8  }
0x128: {  	v6 =	vadd.f32 v0, v6;
	v7 =	vadd.f32 v1, v7;
	v5 =	vld [tilespmem:s18+$0x58B0]  }
0x129: {  	v9 =	vadd.f32 v17, v9;
	v0 =	vld [tilespmem:s18+$0x58C0];
	v8 =	vadd.f32 v19, v8  }
0x12a: {  	v1 =	vld [tilespmem:s18+$0x58D0]  }
0x12b: {  	v18 =	vld [tilespmem:s18+$0x5800]  }
0x12c: {  	v20 =	vld [tilespmem:s18+$0x5810]  }
.Ltmp3:
0x12d: {  	v17 =	vld [tilespmem:s18+$0x5820];
	(pc) =	sbr.rel @p1 .LBB2_9-.Ltmp3, $4  }
0x12e: {  	v19 =	vld [tilespmem:s18+$0x5830]  }
0x12f: {  	v14 =	vld [tilespmem:s18+$0x5840]  }
0x130: {  	v15 =	vld [tilespmem:s18+$0x5850]  }
0x131: {  	s19 =	sadd.s32 $0x400, s19;
	v16 =	vld [tilespmem:s18+$0x5860]  }
0x132: {  	v10 =	vadd.f32 v18, v10;
	v11 =	vadd.f32 v20, v11;
	v18 =	vld [tilespmem:s18+$0x5870]  }
0x133: {  	v12 =	vadd.f32 v17, v12;
	v17 =	vld [tilespmem:s18+$0x58E0];
	v13 =	vadd.f32 v19, v13  }
0x134: {  	v2 =	vadd.f32 v2, v10;
	v4 =	vadd.f32 v4, v11;
	v10 =	vld [tilespmem:s18+$0x58F0]  }
0x135: {  	v3 =	vadd.f32 v3, v12;
	v6 =	vadd.f32 v14, v6  }
0x136: {  	v5 =	vadd.f32 v5, v13;
	v9 =	vadd.f32 v16, v9  }
0x137: {  	v7 =	vadd.f32 v15, v7;
	v8 =	vadd.f32 v18, v8  }
0x138: {  	v0 =	vadd.f32 v0, v6;
	v6 =	vadd.f32 v17, v9  }
0x139: {  	v1 =	vadd.f32 v1, v7;
	v7 =	vadd.f32 v10, v8  }
0x13a: {  	v2 =	vadd.f32 v3, v2;
	v0 =	vadd.f32 v6, v0  }
0x13b: {  	v3 =	vadd.f32 v5, v4;
	v1 =	vadd.f32 v7, v1  }
0x13c: {  	v0 =	vadd.f32 v0, v2  }
0x13d: {  	v1 =	vadd.f32 v1, v3  }
0x13e: {  	v0 =	vmul.f32 $4.999999890e-03, v0  }
0x13f: {  	v1 =	vmul.f32 $4.999999890e-03, v1  }
0x140: {  	[tilespmem:s16+$0x19D60] =	vst v0  }
0x141: {  	s18 =	simm.s32 $0x0;
	[tilespmem:s16+$0x19D70] =	vst v1  }
0x142: {  	v2 =	vld [tilespmem:s18+$0x7180]  }
0x143: {  	v4 =	vld [tilespmem:s18+$0x7190]  }
0x144: {  	v3 =	vld [tilespmem:s18+$0x71A0]  }
0x145: {  	v5 =	vld [tilespmem:s18+$0x71B0]  }
0x146: {  	v0 =	vld [tilespmem:s18+$0x71C0]  }
0x147: {  	v1 =	vld [tilespmem:s18+$0x71D0]  }
0x148: {  	v18 =	vld [tilespmem:s18+$0x7100]  }
0x149: {  	v20 =	vld [tilespmem:s18+$0x7110]  }
0x14a: {  	v17 =	vld [tilespmem:s18+$0x7120]  }
0x14b: {  	v19 =	vld [tilespmem:s18+$0x7130]  }
0x14c: {  	v11 =	vimm.f32 $0.0e+00;
	v12 =	vimm.f32 $0.0e+00;
	v14 =	vld [tilespmem:s18+$0x7140]  }
0x14d: {  	v13 =	vimm.f32 $0.0e+00;
	v9 =	vimm.f32 $0.0e+00;
	v10 =	vimm.f32 $0.0e+00;
	v15 =	vld [tilespmem:s18+$0x7150]  }
0x14e: {  	s19 =	simm.s32 $0x400;
	v8 =	vimm.f32 $0.0e+00;
	v6 =	vimm.f32 $0.0e+00;
	v7 =	vimm.f32 $0.0e+00;
	v16 =	vld [tilespmem:s18+$0x7160]  }
.LBB2_11:
0x14f: {  	p1 =	sne.s32 s19, $0x6000;
	v10 =	vadd.f32 v18, v10;
	v11 =	vadd.f32 v20, v11;
	v18 =	vld [tilespmem:s18+$0x7170]  }
0x150: {  	v12 =	vadd.f32 v17, v12;
	v13 =	vadd.f32 v19, v13;
	v17 =	vld [tilespmem:s18+$0x71E0]  }
0x151: {  	v10 =	vadd.f32 v2, v10;
	v11 =	vadd.f32 v4, v11;
	v19 =	vld [tilespmem:s18+$0x71F0];
	s18 =	sshra.s32 s19, $0x2  }
0x152: {  	v12 =	vadd.f32 v3, v12;
	v2 =	vld [tilespmem:s18+$0x7180];
	v13 =	vadd.f32 v5, v13  }
0x153: {  	v6 =	vadd.f32 v14, v6;
	v7 =	vadd.f32 v15, v7;
	v4 =	vld [tilespmem:s18+$0x7190]  }
0x154: {  	v9 =	vadd.f32 v16, v9;
	v3 =	vld [tilespmem:s18+$0x71A0];
	v8 =	vadd.f32 v18, v8  }
0x155: {  	v6 =	vadd.f32 v0, v6;
	v7 =	vadd.f32 v1, v7;
	v5 =	vld [tilespmem:s18+$0x71B0]  }
0x156: {  	v9 =	vadd.f32 v17, v9;
	v0 =	vld [tilespmem:s18+$0x71C0];
	v8 =	vadd.f32 v19, v8  }
0x157: {  	v1 =	vld [tilespmem:s18+$0x71D0]  }
0x158: {  	v18 =	vld [tilespmem:s18+$0x7100]  }
0x159: {  	v20 =	vld [tilespmem:s18+$0x7110]  }
.Ltmp4:
0x15a: {  	v17 =	vld [tilespmem:s18+$0x7120];
	(pc) =	sbr.rel @p1 .LBB2_11-.Ltmp4, $4  }
0x15b: {  	v19 =	vld [tilespmem:s18+$0x7130]  }
0x15c: {  	v14 =	vld [tilespmem:s18+$0x7140]  }
0x15d: {  	v15 =	vld [tilespmem:s18+$0x7150]  }
0x15e: {  	s19 =	sadd.s32 $0x400, s19;
	v16 =	vld [tilespmem:s18+$0x7160]  }
0x15f: {  	v10 =	vadd.f32 v18, v10;
	v11 =	vadd.f32 v20, v11;
	v18 =	vld [tilespmem:s18+$0x7170]  }
0x160: {  	v12 =	vadd.f32 v17, v12;
	v17 =	vld [tilespmem:s18+$0x71E0];
	v13 =	vadd.f32 v19, v13  }
0x161: {  	v2 =	vadd.f32 v2, v10;
	v4 =	vadd.f32 v4, v11;
	v10 =	vld [tilespmem:s18+$0x71F0]  }
0x162: {  	v3 =	vadd.f32 v3, v12;
	v6 =	vadd.f32 v14, v6  }
0x163: {  	v5 =	vadd.f32 v5, v13;
	v9 =	vadd.f32 v16, v9  }
0x164: {  	v7 =	vadd.f32 v15, v7;
	v8 =	vadd.f32 v18, v8  }
0x165: {  	v0 =	vadd.f32 v0, v6;
	v6 =	vadd.f32 v17, v9  }
0x166: {  	v1 =	vadd.f32 v1, v7;
	v7 =	vadd.f32 v10, v8  }
0x167: {  	v2 =	vadd.f32 v3, v2;
	v0 =	vadd.f32 v6, v0  }
0x168: {  	v3 =	vadd.f32 v5, v4;
	v1 =	vadd.f32 v7, v1  }
0x169: {  	v0 =	vadd.f32 v0, v2  }
0x16a: {  	v1 =	vadd.f32 v1, v3  }
0x16b: {  	v0 =	vmul.f32 $4.999999890e-03, v0  }
0x16c: {  	v1 =	vmul.f32 $4.999999890e-03, v1  }
0x16d: {  	[tilespmem:s16+$0x19D80] =	vst v0  }
0x16e: {  	s18 =	simm.s32 $0x0;
	[tilespmem:s16+$0x19D90] =	vst v1  }
0x16f: {  	v2 =	vld [tilespmem:s18+$0x8A80]  }
0x170: {  	v4 =	vld [tilespmem:s18+$0x8A90]  }
0x171: {  	v3 =	vld [tilespmem:s18+$0x8AA0]  }
0x172: {  	v5 =	vld [tilespmem:s18+$0x8AB0]  }
0x173: {  	v0 =	vld [tilespmem:s18+$0x8AC0]  }
0x174: {  	v1 =	vld [tilespmem:s18+$0x8AD0]  }
0x175: {  	v18 =	vld [tilespmem:s18+$0x8A00]  }
0x176: {  	v20 =	vld [tilespmem:s18+$0x8A10]  }
0x177: {  	v17 =	vld [tilespmem:s18+$0x8A20]  }
0x178: {  	v19 =	vld [tilespmem:s18+$0x8A30]  }
0x179: {  	v11 =	vimm.f32 $0.0e+00;
	v12 =	vimm.f32 $0.0e+00;
	v14 =	vld [tilespmem:s18+$0x8A40]  }
0x17a: {  	v13 =	vimm.f32 $0.0e+00;
	v9 =	vimm.f32 $0.0e+00;
	v10 =	vimm.f32 $0.0e+00;
	v15 =	vld [tilespmem:s18+$0x8A50]  }
0x17b: {  	s19 =	simm.s32 $0x400;
	v8 =	vimm.f32 $0.0e+00;
	v6 =	vimm.f32 $0.0e+00;
	v7 =	vimm.f32 $0.0e+00;
	v16 =	vld [tilespmem:s18+$0x8A60]  }
.LBB2_13:
0x17c: {  	p1 =	sne.s32 s19, $0x6000;
	v10 =	vadd.f32 v18, v10;
	v11 =	vadd.f32 v20, v11;
	v18 =	vld [tilespmem:s18+$0x8A70]  }
0x17d: {  	v12 =	vadd.f32 v17, v12;
	v13 =	vadd.f32 v19, v13;
	v17 =	vld [tilespmem:s18+$0x8AE0]  }
0x17e: {  	v10 =	vadd.f32 v2, v10;
	v11 =	vadd.f32 v4, v11;
	v19 =	vld [tilespmem:s18+$0x8AF0];
	s18 =	sshra.s32 s19, $0x2  }
0x17f: {  	v12 =	vadd.f32 v3, v12;
	v2 =	vld [tilespmem:s18+$0x8A80];
	v13 =	vadd.f32 v5, v13  }
0x180: {  	v6 =	vadd.f32 v14, v6;
	v7 =	vadd.f32 v15, v7;
	v4 =	vld [tilespmem:s18+$0x8A90]  }
0x181: {  	v9 =	vadd.f32 v16, v9;
	v3 =	vld [tilespmem:s18+$0x8AA0];
	v8 =	vadd.f32 v18, v8  }
0x182: {  	v6 =	vadd.f32 v0, v6;
	v7 =	vadd.f32 v1, v7;
	v5 =	vld [tilespmem:s18+$0x8AB0]  }
0x183: {  	v9 =	vadd.f32 v17, v9;
	v0 =	vld [tilespmem:s18+$0x8AC0];
	v8 =	vadd.f32 v19, v8  }
0x184: {  	v1 =	vld [tilespmem:s18+$0x8AD0]  }
0x185: {  	v18 =	vld [tilespmem:s18+$0x8A00]  }
0x186: {  	v20 =	vld [tilespmem:s18+$0x8A10]  }
.Ltmp5:
0x187: {  	v17 =	vld [tilespmem:s18+$0x8A20];
	(pc) =	sbr.rel @p1 .LBB2_13-.Ltmp5, $4  }
0x188: {  	v19 =	vld [tilespmem:s18+$0x8A30]  }
0x189: {  	v14 =	vld [tilespmem:s18+$0x8A40]  }
0x18a: {  	v15 =	vld [tilespmem:s18+$0x8A50]  }
0x18b: {  	s19 =	sadd.s32 $0x400, s19;
	v16 =	vld [tilespmem:s18+$0x8A60]  }
0x18c: {  	v10 =	vadd.f32 v18, v10;
	v11 =	vadd.f32 v20, v11;
	v18 =	vld [tilespmem:s18+$0x8A70]  }
0x18d: {  	v12 =	vadd.f32 v17, v12;
	v17 =	vld [tilespmem:s18+$0x8AE0];
	v13 =	vadd.f32 v19, v13  }
0x18e: {  	v2 =	vadd.f32 v2, v10;
	v4 =	vadd.f32 v4, v11;
	v10 =	vld [tilespmem:s18+$0x8AF0]  }
0x18f: {  	v3 =	vadd.f32 v3, v12;
	v6 =	vadd.f32 v14, v6  }
0x190: {  	v5 =	vadd.f32 v5, v13;
	v9 =	vadd.f32 v16, v9  }
0x191: {  	v7 =	vadd.f32 v15, v7;
	v8 =	vadd.f32 v18, v8  }
0x192: {  	v0 =	vadd.f32 v0, v6;
	v6 =	vadd.f32 v17, v9  }
0x193: {  	v1 =	vadd.f32 v1, v7;
	v7 =	vadd.f32 v10, v8  }
0x194: {  	v2 =	vadd.f32 v3, v2;
	v0 =	vadd.f32 v6, v0  }
0x195: {  	v3 =	vadd.f32 v5, v4;
	v1 =	vadd.f32 v7, v1  }
0x196: {  	v0 =	vadd.f32 v0, v2  }
0x197: {  	v1 =	vadd.f32 v1, v3  }
0x198: {  	v0 =	vmul.f32 $4.999999890e-03, v0  }
0x199: {  	v1 =	vmul.f32 $4.999999890e-03, v1  }
0x19a: {  	[tilespmem:s16+$0x19DA0] =	vst v0  }
0x19b: {  	s18 =	simm.s32 $0x0;
	[tilespmem:s16+$0x19DB0] =	vst v1  }
0x19c: {  	v2 =	vld [tilespmem:s18+$0xA380]  }
0x19d: {  	v4 =	vld [tilespmem:s18+$0xA390]  }
0x19e: {  	v3 =	vld [tilespmem:s18+$0xA3A0]  }
0x19f: {  	v5 =	vld [tilespmem:s18+$0xA3B0]  }
0x1a0: {  	v0 =	vld [tilespmem:s18+$0xA3C0]  }
0x1a1: {  	v1 =	vld [tilespmem:s18+$0xA3D0]  }
0x1a2: {  	v18 =	vld [tilespmem:s18+$0xA300]  }
0x1a3: {  	v20 =	vld [tilespmem:s18+$0xA310]  }
0x1a4: {  	v17 =	vld [tilespmem:s18+$0xA320]  }
0x1a5: {  	v19 =	vld [tilespmem:s18+$0xA330]  }
0x1a6: {  	v11 =	vimm.f32 $0.0e+00;
	v12 =	vimm.f32 $0.0e+00;
	v14 =	vld [tilespmem:s18+$0xA340]  }
0x1a7: {  	v13 =	vimm.f32 $0.0e+00;
	v9 =	vimm.f32 $0.0e+00;
	v10 =	vimm.f32 $0.0e+00;
	v15 =	vld [tilespmem:s18+$0xA350]  }
0x1a8: {  	s19 =	simm.s32 $0x400;
	v8 =	vimm.f32 $0.0e+00;
	v6 =	vimm.f32 $0.0e+00;
	v7 =	vimm.f32 $0.0e+00;
	v16 =	vld [tilespmem:s18+$0xA360]  }
.LBB2_15:
0x1a9: {  	p1 =	sne.s32 s19, $0x6000;
	v10 =	vadd.f32 v18, v10;
	v11 =	vadd.f32 v20, v11;
	v18 =	vld [tilespmem:s18+$0xA370]  }
0x1aa: {  	v12 =	vadd.f32 v17, v12;
	v13 =	vadd.f32 v19, v13;
	v17 =	vld [tilespmem:s18+$0xA3E0]  }
0x1ab: {  	v10 =	vadd.f32 v2, v10;
	v11 =	vadd.f32 v4, v11;
	v19 =	vld [tilespmem:s18+$0xA3F0];
	s18 =	sshra.s32 s19, $0x2  }
0x1ac: {  	v12 =	vadd.f32 v3, v12;
	v2 =	vld [tilespmem:s18+$0xA380];
	v13 =	vadd.f32 v5, v13  }
0x1ad: {  	v6 =	vadd.f32 v14, v6;
	v7 =	vadd.f32 v15, v7;
	v4 =	vld [tilespmem:s18+$0xA390]  }
0x1ae: {  	v9 =	vadd.f32 v16, v9;
	v3 =	vld [tilespmem:s18+$0xA3A0];
	v8 =	vadd.f32 v18, v8  }
0x1af: {  	v6 =	vadd.f32 v0, v6;
	v7 =	vadd.f32 v1, v7;
	v5 =	vld [tilespmem:s18+$0xA3B0]  }
0x1b0: {  	v9 =	vadd.f32 v17, v9;
	v0 =	vld [tilespmem:s18+$0xA3C0];
	v8 =	vadd.f32 v19, v8  }
0x1b1: {  	v1 =	vld [tilespmem:s18+$0xA3D0]  }
0x1b2: {  	v18 =	vld [tilespmem:s18+$0xA300]  }
0x1b3: {  	v20 =	vld [tilespmem:s18+$0xA310]  }
.Ltmp6:
0x1b4: {  	v17 =	vld [tilespmem:s18+$0xA320];
	(pc) =	sbr.rel @p1 .LBB2_15-.Ltmp6, $4  }
0x1b5: {  	v19 =	vld [tilespmem:s18+$0xA330]  }
0x1b6: {  	v14 =	vld [tilespmem:s18+$0xA340]  }
0x1b7: {  	v15 =	vld [tilespmem:s18+$0xA350]  }
0x1b8: {  	s19 =	sadd.s32 $0x400, s19;
	v16 =	vld [tilespmem:s18+$0xA360]  }
0x1b9: {  	v10 =	vadd.f32 v18, v10;
	v11 =	vadd.f32 v20, v11;
	v18 =	vld [tilespmem:s18+$0xA370]  }
0x1ba: {  	v12 =	vadd.f32 v17, v12;
	v17 =	vld [tilespmem:s18+$0xA3E0];
	v13 =	vadd.f32 v19, v13  }
0x1bb: {  	v2 =	vadd.f32 v2, v10;
	v4 =	vadd.f32 v4, v11;
	v10 =	vld [tilespmem:s18+$0xA3F0]  }
0x1bc: {  	v3 =	vadd.f32 v3, v12;
	v6 =	vadd.f32 v14, v6  }
0x1bd: {  	v5 =	vadd.f32 v5, v13;
	v9 =	vadd.f32 v16, v9  }
0x1be: {  	v7 =	vadd.f32 v15, v7;
	v8 =	vadd.f32 v18, v8  }
0x1bf: {  	v0 =	vadd.f32 v0, v6;
	v6 =	vadd.f32 v17, v9  }
0x1c0: {  	v1 =	vadd.f32 v1, v7;
	v7 =	vadd.f32 v10, v8  }
0x1c1: {  	v2 =	vadd.f32 v3, v2;
	v0 =	vadd.f32 v6, v0  }
0x1c2: {  	v3 =	vadd.f32 v5, v4;
	v1 =	vadd.f32 v7, v1  }
0x1c3: {  	v0 =	vadd.f32 v0, v2  }
0x1c4: {  	v1 =	vadd.f32 v1, v3  }
0x1c5: {  	v0 =	vmul.f32 $4.999999890e-03, v0  }
0x1c6: {  	v1 =	vmul.f32 $4.999999890e-03, v1  }
0x1c7: {  	[tilespmem:s16+$0x19DC0] =	vst v0  }
0x1c8: {  	s18 =	simm.s32 $0x0;
	[tilespmem:s16+$0x19DD0] =	vst v1  }
0x1c9: {  	v2 =	vld [tilespmem:s18+$0xBC80]  }
0x1ca: {  	v4 =	vld [tilespmem:s18+$0xBC90]  }
0x1cb: {  	v3 =	vld [tilespmem:s18+$0xBCA0]  }
0x1cc: {  	v5 =	vld [tilespmem:s18+$0xBCB0]  }
0x1cd: {  	v0 =	vld [tilespmem:s18+$0xBCC0]  }
0x1ce: {  	v1 =	vld [tilespmem:s18+$0xBCD0]  }
0x1cf: {  	v18 =	vld [tilespmem:s18+$0xBC00]  }
0x1d0: {  	v20 =	vld [tilespmem:s18+$0xBC10]  }
0x1d1: {  	v17 =	vld [tilespmem:s18+$0xBC20]  }
0x1d2: {  	v19 =	vld [tilespmem:s18+$0xBC30]  }
0x1d3: {  	v11 =	vimm.f32 $0.0e+00;
	v12 =	vimm.f32 $0.0e+00;
	v14 =	vld [tilespmem:s18+$0xBC40]  }
0x1d4: {  	v13 =	vimm.f32 $0.0e+00;
	v9 =	vimm.f32 $0.0e+00;
	v10 =	vimm.f32 $0.0e+00;
	v15 =	vld [tilespmem:s18+$0xBC50]  }
0x1d5: {  	s19 =	simm.s32 $0x400;
	v8 =	vimm.f32 $0.0e+00;
	v6 =	vimm.f32 $0.0e+00;
	v7 =	vimm.f32 $0.0e+00;
	v16 =	vld [tilespmem:s18+$0xBC60]  }
.LBB2_17:
0x1d6: {  	p1 =	sne.s32 s19, $0x6000;
	v10 =	vadd.f32 v18, v10;
	v11 =	vadd.f32 v20, v11;
	v18 =	vld [tilespmem:s18+$0xBC70]  }
0x1d7: {  	v12 =	vadd.f32 v17, v12;
	v13 =	vadd.f32 v19, v13;
	v17 =	vld [tilespmem:s18+$0xBCE0]  }
0x1d8: {  	v10 =	vadd.f32 v2, v10;
	v11 =	vadd.f32 v4, v11;
	v19 =	vld [tilespmem:s18+$0xBCF0];
	s18 =	sshra.s32 s19, $0x2  }
0x1d9: {  	v12 =	vadd.f32 v3, v12;
	v2 =	vld [tilespmem:s18+$0xBC80];
	v13 =	vadd.f32 v5, v13  }
0x1da: {  	v6 =	vadd.f32 v14, v6;
	v7 =	vadd.f32 v15, v7;
	v4 =	vld [tilespmem:s18+$0xBC90]  }
0x1db: {  	v9 =	vadd.f32 v16, v9;
	v3 =	vld [tilespmem:s18+$0xBCA0];
	v8 =	vadd.f32 v18, v8  }
0x1dc: {  	v6 =	vadd.f32 v0, v6;
	v7 =	vadd.f32 v1, v7;
	v5 =	vld [tilespmem:s18+$0xBCB0]  }
0x1dd: {  	v9 =	vadd.f32 v17, v9;
	v0 =	vld [tilespmem:s18+$0xBCC0];
	v8 =	vadd.f32 v19, v8  }
0x1de: {  	v1 =	vld [tilespmem:s18+$0xBCD0]  }
0x1df: {  	v18 =	vld [tilespmem:s18+$0xBC00]  }
0x1e0: {  	v20 =	vld [tilespmem:s18+$0xBC10]  }
.Ltmp7:
0x1e1: {  	v17 =	vld [tilespmem:s18+$0xBC20];
	(pc) =	sbr.rel @p1 .LBB2_17-.Ltmp7, $4  }
0x1e2: {  	v19 =	vld [tilespmem:s18+$0xBC30]  }
0x1e3: {  	v14 =	vld [tilespmem:s18+$0xBC40]  }
0x1e4: {  	v15 =	vld [tilespmem:s18+$0xBC50]  }
0x1e5: {  	s19 =	sadd.s32 $0x400, s19;
	v16 =	vld [tilespmem:s18+$0xBC60]  }
0x1e6: {  	v10 =	vadd.f32 v18, v10;
	v11 =	vadd.f32 v20, v11;
	v18 =	vld [tilespmem:s18+$0xBC70]  }
0x1e7: {  	v12 =	vadd.f32 v17, v12;
	v17 =	vld [tilespmem:s18+$0xBCE0];
	v13 =	vadd.f32 v19, v13  }
0x1e8: {  	v2 =	vadd.f32 v2, v10;
	v4 =	vadd.f32 v4, v11;
	v10 =	vld [tilespmem:s18+$0xBCF0]  }
0x1e9: {  	v3 =	vadd.f32 v3, v12;
	v6 =	vadd.f32 v14, v6  }
0x1ea: {  	v5 =	vadd.f32 v5, v13;
	v9 =	vadd.f32 v16, v9  }
0x1eb: {  	v7 =	vadd.f32 v15, v7;
	v8 =	vadd.f32 v18, v8  }
0x1ec: {  	v0 =	vadd.f32 v0, v6;
	v6 =	vadd.f32 v17, v9  }
0x1ed: {  	v1 =	vadd.f32 v1, v7;
	v7 =	vadd.f32 v10, v8  }
0x1ee: {  	v2 =	vadd.f32 v3, v2;
	v0 =	vadd.f32 v6, v0  }
0x1ef: {  	v3 =	vadd.f32 v5, v4;
	v1 =	vadd.f32 v7, v1  }
0x1f0: {  	v0 =	vadd.f32 v0, v2  }
0x1f1: {  	v1 =	vadd.f32 v1, v3  }
0x1f2: {  	v0 =	vmul.f32 $4.999999890e-03, v0  }
0x1f3: {  	v1 =	vmul.f32 $4.999999890e-03, v1  }
0x1f4: {  	[tilespmem:s16+$0x19DE0] =	vst v0  }
0x1f5: {  	s18 =	simm.s32 @!p0 $0x1;
	[tilespmem:s16+$0x19DF0] =	vst v1  }
0x1f6: {  	_ =	swait.ge @!p0 [sflag:s18], $0x680  }
0x1f7: {  	s19 =	simm.s32 @!p0 $0x64;
	[sflag:s18] =	ssyncset.done @!p0 $0x0  }
0x1f8: {  	s20 =	simm.s32 @!p0 $0xD00;
	[sflag:s18] =	ssyncadd.s32 @!p0 $0xFFFFF980;
	s18 =	simm.s32 @!p0 $0x0  }
0x1f9: {  	[tilespmem:s20], [sflag:$0x3] =	stream.indirect.gather @!p0 [hbm4b:s4+s19], $0x20, s18, s19, $0xb8;
	[tilespmem:$0x1DD00] =	vst v63  }
0x1fa: {  	s21 =	simm.s32 @!p0 $0x1980;
	s20 =	simm.s32 @!p0 $0x68  }
0x1fb: {  	[tilespmem:s21], [sflag:$0x3] =	stream.indirect.gather @!p0 [hbm4b:s4+s19], $0x20, s20, s19, $0xb8;
	[tilespmem:$0x1DD00] =	vst v63  }
0x1fc: {  	s20 =	simm.s32 @!p0 $0xD0;
	s21 =	simm.s32 @!p0 $0x2600  }
0x1fd: {  	[tilespmem:s21], [sflag:$0x3] =	stream.indirect.gather @!p0 [hbm4b:s4+s19], $0x20, s20, s19, $0xb8;
	[tilespmem:$0x1DD00] =	vst v63  }
0x1fe: {  	s20 =	simm.s32 @!p0 $0x138;
	s21 =	simm.s32 @!p0 $0x3280  }
0x1ff: {  	[tilespmem:s21], [sflag:$0x3] =	stream.indirect.gather @!p0 [hbm4b:s4+s19], $0x20, s20, s19, $0xb8;
	[tilespmem:$0x1DD00] =	vst v63  }
0x200: {  	s20 =	simm.s32 @!p0 $0x1A0;
	s21 =	simm.s32 @!p0 $0x3F00  }
0x201: {  	[tilespmem:s21], [sflag:$0x3] =	stream.indirect.gather @!p0 [hbm4b:s4+s19], $0x20, s20, s19, $0xb8;
	[tilespmem:$0x1DD00] =	vst v63  }
0x202: {  	s20 =	simm.s32 @!p0 $0x208;
	s21 =	simm.s32 @!p0 $0x4B80  }
0x203: {  	[tilespmem:s21], [sflag:$0x3] =	stream.indirect.gather @!p0 [hbm4b:s4+s19], $0x20, s20, s19, $0xb8;
	[tilespmem:$0x1DD00] =	vst v63  }
0x204: {  	s20 =	simm.s32 @!p0 $0x270;
	s21 =	simm.s32 @!p0 $0x5800  }
0x205: {  	[tilespmem:s21], [sflag:$0x3] =	stream.indirect.gather @!p0 [hbm4b:s4+s19], $0x20, s20, s19, $0xb8;
	[tilespmem:$0x1DD00] =	vst v63  }
0x206: {  	s20 =	simm.s32 @!p0 $0x2D8;
	s21 =	simm.s32 @!p0 $0x6480  }
0x207: {  	[tilespmem:s21], [sflag:$0x3] =	stream.indirect.gather @!p0 [hbm4b:s4+s19], $0x20, s20, s19, $0xb8;
	[tilespmem:$0x1DD00] =	vst v63  }
0x208: {  	s20 =	simm.s32 @!p0 $0x340;
	s21 =	simm.s32 @!p0 $0x7100  }
0x209: {  	[tilespmem:s21], [sflag:$0x3] =	stream.indirect.gather @!p0 [hbm4b:s4+s19], $0x20, s20, s19, $0xb8;
	[tilespmem:$0x1DD00] =	vst v63  }
0x20a: {  	s20 =	simm.s32 @!p0 $0x3A8;
	s21 =	simm.s32 @!p0 $0x7D80  }
0x20b: {  	[tilespmem:s21], [sflag:$0x3] =	stream.indirect.gather @!p0 [hbm4b:s4+s19], $0x20, s20, s19, $0xb8;
	[tilespmem:$0x1DD00] =	vst v63  }
0x20c: {  	s20 =	simm.s32 @!p0 $0x410;
	s21 =	simm.s32 @!p0 $0x8A00  }
0x20d: {  	[tilespmem:s21], [sflag:$0x3] =	stream.indirect.gather @!p0 [hbm4b:s4+s19], $0x20, s20, s19, $0xb8;
	[tilespmem:$0x1DD00] =	vst v63  }
0x20e: {  	s20 =	simm.s32 @!p0 $0x478;
	s21 =	simm.s32 @!p0 $0x9680  }
0x20f: {  	[tilespmem:s21], [sflag:$0x3] =	stream.indirect.gather @!p0 [hbm4b:s4+s19], $0x20, s20, s19, $0xb8;
	[tilespmem:$0x1DD00] =	vst v63  }
0x210: {  	s20 =	simm.s32 @!p0 $0x4E0;
	s21 =	simm.s32 @!p0 $0xA300  }
0x211: {  	[tilespmem:s21], [sflag:$0x3] =	stream.indirect.gather @!p0 [hbm4b:s4+s19], $0x20, s20, s19, $0xb8;
	[tilespmem:$0x1DD00] =	vst v63  }
0x212: {  	s20 =	simm.s32 @!p0 $0x548;
	s21 =	simm.s32 @!p0 $0xAF80  }
0x213: {  	[tilespmem:s21], [sflag:$0x3] =	stream.indirect.gather @!p0 [hbm4b:s4+s19], $0x20, s20, s19, $0xb8;
	[tilespmem:$0x1DD00] =	vst v63  }
0x214: {  	s20 =	simm.s32 @!p0 $0x5B0;
	s21 =	simm.s32 @!p0 $0xBC00  }
0x215: {  	[tilespmem:s21], [sflag:$0x3] =	stream.indirect.gather @!p0 [hbm4b:s4+s19], $0x20, s20, s19, $0xb8;
	[tilespmem:$0x1DD00] =	vst v63  }
0x216: {  	s20 =	simm.s32 @!p0 $0x618;
	s21 =	simm.s32 @!p0 $0xC880  }
0x217: {  	[tilespmem:s21], [sflag:$0x3] =	stream.indirect.gather @!p0 [hbm4b:s4+s19], $0x20, s20, s19, $0xb8;
	[tilespmem:$0x1DD00] =	vst v63  }
0x218: {  	_ =	swait.ge [sflag:s14], $0xC80  }
0x219: {  	[sflag:s14] =	ssyncset.done $0x0  }
0x21a: {  	[sflag:s14] =	ssyncadd.s32 $0xFFFFF380  }
0x21b: {  	_ =	swait.ge [sflag:s14], $0xC80  }
0x21c: {  	[sflag:s14] =	ssyncset.done $0x0  }
0x21d: {  	[sflag:s14] =	ssyncadd.s32 $0xFFFFF380  }
0x21e: {  	_ =	swait.ge [sflag:s14], $0xC80  }
0x21f: {  	[sflag:s14] =	ssyncset.done $0x0  }
0x220: {  	[sflag:s14] =	ssyncadd.s32 $0xFFFFF380  }
0x221: {  	_ =	swait.ge [sflag:s14], $0xC80  }
0x222: {  	[sflag:s14] =	ssyncset.done $0x0  }
0x223: {  	[sflag:s14] =	ssyncadd.s32 $0xFFFFF380  }
0x224: {  	_ =	swait.ge [sflag:s14], $0xC80  }
0x225: {  	[sflag:s14] =	ssyncset.done $0x0  }
0x226: {  	[sflag:s14] =	ssyncadd.s32 $0xFFFFF380  }
0x227: {  	_ =	swait.ge [sflag:s14], $0xC80  }
0x228: {  	[sflag:s14] =	ssyncset.done $0x0  }
0x229: {  	[sflag:s14] =	ssyncadd.s32 $0xFFFFF380  }
0x22a: {  	_ =	swait.ge [sflag:s14], $0xC80  }
0x22b: {  	[sflag:s14] =	ssyncset.done $0x0  }
0x22c: {  	[sflag:s14] =	ssyncadd.s32 $0xFFFFF380  }
0x22d: {  	_ =	swait.ge [sflag:s14], $0xC80  }
0x22e: {  	[sflag:s14] =	ssyncset.done $0x0  }
0x22f: {  	[sflag:s14] =	ssyncadd.s32 $0xFFFFF380  }
0x230: {  	_ =	swait.ge [sflag:s14], $0xC80  }
0x231: {  	[sflag:s14] =	ssyncset.done $0x0  }
0x232: {  	[sflag:s14] =	ssyncadd.s32 $0xFFFFF380  }
0x233: {  	_ =	swait.ge [sflag:s14], $0xC80  }
0x234: {  	[sflag:s14] =	ssyncset.done $0x0  }
0x235: {  	[sflag:s14] =	ssyncadd.s32 $0xFFFFF380  }
0x236: {  	_ =	swait.ge [sflag:s14], $0xC80  }
0x237: {  	[sflag:s14] =	ssyncset.done $0x0  }
0x238: {  	[sflag:s14] =	ssyncadd.s32 $0xFFFFF380  }
0x239: {  	_ =	swait.ge [sflag:s14], $0xC80  }
0x23a: {  	[sflag:s14] =	ssyncset.done $0x0  }
0x23b: {  	[sflag:s14] =	ssyncadd.s32 $0xFFFFF380  }
0x23c: {  	_ =	swait.ge [sflag:s14], $0xC80  }
0x23d: {  	[sflag:s14] =	ssyncset.done $0x0  }
0x23e: {  	[sflag:s14] =	ssyncadd.s32 $0xFFFFF380  }
0x23f: {  	_ =	swait.ge [sflag:s14], $0xC80  }
0x240: {  	[sflag:s14] =	ssyncset.done $0x0  }
0x241: {  	[sflag:s14] =	ssyncadd.s32 $0xFFFFF380  }
0x242: {  	_ =	swait.ge [sflag:s14], $0xC80  }
0x243: {  	[sflag:s14] =	ssyncset.done $0x0  }
0x244: {  	s17 =	sadd.s32 @!p0 s17, s8;
	[sflag:s14] =	ssyncadd.s32 $0xFFFFF380  }
0x245: {  	s17 =	smul.u32 @!p0 $0xD, s17;
	_ =	swait.ge [sflag:s14], $0xC80  }
0x246: {  	[sflag:s14] =	ssyncset.done $0x0  }
0x247: {  	s17 =	sadd.s32 @!p0 s3, s17;
	s19 =	simm.s32 @!p0 $0x680;
	[sflag:s14] =	ssyncadd.s32 $0xFFFFF380  }
0x248: {  	[tilespmem:s19], [sflag:$0x2] =	stream.linear.gather @!p0 [hbm4b:s17+s18], $0x680, $0x38;
	[tilespmem:$0x1DD00] =	vst v63  }
0x249: {  	s17 =	simm.s32 $0x0  }
0x24a: {  	v2 =	vld [tilespmem:s17+$0xD580]  }
0x24b: {  	v4 =	vld [tilespmem:s17+$0xD590]  }
0x24c: {  	v3 =	vld [tilespmem:s17+$0xD5A0]  }
0x24d: {  	v5 =	vld [tilespmem:s17+$0xD5B0]  }
0x24e: {  	v0 =	vld [tilespmem:s17+$0xD5C0]  }
0x24f: {  	v1 =	vld [tilespmem:s17+$0xD5D0]  }
0x250: {  	v18 =	vld [tilespmem:s17+$0xD500]  }
0x251: {  	v20 =	vld [tilespmem:s17+$0xD510]  }
0x252: {  	v17 =	vld [tilespmem:s17+$0xD520]  }
0x253: {  	v19 =	vld [tilespmem:s17+$0xD530]  }
0x254: {  	v11 =	vimm.f32 $0.0e+00;
	v12 =	vimm.f32 $0.0e+00;
	v14 =	vld [tilespmem:s17+$0xD540]  }
0x255: {  	v13 =	vimm.f32 $0.0e+00;
	v9 =	vimm.f32 $0.0e+00;
	v10 =	vimm.f32 $0.0e+00;
	v15 =	vld [tilespmem:s17+$0xD550]  }
0x256: {  	v8 =	vimm.f32 $0.0e+00;
	v6 =	vimm.f32 $0.0e+00;
	v7 =	vimm.f32 $0.0e+00;
	s18 =	simm.s32 $0x400;
	v16 =	vld [tilespmem:s17+$0xD560]  }
.LBB2_19:
0x257: {  	p0 =	sne.s32 s18, $0x6000;
	v10 =	vadd.f32 v18, v10;
	v11 =	vadd.f32 v20, v11;
	v18 =	vld [tilespmem:s17+$0xD570]  }
0x258: {  	v12 =	vadd.f32 v17, v12;
	v13 =	vadd.f32 v19, v13;
	v17 =	vld [tilespmem:s17+$0xD5E0]  }
0x259: {  	v10 =	vadd.f32 v2, v10;
	v11 =	vadd.f32 v4, v11;
	v19 =	vld [tilespmem:s17+$0xD5F0];
	s17 =	sshra.s32 s18, $0x2  }
0x25a: {  	v12 =	vadd.f32 v3, v12;
	v2 =	vld [tilespmem:s17+$0xD580];
	v13 =	vadd.f32 v5, v13  }
0x25b: {  	v6 =	vadd.f32 v14, v6;
	v7 =	vadd.f32 v15, v7;
	v4 =	vld [tilespmem:s17+$0xD590]  }
0x25c: {  	v9 =	vadd.f32 v16, v9;
	v3 =	vld [tilespmem:s17+$0xD5A0];
	v8 =	vadd.f32 v18, v8  }
0x25d: {  	v6 =	vadd.f32 v0, v6;
	v7 =	vadd.f32 v1, v7;
	v5 =	vld [tilespmem:s17+$0xD5B0]  }
0x25e: {  	v9 =	vadd.f32 v17, v9;
	v0 =	vld [tilespmem:s17+$0xD5C0];
	v8 =	vadd.f32 v19, v8  }
0x25f: {  	v1 =	vld [tilespmem:s17+$0xD5D0]  }
0x260: {  	v18 =	vld [tilespmem:s17+$0xD500]  }
0x261: {  	v20 =	vld [tilespmem:s17+$0xD510]  }
.Ltmp8:
0x262: {  	v17 =	vld [tilespmem:s17+$0xD520];
	(pc) =	sbr.rel @p0 .LBB2_19-.Ltmp8, $4  }
0x263: {  	v19 =	vld [tilespmem:s17+$0xD530]  }
0x264: {  	v14 =	vld [tilespmem:s17+$0xD540]  }
0x265: {  	v15 =	vld [tilespmem:s17+$0xD550]  }
0x266: {  	s18 =	sadd.s32 $0x400, s18;
	v16 =	vld [tilespmem:s17+$0xD560]  }
0x267: {  	v10 =	vadd.f32 v18, v10;
	v11 =	vadd.f32 v20, v11;
	v18 =	vld [tilespmem:s17+$0xD570]  }
0x268: {  	v12 =	vadd.f32 v17, v12;
	v17 =	vld [tilespmem:s17+$0xD5E0];
	v13 =	vadd.f32 v19, v13  }
0x269: {  	v2 =	vadd.f32 v2, v10;
	v4 =	vadd.f32 v4, v11;
	v10 =	vld [tilespmem:s17+$0xD5F0]  }
0x26a: {  	v3 =	vadd.f32 v3, v12;
	v6 =	vadd.f32 v14, v6  }
0x26b: {  	v5 =	vadd.f32 v5, v13;
	v9 =	vadd.f32 v16, v9  }
0x26c: {  	v7 =	vadd.f32 v15, v7;
	v8 =	vadd.f32 v18, v8  }
0x26d: {  	v0 =	vadd.f32 v0, v6;
	v6 =	vadd.f32 v17, v9  }
0x26e: {  	v1 =	vadd.f32 v1, v7;
	v7 =	vadd.f32 v10, v8  }
0x26f: {  	v2 =	vadd.f32 v3, v2;
	v0 =	vadd.f32 v6, v0  }
0x270: {  	v3 =	vadd.f32 v5, v4;
	v1 =	vadd.f32 v7, v1  }
0x271: {  	v0 =	vadd.f32 v0, v2  }
0x272: {  	v1 =	vadd.f32 v1, v3  }
0x273: {  	v0 =	vmul.f32 $4.999999890e-03, v0  }
0x274: {  	v1 =	vmul.f32 $4.999999890e-03, v1  }
0x275: {  	[tilespmem:s16+$0x19E00] =	vst v0  }
0x276: {  	s17 =	simm.s32 $0x0;
	[tilespmem:s16+$0x19E10] =	vst v1  }
0x277: {  	v2 =	vld [tilespmem:s17+$0xEE80]  }
0x278: {  	v4 =	vld [tilespmem:s17+$0xEE90]  }
0x279: {  	v3 =	vld [tilespmem:s17+$0xEEA0]  }
0x27a: {  	v5 =	vld [tilespmem:s17+$0xEEB0]  }
0x27b: {  	v0 =	vld [tilespmem:s17+$0xEEC0]  }
0x27c: {  	v1 =	vld [tilespmem:s17+$0xEED0]  }
0x27d: {  	v18 =	vld [tilespmem:s17+$0xEE00]  }
0x27e: {  	v20 =	vld [tilespmem:s17+$0xEE10]  }
0x27f: {  	v17 =	vld [tilespmem:s17+$0xEE20]  }
0x280: {  	v19 =	vld [tilespmem:s17+$0xEE30]  }
0x281: {  	v11 =	vimm.f32 $0.0e+00;
	v12 =	vimm.f32 $0.0e+00;
	v14 =	vld [tilespmem:s17+$0xEE40]  }
0x282: {  	v13 =	vimm.f32 $0.0e+00;
	v9 =	vimm.f32 $0.0e+00;
	v10 =	vimm.f32 $0.0e+00;
	v15 =	vld [tilespmem:s17+$0xEE50]  }
0x283: {  	s18 =	simm.s32 $0x400;
	v8 =	vimm.f32 $0.0e+00;
	v6 =	vimm.f32 $0.0e+00;
	v7 =	vimm.f32 $0.0e+00;
	v16 =	vld [tilespmem:s17+$0xEE60]  }
.LBB2_21:
0x284: {  	p0 =	sne.s32 s18, $0x6000;
	v10 =	vadd.f32 v18, v10;
	v11 =	vadd.f32 v20, v11;
	v18 =	vld [tilespmem:s17+$0xEE70]  }
0x285: {  	v12 =	vadd.f32 v17, v12;
	v13 =	vadd.f32 v19, v13;
	v17 =	vld [tilespmem:s17+$0xEEE0]  }
0x286: {  	v10 =	vadd.f32 v2, v10;
	v11 =	vadd.f32 v4, v11;
	v19 =	vld [tilespmem:s17+$0xEEF0];
	s17 =	sshra.s32 s18, $0x2  }
0x287: {  	v12 =	vadd.f32 v3, v12;
	v2 =	vld [tilespmem:s17+$0xEE80];
	v13 =	vadd.f32 v5, v13  }
0x288: {  	v6 =	vadd.f32 v14, v6;
	v7 =	vadd.f32 v15, v7;
	v4 =	vld [tilespmem:s17+$0xEE90]  }
0x289: {  	v9 =	vadd.f32 v16, v9;
	v3 =	vld [tilespmem:s17+$0xEEA0];
	v8 =	vadd.f32 v18, v8  }
0x28a: {  	v6 =	vadd.f32 v0, v6;
	v7 =	vadd.f32 v1, v7;
	v5 =	vld [tilespmem:s17+$0xEEB0]  }
0x28b: {  	v9 =	vadd.f32 v17, v9;
	v0 =	vld [tilespmem:s17+$0xEEC0];
	v8 =	vadd.f32 v19, v8  }
0x28c: {  	v1 =	vld [tilespmem:s17+$0xEED0]  }
0x28d: {  	v18 =	vld [tilespmem:s17+$0xEE00]  }
0x28e: {  	v20 =	vld [tilespmem:s17+$0xEE10]  }
.Ltmp9:
0x28f: {  	v17 =	vld [tilespmem:s17+$0xEE20];
	(pc) =	sbr.rel @p0 .LBB2_21-.Ltmp9, $4  }
0x290: {  	v19 =	vld [tilespmem:s17+$0xEE30]  }
0x291: {  	v14 =	vld [tilespmem:s17+$0xEE40]  }
0x292: {  	v15 =	vld [tilespmem:s17+$0xEE50]  }
0x293: {  	s18 =	sadd.s32 $0x400, s18;
	v16 =	vld [tilespmem:s17+$0xEE60]  }
0x294: {  	v10 =	vadd.f32 v18, v10;
	v11 =	vadd.f32 v20, v11;
	v18 =	vld [tilespmem:s17+$0xEE70]  }
0x295: {  	v12 =	vadd.f32 v17, v12;
	v17 =	vld [tilespmem:s17+$0xEEE0];
	v13 =	vadd.f32 v19, v13  }
0x296: {  	v2 =	vadd.f32 v2, v10;
	v4 =	vadd.f32 v4, v11;
	v10 =	vld [tilespmem:s17+$0xEEF0]  }
0x297: {  	v3 =	vadd.f32 v3, v12;
	v6 =	vadd.f32 v14, v6  }
0x298: {  	v5 =	vadd.f32 v5, v13;
	v9 =	vadd.f32 v16, v9  }
0x299: {  	v7 =	vadd.f32 v15, v7;
	v8 =	vadd.f32 v18, v8  }
0x29a: {  	v0 =	vadd.f32 v0, v6;
	v6 =	vadd.f32 v17, v9  }
0x29b: {  	v1 =	vadd.f32 v1, v7;
	v7 =	vadd.f32 v10, v8  }
0x29c: {  	v2 =	vadd.f32 v3, v2;
	v0 =	vadd.f32 v6, v0  }
0x29d: {  	v3 =	vadd.f32 v5, v4;
	v1 =	vadd.f32 v7, v1  }
0x29e: {  	v0 =	vadd.f32 v0, v2  }
0x29f: {  	v1 =	vadd.f32 v1, v3  }
0x2a0: {  	v0 =	vmul.f32 $4.999999890e-03, v0  }
0x2a1: {  	v1 =	vmul.f32 $4.999999890e-03, v1  }
0x2a2: {  	[tilespmem:s16+$0x19E20] =	vst v0  }
0x2a3: {  	s17 =	simm.s32 $0x0;
	[tilespmem:s16+$0x19E30] =	vst v1  }
0x2a4: {  	v2 =	vld [tilespmem:s17+$0x10780]  }
0x2a5: {  	v4 =	vld [tilespmem:s17+$0x10790]  }
0x2a6: {  	v3 =	vld [tilespmem:s17+$0x107A0]  }
0x2a7: {  	v5 =	vld [tilespmem:s17+$0x107B0]  }
0x2a8: {  	v0 =	vld [tilespmem:s17+$0x107C0]  }
0x2a9: {  	v1 =	vld [tilespmem:s17+$0x107D0]  }
0x2aa: {  	v18 =	vld [tilespmem:s17+$0x10700]  }
0x2ab: {  	v20 =	vld [tilespmem:s17+$0x10710]  }
0x2ac: {  	v17 =	vld [tilespmem:s17+$0x10720]  }
0x2ad: {  	v19 =	vld [tilespmem:s17+$0x10730]  }
0x2ae: {  	v11 =	vimm.f32 $0.0e+00;
	v12 =	vimm.f32 $0.0e+00;
	v14 =	vld [tilespmem:s17+$0x10740]  }
0x2af: {  	v13 =	vimm.f32 $0.0e+00;
	v9 =	vimm.f32 $0.0e+00;
	v10 =	vimm.f32 $0.0e+00;
	v15 =	vld [tilespmem:s17+$0x10750]  }
0x2b0: {  	s18 =	simm.s32 $0x400;
	v8 =	vimm.f32 $0.0e+00;
	v6 =	vimm.f32 $0.0e+00;
	v7 =	vimm.f32 $0.0e+00;
	v16 =	vld [tilespmem:s17+$0x10760]  }
.LBB2_23:
0x2b1: {  	p0 =	sne.s32 s18, $0x6000;
	v10 =	vadd.f32 v18, v10;
	v11 =	vadd.f32 v20, v11;
	v18 =	vld [tilespmem:s17+$0x10770]  }
0x2b2: {  	v12 =	vadd.f32 v17, v12;
	v13 =	vadd.f32 v19, v13;
	v17 =	vld [tilespmem:s17+$0x107E0]  }
0x2b3: {  	v10 =	vadd.f32 v2, v10;
	v11 =	vadd.f32 v4, v11;
	v19 =	vld [tilespmem:s17+$0x107F0];
	s17 =	sshra.s32 s18, $0x2  }
0x2b4: {  	v12 =	vadd.f32 v3, v12;
	v2 =	vld [tilespmem:s17+$0x10780];
	v13 =	vadd.f32 v5, v13  }
0x2b5: {  	v6 =	vadd.f32 v14, v6;
	v7 =	vadd.f32 v15, v7;
	v4 =	vld [tilespmem:s17+$0x10790]  }
0x2b6: {  	v9 =	vadd.f32 v16, v9;
	v3 =	vld [tilespmem:s17+$0x107A0];
	v8 =	vadd.f32 v18, v8  }
0x2b7: {  	v6 =	vadd.f32 v0, v6;
	v7 =	vadd.f32 v1, v7;
	v5 =	vld [tilespmem:s17+$0x107B0]  }
0x2b8: {  	v9 =	vadd.f32 v17, v9;
	v0 =	vld [tilespmem:s17+$0x107C0];
	v8 =	vadd.f32 v19, v8  }
0x2b9: {  	v1 =	vld [tilespmem:s17+$0x107D0]  }
0x2ba: {  	v18 =	vld [tilespmem:s17+$0x10700]  }
0x2bb: {  	v20 =	vld [tilespmem:s17+$0x10710]  }
.Ltmp10:
0x2bc: {  	v17 =	vld [tilespmem:s17+$0x10720];
	(pc) =	sbr.rel @p0 .LBB2_23-.Ltmp10, $4  }
0x2bd: {  	v19 =	vld [tilespmem:s17+$0x10730]  }
0x2be: {  	v14 =	vld [tilespmem:s17+$0x10740]  }
0x2bf: {  	v15 =	vld [tilespmem:s17+$0x10750]  }
0x2c0: {  	s18 =	sadd.s32 $0x400, s18;
	v16 =	vld [tilespmem:s17+$0x10760]  }
0x2c1: {  	v10 =	vadd.f32 v18, v10;
	v11 =	vadd.f32 v20, v11;
	v18 =	vld [tilespmem:s17+$0x10770]  }
0x2c2: {  	v12 =	vadd.f32 v17, v12;
	v17 =	vld [tilespmem:s17+$0x107E0];
	v13 =	vadd.f32 v19, v13  }
0x2c3: {  	v2 =	vadd.f32 v2, v10;
	v4 =	vadd.f32 v4, v11;
	v10 =	vld [tilespmem:s17+$0x107F0]  }
0x2c4: {  	v3 =	vadd.f32 v3, v12;
	v6 =	vadd.f32 v14, v6  }
0x2c5: {  	v5 =	vadd.f32 v5, v13;
	v9 =	vadd.f32 v16, v9  }
0x2c6: {  	v7 =	vadd.f32 v15, v7;
	v8 =	vadd.f32 v18, v8  }
0x2c7: {  	v0 =	vadd.f32 v0, v6;
	v6 =	vadd.f32 v17, v9  }
0x2c8: {  	v1 =	vadd.f32 v1, v7;
	v7 =	vadd.f32 v10, v8  }
0x2c9: {  	v2 =	vadd.f32 v3, v2;
	v0 =	vadd.f32 v6, v0  }
0x2ca: {  	v3 =	vadd.f32 v5, v4;
	v1 =	vadd.f32 v7, v1  }
0x2cb: {  	v0 =	vadd.f32 v0, v2  }
0x2cc: {  	v1 =	vadd.f32 v1, v3  }
0x2cd: {  	v0 =	vmul.f32 $4.999999890e-03, v0  }
0x2ce: {  	v1 =	vmul.f32 $4.999999890e-03, v1  }
0x2cf: {  	[tilespmem:s16+$0x19E40] =	vst v0  }
0x2d0: {  	s17 =	simm.s32 $0x0;
	[tilespmem:s16+$0x19E50] =	vst v1  }
0x2d1: {  	v2 =	vld [tilespmem:s17+$0x12080]  }
0x2d2: {  	v4 =	vld [tilespmem:s17+$0x12090]  }
0x2d3: {  	v3 =	vld [tilespmem:s17+$0x120A0]  }
0x2d4: {  	v5 =	vld [tilespmem:s17+$0x120B0]  }
0x2d5: {  	v0 =	vld [tilespmem:s17+$0x120C0]  }
0x2d6: {  	v1 =	vld [tilespmem:s17+$0x120D0]  }
0x2d7: {  	v18 =	vld [tilespmem:s17+$0x12000]  }
0x2d8: {  	v20 =	vld [tilespmem:s17+$0x12010]  }
0x2d9: {  	v17 =	vld [tilespmem:s17+$0x12020]  }
0x2da: {  	v19 =	vld [tilespmem:s17+$0x12030]  }
0x2db: {  	v11 =	vimm.f32 $0.0e+00;
	v12 =	vimm.f32 $0.0e+00;
	v14 =	vld [tilespmem:s17+$0x12040]  }
0x2dc: {  	v13 =	vimm.f32 $0.0e+00;
	v9 =	vimm.f32 $0.0e+00;
	v10 =	vimm.f32 $0.0e+00;
	v15 =	vld [tilespmem:s17+$0x12050]  }
0x2dd: {  	s18 =	simm.s32 $0x400;
	v8 =	vimm.f32 $0.0e+00;
	v6 =	vimm.f32 $0.0e+00;
	v7 =	vimm.f32 $0.0e+00;
	v16 =	vld [tilespmem:s17+$0x12060]  }
.LBB2_25:
0x2de: {  	p0 =	sne.s32 s18, $0x6000;
	v10 =	vadd.f32 v18, v10;
	v11 =	vadd.f32 v20, v11;
	v18 =	vld [tilespmem:s17+$0x12070]  }
0x2df: {  	v12 =	vadd.f32 v17, v12;
	v13 =	vadd.f32 v19, v13;
	v17 =	vld [tilespmem:s17+$0x120E0]  }
0x2e0: {  	v10 =	vadd.f32 v2, v10;
	v11 =	vadd.f32 v4, v11;
	v19 =	vld [tilespmem:s17+$0x120F0];
	s17 =	sshra.s32 s18, $0x2  }
0x2e1: {  	v12 =	vadd.f32 v3, v12;
	v2 =	vld [tilespmem:s17+$0x12080];
	v13 =	vadd.f32 v5, v13  }
0x2e2: {  	v6 =	vadd.f32 v14, v6;
	v7 =	vadd.f32 v15, v7;
	v4 =	vld [tilespmem:s17+$0x12090]  }
0x2e3: {  	v9 =	vadd.f32 v16, v9;
	v3 =	vld [tilespmem:s17+$0x120A0];
	v8 =	vadd.f32 v18, v8  }
0x2e4: {  	v6 =	vadd.f32 v0, v6;
	v7 =	vadd.f32 v1, v7;
	v5 =	vld [tilespmem:s17+$0x120B0]  }
0x2e5: {  	v9 =	vadd.f32 v17, v9;
	v0 =	vld [tilespmem:s17+$0x120C0];
	v8 =	vadd.f32 v19, v8  }
0x2e6: {  	v1 =	vld [tilespmem:s17+$0x120D0]  }
0x2e7: {  	v18 =	vld [tilespmem:s17+$0x12000]  }
0x2e8: {  	v20 =	vld [tilespmem:s17+$0x12010]  }
.Ltmp11:
0x2e9: {  	v17 =	vld [tilespmem:s17+$0x12020];
	(pc) =	sbr.rel @p0 .LBB2_25-.Ltmp11, $4  }
0x2ea: {  	v19 =	vld [tilespmem:s17+$0x12030]  }
0x2eb: {  	v14 =	vld [tilespmem:s17+$0x12040]  }
0x2ec: {  	v15 =	vld [tilespmem:s17+$0x12050]  }
0x2ed: {  	s18 =	sadd.s32 $0x400, s18;
	v16 =	vld [tilespmem:s17+$0x12060]  }
0x2ee: {  	v10 =	vadd.f32 v18, v10;
	v11 =	vadd.f32 v20, v11;
	v18 =	vld [tilespmem:s17+$0x12070]  }
0x2ef: {  	v12 =	vadd.f32 v17, v12;
	v17 =	vld [tilespmem:s17+$0x120E0];
	v13 =	vadd.f32 v19, v13  }
0x2f0: {  	v2 =	vadd.f32 v2, v10;
	v4 =	vadd.f32 v4, v11;
	v10 =	vld [tilespmem:s17+$0x120F0]  }
0x2f1: {  	v3 =	vadd.f32 v3, v12;
	v6 =	vadd.f32 v14, v6  }
0x2f2: {  	v5 =	vadd.f32 v5, v13;
	v9 =	vadd.f32 v16, v9  }
0x2f3: {  	v7 =	vadd.f32 v15, v7;
	v8 =	vadd.f32 v18, v8  }
0x2f4: {  	v0 =	vadd.f32 v0, v6;
	v6 =	vadd.f32 v17, v9  }
0x2f5: {  	v1 =	vadd.f32 v1, v7;
	v7 =	vadd.f32 v10, v8  }
0x2f6: {  	v2 =	vadd.f32 v3, v2;
	v0 =	vadd.f32 v6, v0  }
0x2f7: {  	v3 =	vadd.f32 v5, v4;
	v1 =	vadd.f32 v7, v1  }
0x2f8: {  	v0 =	vadd.f32 v0, v2  }
0x2f9: {  	v1 =	vadd.f32 v1, v3  }
0x2fa: {  	v0 =	vmul.f32 $4.999999890e-03, v0  }
0x2fb: {  	v1 =	vmul.f32 $4.999999890e-03, v1  }
0x2fc: {  	[tilespmem:s16+$0x19E60] =	vst v0  }
0x2fd: {  	s17 =	simm.s32 $0x0;
	[tilespmem:s16+$0x19E70] =	vst v1  }
0x2fe: {  	v2 =	vld [tilespmem:s17+$0x13980]  }
0x2ff: {  	v4 =	vld [tilespmem:s17+$0x13990]  }
0x300: {  	v3 =	vld [tilespmem:s17+$0x139A0]  }
0x301: {  	v5 =	vld [tilespmem:s17+$0x139B0]  }
0x302: {  	v0 =	vld [tilespmem:s17+$0x139C0]  }
0x303: {  	v1 =	vld [tilespmem:s17+$0x139D0]  }
0x304: {  	v18 =	vld [tilespmem:s17+$0x13900]  }
0x305: {  	v20 =	vld [tilespmem:s17+$0x13910]  }
0x306: {  	v17 =	vld [tilespmem:s17+$0x13920]  }
0x307: {  	v19 =	vld [tilespmem:s17+$0x13930]  }
0x308: {  	v11 =	vimm.f32 $0.0e+00;
	v12 =	vimm.f32 $0.0e+00;
	v14 =	vld [tilespmem:s17+$0x13940]  }
0x309: {  	v13 =	vimm.f32 $0.0e+00;
	v9 =	vimm.f32 $0.0e+00;
	v10 =	vimm.f32 $0.0e+00;
	v15 =	vld [tilespmem:s17+$0x13950]  }
0x30a: {  	s18 =	simm.s32 $0x400;
	v8 =	vimm.f32 $0.0e+00;
	v6 =	vimm.f32 $0.0e+00;
	v7 =	vimm.f32 $0.0e+00;
	v16 =	vld [tilespmem:s17+$0x13960]  }
.LBB2_27:
0x30b: {  	p0 =	sne.s32 s18, $0x6000;
	v10 =	vadd.f32 v18, v10;
	v11 =	vadd.f32 v20, v11;
	v18 =	vld [tilespmem:s17+$0x13970]  }
0x30c: {  	v12 =	vadd.f32 v17, v12;
	v13 =	vadd.f32 v19, v13;
	v17 =	vld [tilespmem:s17+$0x139E0]  }
0x30d: {  	v10 =	vadd.f32 v2, v10;
	v11 =	vadd.f32 v4, v11;
	v19 =	vld [tilespmem:s17+$0x139F0];
	s17 =	sshra.s32 s18, $0x2  }
0x30e: {  	v12 =	vadd.f32 v3, v12;
	v2 =	vld [tilespmem:s17+$0x13980];
	v13 =	vadd.f32 v5, v13  }
0x30f: {  	v6 =	vadd.f32 v14, v6;
	v7 =	vadd.f32 v15, v7;
	v4 =	vld [tilespmem:s17+$0x13990]  }
0x310: {  	v9 =	vadd.f32 v16, v9;
	v3 =	vld [tilespmem:s17+$0x139A0];
	v8 =	vadd.f32 v18, v8  }
0x311: {  	v6 =	vadd.f32 v0, v6;
	v7 =	vadd.f32 v1, v7;
	v5 =	vld [tilespmem:s17+$0x139B0]  }
0x312: {  	v9 =	vadd.f32 v17, v9;
	v0 =	vld [tilespmem:s17+$0x139C0];
	v8 =	vadd.f32 v19, v8  }
0x313: {  	v1 =	vld [tilespmem:s17+$0x139D0]  }
0x314: {  	v18 =	vld [tilespmem:s17+$0x13900]  }
0x315: {  	v20 =	vld [tilespmem:s17+$0x13910]  }
.Ltmp12:
0x316: {  	v17 =	vld [tilespmem:s17+$0x13920];
	(pc) =	sbr.rel @p0 .LBB2_27-.Ltmp12, $4  }
0x317: {  	v19 =	vld [tilespmem:s17+$0x13930]  }
0x318: {  	v14 =	vld [tilespmem:s17+$0x13940]  }
0x319: {  	v15 =	vld [tilespmem:s17+$0x13950]  }
0x31a: {  	s18 =	sadd.s32 $0x400, s18;
	v16 =	vld [tilespmem:s17+$0x13960]  }
0x31b: {  	v10 =	vadd.f32 v18, v10;
	v11 =	vadd.f32 v20, v11;
	v18 =	vld [tilespmem:s17+$0x13970]  }
0x31c: {  	v12 =	vadd.f32 v17, v12;
	v17 =	vld [tilespmem:s17+$0x139E0];
	v13 =	vadd.f32 v19, v13  }
0x31d: {  	v2 =	vadd.f32 v2, v10;
	v4 =	vadd.f32 v4, v11;
	v10 =	vld [tilespmem:s17+$0x139F0]  }
0x31e: {  	v3 =	vadd.f32 v3, v12;
	v6 =	vadd.f32 v14, v6  }
0x31f: {  	v5 =	vadd.f32 v5, v13;
	v9 =	vadd.f32 v16, v9  }
0x320: {  	v7 =	vadd.f32 v15, v7;
	v8 =	vadd.f32 v18, v8  }
0x321: {  	v0 =	vadd.f32 v0, v6;
	v6 =	vadd.f32 v17, v9  }
0x322: {  	v1 =	vadd.f32 v1, v7;
	v7 =	vadd.f32 v10, v8  }
0x323: {  	v2 =	vadd.f32 v3, v2;
	v0 =	vadd.f32 v6, v0  }
0x324: {  	v3 =	vadd.f32 v5, v4;
	v1 =	vadd.f32 v7, v1  }
0x325: {  	v0 =	vadd.f32 v0, v2  }
0x326: {  	v1 =	vadd.f32 v1, v3  }
0x327: {  	v0 =	vmul.f32 $4.999999890e-03, v0  }
0x328: {  	v1 =	vmul.f32 $4.999999890e-03, v1  }
0x329: {  	[tilespmem:s16+$0x19E80] =	vst v0  }
0x32a: {  	s17 =	simm.s32 $0x0;
	[tilespmem:s16+$0x19E90] =	vst v1  }
0x32b: {  	v2 =	vld [tilespmem:s17+$0x15280]  }
0x32c: {  	v4 =	vld [tilespmem:s17+$0x15290]  }
0x32d: {  	v3 =	vld [tilespmem:s17+$0x152A0]  }
0x32e: {  	v5 =	vld [tilespmem:s17+$0x152B0]  }
0x32f: {  	v0 =	vld [tilespmem:s17+$0x152C0]  }
0x330: {  	v1 =	vld [tilespmem:s17+$0x152D0]  }
0x331: {  	v18 =	vld [tilespmem:s17+$0x15200]  }
0x332: {  	v20 =	vld [tilespmem:s17+$0x15210]  }
0x333: {  	v17 =	vld [tilespmem:s17+$0x15220]  }
0x334: {  	v19 =	vld [tilespmem:s17+$0x15230]  }
0x335: {  	v11 =	vimm.f32 $0.0e+00;
	v12 =	vimm.f32 $0.0e+00;
	v14 =	vld [tilespmem:s17+$0x15240]  }
0x336: {  	v13 =	vimm.f32 $0.0e+00;
	v9 =	vimm.f32 $0.0e+00;
	v10 =	vimm.f32 $0.0e+00;
	v15 =	vld [tilespmem:s17+$0x15250]  }
0x337: {  	s18 =	simm.s32 $0x400;
	v8 =	vimm.f32 $0.0e+00;
	v6 =	vimm.f32 $0.0e+00;
	v7 =	vimm.f32 $0.0e+00;
	v16 =	vld [tilespmem:s17+$0x15260]  }
.LBB2_29:
0x338: {  	p0 =	sne.s32 s18, $0x6000;
	v10 =	vadd.f32 v18, v10;
	v11 =	vadd.f32 v20, v11;
	v18 =	vld [tilespmem:s17+$0x15270]  }
0x339: {  	v12 =	vadd.f32 v17, v12;
	v13 =	vadd.f32 v19, v13;
	v17 =	vld [tilespmem:s17+$0x152E0]  }
0x33a: {  	v10 =	vadd.f32 v2, v10;
	v11 =	vadd.f32 v4, v11;
	v19 =	vld [tilespmem:s17+$0x152F0];
	s17 =	sshra.s32 s18, $0x2  }
0x33b: {  	v12 =	vadd.f32 v3, v12;
	v2 =	vld [tilespmem:s17+$0x15280];
	v13 =	vadd.f32 v5, v13  }
0x33c: {  	v6 =	vadd.f32 v14, v6;
	v7 =	vadd.f32 v15, v7;
	v4 =	vld [tilespmem:s17+$0x15290]  }
0x33d: {  	v9 =	vadd.f32 v16, v9;
	v3 =	vld [tilespmem:s17+$0x152A0];
	v8 =	vadd.f32 v18, v8  }
0x33e: {  	v6 =	vadd.f32 v0, v6;
	v7 =	vadd.f32 v1, v7;
	v5 =	vld [tilespmem:s17+$0x152B0]  }
0x33f: {  	v9 =	vadd.f32 v17, v9;
	v0 =	vld [tilespmem:s17+$0x152C0];
	v8 =	vadd.f32 v19, v8  }
0x340: {  	v1 =	vld [tilespmem:s17+$0x152D0]  }
0x341: {  	v18 =	vld [tilespmem:s17+$0x15200]  }
0x342: {  	v20 =	vld [tilespmem:s17+$0x15210]  }
.Ltmp13:
0x343: {  	v17 =	vld [tilespmem:s17+$0x15220];
	(pc) =	sbr.rel @p0 .LBB2_29-.Ltmp13, $4  }
0x344: {  	v19 =	vld [tilespmem:s17+$0x15230]  }
0x345: {  	v14 =	vld [tilespmem:s17+$0x15240]  }
0x346: {  	v15 =	vld [tilespmem:s17+$0x15250]  }
0x347: {  	s18 =	sadd.s32 $0x400, s18;
	v16 =	vld [tilespmem:s17+$0x15260]  }
0x348: {  	v10 =	vadd.f32 v18, v10;
	v11 =	vadd.f32 v20, v11;
	v18 =	vld [tilespmem:s17+$0x15270]  }
0x349: {  	v12 =	vadd.f32 v17, v12;
	v17 =	vld [tilespmem:s17+$0x152E0];
	v13 =	vadd.f32 v19, v13  }
0x34a: {  	v2 =	vadd.f32 v2, v10;
	v4 =	vadd.f32 v4, v11;
	v10 =	vld [tilespmem:s17+$0x152F0]  }
0x34b: {  	v3 =	vadd.f32 v3, v12;
	v6 =	vadd.f32 v14, v6  }
0x34c: {  	v5 =	vadd.f32 v5, v13;
	v9 =	vadd.f32 v16, v9  }
0x34d: {  	v7 =	vadd.f32 v15, v7;
	v8 =	vadd.f32 v18, v8  }
0x34e: {  	v0 =	vadd.f32 v0, v6;
	v6 =	vadd.f32 v17, v9  }
0x34f: {  	v1 =	vadd.f32 v1, v7;
	v7 =	vadd.f32 v10, v8  }
0x350: {  	v2 =	vadd.f32 v3, v2;
	v0 =	vadd.f32 v6, v0  }
0x351: {  	v3 =	vadd.f32 v5, v4;
	v1 =	vadd.f32 v7, v1  }
0x352: {  	v0 =	vadd.f32 v0, v2  }
0x353: {  	v1 =	vadd.f32 v1, v3  }
0x354: {  	v0 =	vmul.f32 $4.999999890e-03, v0  }
0x355: {  	v1 =	vmul.f32 $4.999999890e-03, v1  }
0x356: {  	[tilespmem:s16+$0x19EA0] =	vst v0  }
0x357: {  	s17 =	simm.s32 $0x0;
	[tilespmem:s16+$0x19EB0] =	vst v1  }
0x358: {  	v2 =	vld [tilespmem:s17+$0x16B80]  }
0x359: {  	v4 =	vld [tilespmem:s17+$0x16B90]  }
0x35a: {  	v3 =	vld [tilespmem:s17+$0x16BA0]  }
0x35b: {  	v5 =	vld [tilespmem:s17+$0x16BB0]  }
0x35c: {  	v0 =	vld [tilespmem:s17+$0x16BC0]  }
0x35d: {  	v1 =	vld [tilespmem:s17+$0x16BD0]  }
0x35e: {  	v18 =	vld [tilespmem:s17+$0x16B00]  }
0x35f: {  	v20 =	vld [tilespmem:s17+$0x16B10]  }
0x360: {  	v17 =	vld [tilespmem:s17+$0x16B20]  }
0x361: {  	v19 =	vld [tilespmem:s17+$0x16B30]  }
0x362: {  	v11 =	vimm.f32 $0.0e+00;
	v12 =	vimm.f32 $0.0e+00;
	v14 =	vld [tilespmem:s17+$0x16B40]  }
0x363: {  	v13 =	vimm.f32 $0.0e+00;
	v9 =	vimm.f32 $0.0e+00;
	v10 =	vimm.f32 $0.0e+00;
	v15 =	vld [tilespmem:s17+$0x16B50]  }
0x364: {  	s18 =	simm.s32 $0x400;
	v8 =	vimm.f32 $0.0e+00;
	v6 =	vimm.f32 $0.0e+00;
	v7 =	vimm.f32 $0.0e+00;
	v16 =	vld [tilespmem:s17+$0x16B60]  }
.LBB2_31:
0x365: {  	p0 =	sne.s32 s18, $0x6000;
	v10 =	vadd.f32 v18, v10;
	v11 =	vadd.f32 v20, v11;
	v18 =	vld [tilespmem:s17+$0x16B70]  }
0x366: {  	v12 =	vadd.f32 v17, v12;
	v13 =	vadd.f32 v19, v13;
	v17 =	vld [tilespmem:s17+$0x16BE0]  }
0x367: {  	v10 =	vadd.f32 v2, v10;
	v11 =	vadd.f32 v4, v11;
	v19 =	vld [tilespmem:s17+$0x16BF0];
	s17 =	sshra.s32 s18, $0x2  }
0x368: {  	v12 =	vadd.f32 v3, v12;
	v2 =	vld [tilespmem:s17+$0x16B80];
	v13 =	vadd.f32 v5, v13  }
0x369: {  	v6 =	vadd.f32 v14, v6;
	v7 =	vadd.f32 v15, v7;
	v4 =	vld [tilespmem:s17+$0x16B90]  }
0x36a: {  	v9 =	vadd.f32 v16, v9;
	v3 =	vld [tilespmem:s17+$0x16BA0];
	v8 =	vadd.f32 v18, v8  }
0x36b: {  	v6 =	vadd.f32 v0, v6;
	v7 =	vadd.f32 v1, v7;
	v5 =	vld [tilespmem:s17+$0x16BB0]  }
0x36c: {  	v9 =	vadd.f32 v17, v9;
	v0 =	vld [tilespmem:s17+$0x16BC0];
	v8 =	vadd.f32 v19, v8  }
0x36d: {  	v1 =	vld [tilespmem:s17+$0x16BD0]  }
0x36e: {  	v18 =	vld [tilespmem:s17+$0x16B00]  }
0x36f: {  	v20 =	vld [tilespmem:s17+$0x16B10]  }
.Ltmp14:
0x370: {  	v17 =	vld [tilespmem:s17+$0x16B20];
	(pc) =	sbr.rel @p0 .LBB2_31-.Ltmp14, $4  }
0x371: {  	v19 =	vld [tilespmem:s17+$0x16B30]  }
0x372: {  	v14 =	vld [tilespmem:s17+$0x16B40]  }
0x373: {  	v15 =	vld [tilespmem:s17+$0x16B50]  }
0x374: {  	s18 =	sadd.s32 $0x400, s18;
	v16 =	vld [tilespmem:s17+$0x16B60]  }
0x375: {  	v10 =	vadd.f32 v18, v10;
	v11 =	vadd.f32 v20, v11;
	v18 =	vld [tilespmem:s17+$0x16B70]  }
0x376: {  	v12 =	vadd.f32 v17, v12;
	v17 =	vld [tilespmem:s17+$0x16BE0];
	v13 =	vadd.f32 v19, v13  }
0x377: {  	v2 =	vadd.f32 v2, v10;
	v4 =	vadd.f32 v4, v11;
	v10 =	vld [tilespmem:s17+$0x16BF0]  }
0x378: {  	v3 =	vadd.f32 v3, v12;
	v6 =	vadd.f32 v14, v6  }
0x379: {  	v5 =	vadd.f32 v5, v13;
	v9 =	vadd.f32 v16, v9  }
0x37a: {  	v7 =	vadd.f32 v15, v7;
	v8 =	vadd.f32 v18, v8  }
0x37b: {  	v0 =	vadd.f32 v0, v6;
	v6 =	vadd.f32 v17, v9  }
0x37c: {  	v1 =	vadd.f32 v1, v7;
	v7 =	vadd.f32 v10, v8  }
0x37d: {  	v2 =	vadd.f32 v3, v2;
	v0 =	vadd.f32 v6, v0  }
0x37e: {  	v3 =	vadd.f32 v5, v4;
	v1 =	vadd.f32 v7, v1  }
0x37f: {  	v0 =	vadd.f32 v0, v2  }
0x380: {  	v1 =	vadd.f32 v1, v3  }
0x381: {  	v0 =	vmul.f32 $4.999999890e-03, v0  }
0x382: {  	v1 =	vmul.f32 $4.999999890e-03, v1  }
0x383: {  	[tilespmem:s16+$0x19EC0] =	vst v0  }
0x384: {  	s17 =	simm.s32 $0x0;
	[tilespmem:s16+$0x19ED0] =	vst v1  }
0x385: {  	v2 =	vld [tilespmem:s17+$0x18480]  }
0x386: {  	v4 =	vld [tilespmem:s17+$0x18490]  }
0x387: {  	v3 =	vld [tilespmem:s17+$0x184A0]  }
0x388: {  	v5 =	vld [tilespmem:s17+$0x184B0]  }
0x389: {  	v0 =	vld [tilespmem:s17+$0x184C0]  }
0x38a: {  	v1 =	vld [tilespmem:s17+$0x184D0]  }
0x38b: {  	v18 =	vld [tilespmem:s17+$0x18400]  }
0x38c: {  	v20 =	vld [tilespmem:s17+$0x18410]  }
0x38d: {  	v17 =	vld [tilespmem:s17+$0x18420]  }
0x38e: {  	v19 =	vld [tilespmem:s17+$0x18430]  }
0x38f: {  	v11 =	vimm.f32 $0.0e+00;
	v12 =	vimm.f32 $0.0e+00;
	v14 =	vld [tilespmem:s17+$0x18440]  }
0x390: {  	v13 =	vimm.f32 $0.0e+00;
	v9 =	vimm.f32 $0.0e+00;
	v10 =	vimm.f32 $0.0e+00;
	v15 =	vld [tilespmem:s17+$0x18450]  }
0x391: {  	s18 =	simm.s32 $0x400;
	v8 =	vimm.f32 $0.0e+00;
	v6 =	vimm.f32 $0.0e+00;
	v7 =	vimm.f32 $0.0e+00;
	v16 =	vld [tilespmem:s17+$0x18460]  }
.LBB2_33:
0x392: {  	p0 =	sne.s32 s18, $0x6000;
	v10 =	vadd.f32 v18, v10;
	v11 =	vadd.f32 v20, v11;
	v18 =	vld [tilespmem:s17+$0x18470]  }
0x393: {  	v12 =	vadd.f32 v17, v12;
	v13 =	vadd.f32 v19, v13;
	v17 =	vld [tilespmem:s17+$0x184E0]  }
0x394: {  	v10 =	vadd.f32 v2, v10;
	v11 =	vadd.f32 v4, v11;
	v19 =	vld [tilespmem:s17+$0x184F0];
	s17 =	sshra.s32 s18, $0x2  }
0x395: {  	v12 =	vadd.f32 v3, v12;
	v2 =	vld [tilespmem:s17+$0x18480];
	v13 =	vadd.f32 v5, v13  }
0x396: {  	v6 =	vadd.f32 v14, v6;
	v7 =	vadd.f32 v15, v7;
	v4 =	vld [tilespmem:s17+$0x18490]  }
0x397: {  	v9 =	vadd.f32 v16, v9;
	v3 =	vld [tilespmem:s17+$0x184A0];
	v8 =	vadd.f32 v18, v8  }
0x398: {  	v6 =	vadd.f32 v0, v6;
	v7 =	vadd.f32 v1, v7;
	v5 =	vld [tilespmem:s17+$0x184B0]  }
0x399: {  	v9 =	vadd.f32 v17, v9;
	v0 =	vld [tilespmem:s17+$0x184C0];
	v8 =	vadd.f32 v19, v8  }
0x39a: {  	v1 =	vld [tilespmem:s17+$0x184D0]  }
0x39b: {  	v18 =	vld [tilespmem:s17+$0x18400]  }
0x39c: {  	v20 =	vld [tilespmem:s17+$0x18410]  }
.Ltmp15:
0x39d: {  	v17 =	vld [tilespmem:s17+$0x18420];
	(pc) =	sbr.rel @p0 .LBB2_33-.Ltmp15, $4  }
0x39e: {  	v19 =	vld [tilespmem:s17+$0x18430]  }
0x39f: {  	v14 =	vld [tilespmem:s17+$0x18440]  }
0x3a0: {  	v15 =	vld [tilespmem:s17+$0x18450]  }
0x3a1: {  	s18 =	sadd.s32 $0x400, s18;
	v16 =	vld [tilespmem:s17+$0x18460]  }
0x3a2: {  	v10 =	vadd.f32 v18, v10;
	v11 =	vadd.f32 v20, v11;
	v58 =	vld [tilespmem:s17+$0x18470]  }
0x3a3: {  	v12 =	vadd.f32 v17, v12;
	v59 =	vld [tilespmem:s17+$0x184E0];
	v13 =	vadd.f32 v19, v13  }
0x3a4: {  	v60 =	vld [tilespmem:s17+$0x184F0];
	v2 =	vadd.f32 v2, v10;
	v4 =	vadd.f32 v4, v11  }
0x3a5: {  	v3 =	vadd.f32 v3, v12;
	v6 =	vadd.f32 v14, v6  }
0x3a6: {  	v5 =	vadd.f32 v5, v13;
	v9 =	vadd.f32 v16, v9  }
0x3a7: {  	v7 =	vadd.f32 v15, v7;
	v8 =	vadd.f32 v58, v8  }
0x3a8: {  	v0 =	vadd.f32 v0, v6;
	v61 =	vadd.f32 v59, v9  }
0x3a9: {  	v1 =	vadd.f32 v1, v7;
	v62 =	vadd.f32 v60, v8  }
0x3aa: {  	v2 =	vadd.f32 v3, v2;
	v0 =	vadd.f32 v61, v0  }
0x3ab: {  	s15 =	sadd.s32 $0x1, s15;
	v63 =	vadd.f32 v5, v4;
	v1 =	vadd.f32 v62, v1  }
0x3ac: {  	p0 =	sne.s32 s15, $0x20;
	v0 =	vadd.f32 v0, v2  }
.Ltmp16:
0x3ad: {  	v1 =	vadd.f32 v1, v63;
	(pc) =	sbr.rel @p0 .LBB2_2-.Ltmp16, $4  }
0x3ae: {  	v0 =	vmul.f32 $4.999999890e-03, v0  }
0x3af: {  	v1 =	vmul.f32 $4.999999890e-03, v1  }
0x3b0: {  	[tilespmem:s16+$0x19EE0] =	vst v0  }
0x3b1: {  	[tilespmem:s16+$0x19EF0] =	vst v1  }
0x3b2: {  	s15 =	simm.s32 $0x0  }
0x3b3: {  	s16 =	rddreg [dreg:$0x4];
	s17 =	simm.s32 $0x19D00;
	s20 =	simm.s32 $0x5  }
0x3b4: {  	[hbm4b:s16+s15] =	stream.linear.scatter [tilespmem:s17], [sflag:$0x5], $0x4000, $0x38;
	[tilespmem:$0x1DD00] =	vst v63  }
0x3b5: {  	_ =	swait.ge [sflag:s20], $0x4000  }
0x3b6: {  	s18 =	rddreg [dreg:$0x6]  }
0x3b7: {  	s21 =	rddreg [dreg:$0x5];
	s18 =	sadd.s32 $0x1, s18  }
0x3b8: {  	p0 =	sne.s32 s18, s21  }
.Ltmp17:
0x3b9: {  	_ = 	snop;
	(pc) =	sbr.rel @p0 .LBB2_1-.Ltmp17, $3  }
0x3ba: {  	_ =	sdelay $0x1  }
0x3bb: {  	[sflag:s20] =	ssyncset.done $0x0  }
0x3bc: {  	[sflag:s20] =	ssyncadd.s32 $0xFFFFC000  }
0x3bd: {  	_ =	sfence.sel $0x180000  }
0x3be: {  	[bflag:$0x0] =	sbarrier.arrive $0xFFFF  }
0x3bf: {  	_ =	strace $0x90000047  }
0x3c0: {  	s0 =	stileid.u32;
	[bflag:$0x2] =	sbarrier.arrive $0xFFFF  }
0x3c1: {  	p0 =	sne.s32 s0, $0x0;
	s0 =	rddreg [dreg:$0x1]  }
0x3c2: {  	s0 =	sadd.s32 @!p0 $0x100000, s0  }
0x3c3: {  	[sflag:s0] =	ssyncadd.tile.s32 @!p0 $0x1;
	_ =	shalt  }
.Lfunc_end2:
_tile_overlayer_lowered:
.L_overlay_start_2:
0x3c4: {  	(tag) =	ssettag $0x2  }
0x3c5: {  	s0 =	rddreg [dreg:$0x0];
	s2 =	stileid.u32  }
0x3c6: {  	s1 =	rddreg [dreg:$0x1];
	p0 =	sne.s32 s2, $0x0  }
0x3c7: {  	s3 =	rddreg [dreg:$0x2];
	[bflag:$0x3] =	sbarrier.arrive $0xFFFF;
	s2 =	simm.s32 @!p0 $0x1C05  }
0x3c8: {  	[timem:s3], [sflag:s2] =	dma.local @!p0 [hbm:s0], s1  }
0x3c9: {  	s0 =	simm.s32 @!p0 $0x5  }
0x3ca: {  	_ =	swait.ge @!p0 [sflag:s0], s1  }
0x3cb: {  	s1 =	ssub.s32 @!p0 $0x0, s1;
	[sflag:s0] =	ssyncset.done @!p0 $0x0  }
0x3cc: {  	[sflag:s0] =	ssyncadd.s32 @!p0 s1  }
0x3cd: {  	[bflag:$0x3] =	sbarrier.arrive $0xFFFF  }
0x3ce: {  	_ =	shalt  }

</sc_bundles>
